<compile_context>
chip_gen: v7x
topology: tpu7x:2x2x1
jax: 0.10.2.dev20260603
libtpu: 0.0.44.dev20260713+nightly
codegen_flags: <defaults>
</compile_context>

<pallas_src>
import functools

import jax
import jax.numpy as jnp
from jax import lax
from jax.experimental import pallas as pl
from jax.experimental.pallas import tpu as pltpu
from jax.experimental.pallas import tpu_sc as plsc



def _stage1_body(x1_ref, x2t_ref, i0_ref, i1_ref, i2_ref, *, blk, s):
    bi = pl.program_id(0)

    x1 = x1_ref[0]
    x2t = x2t_ref[0]
    cross = jnp.dot(x1, x2t, preferred_element_type=jnp.float32)
    n1 = jnp.sum(x1 * x1, axis=1, keepdims=True)
    n2 = jnp.sum(x2t * x2t, axis=0, keepdims=True)
    d = -2.0 * cross
    d = d + n1
    d = d + n2
    d = jnp.maximum(d, jnp.float32(0.0001))

    ch = 128
    nch = s // ch
    m1 = d[:, 0:ch]
    inf = jnp.full((blk, ch), jnp.inf, jnp.float32)
    m2 = inf
    m3 = inf
    for c in range(1, nch):
        cv = d[:, c * ch:(c + 1) * ch]
        nm1 = jnp.minimum(m1, cv)
        pu = jnp.maximum(m1, cv)
        nm2 = jnp.minimum(m2, pu)
        pu2 = jnp.maximum(m2, pu)
        m3 = jnp.minimum(m3, pu2)
        m1, m2 = nm1, nm2
    off = 1
    while off < ch:
        r1 = pltpu.roll(m1, ch - off, 1)
        r2 = pltpu.roll(m2, ch - off, 1)
        r3 = pltpu.roll(m3, ch - off, 1)
        p = jnp.maximum(m1, r1)
        q = jnp.minimum(m2, r2)
        c1 = jnp.minimum(m1, r1)
        c2 = jnp.minimum(p, q)
        c3 = jnp.minimum(jnp.maximum(p, q), jnp.minimum(m3, r3))
        m1, m2, m3 = c1, c2, c3
        off *= 2
    v3 = m3[:, 0:1]

    iota = jax.lax.broadcasted_iota(jnp.int32, (blk, s), 1)
    mask = d <= v3
    key_lo = jnp.where(mask, iota, jnp.int32(s))
    key_hi = jnp.where(mask, iota, jnp.int32(-1))
    i_min = jnp.min(key_lo, axis=1, keepdims=True)
    i_max = jnp.max(key_hi, axis=1, keepdims=True)
    i_sum = jnp.sum(jnp.maximum(key_hi, 0), axis=1, keepdims=True)
    i_mid = jnp.clip(i_sum - i_min - i_max, 0, jnp.int32(s - 1))

    base = bi * jnp.int32(s)
    i0_ref[0] = i_min + base
    i1_ref[0] = i_mid + base
    i2_ref[0] = i_max + base



def _sc_gather(idx0, idx1, idx2, tabf, tabx, *, bn, c2):
    info = plsc.get_sparse_core_info()
    nw = info.num_cores * info.num_subcores
    per_w = bn // nw
    chunk = 128
    nch = per_w // chunk
    mesh = plsc.VectorSubcoreMesh(core_axis_name="c", subcore_axis_name="s")

    @functools.partial(
        pl.kernel, mesh=mesh,
        out_type=[jax.ShapeDtypeStruct((bn, c2), jnp.float32)
                  for _ in range(3)]
                 + [jax.ShapeDtypeStruct((bn, 128), jnp.float32)
                    for _ in range(3)],
        scratch_types=[
            pltpu.VMEM((per_w,), jnp.int32),
            pltpu.VMEM((per_w,), jnp.int32),
            pltpu.VMEM((per_w,), jnp.int32),
            pltpu.VMEM((chunk, c2), jnp.float32),
            pltpu.VMEM((chunk, c2), jnp.float32),
            pltpu.VMEM((chunk, 128), jnp.float32),
            pltpu.VMEM((chunk, 128), jnp.float32),
            pltpu.SemaphoreType.DMA,
            pltpu.SemaphoreType.DMA,
            pltpu.SemaphoreType.DMA,
            pltpu.SemaphoreType.DMA,
        ],
    )
    def gather(i0_hbm, i1_hbm, i2_hbm, tf_hbm, tx_hbm,
               f0_hbm, f1_hbm, f2_hbm, x0_hbm, x1_hbm, x2_hbm,
               iv0, iv1, iv2, bf0, bf1, bx0, bx1,
               fsem0, fsem1, xsem0, xsem1):
        wid = lax.axis_index("s") * info.num_cores + lax.axis_index("c")
        base = wid * per_w
        pltpu.sync_copy(i0_hbm.at[pl.ds(base, per_w)], iv0)
        pltpu.sync_copy(i1_hbm.at[pl.ds(base, per_w)], iv1)
        pltpu.sync_copy(i2_hbm.at[pl.ds(base, per_w)], iv2)

        ivs = (iv0, iv1, iv2)
        fouts = (f0_hbm, f1_hbm, f2_hbm)
        xouts = (x0_hbm, x1_hbm, x2_hbm)
        fbufs = (bf0, bf1)
        xbufs = (bx0, bx1)
        fsems = (fsem0, fsem1)
        xsems = (xsem0, xsem1)
        pairs = [(k_, c_) for k_ in range(3) for c_ in range(nch)]
        npairs = len(pairs)

        def gstart(j):
            k_, c_ = pairs[j]
            idx = ivs[k_].at[pl.ds(c_ * chunk, chunk)]
            return (pltpu.async_copy(tf_hbm.at[idx], fbufs[j % 2],
                                     fsems[j % 2]),
                    pltpu.async_copy(tx_hbm.at[idx], xbufs[j % 2],
                                     xsems[j % 2]))

        gcps = [gstart(0), None]
        for j in range(npairs):
            if j + 1 < npairs:
                gcps[(j + 1) % 2] = gstart(j + 1)
            gcps[j % 2][0].wait()
            gcps[j % 2][1].wait()
            k_, c_ = pairs[j]
            rows = pl.ds(base + c_ * chunk, chunk)
            pltpu.sync_copy(fbufs[j % 2], fouts[k_].at[rows])
            pltpu.sync_copy(xbufs[j % 2], xouts[k_].at[rows])

    return gather(idx0, idx1, idx2, tabf, tabx)



def _stage2_body(x1_ref, p1_ref, g0_ref, g1_ref, g2_ref,
                 x0_ref, xx1_ref, x2_ref,
                 w1a_ref, w1b_ref, b1_ref, h1_ref, stats_ref):
    i = pl.program_id(0)
    x1 = x1_ref[...]
    x1b = x1.astype(jnp.bfloat16).astype(jnp.float32)
    n1 = jnp.sum(x1 * x1, axis=1, keepdims=True)

    def dist(xr):
        x2 = xr[...]
        x2b = x2.astype(jnp.bfloat16).astype(jnp.float32)
        cross = jnp.sum(x1b * x2b, axis=1, keepdims=True)
        n2 = jnp.sum(x2 * x2, axis=1, keepdims=True)
        return (-2.0 * cross + n1) + n2

    d0 = jnp.maximum(dist(x0_ref), jnp.float32(0.0001))
    d1 = jnp.maximum(dist(xx1_ref), jnp.float32(0.0001))
    d2 = jnp.maximum(dist(x2_ref), jnp.float32(0.0001))
    r0 = 1.0 / (d0 + jnp.float32(0.0001))
    r1 = 1.0 / (d1 + jnp.float32(0.0001))
    r2 = 1.0 / (d2 + jnp.float32(0.0001))
    scale = 1.0 / (r0 + r1 + r2 + jnp.float32(0.0001))

    interp = (g0_ref[...] * (r0 * scale) + g1_ref[...] * (r1 * scale)
              + g2_ref[...] * (r2 * scale))
    h1 = (jnp.dot(p1_ref[...], w1a_ref[...], preferred_element_type=jnp.float32)
          + jnp.dot(interp, w1b_ref[...], preferred_element_type=jnp.float32)
          + b1_ref[...])
    h1_ref[...] = h1

    @pl.when(i == 0)
    def _init():
        stats_ref[...] = jnp.zeros_like(stats_ref)

    stats_ref[0:1, :] += jnp.sum(h1, axis=0, keepdims=True)
    stats_ref[1:2, :] += jnp.sum(h1 * h1, axis=0, keepdims=True)



def _stage3_body(h1_ref, sc1_ref, sh1_ref, w2_ref, b2_ref,
                 h2_ref, stats_ref):
    i = pl.program_id(0)
    h = h1_ref[...]
    h = jnp.maximum(h * sc1_ref[...] + sh1_ref[...], jnp.float32(0.0))
    h2 = jnp.dot(h, w2_ref[...], preferred_element_type=jnp.float32) + b2_ref[...]
    h2_ref[...] = h2

    @pl.when(i == 0)
    def _init():
        stats_ref[...] = jnp.zeros_like(stats_ref)

    stats_ref[0:1, :] += jnp.sum(h2, axis=0, keepdims=True)
    stats_ref[1:2, :] += jnp.sum(h2 * h2, axis=0, keepdims=True)



def _stage4_body(h2_ref, sc2_ref, sh2_ref, out_ref):
    out_ref[...] = jnp.maximum(
        h2_ref[...] * sc2_ref[...] + sh2_ref[...], jnp.float32(0.0))



def kernel(xyz1, xyz2, points1, points2, W1, b1, g1, be1, W2, b2, g2, be2):
    B, N, _ = xyz1.shape
    S = xyz2.shape[1]
    C1 = points1.shape[2]
    C2 = points2.shape[2]
    C = W1.shape[1]
    BN = B * N

    blk1 = 256 if N % 256 == 0 else N
    blk2 = 512 if BN % 512 == 0 else BN

    xyz1p = jnp.pad(xyz1, ((0, 0), (0, 0), (0, 5)))
    xyz2p = jnp.pad(xyz2, ((0, 0), (0, 0), (0, 5)))
    xyz2t = jnp.transpose(xyz2p, (0, 2, 1))
    W1a = W1[:C1]
    W1b = W1[C1:]
    b1r = b1.reshape(1, C)
    b2r = b2.reshape(1, C)
    tabf = points2.reshape(B * S, C2)
    tabx = jnp.pad(xyz2p, ((0, 0), (0, 0), (0, 120))).reshape(B * S, 128)

    nblk = N // blk1
    i0, i1, i2 = pl.pallas_call(
        functools.partial(_stage1_body, blk=blk1, s=S),
        grid=(B, nblk),
        in_specs=[
            pl.BlockSpec((1, blk1, 8), lambda b, n: (b, n, 0)),
            pl.BlockSpec((1, 8, S), lambda b, n: (b, 0, 0)),
        ],
        out_specs=[pl.BlockSpec((1, blk1, 1), lambda b, n: (b, n, 0))
                   for _ in range(3)],
        out_shape=[jax.ShapeDtypeStruct((B, N, 1), jnp.int32)
                   for _ in range(3)],
        compiler_params=pltpu.CompilerParams(
            dimension_semantics=("arbitrary", "arbitrary")),
    )(xyz1p, xyz2t)

    ga, gb, gc, xa, xb, xc = _sc_gather(
        i0.reshape(BN), i1.reshape(BN), i2.reshape(BN), tabf, tabx,
        bn=BN, c2=C2)

    x1f = jnp.pad(xyz1p, ((0, 0), (0, 0), (0, 120))).reshape(BN, 128)
    p1f = points1.reshape(BN, C1)
    nblk2 = BN // blk2
    cspec = pl.BlockSpec((blk2, C2), lambda i: (i, 0))
    xspec = pl.BlockSpec((blk2, 128), lambda i: (i, 0))
    h1, stats1 = pl.pallas_call(
        _stage2_body,
        grid=(nblk2,),
        in_specs=[
            pl.BlockSpec((blk2, 128), lambda i: (i, 0)),
            pl.BlockSpec((blk2, C1), lambda i: (i, 0)),
            cspec, cspec, cspec, xspec, xspec, xspec,
            pl.BlockSpec((C1, C), lambda i: (0, 0)),
            pl.BlockSpec((C2, C), lambda i: (0, 0)),
            pl.BlockSpec((1, C), lambda i: (0, 0)),
        ],
        out_specs=[
            pl.BlockSpec((blk2, C), lambda i: (i, 0)),
            pl.BlockSpec((8, C), lambda i: (0, 0)),
        ],
        out_shape=[
            jax.ShapeDtypeStruct((BN, C), jnp.float32),
            jax.ShapeDtypeStruct((8, C), jnp.float32),
        ],
        compiler_params=pltpu.CompilerParams(
            dimension_semantics=("arbitrary",)),
    )(x1f, p1f, ga, gb, gc, xa, xb, xc, W1a, W1b, b1r)

    cnt = jnp.float32(BN)
    mean1 = stats1[0:1] / cnt
    var1 = stats1[1:2] / cnt - mean1 * mean1
    sc1v = g1.reshape(1, C) / jnp.sqrt(var1 + 1e-5)
    sh1v = be1.reshape(1, C) - mean1 * sc1v

    h2, stats2 = pl.pallas_call(
        _stage3_body,
        grid=(nblk2,),
        in_specs=[
            pl.BlockSpec((blk2, C), lambda i: (i, 0)),
            pl.BlockSpec((1, C), lambda i: (0, 0)),
            pl.BlockSpec((1, C), lambda i: (0, 0)),
            pl.BlockSpec((C, C), lambda i: (0, 0)),
            pl.BlockSpec((1, C), lambda i: (0, 0)),
        ],
        out_specs=[
            pl.BlockSpec((blk2, C), lambda i: (i, 0)),
            pl.BlockSpec((8, C), lambda i: (0, 0)),
        ],
        out_shape=[
            jax.ShapeDtypeStruct((BN, C), jnp.float32),
            jax.ShapeDtypeStruct((8, C), jnp.float32),
        ],
        compiler_params=pltpu.CompilerParams(
            dimension_semantics=("arbitrary",)),
    )(h1, sc1v, sh1v, W2, b2r)

    mean2 = stats2[0:1] / cnt
    var2 = stats2[1:2] / cnt - mean2 * mean2
    sc2v = g2.reshape(1, C) / jnp.sqrt(var2 + 1e-5)
    sh2v = be2.reshape(1, C) - mean2 * sc2v

    out = pl.pallas_call(
        _stage4_body,
        grid=(nblk2,),
        in_specs=[
            pl.BlockSpec((blk2, C), lambda i: (i, 0)),
            pl.BlockSpec((1, C), lambda i: (0, 0)),
            pl.BlockSpec((1, C), lambda i: (0, 0)),
        ],
        out_specs=pl.BlockSpec((blk2, C), lambda i: (i, 0)),
        out_shape=jax.ShapeDtypeStruct((BN, C), jnp.float32),
    )(h2, sc2v, sh2v)

    return out.reshape(B, N, C)

# --- scband reference (transcript-rebuilt; emitter-appended) ---
"""Pipeline reference for scband-point-net-feature-propagation-64682207478088 (READ-ONLY COPY).

The authoritative reference and input builder live on the scoring server;
editing this copy changes nothing except your own understanding.
"""

import jax, jax.numpy as jnp
import numpy as np

B, N, S = 4, 8192, 2048
IN_DIM, OUT_DIM = 512, 256


def setup_inputs(seed: int = 0) -> dict:
    key = jax.random.key(seed)
    ks = jax.random.split(key, 6)
    xyz1 = jax.random.normal(ks[0], (B, N, 3), dtype=jnp.float32)
    xyz2 = jax.random.normal(ks[1], (B, S, 3), dtype=jnp.float32)
    points1 = jax.random.normal(ks[2], (B, N, OUT_DIM), dtype=jnp.float32)
    points2 = jax.random.normal(ks[3], (B, S, IN_DIM - OUT_DIM), dtype=jnp.float32)
    W1 = jax.random.normal(ks[4], (IN_DIM, OUT_DIM), dtype=jnp.float32) * 0.02
    b1 = jnp.zeros((OUT_DIM,), jnp.float32)
    g1 = jnp.ones((OUT_DIM,), jnp.float32)
    be1 = jnp.zeros((OUT_DIM,), jnp.float32)
    W2 = jax.random.normal(ks[5], (OUT_DIM, OUT_DIM), dtype=jnp.float32) * 0.02
    b2 = jnp.zeros((OUT_DIM,), jnp.float32)
    g2 = jnp.ones((OUT_DIM,), jnp.float32)
    be2 = jnp.zeros((OUT_DIM,), jnp.float32)
    return {"xyz1": xyz1, "xyz2": xyz2, "points1": points1, "points2": points2,
            "W1": W1, "b1": b1, "g1": g1, "be1": be1,
            "W2": W2, "b2": b2, "g2": g2, "be2": be2}


def _bn(x, g, b):
    # BatchNorm1d over channel-last [b, n, c]: stats over (batch, points) per channel
    mean = jnp.mean(x, axis=(0, 1), keepdims=True)
    var = jnp.var(x, axis=(0, 1), keepdims=True)
    return (x - mean) / jnp.sqrt(var + 1e-5) * g + b


def reference(xyz1, xyz2, points1, points2, W1, b1, g1, be1, W2, b2, g2, be2):
    # square_distance
    dists = -2.0 * jnp.einsum('bnd,bmd->bnm', xyz1, xyz2)
    dists = dists + jnp.sum(xyz1 ** 2, axis=-1)[:, :, None]
    dists = dists + jnp.sum(xyz2 ** 2, axis=-1)[:, None, :]
    dists = jnp.clip(dists, 0.0001)
    # 3 nearest neighbors (smallest distances)
    neg_d, idx = jax.lax.top_k(-dists, 3)
    d3 = -neg_d
    dist_recip = 1.0 / (d3 + 0.0001)
    norm = jnp.sum(dist_recip, axis=2, keepdims=True)
    weight = dist_recip / (norm + 0.0001)
    gathered = jax.vmap(lambda p, i: p[i])(points2, idx)  # [B, N, 3, C]
    interpolated = jnp.sum(gathered * weight[..., None], axis=2)
    new_points = jnp.concatenate([points1, interpolated], axis=-1)
    h = new_points @ W1 + b1
    h = _bn(h, g1, be1)
    h = jax.nn.relu(h)
    h = h @ W2 + b2
    h = _bn(h, g2, be2)
    h = jax.nn.relu(h)
    return h

if __name__ == "__main__":
    import jax
    _d = setup_inputs()
    print(jax.jit(kernel)(*tuple(_d.values())))

</pallas_src>

<mosaic_0001>
#map = affine_map<(d0, d1) -> (0)>
#map1 = affine_map<(d0, d1) -> (0, 0)>
module attributes {stable_mosaic.version = 14 : i64} {
  func.func @gather(%arg0: i32, %arg1: i32, %arg2: memref<32768xi32, #tpu.memory_space<hbm>>, %arg3: memref<32768xi32, #tpu.memory_space<hbm>>, %arg4: memref<32768xi32, #tpu.memory_space<hbm>>, %arg5: memref<8192x256xf32, #tpu.memory_space<hbm>>, %arg6: memref<8192x128xf32, #tpu.memory_space<hbm>>, %arg7: memref<32768x256xf32, #tpu.memory_space<hbm>>, %arg8: memref<32768x256xf32, #tpu.memory_space<hbm>>, %arg9: memref<32768x256xf32, #tpu.memory_space<hbm>>, %arg10: memref<32768x128xf32, #tpu.memory_space<hbm>>, %arg11: memref<32768x128xf32, #tpu.memory_space<hbm>>, %arg12: memref<32768x128xf32, #tpu.memory_space<hbm>>, %arg13: memref<1024xi32, #tpu.memory_space<vmem>>, %arg14: memref<1024xi32, #tpu.memory_space<vmem>>, %arg15: memref<1024xi32, #tpu.memory_space<vmem>>, %arg16: memref<128x256xf32, #tpu.memory_space<vmem>>, %arg17: memref<128x256xf32, #tpu.memory_space<vmem>>, %arg18: memref<128x128xf32, #tpu.memory_space<vmem>>, %arg19: memref<128x128xf32, #tpu.memory_space<vmem>>, %arg20: memref<!tpu.dma_semaphore, #tpu.memory_space<semaphore_mem>>, %arg21: memref<!tpu.dma_semaphore, #tpu.memory_space<semaphore_mem>>, %arg22: memref<!tpu.dma_semaphore, #tpu.memory_space<semaphore_mem>>, %arg23: memref<!tpu.dma_semaphore, #tpu.memory_space<semaphore_mem>>) attributes {dimension_semantics = [#tpu.dimension_semantics<core_parallel>, #tpu.dimension_semantics<subcore_parallel>], iteration_bounds = array<i64: 2, 16>, scalar_prefetch = 0 : i64, scratch_operands = 11 : i64, tpu.core_type = #tpu.core_type<sc_vector_subcore>, window_params = [{transform_indices = #map}, {transform_indices = #map}, {transform_indices = #map}, {transform_indices = #map1}, {transform_indices = #map1}, {transform_indices = #map1}, {transform_indices = #map1}, {transform_indices = #map1}, {transform_indices = #map1}, {transform_indices = #map1}, {transform_indices = #map1}]} {
    %mul3A = arith.constant 2 : i32
    %mul3A_0 = arith.muli %arg1, %mul3A : i32
    %add3A = arith.addi %mul3A_0, %arg0 : i32
    %mul3A_1 = arith.constant 1024 : i32
    %mul3A_2 = arith.muli %add3A, %mul3A_1 : i32
    "tpu.region"() ({
      %run_scoped3A = tpu.sem_alloc : memref<!tpu.dma_semaphore, #tpu.memory_space<semaphore_mem>>
      %dma_start3A_529 = tpu.memref_slice %arg2[%mul3A_2] : memref<32768xi32, #tpu.memory_space<hbm>> -> memref<1024xi32, #tpu.memory_space<hbm>>
      %dma_start3A_530 = tpu.memref_slice %arg2[%mul3A_2] : memref<32768xi32, #tpu.memory_space<hbm>> -> memref<1024xi32, #tpu.memory_space<hbm>>
      tpu.enqueue_dma source(%dma_start3A_530 : memref<1024xi32, #tpu.memory_space<hbm>>) target(%arg13 : memref<1024xi32, #tpu.memory_space<vmem>>) target_semaphore(%run_scoped3A : memref<!tpu.dma_semaphore, #tpu.memory_space<semaphore_mem>>)
      %dma_wait3A_531 = tpu.memref_slice %arg2[%mul3A_2] : memref<32768xi32, #tpu.memory_space<hbm>> -> memref<1024xi32, #tpu.memory_space<hbm>>
      %dma_wait3A_532 = tpu.memref_slice %arg2[%mul3A_2] : memref<32768xi32, #tpu.memory_space<hbm>> -> memref<1024xi32, #tpu.memory_space<hbm>>
      tpu.wait_dma2 semaphore(%run_scoped3A : memref<!tpu.dma_semaphore, #tpu.memory_space<semaphore_mem>>) src(%dma_wait3A_532 : memref<1024xi32, #tpu.memory_space<hbm>>) dst(%arg13 : memref<1024xi32, #tpu.memory_space<vmem>>)
      tpu.yield
    }) : () -> ()
    "tpu.region"() ({
      %run_scoped3A = tpu.sem_alloc : memref<!tpu.dma_semaphore, #tpu.memory_space<semaphore_mem>>
      %dma_start3A_529 = tpu.memref_slice %arg3[%mul3A_2] : memref<32768xi32, #tpu.memory_space<hbm>> -> memref<1024xi32, #tpu.memory_space<hbm>>
      %dma_start3A_530 = tpu.memref_slice %arg3[%mul3A_2] : memref<32768xi32, #tpu.memory_space<hbm>> -> memref<1024xi32, #tpu.memory_space<hbm>>
      tpu.enqueue_dma source(%dma_start3A_530 : memref<1024xi32, #tpu.memory_space<hbm>>) target(%arg14 : memref<1024xi32, #tpu.memory_space<vmem>>) target_semaphore(%run_scoped3A : memref<!tpu.dma_semaphore, #tpu.memory_space<semaphore_mem>>)
      %dma_wait3A_531 = tpu.memref_slice %arg3[%mul3A_2] : memref<32768xi32, #tpu.memory_space<hbm>> -> memref<1024xi32, #tpu.memory_space<hbm>>
      %dma_wait3A_532 = tpu.memref_slice %arg3[%mul3A_2] : memref<32768xi32, #tpu.memory_space<hbm>> -> memref<1024xi32, #tpu.memory_space<hbm>>
      tpu.wait_dma2 semaphore(%run_scoped3A : memref<!tpu.dma_semaphore, #tpu.memory_space<semaphore_mem>>) src(%dma_wait3A_532 : memref<1024xi32, #tpu.memory_space<hbm>>) dst(%arg14 : memref<1024xi32, #tpu.memory_space<vmem>>)
      tpu.yield
    }) : () -> ()
    "tpu.region"() ({
      %run_scoped3A = tpu.sem_alloc : memref<!tpu.dma_semaphore, #tpu.memory_space<semaphore_mem>>
      %dma_start3A_529 = tpu.memref_slice %arg4[%mul3A_2] : memref<32768xi32, #tpu.memory_space<hbm>> -> memref<1024xi32, #tpu.memory_space<hbm>>
      %dma_start3A_530 = tpu.memref_slice %arg4[%mul3A_2] : memref<32768xi32, #tpu.memory_space<hbm>> -> memref<1024xi32, #tpu.memory_space<hbm>>
      tpu.enqueue_dma source(%dma_start3A_530 : memref<1024xi32, #tpu.memory_space<hbm>>) target(%arg15 : memref<1024xi32, #tpu.memory_space<vmem>>) target_semaphore(%run_scoped3A : memref<!tpu.dma_semaphore, #tpu.memory_space<semaphore_mem>>)
      %dma_wait3A_531 = tpu.memref_slice %arg4[%mul3A_2] : memref<32768xi32, #tpu.memory_space<hbm>> -> memref<1024xi32, #tpu.memory_space<hbm>>
      %dma_wait3A_532 = tpu.memref_slice %arg4[%mul3A_2] : memref<32768xi32, #tpu.memory_space<hbm>> -> memref<1024xi32, #tpu.memory_space<hbm>>
      tpu.wait_dma2 semaphore(%run_scoped3A : memref<!tpu.dma_semaphore, #tpu.memory_space<semaphore_mem>>) src(%dma_wait3A_532 : memref<1024xi32, #tpu.memory_space<hbm>>) dst(%arg15 : memref<1024xi32, #tpu.memory_space<vmem>>)
      tpu.yield
    }) : () -> ()
    %dma_start3A = arith.constant 0 : i32
    %dma_start3A_3 = tpu.memref_slice %arg13[%dma_start3A] : memref<1024xi32, #tpu.memory_space<vmem>> -> memref<128xi32, #tpu.memory_space<vmem>>
    %dma_start3A_4 = arith.constant 0 : i32
    %dma_start3A_5 = arith.constant 0 : i32
    %dma_start3A_6 = tpu.memref_slice %arg5[%dma_start3A_4, %dma_start3A_5] : memref<8192x256xf32, #tpu.memory_space<hbm>> -> memref<8192x256xf32, #tpu.memory_space<hbm>>
    tpu.enqueue_indirect_dma source(%dma_start3A_6 : memref<8192x256xf32, #tpu.memory_space<hbm>>) target(%arg16 : memref<128x256xf32, #tpu.memory_space<vmem>>) offsets(%dma_start3A_3 : memref<128xi32, #tpu.memory_space<vmem>>) semaphore(%arg20 : memref<!tpu.dma_semaphore, #tpu.memory_space<semaphore_mem>>)
    %dma_start3A_7 = arith.constant 0 : i32
    %dma_start3A_8 = tpu.memref_slice %arg13[%dma_start3A_7] : memref<1024xi32, #tpu.memory_space<vmem>> -> memref<128xi32, #tpu.memory_space<vmem>>
    %dma_start3A_9 = arith.constant 0 : i32
    %dma_start3A_10 = arith.constant 0 : i32
    %dma_start3A_11 = tpu.memref_slice %arg6[%dma_start3A_9, %dma_start3A_10] : memref<8192x128xf32, #tpu.memory_space<hbm>> -> memref<8192x128xf32, #tpu.memory_space<hbm>>
    tpu.enqueue_indirect_dma source(%dma_start3A_11 : memref<8192x128xf32, #tpu.memory_space<hbm>>) target(%arg18 : memref<128x128xf32, #tpu.memory_space<vmem>>) offsets(%dma_start3A_8 : memref<128xi32, #tpu.memory_space<vmem>>) semaphore(%arg22 : memref<!tpu.dma_semaphore, #tpu.memory_space<semaphore_mem>>)
    %dma_start3A_12 = arith.constant 128 : i32
    %dma_start3A_13 = tpu.memref_slice %arg13[%dma_start3A_12] : memref<1024xi32, #tpu.memory_space<vmem>> -> memref<128xi32, #tpu.memory_space<vmem>>
    %dma_start3A_14 = arith.constant 0 : i32
    %dma_start3A_15 = arith.constant 0 : i32
    %dma_start3A_16 = tpu.memref_slice %arg5[%dma_start3A_14, %dma_start3A_15] : memref<8192x256xf32, #tpu.memory_space<hbm>> -> memref<8192x256xf32, #tpu.memory_space<hbm>>
    tpu.enqueue_indirect_dma source(%dma_start3A_16 : memref<8192x256xf32, #tpu.memory_space<hbm>>) target(%arg17 : memref<128x256xf32, #tpu.memory_space<vmem>>) offsets(%dma_start3A_13 : memref<128xi32, #tpu.memory_space<vmem>>) semaphore(%arg21 : memref<!tpu.dma_semaphore, #tpu.memory_space<semaphore_mem>>)
    %dma_start3A_17 = arith.constant 128 : i32
    %dma_start3A_18 = tpu.memref_slice %arg13[%dma_start3A_17] : memref<1024xi32, #tpu.memory_space<vmem>> -> memref<128xi32, #tpu.memory_space<vmem>>
    %dma_start3A_19 = arith.constant 0 : i32
    %dma_start3A_20 = arith.constant 0 : i32
    %dma_start3A_21 = tpu.memref_slice %arg6[%dma_start3A_19, %dma_start3A_20] : memref<8192x128xf32, #tpu.memory_space<hbm>> -> memref<8192x128xf32, #tpu.memory_space<hbm>>
    tpu.enqueue_indirect_dma source(%dma_start3A_21 : memref<8192x128xf32, #tpu.memory_space<hbm>>) target(%arg19 : memref<128x128xf32, #tpu.memory_space<vmem>>) offsets(%dma_start3A_18 : memref<128xi32, #tpu.memory_space<vmem>>) semaphore(%arg23 : memref<!tpu.dma_semaphore, #tpu.memory_space<semaphore_mem>>)
    %dma_wait3A = arith.constant 0 : i32
    %dma_wait3A_22 = tpu.memref_slice %arg13[%dma_wait3A] : memref<1024xi32, #tpu.memory_space<vmem>> -> memref<128xi32, #tpu.memory_space<vmem>>
    %dma_wait3A_23 = arith.constant 0 : i32
    %dma_wait3A_24 = arith.constant 0 : i32
    %dma_wait3A_25 = tpu.memref_slice %arg5[%dma_wait3A_23, %dma_wait3A_24] : memref<8192x256xf32, #tpu.memory_space<hbm>> -> memref<8192x256xf32, #tpu.memory_space<hbm>>
    tpu.wait_indirect_dma semaphore(%arg20 : memref<!tpu.dma_semaphore, #tpu.memory_space<semaphore_mem>>) src(%dma_wait3A_25 : memref<8192x256xf32, #tpu.memory_space<hbm>>) dst(%arg16 : memref<128x256xf32, #tpu.memory_space<vmem>>)
    %dma_wait3A_26 = arith.constant 0 : i32
    %dma_wait3A_27 = tpu.memref_slice %arg13[%dma_wait3A_26] : memref<1024xi32, #tpu.memory_space<vmem>> -> memref<128xi32, #tpu.memory_space<vmem>>
    %dma_wait3A_28 = arith.constant 0 : i32
    %dma_wait3A_29 = arith.constant 0 : i32
    %dma_wait3A_30 = tpu.memref_slice %arg6[%dma_wait3A_28, %dma_wait3A_29] : memref<8192x128xf32, #tpu.memory_space<hbm>> -> memref<8192x128xf32, #tpu.memory_space<hbm>>
    tpu.wait_indirect_dma semaphore(%arg22 : memref<!tpu.dma_semaphore, #tpu.memory_space<semaphore_mem>>) src(%dma_wait3A_30 : memref<8192x128xf32, #tpu.memory_space<hbm>>) dst(%arg18 : memref<128x128xf32, #tpu.memory_space<vmem>>)
    %add3A_31 = arith.constant 0 : i32
    %add3A_32 = arith.addi %mul3A_2, %add3A_31 : i32
    "tpu.region"() ({
      %run_scoped3A = tpu.sem_alloc : memref<!tpu.dma_semaphore, #tpu.memory_space<semaphore_mem>>
      %dma_start3A_529 = arith.constant 0 : i32
      %dma_start3A_530 = tpu.memref_slice %arg7[%add3A_32, %dma_start3A_529] : memref<32768x256xf32, #tpu.memory_space<hbm>> -> memref<128x256xf32, #tpu.memory_space<hbm>>
      %dma_start3A_531 = arith.constant 0 : i32
      %dma_start3A_532 = tpu.memref_slice %arg7[%add3A_32, %dma_start3A_531] : memref<32768x256xf32, #tpu.memory_space<hbm>> -> memref<128x256xf32, #tpu.memory_space<hbm>>
      tpu.enqueue_dma source(%arg16 : memref<128x256xf32, #tpu.memory_space<vmem>>) target(%dma_start3A_532 : memref<128x256xf32, #tpu.memory_space<hbm>>) target_semaphore(%run_scoped3A : memref<!tpu.dma_semaphore, #tpu.memory_space<semaphore_mem>>)
      %dma_wait3A_533 = arith.constant 0 : i32
      %dma_wait3A_534 = tpu.memref_slice %arg7[%add3A_32, %dma_wait3A_533] : memref<32768x256xf32, #tpu.memory_space<hbm>> -> memref<128x256xf32, #tpu.memory_space<hbm>>
      %dma_wait3A_535 = arith.constant 0 : i32
      %dma_wait3A_536 = tpu.memref_slice %arg7[%add3A_32, %dma_wait3A_535] : memref<32768x256xf32, #tpu.memory_space<hbm>> -> memref<128x256xf32, #tpu.memory_space<hbm>>
      tpu.wait_dma2 semaphore(%run_scoped3A : memref<!tpu.dma_semaphore, #tpu.memory_space<semaphore_mem>>) src(%arg16 : memref<128x256xf32, #tpu.memory_space<vmem>>) dst(%dma_wait3A_536 : memref<128x256xf32, #tpu.memory_space<hbm>>)
      tpu.yield
    }) : () -> ()
    "tpu.region"() ({
      %run_scoped3A = tpu.sem_alloc : memref<!tpu.dma_semaphore, #tpu.memory_space<semaphore_mem>>
      %dma_start3A_529 = arith.constant 0 : i32
      %dma_start3A_530 = tpu.memref_slice %arg10[%add3A_32, %dma_start3A_529] : memref<32768x128xf32, #tpu.memory_space<hbm>> -> memref<128x128xf32, #tpu.memory_space<hbm>>
      %dma_start3A_531 = arith.constant 0 : i32
      %dma_start3A_532 = tpu.memref_slice %arg10[%add3A_32, %dma_start3A_531] : memref<32768x128xf32, #tpu.memory_space<hbm>> -> memref<128x128xf32, #tpu.memory_space<hbm>>
      tpu.enqueue_dma source(%arg18 : memref<128x128xf32, #tpu.memory_space<vmem>>) target(%dma_start3A_532 : memref<128x128xf32, #tpu.memory_space<hbm>>) target_semaphore(%run_scoped3A : memref<!tpu.dma_semaphore, #tpu.memory_space<semaphore_mem>>)
      %dma_wait3A_533 = arith.constant 0 : i32
      %dma_wait3A_534 = tpu.memref_slice %arg10[%add3A_32, %dma_wait3A_533] : memref<32768x128xf32, #tpu.memory_space<hbm>> -> memref<128x128xf32, #tpu.memory_space<hbm>>
      %dma_wait3A_535 = arith.constant 0 : i32
      %dma_wait3A_536 = tpu.memref_slice %arg10[%add3A_32, %dma_wait3A_535] : memref<32768x128xf32, #tpu.memory_space<hbm>> -> memref<128x128xf32, #tpu.memory_space<hbm>>
      tpu.wait_dma2 semaphore(%run_scoped3A : memref<!tpu.dma_semaphore, #tpu.memory_space<semaphore_mem>>) src(%arg18 : memref<128x128xf32, #tpu.memory_space<vmem>>) dst(%dma_wait3A_536 : memref<128x128xf32, #tpu.memory_space<hbm>>)
      tpu.yield
    }) : () -> ()
    %dma_start3A_33 = arith.constant 256 : i32
    %dma_start3A_34 = tpu.memref_slice %arg13[%dma_start3A_33] : memref<1024xi32, #tpu.memory_space<vmem>> -> memref<128xi32, #tpu.memory_space<vmem>>
    %dma_start3A_35 = arith.constant 0 : i32
    %dma_start3A_36 = arith.constant 0 : i32
    %dma_start3A_37 = tpu.memref_slice %arg5[%dma_start3A_35, %dma_start3A_36] : memref<8192x256xf32, #tpu.memory_space<hbm>> -> memref<8192x256xf32, #tpu.memory_space<hbm>>
    tpu.enqueue_indirect_dma source(%dma_start3A_37 : memref<8192x256xf32, #tpu.memory_space<hbm>>) target(%arg16 : memref<128x256xf32, #tpu.memory_space<vmem>>) offsets(%dma_start3A_34 : memref<128xi32, #tpu.memory_space<vmem>>) semaphore(%arg20 : memref<!tpu.dma_semaphore, #tpu.memory_space<semaphore_mem>>)
    %dma_start3A_38 = arith.constant 256 : i32
    %dma_start3A_39 = tpu.memref_slice %arg13[%dma_start3A_38] : memref<1024xi32, #tpu.memory_space<vmem>> -> memref<128xi32, #tpu.memory_space<vmem>>
    %dma_start3A_40 = arith.constant 0 : i32
    %dma_start3A_41 = arith.constant 0 : i32
    %dma_start3A_42 = tpu.memref_slice %arg6[%dma_start3A_40, %dma_start3A_41] : memref<8192x128xf32, #tpu.memory_space<hbm>> -> memref<8192x128xf32, #tpu.memory_space<hbm>>
    tpu.enqueue_indirect_dma source(%dma_start3A_42 : memref<8192x128xf32, #tpu.memory_space<hbm>>) target(%arg18 : memref<128x128xf32, #tpu.memory_space<vmem>>) offsets(%dma_start3A_39 : memref<128xi32, #tpu.memory_space<vmem>>) semaphore(%arg22 : memref<!tpu.dma_semaphore, #tpu.memory_space<semaphore_mem>>)
    %dma_wait3A_43 = arith.constant 128 : i32
    %dma_wait3A_44 = tpu.memref_slice %arg13[%dma_wait3A_43] : memref<1024xi32, #tpu.memory_space<vmem>> -> memref<128xi32, #tpu.memory_space<vmem>>
    %dma_wait3A_45 = arith.constant 0 : i32
    %dma_wait3A_46 = arith.constant 0 : i32
    %dma_wait3A_47 = tpu.memref_slice %arg5[%dma_wait3A_45, %dma_wait3A_46] : memref<8192x256xf32, #tpu.memory_space<hbm>> -> memref<8192x256xf32, #tpu.memory_space<hbm>>
    tpu.wait_indirect_dma semaphore(%arg21 : memref<!tpu.dma_semaphore, #tpu.memory_space<semaphore_mem>>) src(%dma_wait3A_47 : memref<8192x256xf32, #tpu.memory_space<hbm>>) dst(%arg17 : memref<128x256xf32, #tpu.memory_space<vmem>>)
    %dma_wait3A_48 = arith.constant 128 : i32
    %dma_wait3A_49 = tpu.memref_slice %arg13[%dma_wait3A_48] : memref<1024xi32, #tpu.memory_space<vmem>> -> memref<128xi32, #tpu.memory_space<vmem>>
    %dma_wait3A_50 = arith.constant 0 : i32
    %dma_wait3A_51 = arith.constant 0 : i32
    %dma_wait3A_52 = tpu.memref_slice %arg6[%dma_wait3A_50, %dma_wait3A_51] : memref<8192x128xf32, #tpu.memory_space<hbm>> -> memref<8192x128xf32, #tpu.memory_space<hbm>>
    tpu.wait_indirect_dma semaphore(%arg23 : memref<!tpu.dma_semaphore, #tpu.memory_space<semaphore_mem>>) src(%dma_wait3A_52 : memref<8192x128xf32, #tpu.memory_space<hbm>>) dst(%arg19 : memref<128x128xf32, #tpu.memory_space<vmem>>)
    %add3A_53 = arith.constant 128 : i32
    %add3A_54 = arith.addi %mul3A_2, %add3A_53 : i32
    "tpu.region"() ({
      %run_scoped3A = tpu.sem_alloc : memref<!tpu.dma_semaphore, #tpu.memory_space<semaphore_mem>>
      %dma_start3A_529 = arith.constant 0 : i32
      %dma_start3A_530 = tpu.memref_slice %arg7[%add3A_54, %dma_start3A_529] : memref<32768x256xf32, #tpu.memory_space<hbm>> -> memref<128x256xf32, #tpu.memory_space<hbm>>
      %dma_start3A_531 = arith.constant 0 : i32
      %dma_start3A_532 = tpu.memref_slice %arg7[%add3A_54, %dma_start3A_531] : memref<32768x256xf32, #tpu.memory_space<hbm>> -> memref<128x256xf32, #tpu.memory_space<hbm>>
      tpu.enqueue_dma source(%arg17 : memref<128x256xf32, #tpu.memory_space<vmem>>) target(%dma_start3A_532 : memref<128x256xf32, #tpu.memory_space<hbm>>) target_semaphore(%run_scoped3A : memref<!tpu.dma_semaphore, #tpu.memory_space<semaphore_mem>>)
      %dma_wait3A_533 = arith.constant 0 : i32
      %dma_wait3A_534 = tpu.memref_slice %arg7[%add3A_54, %dma_wait3A_533] : memref<32768x256xf32, #tpu.memory_space<hbm>> -> memref<128x256xf32, #tpu.memory_space<hbm>>
      %dma_wait3A_535 = arith.constant 0 : i32
      %dma_wait3A_536 = tpu.memref_slice %arg7[%add3A_54, %dma_wait3A_535] : memref<32768x256xf32, #tpu.memory_space<hbm>> -> memref<128x256xf32, #tpu.memory_space<hbm>>
      tpu.wait_dma2 semaphore(%run_scoped3A : memref<!tpu.dma_semaphore, #tpu.memory_space<semaphore_mem>>) src(%arg17 : memref<128x256xf32, #tpu.memory_space<vmem>>) dst(%dma_wait3A_536 : memref<128x256xf32, #tpu.memory_space<hbm>>)
      tpu.yield
    }) : () -> ()
    "tpu.region"() ({
      %run_scoped3A = tpu.sem_alloc : memref<!tpu.dma_semaphore, #tpu.memory_space<semaphore_mem>>
      %dma_start3A_529 = arith.constant 0 : i32
      %dma_start3A_530 = tpu.memref_slice %arg10[%add3A_54, %dma_start3A_529] : memref<32768x128xf32, #tpu.memory_space<hbm>> -> memref<128x128xf32, #tpu.memory_space<hbm>>
      %dma_start3A_531 = arith.constant 0 : i32
      %dma_start3A_532 = tpu.memref_slice %arg10[%add3A_54, %dma_start3A_531] : memref<32768x128xf32, #tpu.memory_space<hbm>> -> memref<128x128xf32, #tpu.memory_space<hbm>>
      tpu.enqueue_dma source(%arg19 : memref<128x128xf32, #tpu.memory_space<vmem>>) target(%dma_start3A_532 : memref<128x128xf32, #tpu.memory_space<hbm>>) target_semaphore(%run_scoped3A : memref<!tpu.dma_semaphore, #tpu.memory_space<semaphore_mem>>)
      %dma_wait3A_533 = arith.constant 0 : i32
      %dma_wait3A_534 = tpu.memref_slice %arg10[%add3A_54, %dma_wait3A_533] : memref<32768x128xf32, #tpu.memory_space<hbm>> -> memref<128x128xf32, #tpu.memory_space<hbm>>
      %dma_wait3A_535 = arith.constant 0 : i32
      %dma_wait3A_536 = tpu.memref_slice %arg10[%add3A_54, %dma_wait3A_535] : memref<32768x128xf32, #tpu.memory_space<hbm>> -> memref<128x128xf32, #tpu.memory_space<hbm>>
      tpu.wait_dma2 semaphore(%run_scoped3A : memref<!tpu.dma_semaphore, #tpu.memory_space<semaphore_mem>>) src(%arg19 : memref<128x128xf32, #tpu.memory_space<vmem>>) dst(%dma_wait3A_536 : memref<128x128xf32, #tpu.memory_space<hbm>>)
      tpu.yield
    }) : () -> ()
    %dma_start3A_55 = arith.constant 384 : i32
    %dma_start3A_56 = tpu.memref_slice %arg13[%dma_start3A_55] : memref<1024xi32, #tpu.memory_space<vmem>> -> memref<128xi32, #tpu.memory_space<vmem>>
    %dma_start3A_57 = arith.constant 0 : i32
    %dma_start3A_58 = arith.constant 0 : i32
    %dma_start3A_59 = tpu.memref_slice %arg5[%dma_start3A_57, %dma_start3A_58] : memref<8192x256xf32, #tpu.memory_space<hbm>> -> memref<8192x256xf32, #tpu.memory_space<hbm>>
    tpu.enqueue_indirect_dma source(%dma_start3A_59 : memref<8192x256xf32, #tpu.memory_space<hbm>>) target(%arg17 : memref<128x256xf32, #tpu.memory_space<vmem>>) offsets(%dma_start3A_56 : memref<128xi32, #tpu.memory_space<vmem>>) semaphore(%arg21 : memref<!tpu.dma_semaphore, #tpu.memory_space<semaphore_mem>>)
    %dma_start3A_60 = arith.constant 384 : i32
    %dma_start3A_61 = tpu.memref_slice %arg13[%dma_start3A_60] : memref<1024xi32, #tpu.memory_space<vmem>> -> memref<128xi32, #tpu.memory_space<vmem>>
    %dma_start3A_62 = arith.constant 0 : i32
    %dma_start3A_63 = arith.constant 0 : i32
    %dma_start3A_64 = tpu.memref_slice %arg6[%dma_start3A_62, %dma_start3A_63] : memref<8192x128xf32, #tpu.memory_space<hbm>> -> memref<8192x128xf32, #tpu.memory_space<hbm>>
    tpu.enqueue_indirect_dma source(%dma_start3A_64 : memref<8192x128xf32, #tpu.memory_space<hbm>>) target(%arg19 : memref<128x128xf32, #tpu.memory_space<vmem>>) offsets(%dma_start3A_61 : memref<128xi32, #tpu.memory_space<vmem>>) semaphore(%arg23 : memref<!tpu.dma_semaphore, #tpu.memory_space<semaphore_mem>>)
    %dma_wait3A_65 = arith.constant 256 : i32
    %dma_wait3A_66 = tpu.memref_slice %arg13[%dma_wait3A_65] : memref<1024xi32, #tpu.memory_space<vmem>> -> memref<128xi32, #tpu.memory_space<vmem>>
    %dma_wait3A_67 = arith.constant 0 : i32
    %dma_wait3A_68 = arith.constant 0 : i32
    %dma_wait3A_69 = tpu.memref_slice %arg5[%dma_wait3A_67, %dma_wait3A_68] : memref<8192x256xf32, #tpu.memory_space<hbm>> -> memref<8192x256xf32, #tpu.memory_space<hbm>>
    tpu.wait_indirect_dma semaphore(%arg20 : memref<!tpu.dma_semaphore, #tpu.memory_space<semaphore_mem>>) src(%dma_wait3A_69 : memref<8192x256xf32, #tpu.memory_space<hbm>>) dst(%arg16 : memref<128x256xf32, #tpu.memory_space<vmem>>)
    %dma_wait3A_70 = arith.constant 256 : i32
    %dma_wait3A_71 = tpu.memref_slice %arg13[%dma_wait3A_70] : memref<1024xi32, #tpu.memory_space<vmem>> -> memref<128xi32, #tpu.memory_space<vmem>>
    %dma_wait3A_72 = arith.constant 0 : i32
    %dma_wait3A_73 = arith.constant 0 : i32
    %dma_wait3A_74 = tpu.memref_slice %arg6[%dma_wait3A_72, %dma_wait3A_73] : memref<8192x128xf32, #tpu.memory_space<hbm>> -> memref<8192x128xf32, #tpu.memory_space<hbm>>
    tpu.wait_indirect_dma semaphore(%arg22 : memref<!tpu.dma_semaphore, #tpu.memory_space<semaphore_mem>>) src(%dma_wait3A_74 : memref<8192x128xf32, #tpu.memory_space<hbm>>) dst(%arg18 : memref<128x128xf32, #tpu.memory_space<vmem>>)
    %add3A_75 = arith.constant 256 : i32
    %add3A_76 = arith.addi %mul3A_2, %add3A_75 : i32
    "tpu.region"() ({
      %run_scoped3A = tpu.sem_alloc : memref<!tpu.dma_semaphore, #tpu.memory_space<semaphore_mem>>
      %dma_start3A_529 = arith.constant 0 : i32
      %dma_start3A_530 = tpu.memref_slice %arg7[%add3A_76, %dma_start3A_529] : memref<32768x256xf32, #tpu.memory_space<hbm>> -> memref<128x256xf32, #tpu.memory_space<hbm>>
      %dma_start3A_531 = arith.constant 0 : i32
      %dma_start3A_532 = tpu.memref_slice %arg7[%add3A_76, %dma_start3A_531] : memref<32768x256xf32, #tpu.memory_space<hbm>> -> memref<128x256xf32, #tpu.memory_space<hbm>>
      tpu.enqueue_dma source(%arg16 : memref<128x256xf32, #tpu.memory_space<vmem>>) target(%dma_start3A_532 : memref<128x256xf32, #tpu.memory_space<hbm>>) target_semaphore(%run_scoped3A : memref<!tpu.dma_semaphore, #tpu.memory_space<semaphore_mem>>)
      %dma_wait3A_533 = arith.constant 0 : i32
      %dma_wait3A_534 = tpu.memref_slice %arg7[%add3A_76, %dma_wait3A_533] : memref<32768x256xf32, #tpu.memory_space<hbm>> -> memref<128x256xf32, #tpu.memory_space<hbm>>
      %dma_wait3A_535 = arith.constant 0 : i32
      %dma_wait3A_536 = tpu.memref_slice %arg7[%add3A_76, %dma_wait3A_535] : memref<32768x256xf32, #tpu.memory_space<hbm>> -> memref<128x256xf32, #tpu.memory_space<hbm>>
      tpu.wait_dma2 semaphore(%run_scoped3A : memref<!tpu.dma_semaphore, #tpu.memory_space<semaphore_mem>>) src(%arg16 : memref<128x256xf32, #tpu.memory_space<vmem>>) dst(%dma_wait3A_536 : memref<128x256xf32, #tpu.memory_space<hbm>>)
      tpu.yield
    }) : () -> ()
    "tpu.region"() ({
      %run_scoped3A = tpu.sem_alloc : memref<!tpu.dma_semaphore, #tpu.memory_space<semaphore_mem>>
      %dma_start3A_529 = arith.constant 0 : i32
      %dma_start3A_530 = tpu.memref_slice %arg10[%add3A_76, %dma_start3A_529] : memref<32768x128xf32, #tpu.memory_space<hbm>> -> memref<128x128xf32, #tpu.memory_space<hbm>>
      %dma_start3A_531 = arith.constant 0 : i32
      %dma_start3A_532 = tpu.memref_slice %arg10[%add3A_76, %dma_start3A_531] : memref<32768x128xf32, #tpu.memory_space<hbm>> -> memref<128x128xf32, #tpu.memory_space<hbm>>
      tpu.enqueue_dma source(%arg18 : memref<128x128xf32, #tpu.memory_space<vmem>>) target(%dma_start3A_532 : memref<128x128xf32, #tpu.memory_space<hbm>>) target_semaphore(%run_scoped3A : memref<!tpu.dma_semaphore, #tpu.memory_space<semaphore_mem>>)
      %dma_wait3A_533 = arith.constant 0 : i32
      %dma_wait3A_534 = tpu.memref_slice %arg10[%add3A_76, %dma_wait3A_533] : memref<32768x128xf32, #tpu.memory_space<hbm>> -> memref<128x128xf32, #tpu.memory_space<hbm>>
      %dma_wait3A_535 = arith.constant 0 : i32
      %dma_wait3A_536 = tpu.memref_slice %arg10[%add3A_76, %dma_wait3A_535] : memref<32768x128xf32, #tpu.memory_space<hbm>> -> memref<128x128xf32, #tpu.memory_space<hbm>>
      tpu.wait_dma2 semaphore(%run_scoped3A : memref<!tpu.dma_semaphore, #tpu.memory_space<semaphore_mem>>) src(%arg18 : memref<128x128xf32, #tpu.memory_space<vmem>>) dst(%dma_wait3A_536 : memref<128x128xf32, #tpu.memory_space<hbm>>)
      tpu.yield
    }) : () -> ()
    %dma_start3A_77 = arith.constant 512 : i32
    %dma_start3A_78 = tpu.memref_slice %arg13[%dma_start3A_77] : memref<1024xi32, #tpu.memory_space<vmem>> -> memref<128xi32, #tpu.memory_space<vmem>>
    %dma_start3A_79 = arith.constant 0 : i32
    %dma_start3A_80 = arith.constant 0 : i32
    %dma_start3A_81 = tpu.memref_slice %arg5[%dma_start3A_79, %dma_start3A_80] : memref<8192x256xf32, #tpu.memory_space<hbm>> -> memref<8192x256xf32, #tpu.memory_space<hbm>>
    tpu.enqueue_indirect_dma source(%dma_start3A_81 : memref<8192x256xf32, #tpu.memory_space<hbm>>) target(%arg16 : memref<128x256xf32, #tpu.memory_space<vmem>>) offsets(%dma_start3A_78 : memref<128xi32, #tpu.memory_space<vmem>>) semaphore(%arg20 : memref<!tpu.dma_semaphore, #tpu.memory_space<semaphore_mem>>)
    %dma_start3A_82 = arith.constant 512 : i32
    %dma_start3A_83 = tpu.memref_slice %arg13[%dma_start3A_82] : memref<1024xi32, #tpu.memory_space<vmem>> -> memref<128xi32, #tpu.memory_space<vmem>>
    %dma_start3A_84 = arith.constant 0 : i32
    %dma_start3A_85 = arith.constant 0 : i32
    %dma_start3A_86 = tpu.memref_slice %arg6[%dma_start3A_84, %dma_start3A_85] : memref<8192x128xf32, #tpu.memory_space<hbm>> -> memref<8192x128xf32, #tpu.memory_space<hbm>>
    tpu.enqueue_indirect_dma source(%dma_start3A_86 : memref<8192x128xf32, #tpu.memory_space<hbm>>) target(%arg18 : memref<128x128xf32, #tpu.memory_space<vmem>>) offsets(%dma_start3A_83 : memref<128xi32, #tpu.memory_space<vmem>>) semaphore(%arg22 : memref<!tpu.dma_semaphore, #tpu.memory_space<semaphore_mem>>)
    %dma_wait3A_87 = arith.constant 384 : i32
    %dma_wait3A_88 = tpu.memref_slice %arg13[%dma_wait3A_87] : memref<1024xi32, #tpu.memory_space<vmem>> -> memref<128xi32, #tpu.memory_space<vmem>>
    %dma_wait3A_89 = arith.constant 0 : i32
    %dma_wait3A_90 = arith.constant 0 : i32
    %dma_wait3A_91 = tpu.memref_slice %arg5[%dma_wait3A_89, %dma_wait3A_90] : memref<8192x256xf32, #tpu.memory_space<hbm>> -> memref<8192x256xf32, #tpu.memory_space<hbm>>
    tpu.wait_indirect_dma semaphore(%arg21 : memref<!tpu.dma_semaphore, #tpu.memory_space<semaphore_mem>>) src(%dma_wait3A_91 : memref<8192x256xf32, #tpu.memory_space<hbm>>) dst(%arg17 : memref<128x256xf32, #tpu.memory_space<vmem>>)
    %dma_wait3A_92 = arith.constant 384 : i32
    %dma_wait3A_93 = tpu.memref_slice %arg13[%dma_wait3A_92] : memref<1024xi32, #tpu.memory_space<vmem>> -> memref<128xi32, #tpu.memory_space<vmem>>
    %dma_wait3A_94 = arith.constant 0 : i32
    %dma_wait3A_95 = arith.constant 0 : i32
    %dma_wait3A_96 = tpu.memref_slice %arg6[%dma_wait3A_94, %dma_wait3A_95] : memref<8192x128xf32, #tpu.memory_space<hbm>> -> memref<8192x128xf32, #tpu.memory_space<hbm>>
    tpu.wait_indirect_dma semaphore(%arg23 : memref<!tpu.dma_semaphore, #tpu.memory_space<semaphore_mem>>) src(%dma_wait3A_96 : memref<8192x128xf32, #tpu.memory_space<hbm>>) dst(%arg19 : memref<128x128xf32, #tpu.memory_space<vmem>>)
    %add3A_97 = arith.constant 384 : i32
    %add3A_98 = arith.addi %mul3A_2, %add3A_97 : i32
    "tpu.region"() ({
      %run_scoped3A = tpu.sem_alloc : memref<!tpu.dma_semaphore, #tpu.memory_space<semaphore_mem>>
      %dma_start3A_529 = arith.constant 0 : i32
      %dma_start3A_530 = tpu.memref_slice %arg7[%add3A_98, %dma_start3A_529] : memref<32768x256xf32, #tpu.memory_space<hbm>> -> memref<128x256xf32, #tpu.memory_space<hbm>>
      %dma_start3A_531 = arith.constant 0 : i32
      %dma_start3A_532 = tpu.memref_slice %arg7[%add3A_98, %dma_start3A_531] : memref<32768x256xf32, #tpu.memory_space<hbm>> -> memref<128x256xf32, #tpu.memory_space<hbm>>
      tpu.enqueue_dma source(%arg17 : memref<128x256xf32, #tpu.memory_space<vmem>>) target(%dma_start3A_532 : memref<128x256xf32, #tpu.memory_space<hbm>>) target_semaphore(%run_scoped3A : memref<!tpu.dma_semaphore, #tpu.memory_space<semaphore_mem>>)
      %dma_wait3A_533 = arith.constant 0 : i32
      %dma_wait3A_534 = tpu.memref_slice %arg7[%add3A_98, %dma_wait3A_533] : memref<32768x256xf32, #tpu.memory_space<hbm>> -> memref<128x256xf32, #tpu.memory_space<hbm>>
      %dma_wait3A_535 = arith.constant 0 : i32
      %dma_wait3A_536 = tpu.memref_slice %arg7[%add3A_98, %dma_wait3A_535] : memref<32768x256xf32, #tpu.memory_space<hbm>> -> memref<128x256xf32, #tpu.memory_space<hbm>>
      tpu.wait_dma2 semaphore(%run_scoped3A : memref<!tpu.dma_semaphore, #tpu.memory_space<semaphore_mem>>) src(%arg17 : memref<128x256xf32, #tpu.memory_space<vmem>>) dst(%dma_wait3A_536 : memref<128x256xf32, #tpu.memory_space<hbm>>)
      tpu.yield
    }) : () -> ()
    "tpu.region"() ({
      %run_scoped3A = tpu.sem_alloc : memref<!tpu.dma_semaphore, #tpu.memory_space<semaphore_mem>>
      %dma_start3A_529 = arith.constant 0 : i32
      %dma_start3A_530 = tpu.memref_slice %arg10[%add3A_98, %dma_start3A_529] : memref<32768x128xf32, #tpu.memory_space<hbm>> -> memref<128x128xf32, #tpu.memory_space<hbm>>
      %dma_start3A_531 = arith.constant 0 : i32
      %dma_start3A_532 = tpu.memref_slice %arg10[%add3A_98, %dma_start3A_531] : memref<32768x128xf32, #tpu.memory_space<hbm>> -> memref<128x128xf32, #tpu.memory_space<hbm>>
      tpu.enqueue_dma source(%arg19 : memref<128x128xf32, #tpu.memory_space<vmem>>) target(%dma_start3A_532 : memref<128x128xf32, #tpu.memory_space<hbm>>) target_semaphore(%run_scoped3A : memref<!tpu.dma_semaphore, #tpu.memory_space<semaphore_mem>>)
      %dma_wait3A_533 = arith.constant 0 : i32
      %dma_wait3A_534 = tpu.memref_slice %arg10[%add3A_98, %dma_wait3A_533] : memref<32768x128xf32, #tpu.memory_space<hbm>> -> memref<128x128xf32, #tpu.memory_space<hbm>>
      %dma_wait3A_535 = arith.constant 0 : i32
      %dma_wait3A_536 = tpu.memref_slice %arg10[%add3A_98, %dma_wait3A_535] : memref<32768x128xf32, #tpu.memory_space<hbm>> -> memref<128x128xf32, #tpu.memory_space<hbm>>
      tpu.wait_dma2 semaphore(%run_scoped3A : memref<!tpu.dma_semaphore, #tpu.memory_space<semaphore_mem>>) src(%arg19 : memref<128x128xf32, #tpu.memory_space<vmem>>) dst(%dma_wait3A_536 : memref<128x128xf32, #tpu.memory_space<hbm>>)
      tpu.yield
    }) : () -> ()
    %dma_start3A_99 = arith.constant 640 : i32
    %dma_start3A_100 = tpu.memref_slice %arg13[%dma_start3A_99] : memref<1024xi32, #tpu.memory_space<vmem>> -> memref<128xi32, #tpu.memory_space<vmem>>
    %dma_start3A_101 = arith.constant 0 : i32
    %dma_start3A_102 = arith.constant 0 : i32
    %dma_start3A_103 = tpu.memref_slice %arg5[%dma_start3A_101, %dma_start3A_102] : memref<8192x256xf32, #tpu.memory_space<hbm>> -> memref<8192x256xf32, #tpu.memory_space<hbm>>
    tpu.enqueue_indirect_dma source(%dma_start3A_103 : memref<8192x256xf32, #tpu.memory_space<hbm>>) target(%arg17 : memref<128x256xf32, #tpu.memory_space<vmem>>) offsets(%dma_start3A_100 : memref<128xi32, #tpu.memory_space<vmem>>) semaphore(%arg21 : memref<!tpu.dma_semaphore, #tpu.memory_space<semaphore_mem>>)
    %dma_start3A_104 = arith.constant 640 : i32
    %dma_start3A_105 = tpu.memref_slice %arg13[%dma_start3A_104] : memref<1024xi32, #tpu.memory_space<vmem>> -> memref<128xi32, #tpu.memory_space<vmem>>
    %dma_start3A_106 = arith.constant 0 : i32
    %dma_start3A_107 = arith.constant 0 : i32
    %dma_start3A_108 = tpu.memref_slice %arg6[%dma_start3A_106, %dma_start3A_107] : memref<8192x128xf32, #tpu.memory_space<hbm>> -> memref<8192x128xf32, #tpu.memory_space<hbm>>
    tpu.enqueue_indirect_dma source(%dma_start3A_108 : memref<8192x128xf32, #tpu.memory_space<hbm>>) target(%arg19 : memref<128x128xf32, #tpu.memory_space<vmem>>) offsets(%dma_start3A_105 : memref<128xi32, #tpu.memory_space<vmem>>) semaphore(%arg23 : memref<!tpu.dma_semaphore, #tpu.memory_space<semaphore_mem>>)
    %dma_wait3A_109 = arith.constant 512 : i32
    %dma_wait3A_110 = tpu.memref_slice %arg13[%dma_wait3A_109] : memref<1024xi32, #tpu.memory_space<vmem>> -> memref<128xi32, #tpu.memory_space<vmem>>
    %dma_wait3A_111 = arith.constant 0 : i32
    %dma_wait3A_112 = arith.constant 0 : i32
    %dma_wait3A_113 = tpu.memref_slice %arg5[%dma_wait3A_111, %dma_wait3A_112] : memref<8192x256xf32, #tpu.memory_space<hbm>> -> memref<8192x256xf32, #tpu.memory_space<hbm>>
    tpu.wait_indirect_dma semaphore(%arg20 : memref<!tpu.dma_semaphore, #tpu.memory_space<semaphore_mem>>) src(%dma_wait3A_113 : memref<8192x256xf32, #tpu.memory_space<hbm>>) dst(%arg16 : memref<128x256xf32, #tpu.memory_space<vmem>>)
    %dma_wait3A_114 = arith.constant 512 : i32
    %dma_wait3A_115 = tpu.memref_slice %arg13[%dma_wait3A_114] : memref<1024xi32, #tpu.memory_space<vmem>> -> memref<128xi32, #tpu.memory_space<vmem>>
    %dma_wait3A_116 = arith.constant 0 : i32
    %dma_wait3A_117 = arith.constant 0 : i32
    %dma_wait3A_118 = tpu.memref_slice %arg6[%dma_wait3A_116, %dma_wait3A_117] : memref<8192x128xf32, #tpu.memory_space<hbm>> -> memref<8192x128xf32, #tpu.memory_space<hbm>>
    tpu.wait_indirect_dma semaphore(%arg22 : memref<!tpu.dma_semaphore, #tpu.memory_space<semaphore_mem>>) src(%dma_wait3A_118 : memref<8192x128xf32, #tpu.memory_space<hbm>>) dst(%arg18 : memref<128x128xf32, #tpu.memory_space<vmem>>)
    %add3A_119 = arith.constant 512 : i32
    %add3A_120 = arith.addi %mul3A_2, %add3A_119 : i32
    "tpu.region"() ({
      %run_scoped3A = tpu.sem_alloc : memref<!tpu.dma_semaphore, #tpu.memory_space<semaphore_mem>>
      %dma_start3A_529 = arith.constant 0 : i32
      %dma_start3A_530 = tpu.memref_slice %arg7[%add3A_120, %dma_start3A_529] : memref<32768x256xf32, #tpu.memory_space<hbm>> -> memref<128x256xf32, #tpu.memory_space<hbm>>
      %dma_start3A_531 = arith.constant 0 : i32
      %dma_start3A_532 = tpu.memref_slice %arg7[%add3A_120, %dma_start3A_531] : memref<32768x256xf32, #tpu.memory_space<hbm>> -> memref<128x256xf32, #tpu.memory_space<hbm>>
      tpu.enqueue_dma source(%arg16 : memref<128x256xf32, #tpu.memory_space<vmem>>) target(%dma_start3A_532 : memref<128x256xf32, #tpu.memory_space<hbm>>) target_semaphore(%run_scoped3A : memref<!tpu.dma_semaphore, #tpu.memory_space<semaphore_mem>>)
      %dma_wait3A_533 = arith.constant 0 : i32
      %dma_wait3A_534 = tpu.memref_slice %arg7[%add3A_120, %dma_wait3A_533] : memref<32768x256xf32, #tpu.memory_space<hbm>> -> memref<128x256xf32, #tpu.memory_space<hbm>>
      %dma_wait3A_535 = arith.constant 0 : i32
      %dma_wait3A_536 = tpu.memref_slice %arg7[%add3A_120, %dma_wait3A_535] : memref<32768x256xf32, #tpu.memory_space<hbm>> -> memref<128x256xf32, #tpu.memory_space<hbm>>
      tpu.wait_dma2 semaphore(%run_scoped3A : memref<!tpu.dma_semaphore, #tpu.memory_space<semaphore_mem>>) src(%arg16 : memref<128x256xf32, #tpu.memory_space<vmem>>) dst(%dma_wait3A_536 : memref<128x256xf32, #tpu.memory_space<hbm>>)
      tpu.yield
    }) : () -> ()
    "tpu.region"() ({
      %run_scoped3A = tpu.sem_alloc : memref<!tpu.dma_semaphore, #tpu.memory_space<semaphore_mem>>
      %dma_start3A_529 = arith.constant 0 : i32
      %dma_start3A_530 = tpu.memref_slice %arg10[%add3A_120, %dma_start3A_529] : memref<32768x128xf32, #tpu.memory_space<hbm>> -> memref<128x128xf32, #tpu.memory_space<hbm>>
      %dma_start3A_531 = arith.constant 0 : i32
      %dma_start3A_532 = tpu.memref_slice %arg10[%add3A_120, %dma_start3A_531] : memref<32768x128xf32, #tpu.memory_space<hbm>> -> memref<128x128xf32, #tpu.memory_space<hbm>>
      tpu.enqueue_dma source(%arg18 : memref<128x128xf32, #tpu.memory_space<vmem>>) target(%dma_start3A_532 : memref<128x128xf32, #tpu.memory_space<hbm>>) target_semaphore(%run_scoped3A : memref<!tpu.dma_semaphore, #tpu.memory_space<semaphore_mem>>)
      %dma_wait3A_533 = arith.constant 0 : i32
      %dma_wait3A_534 = tpu.memref_slice %arg10[%add3A_120, %dma_wait3A_533] : memref<32768x128xf32, #tpu.memory_space<hbm>> -> memref<128x128xf32, #tpu.memory_space<hbm>>
      %dma_wait3A_535 = arith.constant 0 : i32
      %dma_wait3A_536 = tpu.memref_slice %arg10[%add3A_120, %dma_wait3A_535] : memref<32768x128xf32, #tpu.memory_space<hbm>> -> memref<128x128xf32, #tpu.memory_space<hbm>>
      tpu.wait_dma2 semaphore(%run_scoped3A : memref<!tpu.dma_semaphore, #tpu.memory_space<semaphore_mem>>) src(%arg18 : memref<128x128xf32, #tpu.memory_space<vmem>>) dst(%dma_wait3A_536 : memref<128x128xf32, #tpu.memory_space<hbm>>)
      tpu.yield
    }) : () -> ()
    %dma_start3A_121 = arith.constant 768 : i32
    %dma_start3A_122 = tpu.memref_slice %arg13[%dma_start3A_121] : memref<1024xi32, #tpu.memory_space<vmem>> -> memref<128xi32, #tpu.memory_space<vmem>>
    %dma_start3A_123 = arith.constant 0 : i32
    %dma_start3A_124 = arith.constant 0 : i32
    %dma_start3A_125 = tpu.memref_slice %arg5[%dma_start3A_123, %dma_start3A_124] : memref<8192x256xf32, #tpu.memory_space<hbm>> -> memref<8192x256xf32, #tpu.memory_space<hbm>>
    tpu.enqueue_indirect_dma source(%dma_start3A_125 : memref<8192x256xf32, #tpu.memory_space<hbm>>) target(%arg16 : memref<128x256xf32, #tpu.memory_space<vmem>>) offsets(%dma_start3A_122 : memref<128xi32, #tpu.memory_space<vmem>>) semaphore(%arg20 : memref<!tpu.dma_semaphore, #tpu.memory_space<semaphore_mem>>)
    %dma_start3A_126 = arith.constant 768 : i32
    %dma_start3A_127 = tpu.memref_slice %arg13[%dma_start3A_126] : memref<1024xi32, #tpu.memory_space<vmem>> -> memref<128xi32, #tpu.memory_space<vmem>>
    %dma_start3A_128 = arith.constant 0 : i32
    %dma_start3A_129 = arith.constant 0 : i32
    %dma_start3A_130 = tpu.memref_slice %arg6[%dma_start3A_128, %dma_start3A_129] : memref<8192x128xf32, #tpu.memory_space<hbm>> -> memref<8192x128xf32, #tpu.memory_space<hbm>>
    tpu.enqueue_indirect_dma source(%dma_start3A_130 : memref<8192x128xf32, #tpu.memory_space<hbm>>) target(%arg18 : memref<128x128xf32, #tpu.memory_space<vmem>>) offsets(%dma_start3A_127 : memref<128xi32, #tpu.memory_space<vmem>>) semaphore(%arg22 : memref<!tpu.dma_semaphore, #tpu.memory_space<semaphore_mem>>)
    %dma_wait3A_131 = arith.constant 640 : i32
    %dma_wait3A_132 = tpu.memref_slice %arg13[%dma_wait3A_131] : memref<1024xi32, #tpu.memory_space<vmem>> -> memref<128xi32, #tpu.memory_space<vmem>>
    %dma_wait3A_133 = arith.constant 0 : i32
    %dma_wait3A_134 = arith.constant 0 : i32
    %dma_wait3A_135 = tpu.memref_slice %arg5[%dma_wait3A_133, %dma_wait3A_134] : memref<8192x256xf32, #tpu.memory_space<hbm>> -> memref<8192x256xf32, #tpu.memory_space<hbm>>
    tpu.wait_indirect_dma semaphore(%arg21 : memref<!tpu.dma_semaphore, #tpu.memory_space<semaphore_mem>>) src(%dma_wait3A_135 : memref<8192x256xf32, #tpu.memory_space<hbm>>) dst(%arg17 : memref<128x256xf32, #tpu.memory_space<vmem>>)
    %dma_wait3A_136 = arith.constant 640 : i32
    %dma_wait3A_137 = tpu.memref_slice %arg13[%dma_wait3A_136] : memref<1024xi32, #tpu.memory_space<vmem>> -> memref<128xi32, #tpu.memory_space<vmem>>
    %dma_wait3A_138 = arith.constant 0 : i32
    %dma_wait3A_139 = arith.constant 0 : i32
    %dma_wait3A_140 = tpu.memref_slice %arg6[%dma_wait3A_138, %dma_wait3A_139] : memref<8192x128xf32, #tpu.memory_space<hbm>> -> memref<8192x128xf32, #tpu.memory_space<hbm>>
    tpu.wait_indirect_dma semaphore(%arg23 : memref<!tpu.dma_semaphore, #tpu.memory_space<semaphore_mem>>) src(%dma_wait3A_140 : memref<8192x128xf32, #tpu.memory_space<hbm>>) dst(%arg19 : memref<128x128xf32, #tpu.memory_space<vmem>>)
    %add3A_141 = arith.constant 640 : i32
    %add3A_142 = arith.addi %mul3A_2, %add3A_141 : i32
    "tpu.region"() ({
      %run_scoped3A = tpu.sem_alloc : memref<!tpu.dma_semaphore, #tpu.memory_space<semaphore_mem>>
      %dma_start3A_529 = arith.constant 0 : i32
      %dma_start3A_530 = tpu.memref_slice %arg7[%add3A_142, %dma_start3A_529] : memref<32768x256xf32, #tpu.memory_space<hbm>> -> memref<128x256xf32, #tpu.memory_space<hbm>>
      %dma_start3A_531 = arith.constant 0 : i32
      %dma_start3A_532 = tpu.memref_slice %arg7[%add3A_142, %dma_start3A_531] : memref<32768x256xf32, #tpu.memory_space<hbm>> -> memref<128x256xf32, #tpu.memory_space<hbm>>
      tpu.enqueue_dma source(%arg17 : memref<128x256xf32, #tpu.memory_space<vmem>>) target(%dma_start3A_532 : memref<128x256xf32, #tpu.memory_space<hbm>>) target_semaphore(%run_scoped3A : memref<!tpu.dma_semaphore, #tpu.memory_space<semaphore_mem>>)
      %dma_wait3A_533 = arith.constant 0 : i32
      %dma_wait3A_534 = tpu.memref_slice %arg7[%add3A_142, %dma_wait3A_533] : memref<32768x256xf32, #tpu.memory_space<hbm>> -> memref<128x256xf32, #tpu.memory_space<hbm>>
      %dma_wait3A_535 = arith.constant 0 : i32
      %dma_wait3A_536 = tpu.memref_slice %arg7[%add3A_142, %dma_wait3A_535] : memref<32768x256xf32, #tpu.memory_space<hbm>> -> memref<128x256xf32, #tpu.memory_space<hbm>>
      tpu.wait_dma2 semaphore(%run_scoped3A : memref<!tpu.dma_semaphore, #tpu.memory_space<semaphore_mem>>) src(%arg17 : memref<128x256xf32, #tpu.memory_space<vmem>>) dst(%dma_wait3A_536 : memref<128x256xf32, #tpu.memory_space<hbm>>)
      tpu.yield
    }) : () -> ()
    "tpu.region"() ({
      %run_scoped3A = tpu.sem_alloc : memref<!tpu.dma_semaphore, #tpu.memory_space<semaphore_mem>>
      %dma_start3A_529 = arith.constant 0 : i32
      %dma_start3A_530 = tpu.memref_slice %arg10[%add3A_142, %dma_start3A_529] : memref<32768x128xf32, #tpu.memory_space<hbm>> -> memref<128x128xf32, #tpu.memory_space<hbm>>
      %dma_start3A_531 = arith.constant 0 : i32
      %dma_start3A_532 = tpu.memref_slice %arg10[%add3A_142, %dma_start3A_531] : memref<32768x128xf32, #tpu.memory_space<hbm>> -> memref<128x128xf32, #tpu.memory_space<hbm>>
      tpu.enqueue_dma source(%arg19 : memref<128x128xf32, #tpu.memory_space<vmem>>) target(%dma_start3A_532 : memref<128x128xf32, #tpu.memory_space<hbm>>) target_semaphore(%run_scoped3A : memref<!tpu.dma_semaphore, #tpu.memory_space<semaphore_mem>>)
      %dma_wait3A_533 = arith.constant 0 : i32
      %dma_wait3A_534 = tpu.memref_slice %arg10[%add3A_142, %dma_wait3A_533] : memref<32768x128xf32, #tpu.memory_space<hbm>> -> memref<128x128xf32, #tpu.memory_space<hbm>>
      %dma_wait3A_535 = arith.constant 0 : i32
      %dma_wait3A_536 = tpu.memref_slice %arg10[%add3A_142, %dma_wait3A_535] : memref<32768x128xf32, #tpu.memory_space<hbm>> -> memref<128x128xf32, #tpu.memory_space<hbm>>
      tpu.wait_dma2 semaphore(%run_scoped3A : memref<!tpu.dma_semaphore, #tpu.memory_space<semaphore_mem>>) src(%arg19 : memref<128x128xf32, #tpu.memory_space<vmem>>) dst(%dma_wait3A_536 : memref<128x128xf32, #tpu.memory_space<hbm>>)
      tpu.yield
    }) : () -> ()
    %dma_start3A_143 = arith.constant 896 : i32
    %dma_start3A_144 = tpu.memref_slice %arg13[%dma_start3A_143] : memref<1024xi32, #tpu.memory_space<vmem>> -> memref<128xi32, #tpu.memory_space<vmem>>
    %dma_start3A_145 = arith.constant 0 : i32
    %dma_start3A_146 = arith.constant 0 : i32
    %dma_start3A_147 = tpu.memref_slice %arg5[%dma_start3A_145, %dma_start3A_146] : memref<8192x256xf32, #tpu.memory_space<hbm>> -> memref<8192x256xf32, #tpu.memory_space<hbm>>
    tpu.enqueue_indirect_dma source(%dma_start3A_147 : memref<8192x256xf32, #tpu.memory_space<hbm>>) target(%arg17 : memref<128x256xf32, #tpu.memory_space<vmem>>) offsets(%dma_start3A_144 : memref<128xi32, #tpu.memory_space<vmem>>) semaphore(%arg21 : memref<!tpu.dma_semaphore, #tpu.memory_space<semaphore_mem>>)
    %dma_start3A_148 = arith.constant 896 : i32
    %dma_start3A_149 = tpu.memref_slice %arg13[%dma_start3A_148] : memref<1024xi32, #tpu.memory_space<vmem>> -> memref<128xi32, #tpu.memory_space<vmem>>
    %dma_start3A_150 = arith.constant 0 : i32
    %dma_start3A_151 = arith.constant 0 : i32
    %dma_start3A_152 = tpu.memref_slice %arg6[%dma_start3A_150, %dma_start3A_151] : memref<8192x128xf32, #tpu.memory_space<hbm>> -> memref<8192x128xf32, #tpu.memory_space<hbm>>
    tpu.enqueue_indirect_dma source(%dma_start3A_152 : memref<8192x128xf32, #tpu.memory_space<hbm>>) target(%arg19 : memref<128x128xf32, #tpu.memory_space<vmem>>) offsets(%dma_start3A_149 : memref<128xi32, #tpu.memory_space<vmem>>) semaphore(%arg23 : memref<!tpu.dma_semaphore, #tpu.memory_space<semaphore_mem>>)
    %dma_wait3A_153 = arith.constant 768 : i32
    %dma_wait3A_154 = tpu.memref_slice %arg13[%dma_wait3A_153] : memref<1024xi32, #tpu.memory_space<vmem>> -> memref<128xi32, #tpu.memory_space<vmem>>
    %dma_wait3A_155 = arith.constant 0 : i32
    %dma_wait3A_156 = arith.constant 0 : i32
    %dma_wait3A_157 = tpu.memref_slice %arg5[%dma_wait3A_155, %dma_wait3A_156] : memref<8192x256xf32, #tpu.memory_space<hbm>> -> memref<8192x256xf32, #tpu.memory_space<hbm>>
    tpu.wait_indirect_dma semaphore(%arg20 : memref<!tpu.dma_semaphore, #tpu.memory_space<semaphore_mem>>) src(%dma_wait3A_157 : memref<8192x256xf32, #tpu.memory_space<hbm>>) dst(%arg16 : memref<128x256xf32, #tpu.memory_space<vmem>>)
    %dma_wait3A_158 = arith.constant 768 : i32
    %dma_wait3A_159 = tpu.memref_slice %arg13[%dma_wait3A_158] : memref<1024xi32, #tpu.memory_space<vmem>> -> memref<128xi32, #tpu.memory_space<vmem>>
    %dma_wait3A_160 = arith.constant 0 : i32
    %dma_wait3A_161 = arith.constant 0 : i32
    %dma_wait3A_162 = tpu.memref_slice %arg6[%dma_wait3A_160, %dma_wait3A_161] : memref<8192x128xf32, #tpu.memory_space<hbm>> -> memref<8192x128xf32, #tpu.memory_space<hbm>>
    tpu.wait_indirect_dma semaphore(%arg22 : memref<!tpu.dma_semaphore, #tpu.memory_space<semaphore_mem>>) src(%dma_wait3A_162 : memref<8192x128xf32, #tpu.memory_space<hbm>>) dst(%arg18 : memref<128x128xf32, #tpu.memory_space<vmem>>)
    %add3A_163 = arith.constant 768 : i32
    %add3A_164 = arith.addi %mul3A_2, %add3A_163 : i32
    "tpu.region"() ({
      %run_scoped3A = tpu.sem_alloc : memref<!tpu.dma_semaphore, #tpu.memory_space<semaphore_mem>>
      %dma_start3A_529 = arith.constant 0 : i32
      %dma_start3A_530 = tpu.memref_slice %arg7[%add3A_164, %dma_start3A_529] : memref<32768x256xf32, #tpu.memory_space<hbm>> -> memref<128x256xf32, #tpu.memory_space<hbm>>
      %dma_start3A_531 = arith.constant 0 : i32
      %dma_start3A_532 = tpu.memref_slice %arg7[%add3A_164, %dma_start3A_531] : memref<32768x256xf32, #tpu.memory_space<hbm>> -> memref<128x256xf32, #tpu.memory_space<hbm>>
      tpu.enqueue_dma source(%arg16 : memref<128x256xf32, #tpu.memory_space<vmem>>) target(%dma_start3A_532 : memref<128x256xf32, #tpu.memory_space<hbm>>) target_semaphore(%run_scoped3A : memref<!tpu.dma_semaphore, #tpu.memory_space<semaphore_mem>>)
      %dma_wait3A_533 = arith.constant 0 : i32
      %dma_wait3A_534 = tpu.memref_slice %arg7[%add3A_164, %dma_wait3A_533] : memref<32768x256xf32, #tpu.memory_space<hbm>> -> memref<128x256xf32, #tpu.memory_space<hbm>>
      %dma_wait3A_535 = arith.constant 0 : i32
      %dma_wait3A_536 = tpu.memref_slice %arg7[%add3A_164, %dma_wait3A_535] : memref<32768x256xf32, #tpu.memory_space<hbm>> -> memref<128x256xf32, #tpu.memory_space<hbm>>
      tpu.wait_dma2 semaphore(%run_scoped3A : memref<!tpu.dma_semaphore, #tpu.memory_space<semaphore_mem>>) src(%arg16 : memref<128x256xf32, #tpu.memory_space<vmem>>) dst(%dma_wait3A_536 : memref<128x256xf32, #tpu.memory_space<hbm>>)
      tpu.yield
    }) : () -> ()
    "tpu.region"() ({
      %run_scoped3A = tpu.sem_alloc : memref<!tpu.dma_semaphore, #tpu.memory_space<semaphore_mem>>
      %dma_start3A_529 = arith.constant 0 : i32
      %dma_start3A_530 = tpu.memref_slice %arg10[%add3A_164, %dma_start3A_529] : memref<32768x128xf32, #tpu.memory_space<hbm>> -> memref<128x128xf32, #tpu.memory_space<hbm>>
      %dma_start3A_531 = arith.constant 0 : i32
      %dma_start3A_532 = tpu.memref_slice %arg10[%add3A_164, %dma_start3A_531] : memref<32768x128xf32, #tpu.memory_space<hbm>> -> memref<128x128xf32, #tpu.memory_space<hbm>>
      tpu.enqueue_dma source(%arg18 : memref<128x128xf32, #tpu.memory_space<vmem>>) target(%dma_start3A_532 : memref<128x128xf32, #tpu.memory_space<hbm>>) target_semaphore(%run_scoped3A : memref<!tpu.dma_semaphore, #tpu.memory_space<semaphore_mem>>)
      %dma_wait3A_533 = arith.constant 0 : i32
      %dma_wait3A_534 = tpu.memref_slice %arg10[%add3A_164, %dma_wait3A_533] : memref<32768x128xf32, #tpu.memory_space<hbm>> -> memref<128x128xf32, #tpu.memory_space<hbm>>
      %dma_wait3A_535 = arith.constant 0 : i32
      %dma_wait3A_536 = tpu.memref_slice %arg10[%add3A_164, %dma_wait3A_535] : memref<32768x128xf32, #tpu.memory_space<hbm>> -> memref<128x128xf32, #tpu.memory_space<hbm>>
      tpu.wait_dma2 semaphore(%run_scoped3A : memref<!tpu.dma_semaphore, #tpu.memory_space<semaphore_mem>>) src(%arg18 : memref<128x128xf32, #tpu.memory_space<vmem>>) dst(%dma_wait3A_536 : memref<128x128xf32, #tpu.memory_space<hbm>>)
      tpu.yield
    }) : () -> ()
    %dma_start3A_165 = arith.constant 0 : i32
    %dma_start3A_166 = tpu.memref_slice %arg14[%dma_start3A_165] : memref<1024xi32, #tpu.memory_space<vmem>> -> memref<128xi32, #tpu.memory_space<vmem>>
    %dma_start3A_167 = arith.constant 0 : i32
    %dma_start3A_168 = arith.constant 0 : i32
    %dma_start3A_169 = tpu.memref_slice %arg5[%dma_start3A_167, %dma_start3A_168] : memref<8192x256xf32, #tpu.memory_space<hbm>> -> memref<8192x256xf32, #tpu.memory_space<hbm>>
    tpu.enqueue_indirect_dma source(%dma_start3A_169 : memref<8192x256xf32, #tpu.memory_space<hbm>>) target(%arg16 : memref<128x256xf32, #tpu.memory_space<vmem>>) offsets(%dma_start3A_166 : memref<128xi32, #tpu.memory_space<vmem>>) semaphore(%arg20 : memref<!tpu.dma_semaphore, #tpu.memory_space<semaphore_mem>>)
    %dma_start3A_170 = arith.constant 0 : i32
    %dma_start3A_171 = tpu.memref_slice %arg14[%dma_start3A_170] : memref<1024xi32, #tpu.memory_space<vmem>> -> memref<128xi32, #tpu.memory_space<vmem>>
    %dma_start3A_172 = arith.constant 0 : i32
    %dma_start3A_173 = arith.constant 0 : i32
    %dma_start3A_174 = tpu.memref_slice %arg6[%dma_start3A_172, %dma_start3A_173] : memref<8192x128xf32, #tpu.memory_space<hbm>> -> memref<8192x128xf32, #tpu.memory_space<hbm>>
    tpu.enqueue_indirect_dma source(%dma_start3A_174 : memref<8192x128xf32, #tpu.memory_space<hbm>>) target(%arg18 : memref<128x128xf32, #tpu.memory_space<vmem>>) offsets(%dma_start3A_171 : memref<128xi32, #tpu.memory_space<vmem>>) semaphore(%arg22 : memref<!tpu.dma_semaphore, #tpu.memory_space<semaphore_mem>>)
    %dma_wait3A_175 = arith.constant 896 : i32
    %dma_wait3A_176 = tpu.memref_slice %arg13[%dma_wait3A_175] : memref<1024xi32, #tpu.memory_space<vmem>> -> memref<128xi32, #tpu.memory_space<vmem>>
    %dma_wait3A_177 = arith.constant 0 : i32
    %dma_wait3A_178 = arith.constant 0 : i32
    %dma_wait3A_179 = tpu.memref_slice %arg5[%dma_wait3A_177, %dma_wait3A_178] : memref<8192x256xf32, #tpu.memory_space<hbm>> -> memref<8192x256xf32, #tpu.memory_space<hbm>>
    tpu.wait_indirect_dma semaphore(%arg21 : memref<!tpu.dma_semaphore, #tpu.memory_space<semaphore_mem>>) src(%dma_wait3A_179 : memref<8192x256xf32, #tpu.memory_space<hbm>>) dst(%arg17 : memref<128x256xf32, #tpu.memory_space<vmem>>)
    %dma_wait3A_180 = arith.constant 896 : i32
    %dma_wait3A_181 = tpu.memref_slice %arg13[%dma_wait3A_180] : memref<1024xi32, #tpu.memory_space<vmem>> -> memref<128xi32, #tpu.memory_space<vmem>>
    %dma_wait3A_182 = arith.constant 0 : i32
    %dma_wait3A_183 = arith.constant 0 : i32
    %dma_wait3A_184 = tpu.memref_slice %arg6[%dma_wait3A_182, %dma_wait3A_183] : memref<8192x128xf32, #tpu.memory_space<hbm>> -> memref<8192x128xf32, #tpu.memory_space<hbm>>
    tpu.wait_indirect_dma semaphore(%arg23 : memref<!tpu.dma_semaphore, #tpu.memory_space<semaphore_mem>>) src(%dma_wait3A_184 : memref<8192x128xf32, #tpu.memory_space<hbm>>) dst(%arg19 : memref<128x128xf32, #tpu.memory_space<vmem>>)
    %add3A_185 = arith.constant 896 : i32
    %add3A_186 = arith.addi %mul3A_2, %add3A_185 : i32
    "tpu.region"() ({
      %run_scoped3A = tpu.sem_alloc : memref<!tpu.dma_semaphore, #tpu.memory_space<semaphore_mem>>
      %dma_start3A_529 = arith.constant 0 : i32
      %dma_start3A_530 = tpu.memref_slice %arg7[%add3A_186, %dma_start3A_529] : memref<32768x256xf32, #tpu.memory_space<hbm>> -> memref<128x256xf32, #tpu.memory_space<hbm>>
      %dma_start3A_531 = arith.constant 0 : i32
      %dma_start3A_532 = tpu.memref_slice %arg7[%add3A_186, %dma_start3A_531] : memref<32768x256xf32, #tpu.memory_space<hbm>> -> memref<128x256xf32, #tpu.memory_space<hbm>>
      tpu.enqueue_dma source(%arg17 : memref<128x256xf32, #tpu.memory_space<vmem>>) target(%dma_start3A_532 : memref<128x256xf32, #tpu.memory_space<hbm>>) target_semaphore(%run_scoped3A : memref<!tpu.dma_semaphore, #tpu.memory_space<semaphore_mem>>)
      %dma_wait3A_533 = arith.constant 0 : i32
      %dma_wait3A_534 = tpu.memref_slice %arg7[%add3A_186, %dma_wait3A_533] : memref<32768x256xf32, #tpu.memory_space<hbm>> -> memref<128x256xf32, #tpu.memory_space<hbm>>
      %dma_wait3A_535 = arith.constant 0 : i32
      %dma_wait3A_536 = tpu.memref_slice %arg7[%add3A_186, %dma_wait3A_535] : memref<32768x256xf32, #tpu.memory_space<hbm>> -> memref<128x256xf32, #tpu.memory_space<hbm>>
      tpu.wait_dma2 semaphore(%run_scoped3A : memref<!tpu.dma_semaphore, #tpu.memory_space<semaphore_mem>>) src(%arg17 : memref<128x256xf32, #tpu.memory_space<vmem>>) dst(%dma_wait3A_536 : memref<128x256xf32, #tpu.memory_space<hbm>>)
      tpu.yield
    }) : () -> ()
    "tpu.region"() ({
      %run_scoped3A = tpu.sem_alloc : memref<!tpu.dma_semaphore, #tpu.memory_space<semaphore_mem>>
      %dma_start3A_529 = arith.constant 0 : i32
      %dma_start3A_530 = tpu.memref_slice %arg10[%add3A_186, %dma_start3A_529] : memref<32768x128xf32, #tpu.memory_space<hbm>> -> memref<128x128xf32, #tpu.memory_space<hbm>>
      %dma_start3A_531 = arith.constant 0 : i32
      %dma_start3A_532 = tpu.memref_slice %arg10[%add3A_186, %dma_start3A_531] : memref<32768x128xf32, #tpu.memory_space<hbm>> -> memref<128x128xf32, #tpu.memory_space<hbm>>
      tpu.enqueue_dma source(%arg19 : memref<128x128xf32, #tpu.memory_space<vmem>>) target(%dma_start3A_532 : memref<128x128xf32, #tpu.memory_space<hbm>>) target_semaphore(%run_scoped3A : memref<!tpu.dma_semaphore, #tpu.memory_space<semaphore_mem>>)
      %dma_wait3A_533 = arith.constant 0 : i32
      %dma_wait3A_534 = tpu.memref_slice %arg10[%add3A_186, %dma_wait3A_533] : memref<32768x128xf32, #tpu.memory_space<hbm>> -> memref<128x128xf32, #tpu.memory_space<hbm>>
      %dma_wait3A_535 = arith.constant 0 : i32
      %dma_wait3A_536 = tpu.memref_slice %arg10[%add3A_186, %dma_wait3A_535] : memref<32768x128xf32, #tpu.memory_space<hbm>> -> memref<128x128xf32, #tpu.memory_space<hbm>>
      tpu.wait_dma2 semaphore(%run_scoped3A : memref<!tpu.dma_semaphore, #tpu.memory_space<semaphore_mem>>) src(%arg19 : memref<128x128xf32, #tpu.memory_space<vmem>>) dst(%dma_wait3A_536 : memref<128x128xf32, #tpu.memory_space<hbm>>)
      tpu.yield
    }) : () -> ()
    %dma_start3A_187 = arith.constant 128 : i32
    %dma_start3A_188 = tpu.memref_slice %arg14[%dma_start3A_187] : memref<1024xi32, #tpu.memory_space<vmem>> -> memref<128xi32, #tpu.memory_space<vmem>>
    %dma_start3A_189 = arith.constant 0 : i32
    %dma_start3A_190 = arith.constant 0 : i32
    %dma_start3A_191 = tpu.memref_slice %arg5[%dma_start3A_189, %dma_start3A_190] : memref<8192x256xf32, #tpu.memory_space<hbm>> -> memref<8192x256xf32, #tpu.memory_space<hbm>>
    tpu.enqueue_indirect_dma source(%dma_start3A_191 : memref<8192x256xf32, #tpu.memory_space<hbm>>) target(%arg17 : memref<128x256xf32, #tpu.memory_space<vmem>>) offsets(%dma_start3A_188 : memref<128xi32, #tpu.memory_space<vmem>>) semaphore(%arg21 : memref<!tpu.dma_semaphore, #tpu.memory_space<semaphore_mem>>)
    %dma_start3A_192 = arith.constant 128 : i32
    %dma_start3A_193 = tpu.memref_slice %arg14[%dma_start3A_192] : memref<1024xi32, #tpu.memory_space<vmem>> -> memref<128xi32, #tpu.memory_space<vmem>>
    %dma_start3A_194 = arith.constant 0 : i32
    %dma_start3A_195 = arith.constant 0 : i32
    %dma_start3A_196 = tpu.memref_slice %arg6[%dma_start3A_194, %dma_start3A_195] : memref<8192x128xf32, #tpu.memory_space<hbm>> -> memref<8192x128xf32, #tpu.memory_space<hbm>>
    tpu.enqueue_indirect_dma source(%dma_start3A_196 : memref<8192x128xf32, #tpu.memory_space<hbm>>) target(%arg19 : memref<128x128xf32, #tpu.memory_space<vmem>>) offsets(%dma_start3A_193 : memref<128xi32, #tpu.memory_space<vmem>>) semaphore(%arg23 : memref<!tpu.dma_semaphore, #tpu.memory_space<semaphore_mem>>)
    %dma_wait3A_197 = arith.constant 0 : i32
    %dma_wait3A_198 = tpu.memref_slice %arg14[%dma_wait3A_197] : memref<1024xi32, #tpu.memory_space<vmem>> -> memref<128xi32, #tpu.memory_space<vmem>>
    %dma_wait3A_199 = arith.constant 0 : i32
    %dma_wait3A_200 = arith.constant 0 : i32
    %dma_wait3A_201 = tpu.memref_slice %arg5[%dma_wait3A_199, %dma_wait3A_200] : memref<8192x256xf32, #tpu.memory_space<hbm>> -> memref<8192x256xf32, #tpu.memory_space<hbm>>
    tpu.wait_indirect_dma semaphore(%arg20 : memref<!tpu.dma_semaphore, #tpu.memory_space<semaphore_mem>>) src(%dma_wait3A_201 : memref<8192x256xf32, #tpu.memory_space<hbm>>) dst(%arg16 : memref<128x256xf32, #tpu.memory_space<vmem>>)
    %dma_wait3A_202 = arith.constant 0 : i32
    %dma_wait3A_203 = tpu.memref_slice %arg14[%dma_wait3A_202] : memref<1024xi32, #tpu.memory_space<vmem>> -> memref<128xi32, #tpu.memory_space<vmem>>
    %dma_wait3A_204 = arith.constant 0 : i32
    %dma_wait3A_205 = arith.constant 0 : i32
    %dma_wait3A_206 = tpu.memref_slice %arg6[%dma_wait3A_204, %dma_wait3A_205] : memref<8192x128xf32, #tpu.memory_space<hbm>> -> memref<8192x128xf32, #tpu.memory_space<hbm>>
    tpu.wait_indirect_dma semaphore(%arg22 : memref<!tpu.dma_semaphore, #tpu.memory_space<semaphore_mem>>) src(%dma_wait3A_206 : memref<8192x128xf32, #tpu.memory_space<hbm>>) dst(%arg18 : memref<128x128xf32, #tpu.memory_space<vmem>>)
    %add3A_207 = arith.constant 0 : i32
    %add3A_208 = arith.addi %mul3A_2, %add3A_207 : i32
    "tpu.region"() ({
      %run_scoped3A = tpu.sem_alloc : memref<!tpu.dma_semaphore, #tpu.memory_space<semaphore_mem>>
      %dma_start3A_529 = arith.constant 0 : i32
      %dma_start3A_530 = tpu.memref_slice %arg8[%add3A_208, %dma_start3A_529] : memref<32768x256xf32, #tpu.memory_space<hbm>> -> memref<128x256xf32, #tpu.memory_space<hbm>>
      %dma_start3A_531 = arith.constant 0 : i32
      %dma_start3A_532 = tpu.memref_slice %arg8[%add3A_208, %dma_start3A_531] : memref<32768x256xf32, #tpu.memory_space<hbm>> -> memref<128x256xf32, #tpu.memory_space<hbm>>
      tpu.enqueue_dma source(%arg16 : memref<128x256xf32, #tpu.memory_space<vmem>>) target(%dma_start3A_532 : memref<128x256xf32, #tpu.memory_space<hbm>>) target_semaphore(%run_scoped3A : memref<!tpu.dma_semaphore, #tpu.memory_space<semaphore_mem>>)
      %dma_wait3A_533 = arith.constant 0 : i32
      %dma_wait3A_534 = tpu.memref_slice %arg8[%add3A_208, %dma_wait3A_533] : memref<32768x256xf32, #tpu.memory_space<hbm>> -> memref<128x256xf32, #tpu.memory_space<hbm>>
      %dma_wait3A_535 = arith.constant 0 : i32
      %dma_wait3A_536 = tpu.memref_slice %arg8[%add3A_208, %dma_wait3A_535] : memref<32768x256xf32, #tpu.memory_space<hbm>> -> memref<128x256xf32, #tpu.memory_space<hbm>>
      tpu.wait_dma2 semaphore(%run_scoped3A : memref<!tpu.dma_semaphore, #tpu.memory_space<semaphore_mem>>) src(%arg16 : memref<128x256xf32, #tpu.memory_space<vmem>>) dst(%dma_wait3A_536 : memref<128x256xf32, #tpu.memory_space<hbm>>)
      tpu.yield
    }) : () -> ()
    "tpu.region"() ({
      %run_scoped3A = tpu.sem_alloc : memref<!tpu.dma_semaphore, #tpu.memory_space<semaphore_mem>>
      %dma_start3A_529 = arith.constant 0 : i32
      %dma_start3A_530 = tpu.memref_slice %arg11[%add3A_208, %dma_start3A_529] : memref<32768x128xf32, #tpu.memory_space<hbm>> -> memref<128x128xf32, #tpu.memory_space<hbm>>
      %dma_start3A_531 = arith.constant 0 : i32
      %dma_start3A_532 = tpu.memref_slice %arg11[%add3A_208, %dma_start3A_531] : memref<32768x128xf32, #tpu.memory_space<hbm>> -> memref<128x128xf32, #tpu.memory_space<hbm>>
      tpu.enqueue_dma source(%arg18 : memref<128x128xf32, #tpu.memory_space<vmem>>) target(%dma_start3A_532 : memref<128x128xf32, #tpu.memory_space<hbm>>) target_semaphore(%run_scoped3A : memref<!tpu.dma_semaphore, #tpu.memory_space<semaphore_mem>>)
      %dma_wait3A_533 = arith.constant 0 : i32
      %dma_wait3A_534 = tpu.memref_slice %arg11[%add3A_208, %dma_wait3A_533] : memref<32768x128xf32, #tpu.memory_space<hbm>> -> memref<128x128xf32, #tpu.memory_space<hbm>>
      %dma_wait3A_535 = arith.constant 0 : i32
      %dma_wait3A_536 = tpu.memref_slice %arg11[%add3A_208, %dma_wait3A_535] : memref<32768x128xf32, #tpu.memory_space<hbm>> -> memref<128x128xf32, #tpu.memory_space<hbm>>
      tpu.wait_dma2 semaphore(%run_scoped3A : memref<!tpu.dma_semaphore, #tpu.memory_space<semaphore_mem>>) src(%arg18 : memref<128x128xf32, #tpu.memory_space<vmem>>) dst(%dma_wait3A_536 : memref<128x128xf32, #tpu.memory_space<hbm>>)
      tpu.yield
    }) : () -> ()
    %dma_start3A_209 = arith.constant 256 : i32
    %dma_start3A_210 = tpu.memref_slice %arg14[%dma_start3A_209] : memref<1024xi32, #tpu.memory_space<vmem>> -> memref<128xi32, #tpu.memory_space<vmem>>
    %dma_start3A_211 = arith.constant 0 : i32
    %dma_start3A_212 = arith.constant 0 : i32
    %dma_start3A_213 = tpu.memref_slice %arg5[%dma_start3A_211, %dma_start3A_212] : memref<8192x256xf32, #tpu.memory_space<hbm>> -> memref<8192x256xf32, #tpu.memory_space<hbm>>
    tpu.enqueue_indirect_dma source(%dma_start3A_213 : memref<8192x256xf32, #tpu.memory_space<hbm>>) target(%arg16 : memref<128x256xf32, #tpu.memory_space<vmem>>) offsets(%dma_start3A_210 : memref<128xi32, #tpu.memory_space<vmem>>) semaphore(%arg20 : memref<!tpu.dma_semaphore, #tpu.memory_space<semaphore_mem>>)
    %dma_start3A_214 = arith.constant 256 : i32
    %dma_start3A_215 = tpu.memref_slice %arg14[%dma_start3A_214] : memref<1024xi32, #tpu.memory_space<vmem>> -> memref<128xi32, #tpu.memory_space<vmem>>
    %dma_start3A_216 = arith.constant 0 : i32
    %dma_start3A_217 = arith.constant 0 : i32
    %dma_start3A_218 = tpu.memref_slice %arg6[%dma_start3A_216, %dma_start3A_217] : memref<8192x128xf32, #tpu.memory_space<hbm>> -> memref<8192x128xf32, #tpu.memory_space<hbm>>
    tpu.enqueue_indirect_dma source(%dma_start3A_218 : memref<8192x128xf32, #tpu.memory_space<hbm>>) target(%arg18 : memref<128x128xf32, #tpu.memory_space<vmem>>) offsets(%dma_start3A_215 : memref<128xi32, #tpu.memory_space<vmem>>) semaphore(%arg22 : memref<!tpu.dma_semaphore, #tpu.memory_space<semaphore_mem>>)
    %dma_wait3A_219 = arith.constant 128 : i32
    %dma_wait3A_220 = tpu.memref_slice %arg14[%dma_wait3A_219] : memref<1024xi32, #tpu.memory_space<vmem>> -> memref<128xi32, #tpu.memory_space<vmem>>
    %dma_wait3A_221 = arith.constant 0 : i32
    %dma_wait3A_222 = arith.constant 0 : i32
    %dma_wait3A_223 = tpu.memref_slice %arg5[%dma_wait3A_221, %dma_wait3A_222] : memref<8192x256xf32, #tpu.memory_space<hbm>> -> memref<8192x256xf32, #tpu.memory_space<hbm>>
    tpu.wait_indirect_dma semaphore(%arg21 : memref<!tpu.dma_semaphore, #tpu.memory_space<semaphore_mem>>) src(%dma_wait3A_223 : memref<8192x256xf32, #tpu.memory_space<hbm>>) dst(%arg17 : memref<128x256xf32, #tpu.memory_space<vmem>>)
    %dma_wait3A_224 = arith.constant 128 : i32
    %dma_wait3A_225 = tpu.memref_slice %arg14[%dma_wait3A_224] : memref<1024xi32, #tpu.memory_space<vmem>> -> memref<128xi32, #tpu.memory_space<vmem>>
    %dma_wait3A_226 = arith.constant 0 : i32
    %dma_wait3A_227 = arith.constant 0 : i32
    %dma_wait3A_228 = tpu.memref_slice %arg6[%dma_wait3A_226, %dma_wait3A_227] : memref<8192x128xf32, #tpu.memory_space<hbm>> -> memref<8192x128xf32, #tpu.memory_space<hbm>>
    tpu.wait_indirect_dma semaphore(%arg23 : memref<!tpu.dma_semaphore, #tpu.memory_space<semaphore_mem>>) src(%dma_wait3A_228 : memref<8192x128xf32, #tpu.memory_space<hbm>>) dst(%arg19 : memref<128x128xf32, #tpu.memory_space<vmem>>)
    %add3A_229 = arith.constant 128 : i32
    %add3A_230 = arith.addi %mul3A_2, %add3A_229 : i32
    "tpu.region"() ({
      %run_scoped3A = tpu.sem_alloc : memref<!tpu.dma_semaphore, #tpu.memory_space<semaphore_mem>>
      %dma_start3A_529 = arith.constant 0 : i32
      %dma_start3A_530 = tpu.memref_slice %arg8[%add3A_230, %dma_start3A_529] : memref<32768x256xf32, #tpu.memory_space<hbm>> -> memref<128x256xf32, #tpu.memory_space<hbm>>
      %dma_start3A_531 = arith.constant 0 : i32
      %dma_start3A_532 = tpu.memref_slice %arg8[%add3A_230, %dma_start3A_531] : memref<32768x256xf32, #tpu.memory_space<hbm>> -> memref<128x256xf32, #tpu.memory_space<hbm>>
      tpu.enqueue_dma source(%arg17 : memref<128x256xf32, #tpu.memory_space<vmem>>) target(%dma_start3A_532 : memref<128x256xf32, #tpu.memory_space<hbm>>) target_semaphore(%run_scoped3A : memref<!tpu.dma_semaphore, #tpu.memory_space<semaphore_mem>>)
      %dma_wait3A_533 = arith.constant 0 : i32
      %dma_wait3A_534 = tpu.memref_slice %arg8[%add3A_230, %dma_wait3A_533] : memref<32768x256xf32, #tpu.memory_space<hbm>> -> memref<128x256xf32, #tpu.memory_space<hbm>>
      %dma_wait3A_535 = arith.constant 0 : i32
      %dma_wait3A_536 = tpu.memref_slice %arg8[%add3A_230, %dma_wait3A_535] : memref<32768x256xf32, #tpu.memory_space<hbm>> -> memref<128x256xf32, #tpu.memory_space<hbm>>
      tpu.wait_dma2 semaphore(%run_scoped3A : memref<!tpu.dma_semaphore, #tpu.memory_space<semaphore_mem>>) src(%arg17 : memref<128x256xf32, #tpu.memory_space<vmem>>) dst(%dma_wait3A_536 : memref<128x256xf32, #tpu.memory_space<hbm>>)
      tpu.yield
    }) : () -> ()
    "tpu.region"() ({
      %run_scoped3A = tpu.sem_alloc : memref<!tpu.dma_semaphore, #tpu.memory_space<semaphore_mem>>
      %dma_start3A_529 = arith.constant 0 : i32
      %dma_start3A_530 = tpu.memref_slice %arg11[%add3A_230, %dma_start3A_529] : memref<32768x128xf32, #tpu.memory_space<hbm>> -> memref<128x128xf32, #tpu.memory_space<hbm>>
      %dma_start3A_531 = arith.constant 0 : i32
      %dma_start3A_532 = tpu.memref_slice %arg11[%add3A_230, %dma_start3A_531] : memref<32768x128xf32, #tpu.memory_space<hbm>> -> memref<128x128xf32, #tpu.memory_space<hbm>>
      tpu.enqueue_dma source(%arg19 : memref<128x128xf32, #tpu.memory_space<vmem>>) target(%dma_start3A_532 : memref<128x128xf32, #tpu.memory_space<hbm>>) target_semaphore(%run_scoped3A : memref<!tpu.dma_semaphore, #tpu.memory_space<semaphore_mem>>)
      %dma_wait3A_533 = arith.constant 0 : i32
      %dma_wait3A_534 = tpu.memref_slice %arg11[%add3A_230, %dma_wait3A_533] : memref<32768x128xf32, #tpu.memory_space<hbm>> -> memref<128x128xf32, #tpu.memory_space<hbm>>
      %dma_wait3A_535 = arith.constant 0 : i32
      %dma_wait3A_536 = tpu.memref_slice %arg11[%add3A_230, %dma_wait3A_535] : memref<32768x128xf32, #tpu.memory_space<hbm>> -> memref<128x128xf32, #tpu.memory_space<hbm>>
      tpu.wait_dma2 semaphore(%run_scoped3A : memref<!tpu.dma_semaphore, #tpu.memory_space<semaphore_mem>>) src(%arg19 : memref<128x128xf32, #tpu.memory_space<vmem>>) dst(%dma_wait3A_536 : memref<128x128xf32, #tpu.memory_space<hbm>>)
      tpu.yield
    }) : () -> ()
    %dma_start3A_231 = arith.constant 384 : i32
    %dma_start3A_232 = tpu.memref_slice %arg14[%dma_start3A_231] : memref<1024xi32, #tpu.memory_space<vmem>> -> memref<128xi32, #tpu.memory_space<vmem>>
    %dma_start3A_233 = arith.constant 0 : i32
    %dma_start3A_234 = arith.constant 0 : i32
    %dma_start3A_235 = tpu.memref_slice %arg5[%dma_start3A_233, %dma_start3A_234] : memref<8192x256xf32, #tpu.memory_space<hbm>> -> memref<8192x256xf32, #tpu.memory_space<hbm>>
    tpu.enqueue_indirect_dma source(%dma_start3A_235 : memref<8192x256xf32, #tpu.memory_space<hbm>>) target(%arg17 : memref<128x256xf32, #tpu.memory_space<vmem>>) offsets(%dma_start3A_232 : memref<128xi32, #tpu.memory_space<vmem>>) semaphore(%arg21 : memref<!tpu.dma_semaphore, #tpu.memory_space<semaphore_mem>>)
    %dma_start3A_236 = arith.constant 384 : i32
    %dma_start3A_237 = tpu.memref_slice %arg14[%dma_start3A_236] : memref<1024xi32, #tpu.memory_space<vmem>> -> memref<128xi32, #tpu.memory_space<vmem>>
    %dma_start3A_238 = arith.constant 0 : i32
    %dma_start3A_239 = arith.constant 0 : i32
    %dma_start3A_240 = tpu.memref_slice %arg6[%dma_start3A_238, %dma_start3A_239] : memref<8192x128xf32, #tpu.memory_space<hbm>> -> memref<8192x128xf32, #tpu.memory_space<hbm>>
    tpu.enqueue_indirect_dma source(%dma_start3A_240 : memref<8192x128xf32, #tpu.memory_space<hbm>>) target(%arg19 : memref<128x128xf32, #tpu.memory_space<vmem>>) offsets(%dma_start3A_237 : memref<128xi32, #tpu.memory_space<vmem>>) semaphore(%arg23 : memref<!tpu.dma_semaphore, #tpu.memory_space<semaphore_mem>>)
    %dma_wait3A_241 = arith.constant 256 : i32
    %dma_wait3A_242 = tpu.memref_slice %arg14[%dma_wait3A_241] : memref<1024xi32, #tpu.memory_space<vmem>> -> memref<128xi32, #tpu.memory_space<vmem>>
    %dma_wait3A_243 = arith.constant 0 : i32
    %dma_wait3A_244 = arith.constant 0 : i32
    %dma_wait3A_245 = tpu.memref_slice %arg5[%dma_wait3A_243, %dma_wait3A_244] : memref<8192x256xf32, #tpu.memory_space<hbm>> -> memref<8192x256xf32, #tpu.memory_space<hbm>>
    tpu.wait_indirect_dma semaphore(%arg20 : memref<!tpu.dma_semaphore, #tpu.memory_space<semaphore_mem>>) src(%dma_wait3A_245 : memref<8192x256xf32, #tpu.memory_space<hbm>>) dst(%arg16 : memref<128x256xf32, #tpu.memory_space<vmem>>)
    %dma_wait3A_246 = arith.constant 256 : i32
    %dma_wait3A_247 = tpu.memref_slice %arg14[%dma_wait3A_246] : memref<1024xi32, #tpu.memory_space<vmem>> -> memref<128xi32, #tpu.memory_space<vmem>>
    %dma_wait3A_248 = arith.constant 0 : i32
    %dma_wait3A_249 = arith.constant 0 : i32
    %dma_wait3A_250 = tpu.memref_slice %arg6[%dma_wait3A_248, %dma_wait3A_249] : memref<8192x128xf32, #tpu.memory_space<hbm>> -> memref<8192x128xf32, #tpu.memory_space<hbm>>
    tpu.wait_indirect_dma semaphore(%arg22 : memref<!tpu.dma_semaphore, #tpu.memory_space<semaphore_mem>>) src(%dma_wait3A_250 : memref<8192x128xf32, #tpu.memory_space<hbm>>) dst(%arg18 : memref<128x128xf32, #tpu.memory_space<vmem>>)
    %add3A_251 = arith.constant 256 : i32
    %add3A_252 = arith.addi %mul3A_2, %add3A_251 : i32
    "tpu.region"() ({
      %run_scoped3A = tpu.sem_alloc : memref<!tpu.dma_semaphore, #tpu.memory_space<semaphore_mem>>
      %dma_start3A_529 = arith.constant 0 : i32
      %dma_start3A_530 = tpu.memref_slice %arg8[%add3A_252, %dma_start3A_529] : memref<32768x256xf32, #tpu.memory_space<hbm>> -> memref<128x256xf32, #tpu.memory_space<hbm>>
      %dma_start3A_531 = arith.constant 0 : i32
      %dma_start3A_532 = tpu.memref_slice %arg8[%add3A_252, %dma_start3A_531] : memref<32768x256xf32, #tpu.memory_space<hbm>> -> memref<128x256xf32, #tpu.memory_space<hbm>>
      tpu.enqueue_dma source(%arg16 : memref<128x256xf32, #tpu.memory_space<vmem>>) target(%dma_start3A_532 : memref<128x256xf32, #tpu.memory_space<hbm>>) target_semaphore(%run_scoped3A : memref<!tpu.dma_semaphore, #tpu.memory_space<semaphore_mem>>)
      %dma_wait3A_533 = arith.constant 0 : i32
      %dma_wait3A_534 = tpu.memref_slice %arg8[%add3A_252, %dma_wait3A_533] : memref<32768x256xf32, #tpu.memory_space<hbm>> -> memref<128x256xf32, #tpu.memory_space<hbm>>
      %dma_wait3A_535 = arith.constant 0 : i32
      %dma_wait3A_536 = tpu.memref_slice %arg8[%add3A_252, %dma_wait3A_535] : memref<32768x256xf32, #tpu.memory_space<hbm>> -> memref<128x256xf32, #tpu.memory_space<hbm>>
      tpu.wait_dma2 semaphore(%run_scoped3A : memref<!tpu.dma_semaphore, #tpu.memory_space<semaphore_mem>>) src(%arg16 : memref<128x256xf32, #tpu.memory_space<vmem>>) dst(%dma_wait3A_536 : memref<128x256xf32, #tpu.memory_space<hbm>>)
      tpu.yield
    }) : () -> ()
    "tpu.region"() ({
      %run_scoped3A = tpu.sem_alloc : memref<!tpu.dma_semaphore, #tpu.memory_space<semaphore_mem>>
      %dma_start3A_529 = arith.constant 0 : i32
      %dma_start3A_530 = tpu.memref_slice %arg11[%add3A_252, %dma_start3A_529] : memref<32768x128xf32, #tpu.memory_space<hbm>> -> memref<128x128xf32, #tpu.memory_space<hbm>>
      %dma_start3A_531 = arith.constant 0 : i32
      %dma_start3A_532 = tpu.memref_slice %arg11[%add3A_252, %dma_start3A_531] : memref<32768x128xf32, #tpu.memory_space<hbm>> -> memref<128x128xf32, #tpu.memory_space<hbm>>
      tpu.enqueue_dma source(%arg18 : memref<128x128xf32, #tpu.memory_space<vmem>>) target(%dma_start3A_532 : memref<128x128xf32, #tpu.memory_space<hbm>>) target_semaphore(%run_scoped3A : memref<!tpu.dma_semaphore, #tpu.memory_space<semaphore_mem>>)
      %dma_wait3A_533 = arith.constant 0 : i32
      %dma_wait3A_534 = tpu.memref_slice %arg11[%add3A_252, %dma_wait3A_533] : memref<32768x128xf32, #tpu.memory_space<hbm>> -> memref<128x128xf32, #tpu.memory_space<hbm>>
      %dma_wait3A_535 = arith.constant 0 : i32
      %dma_wait3A_536 = tpu.memref_slice %arg11[%add3A_252, %dma_wait3A_535] : memref<32768x128xf32, #tpu.memory_space<hbm>> -> memref<128x128xf32, #tpu.memory_space<hbm>>
      tpu.wait_dma2 semaphore(%run_scoped3A : memref<!tpu.dma_semaphore, #tpu.memory_space<semaphore_mem>>) src(%arg18 : memref<128x128xf32, #tpu.memory_space<vmem>>) dst(%dma_wait3A_536 : memref<128x128xf32, #tpu.memory_space<hbm>>)
      tpu.yield
    }) : () -> ()
    %dma_start3A_253 = arith.constant 512 : i32
    %dma_start3A_254 = tpu.memref_slice %arg14[%dma_start3A_253] : memref<1024xi32, #tpu.memory_space<vmem>> -> memref<128xi32, #tpu.memory_space<vmem>>
    %dma_start3A_255 = arith.constant 0 : i32
    %dma_start3A_256 = arith.constant 0 : i32
    %dma_start3A_257 = tpu.memref_slice %arg5[%dma_start3A_255, %dma_start3A_256] : memref<8192x256xf32, #tpu.memory_space<hbm>> -> memref<8192x256xf32, #tpu.memory_space<hbm>>
    tpu.enqueue_indirect_dma source(%dma_start3A_257 : memref<8192x256xf32, #tpu.memory_space<hbm>>) target(%arg16 : memref<128x256xf32, #tpu.memory_space<vmem>>) offsets(%dma_start3A_254 : memref<128xi32, #tpu.memory_space<vmem>>) semaphore(%arg20 : memref<!tpu.dma_semaphore, #tpu.memory_space<semaphore_mem>>)
    %dma_start3A_258 = arith.constant 512 : i32
    %dma_start3A_259 = tpu.memref_slice %arg14[%dma_start3A_258] : memref<1024xi32, #tpu.memory_space<vmem>> -> memref<128xi32, #tpu.memory_space<vmem>>
    %dma_start3A_260 = arith.constant 0 : i32
    %dma_start3A_261 = arith.constant 0 : i32
    %dma_start3A_262 = tpu.memref_slice %arg6[%dma_start3A_260, %dma_start3A_261] : memref<8192x128xf32, #tpu.memory_space<hbm>> -> memref<8192x128xf32, #tpu.memory_space<hbm>>
    tpu.enqueue_indirect_dma source(%dma_start3A_262 : memref<8192x128xf32, #tpu.memory_space<hbm>>) target(%arg18 : memref<128x128xf32, #tpu.memory_space<vmem>>) offsets(%dma_start3A_259 : memref<128xi32, #tpu.memory_space<vmem>>) semaphore(%arg22 : memref<!tpu.dma_semaphore, #tpu.memory_space<semaphore_mem>>)
    %dma_wait3A_263 = arith.constant 384 : i32
    %dma_wait3A_264 = tpu.memref_slice %arg14[%dma_wait3A_263] : memref<1024xi32, #tpu.memory_space<vmem>> -> memref<128xi32, #tpu.memory_space<vmem>>
    %dma_wait3A_265 = arith.constant 0 : i32
    %dma_wait3A_266 = arith.constant 0 : i32
    %dma_wait3A_267 = tpu.memref_slice %arg5[%dma_wait3A_265, %dma_wait3A_266] : memref<8192x256xf32, #tpu.memory_space<hbm>> -> memref<8192x256xf32, #tpu.memory_space<hbm>>
    tpu.wait_indirect_dma semaphore(%arg21 : memref<!tpu.dma_semaphore, #tpu.memory_space<semaphore_mem>>) src(%dma_wait3A_267 : memref<8192x256xf32, #tpu.memory_space<hbm>>) dst(%arg17 : memref<128x256xf32, #tpu.memory_space<vmem>>)
    %dma_wait3A_268 = arith.constant 384 : i32
    %dma_wait3A_269 = tpu.memref_slice %arg14[%dma_wait3A_268] : memref<1024xi32, #tpu.memory_space<vmem>> -> memref<128xi32, #tpu.memory_space<vmem>>
    %dma_wait3A_270 = arith.constant 0 : i32
    %dma_wait3A_271 = arith.constant 0 : i32
    %dma_wait3A_272 = tpu.memref_slice %arg6[%dma_wait3A_270, %dma_wait3A_271] : memref<8192x128xf32, #tpu.memory_space<hbm>> -> memref<8192x128xf32, #tpu.memory_space<hbm>>
    tpu.wait_indirect_dma semaphore(%arg23 : memref<!tpu.dma_semaphore, #tpu.memory_space<semaphore_mem>>) src(%dma_wait3A_272 : memref<8192x128xf32, #tpu.memory_space<hbm>>) dst(%arg19 : memref<128x128xf32, #tpu.memory_space<vmem>>)
    %add3A_273 = arith.constant 384 : i32
    %add3A_274 = arith.addi %mul3A_2, %add3A_273 : i32
    "tpu.region"() ({
      %run_scoped3A = tpu.sem_alloc : memref<!tpu.dma_semaphore, #tpu.memory_space<semaphore_mem>>
      %dma_start3A_529 = arith.constant 0 : i32
      %dma_start3A_530 = tpu.memref_slice %arg8[%add3A_274, %dma_start3A_529] : memref<32768x256xf32, #tpu.memory_space<hbm>> -> memref<128x256xf32, #tpu.memory_space<hbm>>
      %dma_start3A_531 = arith.constant 0 : i32
      %dma_start3A_532 = tpu.memref_slice %arg8[%add3A_274, %dma_start3A_531] : memref<32768x256xf32, #tpu.memory_space<hbm>> -> memref<128x256xf32, #tpu.memory_space<hbm>>
      tpu.enqueue_dma source(%arg17 : memref<128x256xf32, #tpu.memory_space<vmem>>) target(%dma_start3A_532 : memref<128x256xf32, #tpu.memory_space<hbm>>) target_semaphore(%run_scoped3A : memref<!tpu.dma_semaphore, #tpu.memory_space<semaphore_mem>>)
      %dma_wait3A_533 = arith.constant 0 : i32
      %dma_wait3A_534 = tpu.memref_slice %arg8[%add3A_274, %dma_wait3A_533] : memref<32768x256xf32, #tpu.memory_space<hbm>> -> memref<128x256xf32, #tpu.memory_space<hbm>>
      %dma_wait3A_535 = arith.constant 0 : i32
      %dma_wait3A_536 = tpu.memref_slice %arg8[%add3A_274, %dma_wait3A_535] : memref<32768x256xf32, #tpu.memory_space<hbm>> -> memref<128x256xf32, #tpu.memory_space<hbm>>
      tpu.wait_dma2 semaphore(%run_scoped3A : memref<!tpu.dma_semaphore, #tpu.memory_space<semaphore_mem>>) src(%arg17 : memref<128x256xf32, #tpu.memory_space<vmem>>) dst(%dma_wait3A_536 : memref<128x256xf32, #tpu.memory_space<hbm>>)
      tpu.yield
    }) : () -> ()
    "tpu.region"() ({
      %run_scoped3A = tpu.sem_alloc : memref<!tpu.dma_semaphore, #tpu.memory_space<semaphore_mem>>
      %dma_start3A_529 = arith.constant 0 : i32
      %dma_start3A_530 = tpu.memref_slice %arg11[%add3A_274, %dma_start3A_529] : memref<32768x128xf32, #tpu.memory_space<hbm>> -> memref<128x128xf32, #tpu.memory_space<hbm>>
      %dma_start3A_531 = arith.constant 0 : i32
      %dma_start3A_532 = tpu.memref_slice %arg11[%add3A_274, %dma_start3A_531] : memref<32768x128xf32, #tpu.memory_space<hbm>> -> memref<128x128xf32, #tpu.memory_space<hbm>>
      tpu.enqueue_dma source(%arg19 : memref<128x128xf32, #tpu.memory_space<vmem>>) target(%dma_start3A_532 : memref<128x128xf32, #tpu.memory_space<hbm>>) target_semaphore(%run_scoped3A : memref<!tpu.dma_semaphore, #tpu.memory_space<semaphore_mem>>)
      %dma_wait3A_533 = arith.constant 0 : i32
      %dma_wait3A_534 = tpu.memref_slice %arg11[%add3A_274, %dma_wait3A_533] : memref<32768x128xf32, #tpu.memory_space<hbm>> -> memref<128x128xf32, #tpu.memory_space<hbm>>
      %dma_wait3A_535 = arith.constant 0 : i32
      %dma_wait3A_536 = tpu.memref_slice %arg11[%add3A_274, %dma_wait3A_535] : memref<32768x128xf32, #tpu.memory_space<hbm>> -> memref<128x128xf32, #tpu.memory_space<hbm>>
      tpu.wait_dma2 semaphore(%run_scoped3A : memref<!tpu.dma_semaphore, #tpu.memory_space<semaphore_mem>>) src(%arg19 : memref<128x128xf32, #tpu.memory_space<vmem>>) dst(%dma_wait3A_536 : memref<128x128xf32, #tpu.memory_space<hbm>>)
      tpu.yield
    }) : () -> ()
    %dma_start3A_275 = arith.constant 640 : i32
    %dma_start3A_276 = tpu.memref_slice %arg14[%dma_start3A_275] : memref<1024xi32, #tpu.memory_space<vmem>> -> memref<128xi32, #tpu.memory_space<vmem>>
    %dma_start3A_277 = arith.constant 0 : i32
    %dma_start3A_278 = arith.constant 0 : i32
    %dma_start3A_279 = tpu.memref_slice %arg5[%dma_start3A_277, %dma_start3A_278] : memref<8192x256xf32, #tpu.memory_space<hbm>> -> memref<8192x256xf32, #tpu.memory_space<hbm>>
    tpu.enqueue_indirect_dma source(%dma_start3A_279 : memref<8192x256xf32, #tpu.memory_space<hbm>>) target(%arg17 : memref<128x256xf32, #tpu.memory_space<vmem>>) offsets(%dma_start3A_276 : memref<128xi32, #tpu.memory_space<vmem>>) semaphore(%arg21 : memref<!tpu.dma_semaphore, #tpu.memory_space<semaphore_mem>>)
    %dma_start3A_280 = arith.constant 640 : i32
    %dma_start3A_281 = tpu.memref_slice %arg14[%dma_start3A_280] : memref<1024xi32, #tpu.memory_space<vmem>> -> memref<128xi32, #tpu.memory_space<vmem>>
    %dma_start3A_282 = arith.constant 0 : i32
    %dma_start3A_283 = arith.constant 0 : i32
    %dma_start3A_284 = tpu.memref_slice %arg6[%dma_start3A_282, %dma_start3A_283] : memref<8192x128xf32, #tpu.memory_space<hbm>> -> memref<8192x128xf32, #tpu.memory_space<hbm>>
    tpu.enqueue_indirect_dma source(%dma_start3A_284 : memref<8192x128xf32, #tpu.memory_space<hbm>>) target(%arg19 : memref<128x128xf32, #tpu.memory_space<vmem>>) offsets(%dma_start3A_281 : memref<128xi32, #tpu.memory_space<vmem>>) semaphore(%arg23 : memref<!tpu.dma_semaphore, #tpu.memory_space<semaphore_mem>>)
    %dma_wait3A_285 = arith.constant 512 : i32
    %dma_wait3A_286 = tpu.memref_slice %arg14[%dma_wait3A_285] : memref<1024xi32, #tpu.memory_space<vmem>> -> memref<128xi32, #tpu.memory_space<vmem>>
    %dma_wait3A_287 = arith.constant 0 : i32
    %dma_wait3A_288 = arith.constant 0 : i32
    %dma_wait3A_289 = tpu.memref_slice %arg5[%dma_wait3A_287, %dma_wait3A_288] : memref<8192x256xf32, #tpu.memory_space<hbm>> -> memref<8192x256xf32, #tpu.memory_space<hbm>>
    tpu.wait_indirect_dma semaphore(%arg20 : memref<!tpu.dma_semaphore, #tpu.memory_space<semaphore_mem>>) src(%dma_wait3A_289 : memref<8192x256xf32, #tpu.memory_space<hbm>>) dst(%arg16 : memref<128x256xf32, #tpu.memory_space<vmem>>)
    %dma_wait3A_290 = arith.constant 512 : i32
    %dma_wait3A_291 = tpu.memref_slice %arg14[%dma_wait3A_290] : memref<1024xi32, #tpu.memory_space<vmem>> -> memref<128xi32, #tpu.memory_space<vmem>>
    %dma_wait3A_292 = arith.constant 0 : i32
    %dma_wait3A_293 = arith.constant 0 : i32
    %dma_wait3A_294 = tpu.memref_slice %arg6[%dma_wait3A_292, %dma_wait3A_293] : memref<8192x128xf32, #tpu.memory_space<hbm>> -> memref<8192x128xf32, #tpu.memory_space<hbm>>
    tpu.wait_indirect_dma semaphore(%arg22 : memref<!tpu.dma_semaphore, #tpu.memory_space<semaphore_mem>>) src(%dma_wait3A_294 : memref<8192x128xf32, #tpu.memory_space<hbm>>) dst(%arg18 : memref<128x128xf32, #tpu.memory_space<vmem>>)
    %add3A_295 = arith.constant 512 : i32
    %add3A_296 = arith.addi %mul3A_2, %add3A_295 : i32
    "tpu.region"() ({
      %run_scoped3A = tpu.sem_alloc : memref<!tpu.dma_semaphore, #tpu.memory_space<semaphore_mem>>
      %dma_start3A_529 = arith.constant 0 : i32
      %dma_start3A_530 = tpu.memref_slice %arg8[%add3A_296, %dma_start3A_529] : memref<32768x256xf32, #tpu.memory_space<hbm>> -> memref<128x256xf32, #tpu.memory_space<hbm>>
      %dma_start3A_531 = arith.constant 0 : i32
      %dma_start3A_532 = tpu.memref_slice %arg8[%add3A_296, %dma_start3A_531] : memref<32768x256xf32, #tpu.memory_space<hbm>> -> memref<128x256xf32, #tpu.memory_space<hbm>>
      tpu.enqueue_dma source(%arg16 : memref<128x256xf32, #tpu.memory_space<vmem>>) target(%dma_start3A_532 : memref<128x256xf32, #tpu.memory_space<hbm>>) target_semaphore(%run_scoped3A : memref<!tpu.dma_semaphore, #tpu.memory_space<semaphore_mem>>)
      %dma_wait3A_533 = arith.constant 0 : i32
      %dma_wait3A_534 = tpu.memref_slice %arg8[%add3A_296, %dma_wait3A_533] : memref<32768x256xf32, #tpu.memory_space<hbm>> -> memref<128x256xf32, #tpu.memory_space<hbm>>
      %dma_wait3A_535 = arith.constant 0 : i32
      %dma_wait3A_536 = tpu.memref_slice %arg8[%add3A_296, %dma_wait3A_535] : memref<32768x256xf32, #tpu.memory_space<hbm>> -> memref<128x256xf32, #tpu.memory_space<hbm>>
      tpu.wait_dma2 semaphore(%run_scoped3A : memref<!tpu.dma_semaphore, #tpu.memory_space<semaphore_mem>>) src(%arg16 : memref<128x256xf32, #tpu.memory_space<vmem>>) dst(%dma_wait3A_536 : memref<128x256xf32, #tpu.memory_space<hbm>>)
      tpu.yield
    }) : () -> ()
    "tpu.region"() ({
      %run_scoped3A = tpu.sem_alloc : memref<!tpu.dma_semaphore, #tpu.memory_space<semaphore_mem>>
      %dma_start3A_529 = arith.constant 0 : i32
      %dma_start3A_530 = tpu.memref_slice %arg11[%add3A_296, %dma_start3A_529] : memref<32768x128xf32, #tpu.memory_space<hbm>> -> memref<128x128xf32, #tpu.memory_space<hbm>>
      %dma_start3A_531 = arith.constant 0 : i32
      %dma_start3A_532 = tpu.memref_slice %arg11[%add3A_296, %dma_start3A_531] : memref<32768x128xf32, #tpu.memory_space<hbm>> -> memref<128x128xf32, #tpu.memory_space<hbm>>
      tpu.enqueue_dma source(%arg18 : memref<128x128xf32, #tpu.memory_space<vmem>>) target(%dma_start3A_532 : memref<128x128xf32, #tpu.memory_space<hbm>>) target_semaphore(%run_scoped3A : memref<!tpu.dma_semaphore, #tpu.memory_space<semaphore_mem>>)
      %dma_wait3A_533 = arith.constant 0 : i32
      %dma_wait3A_534 = tpu.memref_slice %arg11[%add3A_296, %dma_wait3A_533] : memref<32768x128xf32, #tpu.memory_space<hbm>> -> memref<128x128xf32, #tpu.memory_space<hbm>>
      %dma_wait3A_535 = arith.constant 0 : i32
      %dma_wait3A_536 = tpu.memref_slice %arg11[%add3A_296, %dma_wait3A_535] : memref<32768x128xf32, #tpu.memory_space<hbm>> -> memref<128x128xf32, #tpu.memory_space<hbm>>
      tpu.wait_dma2 semaphore(%run_scoped3A : memref<!tpu.dma_semaphore, #tpu.memory_space<semaphore_mem>>) src(%arg18 : memref<128x128xf32, #tpu.memory_space<vmem>>) dst(%dma_wait3A_536 : memref<128x128xf32, #tpu.memory_space<hbm>>)
      tpu.yield
    }) : () -> ()
    %dma_start3A_297 = arith.constant 768 : i32
    %dma_start3A_298 = tpu.memref_slice %arg14[%dma_start3A_297] : memref<1024xi32, #tpu.memory_space<vmem>> -> memref<128xi32, #tpu.memory_space<vmem>>
    %dma_start3A_299 = arith.constant 0 : i32
    %dma_start3A_300 = arith.constant 0 : i32
    %dma_start3A_301 = tpu.memref_slice %arg5[%dma_start3A_299, %dma_start3A_300] : memref<8192x256xf32, #tpu.memory_space<hbm>> -> memref<8192x256xf32, #tpu.memory_space<hbm>>
    tpu.enqueue_indirect_dma source(%dma_start3A_301 : memref<8192x256xf32, #tpu.memory_space<hbm>>) target(%arg16 : memref<128x256xf32, #tpu.memory_space<vmem>>) offsets(%dma_start3A_298 : memref<128xi32, #tpu.memory_space<vmem>>) semaphore(%arg20 : memref<!tpu.dma_semaphore, #tpu.memory_space<semaphore_mem>>)
    %dma_start3A_302 = arith.constant 768 : i32
    %dma_start3A_303 = tpu.memref_slice %arg14[%dma_start3A_302] : memref<1024xi32, #tpu.memory_space<vmem>> -> memref<128xi32, #tpu.memory_space<vmem>>
    %dma_start3A_304 = arith.constant 0 : i32
    %dma_start3A_305 = arith.constant 0 : i32
    %dma_start3A_306 = tpu.memref_slice %arg6[%dma_start3A_304, %dma_start3A_305] : memref<8192x128xf32, #tpu.memory_space<hbm>> -> memref<8192x128xf32, #tpu.memory_space<hbm>>
    tpu.enqueue_indirect_dma source(%dma_start3A_306 : memref<8192x128xf32, #tpu.memory_space<hbm>>) target(%arg18 : memref<128x128xf32, #tpu.memory_space<vmem>>) offsets(%dma_start3A_303 : memref<128xi32, #tpu.memory_space<vmem>>) semaphore(%arg22 : memref<!tpu.dma_semaphore, #tpu.memory_space<semaphore_mem>>)
    %dma_wait3A_307 = arith.constant 640 : i32
    %dma_wait3A_308 = tpu.memref_slice %arg14[%dma_wait3A_307] : memref<1024xi32, #tpu.memory_space<vmem>> -> memref<128xi32, #tpu.memory_space<vmem>>
    %dma_wait3A_309 = arith.constant 0 : i32
    %dma_wait3A_310 = arith.constant 0 : i32
    %dma_wait3A_311 = tpu.memref_slice %arg5[%dma_wait3A_309, %dma_wait3A_310] : memref<8192x256xf32, #tpu.memory_space<hbm>> -> memref<8192x256xf32, #tpu.memory_space<hbm>>
    tpu.wait_indirect_dma semaphore(%arg21 : memref<!tpu.dma_semaphore, #tpu.memory_space<semaphore_mem>>) src(%dma_wait3A_311 : memref<8192x256xf32, #tpu.memory_space<hbm>>) dst(%arg17 : memref<128x256xf32, #tpu.memory_space<vmem>>)
    %dma_wait3A_312 = arith.constant 640 : i32
    %dma_wait3A_313 = tpu.memref_slice %arg14[%dma_wait3A_312] : memref<1024xi32, #tpu.memory_space<vmem>> -> memref<128xi32, #tpu.memory_space<vmem>>
    %dma_wait3A_314 = arith.constant 0 : i32
    %dma_wait3A_315 = arith.constant 0 : i32
    %dma_wait3A_316 = tpu.memref_slice %arg6[%dma_wait3A_314, %dma_wait3A_315] : memref<8192x128xf32, #tpu.memory_space<hbm>> -> memref<8192x128xf32, #tpu.memory_space<hbm>>
    tpu.wait_indirect_dma semaphore(%arg23 : memref<!tpu.dma_semaphore, #tpu.memory_space<semaphore_mem>>) src(%dma_wait3A_316 : memref<8192x128xf32, #tpu.memory_space<hbm>>) dst(%arg19 : memref<128x128xf32, #tpu.memory_space<vmem>>)
    %add3A_317 = arith.constant 640 : i32
    %add3A_318 = arith.addi %mul3A_2, %add3A_317 : i32
    "tpu.region"() ({
      %run_scoped3A = tpu.sem_alloc : memref<!tpu.dma_semaphore, #tpu.memory_space<semaphore_mem>>
      %dma_start3A_529 = arith.constant 0 : i32
      %dma_start3A_530 = tpu.memref_slice %arg8[%add3A_318, %dma_start3A_529] : memref<32768x256xf32, #tpu.memory_space<hbm>> -> memref<128x256xf32, #tpu.memory_space<hbm>>
      %dma_start3A_531 = arith.constant 0 : i32
      %dma_start3A_532 = tpu.memref_slice %arg8[%add3A_318, %dma_start3A_531] : memref<32768x256xf32, #tpu.memory_space<hbm>> -> memref<128x256xf32, #tpu.memory_space<hbm>>
      tpu.enqueue_dma source(%arg17 : memref<128x256xf32, #tpu.memory_space<vmem>>) target(%dma_start3A_532 : memref<128x256xf32, #tpu.memory_space<hbm>>) target_semaphore(%run_scoped3A : memref<!tpu.dma_semaphore, #tpu.memory_space<semaphore_mem>>)
      %dma_wait3A_533 = arith.constant 0 : i32
      %dma_wait3A_534 = tpu.memref_slice %arg8[%add3A_318, %dma_wait3A_533] : memref<32768x256xf32, #tpu.memory_space<hbm>> -> memref<128x256xf32, #tpu.memory_space<hbm>>
      %dma_wait3A_535 = arith.constant 0 : i32
      %dma_wait3A_536 = tpu.memref_slice %arg8[%add3A_318, %dma_wait3A_535] : memref<32768x256xf32, #tpu.memory_space<hbm>> -> memref<128x256xf32, #tpu.memory_space<hbm>>
      tpu.wait_dma2 semaphore(%run_scoped3A : memref<!tpu.dma_semaphore, #tpu.memory_space<semaphore_mem>>) src(%arg17 : memref<128x256xf32, #tpu.memory_space<vmem>>) dst(%dma_wait3A_536 : memref<128x256xf32, #tpu.memory_space<hbm>>)
      tpu.yield
    }) : () -> ()
    "tpu.region"() ({
      %run_scoped3A = tpu.sem_alloc : memref<!tpu.dma_semaphore, #tpu.memory_space<semaphore_mem>>
      %dma_start3A_529 = arith.constant 0 : i32
      %dma_start3A_530 = tpu.memref_slice %arg11[%add3A_318, %dma_start3A_529] : memref<32768x128xf32, #tpu.memory_space<hbm>> -> memref<128x128xf32, #tpu.memory_space<hbm>>
      %dma_start3A_531 = arith.constant 0 : i32
      %dma_start3A_532 = tpu.memref_slice %arg11[%add3A_318, %dma_start3A_531] : memref<32768x128xf32, #tpu.memory_space<hbm>> -> memref<128x128xf32, #tpu.memory_space<hbm>>
      tpu.enqueue_dma source(%arg19 : memref<128x128xf32, #tpu.memory_space<vmem>>) target(%dma_start3A_532 : memref<128x128xf32, #tpu.memory_space<hbm>>) target_semaphore(%run_scoped3A : memref<!tpu.dma_semaphore, #tpu.memory_space<semaphore_mem>>)
      %dma_wait3A_533 = arith.constant 0 : i32
      %dma_wait3A_534 = tpu.memref_slice %arg11[%add3A_318, %dma_wait3A_533] : memref<32768x128xf32, #tpu.memory_space<hbm>> -> memref<128x128xf32, #tpu.memory_space<hbm>>
      %dma_wait3A_535 = arith.constant 0 : i32
      %dma_wait3A_536 = tpu.memref_slice %arg11[%add3A_318, %dma_wait3A_535] : memref<32768x128xf32, #tpu.memory_space<hbm>> -> memref<128x128xf32, #tpu.memory_space<hbm>>
      tpu.wait_dma2 semaphore(%run_scoped3A : memref<!tpu.dma_semaphore, #tpu.memory_space<semaphore_mem>>) src(%arg19 : memref<128x128xf32, #tpu.memory_space<vmem>>) dst(%dma_wait3A_536 : memref<128x128xf32, #tpu.memory_space<hbm>>)
      tpu.yield
    }) : () -> ()
    %dma_start3A_319 = arith.constant 896 : i32
    %dma_start3A_320 = tpu.memref_slice %arg14[%dma_start3A_319] : memref<1024xi32, #tpu.memory_space<vmem>> -> memref<128xi32, #tpu.memory_space<vmem>>
    %dma_start3A_321 = arith.constant 0 : i32
    %dma_start3A_322 = arith.constant 0 : i32
    %dma_start3A_323 = tpu.memref_slice %arg5[%dma_start3A_321, %dma_start3A_322] : memref<8192x256xf32, #tpu.memory_space<hbm>> -> memref<8192x256xf32, #tpu.memory_space<hbm>>
    tpu.enqueue_indirect_dma source(%dma_start3A_323 : memref<8192x256xf32, #tpu.memory_space<hbm>>) target(%arg17 : memref<128x256xf32, #tpu.memory_space<vmem>>) offsets(%dma_start3A_320 : memref<128xi32, #tpu.memory_space<vmem>>) semaphore(%arg21 : memref<!tpu.dma_semaphore, #tpu.memory_space<semaphore_mem>>)
    %dma_start3A_324 = arith.constant 896 : i32
    %dma_start3A_325 = tpu.memref_slice %arg14[%dma_start3A_324] : memref<1024xi32, #tpu.memory_space<vmem>> -> memref<128xi32, #tpu.memory_space<vmem>>
    %dma_start3A_326 = arith.constant 0 : i32
    %dma_start3A_327 = arith.constant 0 : i32
    %dma_start3A_328 = tpu.memref_slice %arg6[%dma_start3A_326, %dma_start3A_327] : memref<8192x128xf32, #tpu.memory_space<hbm>> -> memref<8192x128xf32, #tpu.memory_space<hbm>>
    tpu.enqueue_indirect_dma source(%dma_start3A_328 : memref<8192x128xf32, #tpu.memory_space<hbm>>) target(%arg19 : memref<128x128xf32, #tpu.memory_space<vmem>>) offsets(%dma_start3A_325 : memref<128xi32, #tpu.memory_space<vmem>>) semaphore(%arg23 : memref<!tpu.dma_semaphore, #tpu.memory_space<semaphore_mem>>)
    %dma_wait3A_329 = arith.constant 768 : i32
    %dma_wait3A_330 = tpu.memref_slice %arg14[%dma_wait3A_329] : memref<1024xi32, #tpu.memory_space<vmem>> -> memref<128xi32, #tpu.memory_space<vmem>>
    %dma_wait3A_331 = arith.constant 0 : i32
    %dma_wait3A_332 = arith.constant 0 : i32
    %dma_wait3A_333 = tpu.memref_slice %arg5[%dma_wait3A_331, %dma_wait3A_332] : memref<8192x256xf32, #tpu.memory_space<hbm>> -> memref<8192x256xf32, #tpu.memory_space<hbm>>
    tpu.wait_indirect_dma semaphore(%arg20 : memref<!tpu.dma_semaphore, #tpu.memory_space<semaphore_mem>>) src(%dma_wait3A_333 : memref<8192x256xf32, #tpu.memory_space<hbm>>) dst(%arg16 : memref<128x256xf32, #tpu.memory_space<vmem>>)
    %dma_wait3A_334 = arith.constant 768 : i32
    %dma_wait3A_335 = tpu.memref_slice %arg14[%dma_wait3A_334] : memref<1024xi32, #tpu.memory_space<vmem>> -> memref<128xi32, #tpu.memory_space<vmem>>
    %dma_wait3A_336 = arith.constant 0 : i32
    %dma_wait3A_337 = arith.constant 0 : i32
    %dma_wait3A_338 = tpu.memref_slice %arg6[%dma_wait3A_336, %dma_wait3A_337] : memref<8192x128xf32, #tpu.memory_space<hbm>> -> memref<8192x128xf32, #tpu.memory_space<hbm>>
    tpu.wait_indirect_dma semaphore(%arg22 : memref<!tpu.dma_semaphore, #tpu.memory_space<semaphore_mem>>) src(%dma_wait3A_338 : memref<8192x128xf32, #tpu.memory_space<hbm>>) dst(%arg18 : memref<128x128xf32, #tpu.memory_space<vmem>>)
    %add3A_339 = arith.constant 768 : i32
    %add3A_340 = arith.addi %mul3A_2, %add3A_339 : i32
    "tpu.region"() ({
      %run_scoped3A = tpu.sem_alloc : memref<!tpu.dma_semaphore, #tpu.memory_space<semaphore_mem>>
      %dma_start3A_529 = arith.constant 0 : i32
      %dma_start3A_530 = tpu.memref_slice %arg8[%add3A_340, %dma_start3A_529] : memref<32768x256xf32, #tpu.memory_space<hbm>> -> memref<128x256xf32, #tpu.memory_space<hbm>>
      %dma_start3A_531 = arith.constant 0 : i32
      %dma_start3A_532 = tpu.memref_slice %arg8[%add3A_340, %dma_start3A_531] : memref<32768x256xf32, #tpu.memory_space<hbm>> -> memref<128x256xf32, #tpu.memory_space<hbm>>
      tpu.enqueue_dma source(%arg16 : memref<128x256xf32, #tpu.memory_space<vmem>>) target(%dma_start3A_532 : memref<128x256xf32, #tpu.memory_space<hbm>>) target_semaphore(%run_scoped3A : memref<!tpu.dma_semaphore, #tpu.memory_space<semaphore_mem>>)
      %dma_wait3A_533 = arith.constant 0 : i32
      %dma_wait3A_534 = tpu.memref_slice %arg8[%add3A_340, %dma_wait3A_533] : memref<32768x256xf32, #tpu.memory_space<hbm>> -> memref<128x256xf32, #tpu.memory_space<hbm>>
      %dma_wait3A_535 = arith.constant 0 : i32
      %dma_wait3A_536 = tpu.memref_slice %arg8[%add3A_340, %dma_wait3A_535] : memref<32768x256xf32, #tpu.memory_space<hbm>> -> memref<128x256xf32, #tpu.memory_space<hbm>>
      tpu.wait_dma2 semaphore(%run_scoped3A : memref<!tpu.dma_semaphore, #tpu.memory_space<semaphore_mem>>) src(%arg16 : memref<128x256xf32, #tpu.memory_space<vmem>>) dst(%dma_wait3A_536 : memref<128x256xf32, #tpu.memory_space<hbm>>)
      tpu.yield
    }) : () -> ()
    "tpu.region"() ({
      %run_scoped3A = tpu.sem_alloc : memref<!tpu.dma_semaphore, #tpu.memory_space<semaphore_mem>>
      %dma_start3A_529 = arith.constant 0 : i32
      %dma_start3A_530 = tpu.memref_slice %arg11[%add3A_340, %dma_start3A_529] : memref<32768x128xf32, #tpu.memory_space<hbm>> -> memref<128x128xf32, #tpu.memory_space<hbm>>
      %dma_start3A_531 = arith.constant 0 : i32
      %dma_start3A_532 = tpu.memref_slice %arg11[%add3A_340, %dma_start3A_531] : memref<32768x128xf32, #tpu.memory_space<hbm>> -> memref<128x128xf32, #tpu.memory_space<hbm>>
      tpu.enqueue_dma source(%arg18 : memref<128x128xf32, #tpu.memory_space<vmem>>) target(%dma_start3A_532 : memref<128x128xf32, #tpu.memory_space<hbm>>) target_semaphore(%run_scoped3A : memref<!tpu.dma_semaphore, #tpu.memory_space<semaphore_mem>>)
      %dma_wait3A_533 = arith.constant 0 : i32
      %dma_wait3A_534 = tpu.memref_slice %arg11[%add3A_340, %dma_wait3A_533] : memref<32768x128xf32, #tpu.memory_space<hbm>> -> memref<128x128xf32, #tpu.memory_space<hbm>>
      %dma_wait3A_535 = arith.constant 0 : i32
      %dma_wait3A_536 = tpu.memref_slice %arg11[%add3A_340, %dma_wait3A_535] : memref<32768x128xf32, #tpu.memory_space<hbm>> -> memref<128x128xf32, #tpu.memory_space<hbm>>
      tpu.wait_dma2 semaphore(%run_scoped3A : memref<!tpu.dma_semaphore, #tpu.memory_space<semaphore_mem>>) src(%arg18 : memref<128x128xf32, #tpu.memory_space<vmem>>) dst(%dma_wait3A_536 : memref<128x128xf32, #tpu.memory_space<hbm>>)
      tpu.yield
    }) : () -> ()
    %dma_start3A_341 = arith.constant 0 : i32
    %dma_start3A_342 = tpu.memref_slice %arg15[%dma_start3A_341] : memref<1024xi32, #tpu.memory_space<vmem>> -> memref<128xi32, #tpu.memory_space<vmem>>
    %dma_start3A_343 = arith.constant 0 : i32
    %dma_start3A_344 = arith.constant 0 : i32
    %dma_start3A_345 = tpu.memref_slice %arg5[%dma_start3A_343, %dma_start3A_344] : memref<8192x256xf32, #tpu.memory_space<hbm>> -> memref<8192x256xf32, #tpu.memory_space<hbm>>
    tpu.enqueue_indirect_dma source(%dma_start3A_345 : memref<8192x256xf32, #tpu.memory_space<hbm>>) target(%arg16 : memref<128x256xf32, #tpu.memory_space<vmem>>) offsets(%dma_start3A_342 : memref<128xi32, #tpu.memory_space<vmem>>) semaphore(%arg20 : memref<!tpu.dma_semaphore, #tpu.memory_space<semaphore_mem>>)
    %dma_start3A_346 = arith.constant 0 : i32
    %dma_start3A_347 = tpu.memref_slice %arg15[%dma_start3A_346] : memref<1024xi32, #tpu.memory_space<vmem>> -> memref<128xi32, #tpu.memory_space<vmem>>
    %dma_start3A_348 = arith.constant 0 : i32
    %dma_start3A_349 = arith.constant 0 : i32
    %dma_start3A_350 = tpu.memref_slice %arg6[%dma_start3A_348, %dma_start3A_349] : memref<8192x128xf32, #tpu.memory_space<hbm>> -> memref<8192x128xf32, #tpu.memory_space<hbm>>
    tpu.enqueue_indirect_dma source(%dma_start3A_350 : memref<8192x128xf32, #tpu.memory_space<hbm>>) target(%arg18 : memref<128x128xf32, #tpu.memory_space<vmem>>) offsets(%dma_start3A_347 : memref<128xi32, #tpu.memory_space<vmem>>) semaphore(%arg22 : memref<!tpu.dma_semaphore, #tpu.memory_space<semaphore_mem>>)
    %dma_wait3A_351 = arith.constant 896 : i32
    %dma_wait3A_352 = tpu.memref_slice %arg14[%dma_wait3A_351] : memref<1024xi32, #tpu.memory_space<vmem>> -> memref<128xi32, #tpu.memory_space<vmem>>
    %dma_wait3A_353 = arith.constant 0 : i32
    %dma_wait3A_354 = arith.constant 0 : i32
    %dma_wait3A_355 = tpu.memref_slice %arg5[%dma_wait3A_353, %dma_wait3A_354] : memref<8192x256xf32, #tpu.memory_space<hbm>> -> memref<8192x256xf32, #tpu.memory_space<hbm>>
    tpu.wait_indirect_dma semaphore(%arg21 : memref<!tpu.dma_semaphore, #tpu.memory_space<semaphore_mem>>) src(%dma_wait3A_355 : memref<8192x256xf32, #tpu.memory_space<hbm>>) dst(%arg17 : memref<128x256xf32, #tpu.memory_space<vmem>>)
    %dma_wait3A_356 = arith.constant 896 : i32
    %dma_wait3A_357 = tpu.memref_slice %arg14[%dma_wait3A_356] : memref<1024xi32, #tpu.memory_space<vmem>> -> memref<128xi32, #tpu.memory_space<vmem>>
    %dma_wait3A_358 = arith.constant 0 : i32
    %dma_wait3A_359 = arith.constant 0 : i32
    %dma_wait3A_360 = tpu.memref_slice %arg6[%dma_wait3A_358, %dma_wait3A_359] : memref<8192x128xf32, #tpu.memory_space<hbm>> -> memref<8192x128xf32, #tpu.memory_space<hbm>>
    tpu.wait_indirect_dma semaphore(%arg23 : memref<!tpu.dma_semaphore, #tpu.memory_space<semaphore_mem>>) src(%dma_wait3A_360 : memref<8192x128xf32, #tpu.memory_space<hbm>>) dst(%arg19 : memref<128x128xf32, #tpu.memory_space<vmem>>)
    %add3A_361 = arith.constant 896 : i32
    %add3A_362 = arith.addi %mul3A_2, %add3A_361 : i32
    "tpu.region"() ({
      %run_scoped3A = tpu.sem_alloc : memref<!tpu.dma_semaphore, #tpu.memory_space<semaphore_mem>>
      %dma_start3A_529 = arith.constant 0 : i32
      %dma_start3A_530 = tpu.memref_slice %arg8[%add3A_362, %dma_start3A_529] : memref<32768x256xf32, #tpu.memory_space<hbm>> -> memref<128x256xf32, #tpu.memory_space<hbm>>
      %dma_start3A_531 = arith.constant 0 : i32
      %dma_start3A_532 = tpu.memref_slice %arg8[%add3A_362, %dma_start3A_531] : memref<32768x256xf32, #tpu.memory_space<hbm>> -> memref<128x256xf32, #tpu.memory_space<hbm>>
      tpu.enqueue_dma source(%arg17 : memref<128x256xf32, #tpu.memory_space<vmem>>) target(%dma_start3A_532 : memref<128x256xf32, #tpu.memory_space<hbm>>) target_semaphore(%run_scoped3A : memref<!tpu.dma_semaphore, #tpu.memory_space<semaphore_mem>>)
      %dma_wait3A_533 = arith.constant 0 : i32
      %dma_wait3A_534 = tpu.memref_slice %arg8[%add3A_362, %dma_wait3A_533] : memref<32768x256xf32, #tpu.memory_space<hbm>> -> memref<128x256xf32, #tpu.memory_space<hbm>>
      %dma_wait3A_535 = arith.constant 0 : i32
      %dma_wait3A_536 = tpu.memref_slice %arg8[%add3A_362, %dma_wait3A_535] : memref<32768x256xf32, #tpu.memory_space<hbm>> -> memref<128x256xf32, #tpu.memory_space<hbm>>
      tpu.wait_dma2 semaphore(%run_scoped3A : memref<!tpu.dma_semaphore, #tpu.memory_space<semaphore_mem>>) src(%arg17 : memref<128x256xf32, #tpu.memory_space<vmem>>) dst(%dma_wait3A_536 : memref<128x256xf32, #tpu.memory_space<hbm>>)
      tpu.yield
    }) : () -> ()
    "tpu.region"() ({
      %run_scoped3A = tpu.sem_alloc : memref<!tpu.dma_semaphore, #tpu.memory_space<semaphore_mem>>
      %dma_start3A_529 = arith.constant 0 : i32
      %dma_start3A_530 = tpu.memref_slice %arg11[%add3A_362, %dma_start3A_529] : memref<32768x128xf32, #tpu.memory_space<hbm>> -> memref<128x128xf32, #tpu.memory_space<hbm>>
      %dma_start3A_531 = arith.constant 0 : i32
      %dma_start3A_532 = tpu.memref_slice %arg11[%add3A_362, %dma_start3A_531] : memref<32768x128xf32, #tpu.memory_space<hbm>> -> memref<128x128xf32, #tpu.memory_space<hbm>>
      tpu.enqueue_dma source(%arg19 : memref<128x128xf32, #tpu.memory_space<vmem>>) target(%dma_start3A_532 : memref<128x128xf32, #tpu.memory_space<hbm>>) target_semaphore(%run_scoped3A : memref<!tpu.dma_semaphore, #tpu.memory_space<semaphore_mem>>)
      %dma_wait3A_533 = arith.constant 0 : i32
      %dma_wait3A_534 = tpu.memref_slice %arg11[%add3A_362, %dma_wait3A_533] : memref<32768x128xf32, #tpu.memory_space<hbm>> -> memref<128x128xf32, #tpu.memory_space<hbm>>
      %dma_wait3A_535 = arith.constant 0 : i32
      %dma_wait3A_536 = tpu.memref_slice %arg11[%add3A_362, %dma_wait3A_535] : memref<32768x128xf32, #tpu.memory_space<hbm>> -> memref<128x128xf32, #tpu.memory_space<hbm>>
      tpu.wait_dma2 semaphore(%run_scoped3A : memref<!tpu.dma_semaphore, #tpu.memory_space<semaphore_mem>>) src(%arg19 : memref<128x128xf32, #tpu.memory_space<vmem>>) dst(%dma_wait3A_536 : memref<128x128xf32, #tpu.memory_space<hbm>>)
      tpu.yield
    }) : () -> ()
    %dma_start3A_363 = arith.constant 128 : i32
    %dma_start3A_364 = tpu.memref_slice %arg15[%dma_start3A_363] : memref<1024xi32, #tpu.memory_space<vmem>> -> memref<128xi32, #tpu.memory_space<vmem>>
    %dma_start3A_365 = arith.constant 0 : i32
    %dma_start3A_366 = arith.constant 0 : i32
    %dma_start3A_367 = tpu.memref_slice %arg5[%dma_start3A_365, %dma_start3A_366] : memref<8192x256xf32, #tpu.memory_space<hbm>> -> memref<8192x256xf32, #tpu.memory_space<hbm>>
    tpu.enqueue_indirect_dma source(%dma_start3A_367 : memref<8192x256xf32, #tpu.memory_space<hbm>>) target(%arg17 : memref<128x256xf32, #tpu.memory_space<vmem>>) offsets(%dma_start3A_364 : memref<128xi32, #tpu.memory_space<vmem>>) semaphore(%arg21 : memref<!tpu.dma_semaphore, #tpu.memory_space<semaphore_mem>>)
    %dma_start3A_368 = arith.constant 128 : i32
    %dma_start3A_369 = tpu.memref_slice %arg15[%dma_start3A_368] : memref<1024xi32, #tpu.memory_space<vmem>> -> memref<128xi32, #tpu.memory_space<vmem>>
    %dma_start3A_370 = arith.constant 0 : i32
    %dma_start3A_371 = arith.constant 0 : i32
    %dma_start3A_372 = tpu.memref_slice %arg6[%dma_start3A_370, %dma_start3A_371] : memref<8192x128xf32, #tpu.memory_space<hbm>> -> memref<8192x128xf32, #tpu.memory_space<hbm>>
    tpu.enqueue_indirect_dma source(%dma_start3A_372 : memref<8192x128xf32, #tpu.memory_space<hbm>>) target(%arg19 : memref<128x128xf32, #tpu.memory_space<vmem>>) offsets(%dma_start3A_369 : memref<128xi32, #tpu.memory_space<vmem>>) semaphore(%arg23 : memref<!tpu.dma_semaphore, #tpu.memory_space<semaphore_mem>>)
    %dma_wait3A_373 = arith.constant 0 : i32
    %dma_wait3A_374 = tpu.memref_slice %arg15[%dma_wait3A_373] : memref<1024xi32, #tpu.memory_space<vmem>> -> memref<128xi32, #tpu.memory_space<vmem>>
    %dma_wait3A_375 = arith.constant 0 : i32
    %dma_wait3A_376 = arith.constant 0 : i32
    %dma_wait3A_377 = tpu.memref_slice %arg5[%dma_wait3A_375, %dma_wait3A_376] : memref<8192x256xf32, #tpu.memory_space<hbm>> -> memref<8192x256xf32, #tpu.memory_space<hbm>>
    tpu.wait_indirect_dma semaphore(%arg20 : memref<!tpu.dma_semaphore, #tpu.memory_space<semaphore_mem>>) src(%dma_wait3A_377 : memref<8192x256xf32, #tpu.memory_space<hbm>>) dst(%arg16 : memref<128x256xf32, #tpu.memory_space<vmem>>)
    %dma_wait3A_378 = arith.constant 0 : i32
    %dma_wait3A_379 = tpu.memref_slice %arg15[%dma_wait3A_378] : memref<1024xi32, #tpu.memory_space<vmem>> -> memref<128xi32, #tpu.memory_space<vmem>>
    %dma_wait3A_380 = arith.constant 0 : i32
    %dma_wait3A_381 = arith.constant 0 : i32
    %dma_wait3A_382 = tpu.memref_slice %arg6[%dma_wait3A_380, %dma_wait3A_381] : memref<8192x128xf32, #tpu.memory_space<hbm>> -> memref<8192x128xf32, #tpu.memory_space<hbm>>
    tpu.wait_indirect_dma semaphore(%arg22 : memref<!tpu.dma_semaphore, #tpu.memory_space<semaphore_mem>>) src(%dma_wait3A_382 : memref<8192x128xf32, #tpu.memory_space<hbm>>) dst(%arg18 : memref<128x128xf32, #tpu.memory_space<vmem>>)
    %add3A_383 = arith.constant 0 : i32
    %add3A_384 = arith.addi %mul3A_2, %add3A_383 : i32
    "tpu.region"() ({
      %run_scoped3A = tpu.sem_alloc : memref<!tpu.dma_semaphore, #tpu.memory_space<semaphore_mem>>
      %dma_start3A_529 = arith.constant 0 : i32
      %dma_start3A_530 = tpu.memref_slice %arg9[%add3A_384, %dma_start3A_529] : memref<32768x256xf32, #tpu.memory_space<hbm>> -> memref<128x256xf32, #tpu.memory_space<hbm>>
      %dma_start3A_531 = arith.constant 0 : i32
      %dma_start3A_532 = tpu.memref_slice %arg9[%add3A_384, %dma_start3A_531] : memref<32768x256xf32, #tpu.memory_space<hbm>> -> memref<128x256xf32, #tpu.memory_space<hbm>>
      tpu.enqueue_dma source(%arg16 : memref<128x256xf32, #tpu.memory_space<vmem>>) target(%dma_start3A_532 : memref<128x256xf32, #tpu.memory_space<hbm>>) target_semaphore(%run_scoped3A : memref<!tpu.dma_semaphore, #tpu.memory_space<semaphore_mem>>)
      %dma_wait3A_533 = arith.constant 0 : i32
      %dma_wait3A_534 = tpu.memref_slice %arg9[%add3A_384, %dma_wait3A_533] : memref<32768x256xf32, #tpu.memory_space<hbm>> -> memref<128x256xf32, #tpu.memory_space<hbm>>
      %dma_wait3A_535 = arith.constant 0 : i32
      %dma_wait3A_536 = tpu.memref_slice %arg9[%add3A_384, %dma_wait3A_535] : memref<32768x256xf32, #tpu.memory_space<hbm>> -> memref<128x256xf32, #tpu.memory_space<hbm>>
      tpu.wait_dma2 semaphore(%run_scoped3A : memref<!tpu.dma_semaphore, #tpu.memory_space<semaphore_mem>>) src(%arg16 : memref<128x256xf32, #tpu.memory_space<vmem>>) dst(%dma_wait3A_536 : memref<128x256xf32, #tpu.memory_space<hbm>>)
      tpu.yield
    }) : () -> ()
    "tpu.region"() ({
      %run_scoped3A = tpu.sem_alloc : memref<!tpu.dma_semaphore, #tpu.memory_space<semaphore_mem>>
      %dma_start3A_529 = arith.constant 0 : i32
      %dma_start3A_530 = tpu.memref_slice %arg12[%add3A_384, %dma_start3A_529] : memref<32768x128xf32, #tpu.memory_space<hbm>> -> memref<128x128xf32, #tpu.memory_space<hbm>>
      %dma_start3A_531 = arith.constant 0 : i32
      %dma_start3A_532 = tpu.memref_slice %arg12[%add3A_384, %dma_start3A_531] : memref<32768x128xf32, #tpu.memory_space<hbm>> -> memref<128x128xf32, #tpu.memory_space<hbm>>
      tpu.enqueue_dma source(%arg18 : memref<128x128xf32, #tpu.memory_space<vmem>>) target(%dma_start3A_532 : memref<128x128xf32, #tpu.memory_space<hbm>>) target_semaphore(%run_scoped3A : memref<!tpu.dma_semaphore, #tpu.memory_space<semaphore_mem>>)
      %dma_wait3A_533 = arith.constant 0 : i32
      %dma_wait3A_534 = tpu.memref_slice %arg12[%add3A_384, %dma_wait3A_533] : memref<32768x128xf32, #tpu.memory_space<hbm>> -> memref<128x128xf32, #tpu.memory_space<hbm>>
      %dma_wait3A_535 = arith.constant 0 : i32
      %dma_wait3A_536 = tpu.memref_slice %arg12[%add3A_384, %dma_wait3A_535] : memref<32768x128xf32, #tpu.memory_space<hbm>> -> memref<128x128xf32, #tpu.memory_space<hbm>>
      tpu.wait_dma2 semaphore(%run_scoped3A : memref<!tpu.dma_semaphore, #tpu.memory_space<semaphore_mem>>) src(%arg18 : memref<128x128xf32, #tpu.memory_space<vmem>>) dst(%dma_wait3A_536 : memref<128x128xf32, #tpu.memory_space<hbm>>)
      tpu.yield
    }) : () -> ()
    %dma_start3A_385 = arith.constant 256 : i32
    %dma_start3A_386 = tpu.memref_slice %arg15[%dma_start3A_385] : memref<1024xi32, #tpu.memory_space<vmem>> -> memref<128xi32, #tpu.memory_space<vmem>>
    %dma_start3A_387 = arith.constant 0 : i32
    %dma_start3A_388 = arith.constant 0 : i32
    %dma_start3A_389 = tpu.memref_slice %arg5[%dma_start3A_387, %dma_start3A_388] : memref<8192x256xf32, #tpu.memory_space<hbm>> -> memref<8192x256xf32, #tpu.memory_space<hbm>>
    tpu.enqueue_indirect_dma source(%dma_start3A_389 : memref<8192x256xf32, #tpu.memory_space<hbm>>) target(%arg16 : memref<128x256xf32, #tpu.memory_space<vmem>>) offsets(%dma_start3A_386 : memref<128xi32, #tpu.memory_space<vmem>>) semaphore(%arg20 : memref<!tpu.dma_semaphore, #tpu.memory_space<semaphore_mem>>)
    %dma_start3A_390 = arith.constant 256 : i32
    %dma_start3A_391 = tpu.memref_slice %arg15[%dma_start3A_390] : memref<1024xi32, #tpu.memory_space<vmem>> -> memref<128xi32, #tpu.memory_space<vmem>>
    %dma_start3A_392 = arith.constant 0 : i32
    %dma_start3A_393 = arith.constant 0 : i32
    %dma_start3A_394 = tpu.memref_slice %arg6[%dma_start3A_392, %dma_start3A_393] : memref<8192x128xf32, #tpu.memory_space<hbm>> -> memref<8192x128xf32, #tpu.memory_space<hbm>>
    tpu.enqueue_indirect_dma source(%dma_start3A_394 : memref<8192x128xf32, #tpu.memory_space<hbm>>) target(%arg18 : memref<128x128xf32, #tpu.memory_space<vmem>>) offsets(%dma_start3A_391 : memref<128xi32, #tpu.memory_space<vmem>>) semaphore(%arg22 : memref<!tpu.dma_semaphore, #tpu.memory_space<semaphore_mem>>)
    %dma_wait3A_395 = arith.constant 128 : i32
    %dma_wait3A_396 = tpu.memref_slice %arg15[%dma_wait3A_395] : memref<1024xi32, #tpu.memory_space<vmem>> -> memref<128xi32, #tpu.memory_space<vmem>>
    %dma_wait3A_397 = arith.constant 0 : i32
    %dma_wait3A_398 = arith.constant 0 : i32
    %dma_wait3A_399 = tpu.memref_slice %arg5[%dma_wait3A_397, %dma_wait3A_398] : memref<8192x256xf32, #tpu.memory_space<hbm>> -> memref<8192x256xf32, #tpu.memory_space<hbm>>
    tpu.wait_indirect_dma semaphore(%arg21 : memref<!tpu.dma_semaphore, #tpu.memory_space<semaphore_mem>>) src(%dma_wait3A_399 : memref<8192x256xf32, #tpu.memory_space<hbm>>) dst(%arg17 : memref<128x256xf32, #tpu.memory_space<vmem>>)
    %dma_wait3A_400 = arith.constant 128 : i32
    %dma_wait3A_401 = tpu.memref_slice %arg15[%dma_wait3A_400] : memref<1024xi32, #tpu.memory_space<vmem>> -> memref<128xi32, #tpu.memory_space<vmem>>
    %dma_wait3A_402 = arith.constant 0 : i32
    %dma_wait3A_403 = arith.constant 0 : i32
    %dma_wait3A_404 = tpu.memref_slice %arg6[%dma_wait3A_402, %dma_wait3A_403] : memref<8192x128xf32, #tpu.memory_space<hbm>> -> memref<8192x128xf32, #tpu.memory_space<hbm>>
    tpu.wait_indirect_dma semaphore(%arg23 : memref<!tpu.dma_semaphore, #tpu.memory_space<semaphore_mem>>) src(%dma_wait3A_404 : memref<8192x128xf32, #tpu.memory_space<hbm>>) dst(%arg19 : memref<128x128xf32, #tpu.memory_space<vmem>>)
    %add3A_405 = arith.constant 128 : i32
    %add3A_406 = arith.addi %mul3A_2, %add3A_405 : i32
    "tpu.region"() ({
      %run_scoped3A = tpu.sem_alloc : memref<!tpu.dma_semaphore, #tpu.memory_space<semaphore_mem>>
      %dma_start3A_529 = arith.constant 0 : i32
      %dma_start3A_530 = tpu.memref_slice %arg9[%add3A_406, %dma_start3A_529] : memref<32768x256xf32, #tpu.memory_space<hbm>> -> memref<128x256xf32, #tpu.memory_space<hbm>>
      %dma_start3A_531 = arith.constant 0 : i32
      %dma_start3A_532 = tpu.memref_slice %arg9[%add3A_406, %dma_start3A_531] : memref<32768x256xf32, #tpu.memory_space<hbm>> -> memref<128x256xf32, #tpu.memory_space<hbm>>
      tpu.enqueue_dma source(%arg17 : memref<128x256xf32, #tpu.memory_space<vmem>>) target(%dma_start3A_532 : memref<128x256xf32, #tpu.memory_space<hbm>>) target_semaphore(%run_scoped3A : memref<!tpu.dma_semaphore, #tpu.memory_space<semaphore_mem>>)
      %dma_wait3A_533 = arith.constant 0 : i32
      %dma_wait3A_534 = tpu.memref_slice %arg9[%add3A_406, %dma_wait3A_533] : memref<32768x256xf32, #tpu.memory_space<hbm>> -> memref<128x256xf32, #tpu.memory_space<hbm>>
      %dma_wait3A_535 = arith.constant 0 : i32
      %dma_wait3A_536 = tpu.memref_slice %arg9[%add3A_406, %dma_wait3A_535] : memref<32768x256xf32, #tpu.memory_space<hbm>> -> memref<128x256xf32, #tpu.memory_space<hbm>>
      tpu.wait_dma2 semaphore(%run_scoped3A : memref<!tpu.dma_semaphore, #tpu.memory_space<semaphore_mem>>) src(%arg17 : memref<128x256xf32, #tpu.memory_space<vmem>>) dst(%dma_wait3A_536 : memref<128x256xf32, #tpu.memory_space<hbm>>)
      tpu.yield
    }) : () -> ()
    "tpu.region"() ({
      %run_scoped3A = tpu.sem_alloc : memref<!tpu.dma_semaphore, #tpu.memory_space<semaphore_mem>>
      %dma_start3A_529 = arith.constant 0 : i32
      %dma_start3A_530 = tpu.memref_slice %arg12[%add3A_406, %dma_start3A_529] : memref<32768x128xf32, #tpu.memory_space<hbm>> -> memref<128x128xf32, #tpu.memory_space<hbm>>
      %dma_start3A_531 = arith.constant 0 : i32
      %dma_start3A_532 = tpu.memref_slice %arg12[%add3A_406, %dma_start3A_531] : memref<32768x128xf32, #tpu.memory_space<hbm>> -> memref<128x128xf32, #tpu.memory_space<hbm>>
      tpu.enqueue_dma source(%arg19 : memref<128x128xf32, #tpu.memory_space<vmem>>) target(%dma_start3A_532 : memref<128x128xf32, #tpu.memory_space<hbm>>) target_semaphore(%run_scoped3A : memref<!tpu.dma_semaphore, #tpu.memory_space<semaphore_mem>>)
      %dma_wait3A_533 = arith.constant 0 : i32
      %dma_wait3A_534 = tpu.memref_slice %arg12[%add3A_406, %dma_wait3A_533] : memref<32768x128xf32, #tpu.memory_space<hbm>> -> memref<128x128xf32, #tpu.memory_space<hbm>>
      %dma_wait3A_535 = arith.constant 0 : i32
      %dma_wait3A_536 = tpu.memref_slice %arg12[%add3A_406, %dma_wait3A_535] : memref<32768x128xf32, #tpu.memory_space<hbm>> -> memref<128x128xf32, #tpu.memory_space<hbm>>
      tpu.wait_dma2 semaphore(%run_scoped3A : memref<!tpu.dma_semaphore, #tpu.memory_space<semaphore_mem>>) src(%arg19 : memref<128x128xf32, #tpu.memory_space<vmem>>) dst(%dma_wait3A_536 : memref<128x128xf32, #tpu.memory_space<hbm>>)
      tpu.yield
    }) : () -> ()
    %dma_start3A_407 = arith.constant 384 : i32
    %dma_start3A_408 = tpu.memref_slice %arg15[%dma_start3A_407] : memref<1024xi32, #tpu.memory_space<vmem>> -> memref<128xi32, #tpu.memory_space<vmem>>
    %dma_start3A_409 = arith.constant 0 : i32
    %dma_start3A_410 = arith.constant 0 : i32
    %dma_start3A_411 = tpu.memref_slice %arg5[%dma_start3A_409, %dma_start3A_410] : memref<8192x256xf32, #tpu.memory_space<hbm>> -> memref<8192x256xf32, #tpu.memory_space<hbm>>
    tpu.enqueue_indirect_dma source(%dma_start3A_411 : memref<8192x256xf32, #tpu.memory_space<hbm>>) target(%arg17 : memref<128x256xf32, #tpu.memory_space<vmem>>) offsets(%dma_start3A_408 : memref<128xi32, #tpu.memory_space<vmem>>) semaphore(%arg21 : memref<!tpu.dma_semaphore, #tpu.memory_space<semaphore_mem>>)
    %dma_start3A_412 = arith.constant 384 : i32
    %dma_start3A_413 = tpu.memref_slice %arg15[%dma_start3A_412] : memref<1024xi32, #tpu.memory_space<vmem>> -> memref<128xi32, #tpu.memory_space<vmem>>
    %dma_start3A_414 = arith.constant 0 : i32
    %dma_start3A_415 = arith.constant 0 : i32
    %dma_start3A_416 = tpu.memref_slice %arg6[%dma_start3A_414, %dma_start3A_415] : memref<8192x128xf32, #tpu.memory_space<hbm>> -> memref<8192x128xf32, #tpu.memory_space<hbm>>
    tpu.enqueue_indirect_dma source(%dma_start3A_416 : memref<8192x128xf32, #tpu.memory_space<hbm>>) target(%arg19 : memref<128x128xf32, #tpu.memory_space<vmem>>) offsets(%dma_start3A_413 : memref<128xi32, #tpu.memory_space<vmem>>) semaphore(%arg23 : memref<!tpu.dma_semaphore, #tpu.memory_space<semaphore_mem>>)
    %dma_wait3A_417 = arith.constant 256 : i32
    %dma_wait3A_418 = tpu.memref_slice %arg15[%dma_wait3A_417] : memref<1024xi32, #tpu.memory_space<vmem>> -> memref<128xi32, #tpu.memory_space<vmem>>
    %dma_wait3A_419 = arith.constant 0 : i32
    %dma_wait3A_420 = arith.constant 0 : i32
    %dma_wait3A_421 = tpu.memref_slice %arg5[%dma_wait3A_419, %dma_wait3A_420] : memref<8192x256xf32, #tpu.memory_space<hbm>> -> memref<8192x256xf32, #tpu.memory_space<hbm>>
    tpu.wait_indirect_dma semaphore(%arg20 : memref<!tpu.dma_semaphore, #tpu.memory_space<semaphore_mem>>) src(%dma_wait3A_421 : memref<8192x256xf32, #tpu.memory_space<hbm>>) dst(%arg16 : memref<128x256xf32, #tpu.memory_space<vmem>>)
    %dma_wait3A_422 = arith.constant 256 : i32
    %dma_wait3A_423 = tpu.memref_slice %arg15[%dma_wait3A_422] : memref<1024xi32, #tpu.memory_space<vmem>> -> memref<128xi32, #tpu.memory_space<vmem>>
    %dma_wait3A_424 = arith.constant 0 : i32
    %dma_wait3A_425 = arith.constant 0 : i32
    %dma_wait3A_426 = tpu.memref_slice %arg6[%dma_wait3A_424, %dma_wait3A_425] : memref<8192x128xf32, #tpu.memory_space<hbm>> -> memref<8192x128xf32, #tpu.memory_space<hbm>>
    tpu.wait_indirect_dma semaphore(%arg22 : memref<!tpu.dma_semaphore, #tpu.memory_space<semaphore_mem>>) src(%dma_wait3A_426 : memref<8192x128xf32, #tpu.memory_space<hbm>>) dst(%arg18 : memref<128x128xf32, #tpu.memory_space<vmem>>)
    %add3A_427 = arith.constant 256 : i32
    %add3A_428 = arith.addi %mul3A_2, %add3A_427 : i32
    "tpu.region"() ({
      %run_scoped3A = tpu.sem_alloc : memref<!tpu.dma_semaphore, #tpu.memory_space<semaphore_mem>>
      %dma_start3A_529 = arith.constant 0 : i32
      %dma_start3A_530 = tpu.memref_slice %arg9[%add3A_428, %dma_start3A_529] : memref<32768x256xf32, #tpu.memory_space<hbm>> -> memref<128x256xf32, #tpu.memory_space<hbm>>
      %dma_start3A_531 = arith.constant 0 : i32
      %dma_start3A_532 = tpu.memref_slice %arg9[%add3A_428, %dma_start3A_531] : memref<32768x256xf32, #tpu.memory_space<hbm>> -> memref<128x256xf32, #tpu.memory_space<hbm>>
      tpu.enqueue_dma source(%arg16 : memref<128x256xf32, #tpu.memory_space<vmem>>) target(%dma_start3A_532 : memref<128x256xf32, #tpu.memory_space<hbm>>) target_semaphore(%run_scoped3A : memref<!tpu.dma_semaphore, #tpu.memory_space<semaphore_mem>>)
      %dma_wait3A_533 = arith.constant 0 : i32
      %dma_wait3A_534 = tpu.memref_slice %arg9[%add3A_428, %dma_wait3A_533] : memref<32768x256xf32, #tpu.memory_space<hbm>> -> memref<128x256xf32, #tpu.memory_space<hbm>>
      %dma_wait3A_535 = arith.constant 0 : i32
      %dma_wait3A_536 = tpu.memref_slice %arg9[%add3A_428, %dma_wait3A_535] : memref<32768x256xf32, #tpu.memory_space<hbm>> -> memref<128x256xf32, #tpu.memory_space<hbm>>
      tpu.wait_dma2 semaphore(%run_scoped3A : memref<!tpu.dma_semaphore, #tpu.memory_space<semaphore_mem>>) src(%arg16 : memref<128x256xf32, #tpu.memory_space<vmem>>) dst(%dma_wait3A_536 : memref<128x256xf32, #tpu.memory_space<hbm>>)
      tpu.yield
    }) : () -> ()
    "tpu.region"() ({
      %run_scoped3A = tpu.sem_alloc : memref<!tpu.dma_semaphore, #tpu.memory_space<semaphore_mem>>
      %dma_start3A_529 = arith.constant 0 : i32
      %dma_start3A_530 = tpu.memref_slice %arg12[%add3A_428, %dma_start3A_529] : memref<32768x128xf32, #tpu.memory_space<hbm>> -> memref<128x128xf32, #tpu.memory_space<hbm>>
      %dma_start3A_531 = arith.constant 0 : i32
      %dma_start3A_532 = tpu.memref_slice %arg12[%add3A_428, %dma_start3A_531] : memref<32768x128xf32, #tpu.memory_space<hbm>> -> memref<128x128xf32, #tpu.memory_space<hbm>>
      tpu.enqueue_dma source(%arg18 : memref<128x128xf32, #tpu.memory_space<vmem>>) target(%dma_start3A_532 : memref<128x128xf32, #tpu.memory_space<hbm>>) target_semaphore(%run_scoped3A : memref<!tpu.dma_semaphore, #tpu.memory_space<semaphore_mem>>)
      %dma_wait3A_533 = arith.constant 0 : i32
      %dma_wait3A_534 = tpu.memref_slice %arg12[%add3A_428, %dma_wait3A_533] : memref<32768x128xf32, #tpu.memory_space<hbm>> -> memref<128x128xf32, #tpu.memory_space<hbm>>
      %dma_wait3A_535 = arith.constant 0 : i32
      %dma_wait3A_536 = tpu.memref_slice %arg12[%add3A_428, %dma_wait3A_535] : memref<32768x128xf32, #tpu.memory_space<hbm>> -> memref<128x128xf32, #tpu.memory_space<hbm>>
      tpu.wait_dma2 semaphore(%run_scoped3A : memref<!tpu.dma_semaphore, #tpu.memory_space<semaphore_mem>>) src(%arg18 : memref<128x128xf32, #tpu.memory_space<vmem>>) dst(%dma_wait3A_536 : memref<128x128xf32, #tpu.memory_space<hbm>>)
      tpu.yield
    }) : () -> ()
    %dma_start3A_429 = arith.constant 512 : i32
    %dma_start3A_430 = tpu.memref_slice %arg15[%dma_start3A_429] : memref<1024xi32, #tpu.memory_space<vmem>> -> memref<128xi32, #tpu.memory_space<vmem>>
    %dma_start3A_431 = arith.constant 0 : i32
    %dma_start3A_432 = arith.constant 0 : i32
    %dma_start3A_433 = tpu.memref_slice %arg5[%dma_start3A_431, %dma_start3A_432] : memref<8192x256xf32, #tpu.memory_space<hbm>> -> memref<8192x256xf32, #tpu.memory_space<hbm>>
    tpu.enqueue_indirect_dma source(%dma_start3A_433 : memref<8192x256xf32, #tpu.memory_space<hbm>>) target(%arg16 : memref<128x256xf32, #tpu.memory_space<vmem>>) offsets(%dma_start3A_430 : memref<128xi32, #tpu.memory_space<vmem>>) semaphore(%arg20 : memref<!tpu.dma_semaphore, #tpu.memory_space<semaphore_mem>>)
    %dma_start3A_434 = arith.constant 512 : i32
    %dma_start3A_435 = tpu.memref_slice %arg15[%dma_start3A_434] : memref<1024xi32, #tpu.memory_space<vmem>> -> memref<128xi32, #tpu.memory_space<vmem>>
    %dma_start3A_436 = arith.constant 0 : i32
    %dma_start3A_437 = arith.constant 0 : i32
    %dma_start3A_438 = tpu.memref_slice %arg6[%dma_start3A_436, %dma_start3A_437] : memref<8192x128xf32, #tpu.memory_space<hbm>> -> memref<8192x128xf32, #tpu.memory_space<hbm>>
    tpu.enqueue_indirect_dma source(%dma_start3A_438 : memref<8192x128xf32, #tpu.memory_space<hbm>>) target(%arg18 : memref<128x128xf32, #tpu.memory_space<vmem>>) offsets(%dma_start3A_435 : memref<128xi32, #tpu.memory_space<vmem>>) semaphore(%arg22 : memref<!tpu.dma_semaphore, #tpu.memory_space<semaphore_mem>>)
    %dma_wait3A_439 = arith.constant 384 : i32
    %dma_wait3A_440 = tpu.memref_slice %arg15[%dma_wait3A_439] : memref<1024xi32, #tpu.memory_space<vmem>> -> memref<128xi32, #tpu.memory_space<vmem>>
    %dma_wait3A_441 = arith.constant 0 : i32
    %dma_wait3A_442 = arith.constant 0 : i32
    %dma_wait3A_443 = tpu.memref_slice %arg5[%dma_wait3A_441, %dma_wait3A_442] : memref<8192x256xf32, #tpu.memory_space<hbm>> -> memref<8192x256xf32, #tpu.memory_space<hbm>>
    tpu.wait_indirect_dma semaphore(%arg21 : memref<!tpu.dma_semaphore, #tpu.memory_space<semaphore_mem>>) src(%dma_wait3A_443 : memref<8192x256xf32, #tpu.memory_space<hbm>>) dst(%arg17 : memref<128x256xf32, #tpu.memory_space<vmem>>)
    %dma_wait3A_444 = arith.constant 384 : i32
    %dma_wait3A_445 = tpu.memref_slice %arg15[%dma_wait3A_444] : memref<1024xi32, #tpu.memory_space<vmem>> -> memref<128xi32, #tpu.memory_space<vmem>>
    %dma_wait3A_446 = arith.constant 0 : i32
    %dma_wait3A_447 = arith.constant 0 : i32
    %dma_wait3A_448 = tpu.memref_slice %arg6[%dma_wait3A_446, %dma_wait3A_447] : memref<8192x128xf32, #tpu.memory_space<hbm>> -> memref<8192x128xf32, #tpu.memory_space<hbm>>
    tpu.wait_indirect_dma semaphore(%arg23 : memref<!tpu.dma_semaphore, #tpu.memory_space<semaphore_mem>>) src(%dma_wait3A_448 : memref<8192x128xf32, #tpu.memory_space<hbm>>) dst(%arg19 : memref<128x128xf32, #tpu.memory_space<vmem>>)
    %add3A_449 = arith.constant 384 : i32
    %add3A_450 = arith.addi %mul3A_2, %add3A_449 : i32
    "tpu.region"() ({
      %run_scoped3A = tpu.sem_alloc : memref<!tpu.dma_semaphore, #tpu.memory_space<semaphore_mem>>
      %dma_start3A_529 = arith.constant 0 : i32
      %dma_start3A_530 = tpu.memref_slice %arg9[%add3A_450, %dma_start3A_529] : memref<32768x256xf32, #tpu.memory_space<hbm>> -> memref<128x256xf32, #tpu.memory_space<hbm>>
      %dma_start3A_531 = arith.constant 0 : i32
      %dma_start3A_532 = tpu.memref_slice %arg9[%add3A_450, %dma_start3A_531] : memref<32768x256xf32, #tpu.memory_space<hbm>> -> memref<128x256xf32, #tpu.memory_space<hbm>>
      tpu.enqueue_dma source(%arg17 : memref<128x256xf32, #tpu.memory_space<vmem>>) target(%dma_start3A_532 : memref<128x256xf32, #tpu.memory_space<hbm>>) target_semaphore(%run_scoped3A : memref<!tpu.dma_semaphore, #tpu.memory_space<semaphore_mem>>)
      %dma_wait3A_533 = arith.constant 0 : i32
      %dma_wait3A_534 = tpu.memref_slice %arg9[%add3A_450, %dma_wait3A_533] : memref<32768x256xf32, #tpu.memory_space<hbm>> -> memref<128x256xf32, #tpu.memory_space<hbm>>
      %dma_wait3A_535 = arith.constant 0 : i32
      %dma_wait3A_536 = tpu.memref_slice %arg9[%add3A_450, %dma_wait3A_535] : memref<32768x256xf32, #tpu.memory_space<hbm>> -> memref<128x256xf32, #tpu.memory_space<hbm>>
      tpu.wait_dma2 semaphore(%run_scoped3A : memref<!tpu.dma_semaphore, #tpu.memory_space<semaphore_mem>>) src(%arg17 : memref<128x256xf32, #tpu.memory_space<vmem>>) dst(%dma_wait3A_536 : memref<128x256xf32, #tpu.memory_space<hbm>>)
      tpu.yield
    }) : () -> ()
    "tpu.region"() ({
      %run_scoped3A = tpu.sem_alloc : memref<!tpu.dma_semaphore, #tpu.memory_space<semaphore_mem>>
      %dma_start3A_529 = arith.constant 0 : i32
      %dma_start3A_530 = tpu.memref_slice %arg12[%add3A_450, %dma_start3A_529] : memref<32768x128xf32, #tpu.memory_space<hbm>> -> memref<128x128xf32, #tpu.memory_space<hbm>>
      %dma_start3A_531 = arith.constant 0 : i32
      %dma_start3A_532 = tpu.memref_slice %arg12[%add3A_450, %dma_start3A_531] : memref<32768x128xf32, #tpu.memory_space<hbm>> -> memref<128x128xf32, #tpu.memory_space<hbm>>
      tpu.enqueue_dma source(%arg19 : memref<128x128xf32, #tpu.memory_space<vmem>>) target(%dma_start3A_532 : memref<128x128xf32, #tpu.memory_space<hbm>>) target_semaphore(%run_scoped3A : memref<!tpu.dma_semaphore, #tpu.memory_space<semaphore_mem>>)
      %dma_wait3A_533 = arith.constant 0 : i32
      %dma_wait3A_534 = tpu.memref_slice %arg12[%add3A_450, %dma_wait3A_533] : memref<32768x128xf32, #tpu.memory_space<hbm>> -> memref<128x128xf32, #tpu.memory_space<hbm>>
      %dma_wait3A_535 = arith.constant 0 : i32
      %dma_wait3A_536 = tpu.memref_slice %arg12[%add3A_450, %dma_wait3A_535] : memref<32768x128xf32, #tpu.memory_space<hbm>> -> memref<128x128xf32, #tpu.memory_space<hbm>>
      tpu.wait_dma2 semaphore(%run_scoped3A : memref<!tpu.dma_semaphore, #tpu.memory_space<semaphore_mem>>) src(%arg19 : memref<128x128xf32, #tpu.memory_space<vmem>>) dst(%dma_wait3A_536 : memref<128x128xf32, #tpu.memory_space<hbm>>)
      tpu.yield
    }) : () -> ()
    %dma_start3A_451 = arith.constant 640 : i32
    %dma_start3A_452 = tpu.memref_slice %arg15[%dma_start3A_451] : memref<1024xi32, #tpu.memory_space<vmem>> -> memref<128xi32, #tpu.memory_space<vmem>>
    %dma_start3A_453 = arith.constant 0 : i32
    %dma_start3A_454 = arith.constant 0 : i32
    %dma_start3A_455 = tpu.memref_slice %arg5[%dma_start3A_453, %dma_start3A_454] : memref<8192x256xf32, #tpu.memory_space<hbm>> -> memref<8192x256xf32, #tpu.memory_space<hbm>>
    tpu.enqueue_indirect_dma source(%dma_start3A_455 : memref<8192x256xf32, #tpu.memory_space<hbm>>) target(%arg17 : memref<128x256xf32, #tpu.memory_space<vmem>>) offsets(%dma_start3A_452 : memref<128xi32, #tpu.memory_space<vmem>>) semaphore(%arg21 : memref<!tpu.dma_semaphore, #tpu.memory_space<semaphore_mem>>)
    %dma_start3A_456 = arith.constant 640 : i32
    %dma_start3A_457 = tpu.memref_slice %arg15[%dma_start3A_456] : memref<1024xi32, #tpu.memory_space<vmem>> -> memref<128xi32, #tpu.memory_space<vmem>>
    %dma_start3A_458 = arith.constant 0 : i32
    %dma_start3A_459 = arith.constant 0 : i32
    %dma_start3A_460 = tpu.memref_slice %arg6[%dma_start3A_458, %dma_start3A_459] : memref<8192x128xf32, #tpu.memory_space<hbm>> -> memref<8192x128xf32, #tpu.memory_space<hbm>>
    tpu.enqueue_indirect_dma source(%dma_start3A_460 : memref<8192x128xf32, #tpu.memory_space<hbm>>) target(%arg19 : memref<128x128xf32, #tpu.memory_space<vmem>>) offsets(%dma_start3A_457 : memref<128xi32, #tpu.memory_space<vmem>>) semaphore(%arg23 : memref<!tpu.dma_semaphore, #tpu.memory_space<semaphore_mem>>)
    %dma_wait3A_461 = arith.constant 512 : i32
    %dma_wait3A_462 = tpu.memref_slice %arg15[%dma_wait3A_461] : memref<1024xi32, #tpu.memory_space<vmem>> -> memref<128xi32, #tpu.memory_space<vmem>>
    %dma_wait3A_463 = arith.constant 0 : i32
    %dma_wait3A_464 = arith.constant 0 : i32
    %dma_wait3A_465 = tpu.memref_slice %arg5[%dma_wait3A_463, %dma_wait3A_464] : memref<8192x256xf32, #tpu.memory_space<hbm>> -> memref<8192x256xf32, #tpu.memory_space<hbm>>
    tpu.wait_indirect_dma semaphore(%arg20 : memref<!tpu.dma_semaphore, #tpu.memory_space<semaphore_mem>>) src(%dma_wait3A_465 : memref<8192x256xf32, #tpu.memory_space<hbm>>) dst(%arg16 : memref<128x256xf32, #tpu.memory_space<vmem>>)
    %dma_wait3A_466 = arith.constant 512 : i32
    %dma_wait3A_467 = tpu.memref_slice %arg15[%dma_wait3A_466] : memref<1024xi32, #tpu.memory_space<vmem>> -> memref<128xi32, #tpu.memory_space<vmem>>
    %dma_wait3A_468 = arith.constant 0 : i32
    %dma_wait3A_469 = arith.constant 0 : i32
    %dma_wait3A_470 = tpu.memref_slice %arg6[%dma_wait3A_468, %dma_wait3A_469] : memref<8192x128xf32, #tpu.memory_space<hbm>> -> memref<8192x128xf32, #tpu.memory_space<hbm>>
    tpu.wait_indirect_dma semaphore(%arg22 : memref<!tpu.dma_semaphore, #tpu.memory_space<semaphore_mem>>) src(%dma_wait3A_470 : memref<8192x128xf32, #tpu.memory_space<hbm>>) dst(%arg18 : memref<128x128xf32, #tpu.memory_space<vmem>>)
    %add3A_471 = arith.constant 512 : i32
    %add3A_472 = arith.addi %mul3A_2, %add3A_471 : i32
    "tpu.region"() ({
      %run_scoped3A = tpu.sem_alloc : memref<!tpu.dma_semaphore, #tpu.memory_space<semaphore_mem>>
      %dma_start3A_529 = arith.constant 0 : i32
      %dma_start3A_530 = tpu.memref_slice %arg9[%add3A_472, %dma_start3A_529] : memref<32768x256xf32, #tpu.memory_space<hbm>> -> memref<128x256xf32, #tpu.memory_space<hbm>>
      %dma_start3A_531 = arith.constant 0 : i32
      %dma_start3A_532 = tpu.memref_slice %arg9[%add3A_472, %dma_start3A_531] : memref<32768x256xf32, #tpu.memory_space<hbm>> -> memref<128x256xf32, #tpu.memory_space<hbm>>
      tpu.enqueue_dma source(%arg16 : memref<128x256xf32, #tpu.memory_space<vmem>>) target(%dma_start3A_532 : memref<128x256xf32, #tpu.memory_space<hbm>>) target_semaphore(%run_scoped3A : memref<!tpu.dma_semaphore, #tpu.memory_space<semaphore_mem>>)
      %dma_wait3A_533 = arith.constant 0 : i32
      %dma_wait3A_534 = tpu.memref_slice %arg9[%add3A_472, %dma_wait3A_533] : memref<32768x256xf32, #tpu.memory_space<hbm>> -> memref<128x256xf32, #tpu.memory_space<hbm>>
      %dma_wait3A_535 = arith.constant 0 : i32
      %dma_wait3A_536 = tpu.memref_slice %arg9[%add3A_472, %dma_wait3A_535] : memref<32768x256xf32, #tpu.memory_space<hbm>> -> memref<128x256xf32, #tpu.memory_space<hbm>>
      tpu.wait_dma2 semaphore(%run_scoped3A : memref<!tpu.dma_semaphore, #tpu.memory_space<semaphore_mem>>) src(%arg16 : memref<128x256xf32, #tpu.memory_space<vmem>>) dst(%dma_wait3A_536 : memref<128x256xf32, #tpu.memory_space<hbm>>)
      tpu.yield
    }) : () -> ()
    "tpu.region"() ({
      %run_scoped3A = tpu.sem_alloc : memref<!tpu.dma_semaphore, #tpu.memory_space<semaphore_mem>>
      %dma_start3A_529 = arith.constant 0 : i32
      %dma_start3A_530 = tpu.memref_slice %arg12[%add3A_472, %dma_start3A_529] : memref<32768x128xf32, #tpu.memory_space<hbm>> -> memref<128x128xf32, #tpu.memory_space<hbm>>
      %dma_start3A_531 = arith.constant 0 : i32
      %dma_start3A_532 = tpu.memref_slice %arg12[%add3A_472, %dma_start3A_531] : memref<32768x128xf32, #tpu.memory_space<hbm>> -> memref<128x128xf32, #tpu.memory_space<hbm>>
      tpu.enqueue_dma source(%arg18 : memref<128x128xf32, #tpu.memory_space<vmem>>) target(%dma_start3A_532 : memref<128x128xf32, #tpu.memory_space<hbm>>) target_semaphore(%run_scoped3A : memref<!tpu.dma_semaphore, #tpu.memory_space<semaphore_mem>>)
      %dma_wait3A_533 = arith.constant 0 : i32
      %dma_wait3A_534 = tpu.memref_slice %arg12[%add3A_472, %dma_wait3A_533] : memref<32768x128xf32, #tpu.memory_space<hbm>> -> memref<128x128xf32, #tpu.memory_space<hbm>>
      %dma_wait3A_535 = arith.constant 0 : i32
      %dma_wait3A_536 = tpu.memref_slice %arg12[%add3A_472, %dma_wait3A_535] : memref<32768x128xf32, #tpu.memory_space<hbm>> -> memref<128x128xf32, #tpu.memory_space<hbm>>
      tpu.wait_dma2 semaphore(%run_scoped3A : memref<!tpu.dma_semaphore, #tpu.memory_space<semaphore_mem>>) src(%arg18 : memref<128x128xf32, #tpu.memory_space<vmem>>) dst(%dma_wait3A_536 : memref<128x128xf32, #tpu.memory_space<hbm>>)
      tpu.yield
    }) : () -> ()
    %dma_start3A_473 = arith.constant 768 : i32
    %dma_start3A_474 = tpu.memref_slice %arg15[%dma_start3A_473] : memref<1024xi32, #tpu.memory_space<vmem>> -> memref<128xi32, #tpu.memory_space<vmem>>
    %dma_start3A_475 = arith.constant 0 : i32
    %dma_start3A_476 = arith.constant 0 : i32
    %dma_start3A_477 = tpu.memref_slice %arg5[%dma_start3A_475, %dma_start3A_476] : memref<8192x256xf32, #tpu.memory_space<hbm>> -> memref<8192x256xf32, #tpu.memory_space<hbm>>
    tpu.enqueue_indirect_dma source(%dma_start3A_477 : memref<8192x256xf32, #tpu.memory_space<hbm>>) target(%arg16 : memref<128x256xf32, #tpu.memory_space<vmem>>) offsets(%dma_start3A_474 : memref<128xi32, #tpu.memory_space<vmem>>) semaphore(%arg20 : memref<!tpu.dma_semaphore, #tpu.memory_space<semaphore_mem>>)
    %dma_start3A_478 = arith.constant 768 : i32
    %dma_start3A_479 = tpu.memref_slice %arg15[%dma_start3A_478] : memref<1024xi32, #tpu.memory_space<vmem>> -> memref<128xi32, #tpu.memory_space<vmem>>
    %dma_start3A_480 = arith.constant 0 : i32
    %dma_start3A_481 = arith.constant 0 : i32
    %dma_start3A_482 = tpu.memref_slice %arg6[%dma_start3A_480, %dma_start3A_481] : memref<8192x128xf32, #tpu.memory_space<hbm>> -> memref<8192x128xf32, #tpu.memory_space<hbm>>
    tpu.enqueue_indirect_dma source(%dma_start3A_482 : memref<8192x128xf32, #tpu.memory_space<hbm>>) target(%arg18 : memref<128x128xf32, #tpu.memory_space<vmem>>) offsets(%dma_start3A_479 : memref<128xi32, #tpu.memory_space<vmem>>) semaphore(%arg22 : memref<!tpu.dma_semaphore, #tpu.memory_space<semaphore_mem>>)
    %dma_wait3A_483 = arith.constant 640 : i32
    %dma_wait3A_484 = tpu.memref_slice %arg15[%dma_wait3A_483] : memref<1024xi32, #tpu.memory_space<vmem>> -> memref<128xi32, #tpu.memory_space<vmem>>
    %dma_wait3A_485 = arith.constant 0 : i32
    %dma_wait3A_486 = arith.constant 0 : i32
    %dma_wait3A_487 = tpu.memref_slice %arg5[%dma_wait3A_485, %dma_wait3A_486] : memref<8192x256xf32, #tpu.memory_space<hbm>> -> memref<8192x256xf32, #tpu.memory_space<hbm>>
    tpu.wait_indirect_dma semaphore(%arg21 : memref<!tpu.dma_semaphore, #tpu.memory_space<semaphore_mem>>) src(%dma_wait3A_487 : memref<8192x256xf32, #tpu.memory_space<hbm>>) dst(%arg17 : memref<128x256xf32, #tpu.memory_space<vmem>>)
    %dma_wait3A_488 = arith.constant 640 : i32
    %dma_wait3A_489 = tpu.memref_slice %arg15[%dma_wait3A_488] : memref<1024xi32, #tpu.memory_space<vmem>> -> memref<128xi32, #tpu.memory_space<vmem>>
    %dma_wait3A_490 = arith.constant 0 : i32
    %dma_wait3A_491 = arith.constant 0 : i32
    %dma_wait3A_492 = tpu.memref_slice %arg6[%dma_wait3A_490, %dma_wait3A_491] : memref<8192x128xf32, #tpu.memory_space<hbm>> -> memref<8192x128xf32, #tpu.memory_space<hbm>>
    tpu.wait_indirect_dma semaphore(%arg23 : memref<!tpu.dma_semaphore, #tpu.memory_space<semaphore_mem>>) src(%dma_wait3A_492 : memref<8192x128xf32, #tpu.memory_space<hbm>>) dst(%arg19 : memref<128x128xf32, #tpu.memory_space<vmem>>)
    %add3A_493 = arith.constant 640 : i32
    %add3A_494 = arith.addi %mul3A_2, %add3A_493 : i32
    "tpu.region"() ({
      %run_scoped3A = tpu.sem_alloc : memref<!tpu.dma_semaphore, #tpu.memory_space<semaphore_mem>>
      %dma_start3A_529 = arith.constant 0 : i32
      %dma_start3A_530 = tpu.memref_slice %arg9[%add3A_494, %dma_start3A_529] : memref<32768x256xf32, #tpu.memory_space<hbm>> -> memref<128x256xf32, #tpu.memory_space<hbm>>
      %dma_start3A_531 = arith.constant 0 : i32
      %dma_start3A_532 = tpu.memref_slice %arg9[%add3A_494, %dma_start3A_531] : memref<32768x256xf32, #tpu.memory_space<hbm>> -> memref<128x256xf32, #tpu.memory_space<hbm>>
      tpu.enqueue_dma source(%arg17 : memref<128x256xf32, #tpu.memory_space<vmem>>) target(%dma_start3A_532 : memref<128x256xf32, #tpu.memory_space<hbm>>) target_semaphore(%run_scoped3A : memref<!tpu.dma_semaphore, #tpu.memory_space<semaphore_mem>>)
      %dma_wait3A_533 = arith.constant 0 : i32
      %dma_wait3A_534 = tpu.memref_slice %arg9[%add3A_494, %dma_wait3A_533] : memref<32768x256xf32, #tpu.memory_space<hbm>> -> memref<128x256xf32, #tpu.memory_space<hbm>>
      %dma_wait3A_535 = arith.constant 0 : i32
      %dma_wait3A_536 = tpu.memref_slice %arg9[%add3A_494, %dma_wait3A_535] : memref<32768x256xf32, #tpu.memory_space<hbm>> -> memref<128x256xf32, #tpu.memory_space<hbm>>
      tpu.wait_dma2 semaphore(%run_scoped3A : memref<!tpu.dma_semaphore, #tpu.memory_space<semaphore_mem>>) src(%arg17 : memref<128x256xf32, #tpu.memory_space<vmem>>) dst(%dma_wait3A_536 : memref<128x256xf32, #tpu.memory_space<hbm>>)
      tpu.yield
    }) : () -> ()
    "tpu.region"() ({
      %run_scoped3A = tpu.sem_alloc : memref<!tpu.dma_semaphore, #tpu.memory_space<semaphore_mem>>
      %dma_start3A_529 = arith.constant 0 : i32
      %dma_start3A_530 = tpu.memref_slice %arg12[%add3A_494, %dma_start3A_529] : memref<32768x128xf32, #tpu.memory_space<hbm>> -> memref<128x128xf32, #tpu.memory_space<hbm>>
      %dma_start3A_531 = arith.constant 0 : i32
      %dma_start3A_532 = tpu.memref_slice %arg12[%add3A_494, %dma_start3A_531] : memref<32768x128xf32, #tpu.memory_space<hbm>> -> memref<128x128xf32, #tpu.memory_space<hbm>>
      tpu.enqueue_dma source(%arg19 : memref<128x128xf32, #tpu.memory_space<vmem>>) target(%dma_start3A_532 : memref<128x128xf32, #tpu.memory_space<hbm>>) target_semaphore(%run_scoped3A : memref<!tpu.dma_semaphore, #tpu.memory_space<semaphore_mem>>)
      %dma_wait3A_533 = arith.constant 0 : i32
      %dma_wait3A_534 = tpu.memref_slice %arg12[%add3A_494, %dma_wait3A_533] : memref<32768x128xf32, #tpu.memory_space<hbm>> -> memref<128x128xf32, #tpu.memory_space<hbm>>
      %dma_wait3A_535 = arith.constant 0 : i32
      %dma_wait3A_536 = tpu.memref_slice %arg12[%add3A_494, %dma_wait3A_535] : memref<32768x128xf32, #tpu.memory_space<hbm>> -> memref<128x128xf32, #tpu.memory_space<hbm>>
      tpu.wait_dma2 semaphore(%run_scoped3A : memref<!tpu.dma_semaphore, #tpu.memory_space<semaphore_mem>>) src(%arg19 : memref<128x128xf32, #tpu.memory_space<vmem>>) dst(%dma_wait3A_536 : memref<128x128xf32, #tpu.memory_space<hbm>>)
      tpu.yield
    }) : () -> ()
    %dma_start3A_495 = arith.constant 896 : i32
    %dma_start3A_496 = tpu.memref_slice %arg15[%dma_start3A_495] : memref<1024xi32, #tpu.memory_space<vmem>> -> memref<128xi32, #tpu.memory_space<vmem>>
    %dma_start3A_497 = arith.constant 0 : i32
    %dma_start3A_498 = arith.constant 0 : i32
    %dma_start3A_499 = tpu.memref_slice %arg5[%dma_start3A_497, %dma_start3A_498] : memref<8192x256xf32, #tpu.memory_space<hbm>> -> memref<8192x256xf32, #tpu.memory_space<hbm>>
    tpu.enqueue_indirect_dma source(%dma_start3A_499 : memref<8192x256xf32, #tpu.memory_space<hbm>>) target(%arg17 : memref<128x256xf32, #tpu.memory_space<vmem>>) offsets(%dma_start3A_496 : memref<128xi32, #tpu.memory_space<vmem>>) semaphore(%arg21 : memref<!tpu.dma_semaphore, #tpu.memory_space<semaphore_mem>>)
    %dma_start3A_500 = arith.constant 896 : i32
    %dma_start3A_501 = tpu.memref_slice %arg15[%dma_start3A_500] : memref<1024xi32, #tpu.memory_space<vmem>> -> memref<128xi32, #tpu.memory_space<vmem>>
    %dma_start3A_502 = arith.constant 0 : i32
    %dma_start3A_503 = arith.constant 0 : i32
    %dma_start3A_504 = tpu.memref_slice %arg6[%dma_start3A_502, %dma_start3A_503] : memref<8192x128xf32, #tpu.memory_space<hbm>> -> memref<8192x128xf32, #tpu.memory_space<hbm>>
    tpu.enqueue_indirect_dma source(%dma_start3A_504 : memref<8192x128xf32, #tpu.memory_space<hbm>>) target(%arg19 : memref<128x128xf32, #tpu.memory_space<vmem>>) offsets(%dma_start3A_501 : memref<128xi32, #tpu.memory_space<vmem>>) semaphore(%arg23 : memref<!tpu.dma_semaphore, #tpu.memory_space<semaphore_mem>>)
    %dma_wait3A_505 = arith.constant 768 : i32
    %dma_wait3A_506 = tpu.memref_slice %arg15[%dma_wait3A_505] : memref<1024xi32, #tpu.memory_space<vmem>> -> memref<128xi32, #tpu.memory_space<vmem>>
    %dma_wait3A_507 = arith.constant 0 : i32
    %dma_wait3A_508 = arith.constant 0 : i32
    %dma_wait3A_509 = tpu.memref_slice %arg5[%dma_wait3A_507, %dma_wait3A_508] : memref<8192x256xf32, #tpu.memory_space<hbm>> -> memref<8192x256xf32, #tpu.memory_space<hbm>>
    tpu.wait_indirect_dma semaphore(%arg20 : memref<!tpu.dma_semaphore, #tpu.memory_space<semaphore_mem>>) src(%dma_wait3A_509 : memref<8192x256xf32, #tpu.memory_space<hbm>>) dst(%arg16 : memref<128x256xf32, #tpu.memory_space<vmem>>)
    %dma_wait3A_510 = arith.constant 768 : i32
    %dma_wait3A_511 = tpu.memref_slice %arg15[%dma_wait3A_510] : memref<1024xi32, #tpu.memory_space<vmem>> -> memref<128xi32, #tpu.memory_space<vmem>>
    %dma_wait3A_512 = arith.constant 0 : i32
    %dma_wait3A_513 = arith.constant 0 : i32
    %dma_wait3A_514 = tpu.memref_slice %arg6[%dma_wait3A_512, %dma_wait3A_513] : memref<8192x128xf32, #tpu.memory_space<hbm>> -> memref<8192x128xf32, #tpu.memory_space<hbm>>
    tpu.wait_indirect_dma semaphore(%arg22 : memref<!tpu.dma_semaphore, #tpu.memory_space<semaphore_mem>>) src(%dma_wait3A_514 : memref<8192x128xf32, #tpu.memory_space<hbm>>) dst(%arg18 : memref<128x128xf32, #tpu.memory_space<vmem>>)
    %add3A_515 = arith.constant 768 : i32
    %add3A_516 = arith.addi %mul3A_2, %add3A_515 : i32
    "tpu.region"() ({
      %run_scoped3A = tpu.sem_alloc : memref<!tpu.dma_semaphore, #tpu.memory_space<semaphore_mem>>
      %dma_start3A_529 = arith.constant 0 : i32
      %dma_start3A_530 = tpu.memref_slice %arg9[%add3A_516, %dma_start3A_529] : memref<32768x256xf32, #tpu.memory_space<hbm>> -> memref<128x256xf32, #tpu.memory_space<hbm>>
      %dma_start3A_531 = arith.constant 0 : i32
      %dma_start3A_532 = tpu.memref_slice %arg9[%add3A_516, %dma_start3A_531] : memref<32768x256xf32, #tpu.memory_space<hbm>> -> memref<128x256xf32, #tpu.memory_space<hbm>>
      tpu.enqueue_dma source(%arg16 : memref<128x256xf32, #tpu.memory_space<vmem>>) target(%dma_start3A_532 : memref<128x256xf32, #tpu.memory_space<hbm>>) target_semaphore(%run_scoped3A : memref<!tpu.dma_semaphore, #tpu.memory_space<semaphore_mem>>)
      %dma_wait3A_533 = arith.constant 0 : i32
      %dma_wait3A_534 = tpu.memref_slice %arg9[%add3A_516, %dma_wait3A_533] : memref<32768x256xf32, #tpu.memory_space<hbm>> -> memref<128x256xf32, #tpu.memory_space<hbm>>
      %dma_wait3A_535 = arith.constant 0 : i32
      %dma_wait3A_536 = tpu.memref_slice %arg9[%add3A_516, %dma_wait3A_535] : memref<32768x256xf32, #tpu.memory_space<hbm>> -> memref<128x256xf32, #tpu.memory_space<hbm>>
      tpu.wait_dma2 semaphore(%run_scoped3A : memref<!tpu.dma_semaphore, #tpu.memory_space<semaphore_mem>>) src(%arg16 : memref<128x256xf32, #tpu.memory_space<vmem>>) dst(%dma_wait3A_536 : memref<128x256xf32, #tpu.memory_space<hbm>>)
      tpu.yield
    }) : () -> ()
    "tpu.region"() ({
      %run_scoped3A = tpu.sem_alloc : memref<!tpu.dma_semaphore, #tpu.memory_space<semaphore_mem>>
      %dma_start3A_529 = arith.constant 0 : i32
      %dma_start3A_530 = tpu.memref_slice %arg12[%add3A_516, %dma_start3A_529] : memref<32768x128xf32, #tpu.memory_space<hbm>> -> memref<128x128xf32, #tpu.memory_space<hbm>>
      %dma_start3A_531 = arith.constant 0 : i32
      %dma_start3A_532 = tpu.memref_slice %arg12[%add3A_516, %dma_start3A_531] : memref<32768x128xf32, #tpu.memory_space<hbm>> -> memref<128x128xf32, #tpu.memory_space<hbm>>
      tpu.enqueue_dma source(%arg18 : memref<128x128xf32, #tpu.memory_space<vmem>>) target(%dma_start3A_532 : memref<128x128xf32, #tpu.memory_space<hbm>>) target_semaphore(%run_scoped3A : memref<!tpu.dma_semaphore, #tpu.memory_space<semaphore_mem>>)
      %dma_wait3A_533 = arith.constant 0 : i32
      %dma_wait3A_534 = tpu.memref_slice %arg12[%add3A_516, %dma_wait3A_533] : memref<32768x128xf32, #tpu.memory_space<hbm>> -> memref<128x128xf32, #tpu.memory_space<hbm>>
      %dma_wait3A_535 = arith.constant 0 : i32
      %dma_wait3A_536 = tpu.memref_slice %arg12[%add3A_516, %dma_wait3A_535] : memref<32768x128xf32, #tpu.memory_space<hbm>> -> memref<128x128xf32, #tpu.memory_space<hbm>>
      tpu.wait_dma2 semaphore(%run_scoped3A : memref<!tpu.dma_semaphore, #tpu.memory_space<semaphore_mem>>) src(%arg18 : memref<128x128xf32, #tpu.memory_space<vmem>>) dst(%dma_wait3A_536 : memref<128x128xf32, #tpu.memory_space<hbm>>)
      tpu.yield
    }) : () -> ()
    %dma_wait3A_517 = arith.constant 896 : i32
    %dma_wait3A_518 = tpu.memref_slice %arg15[%dma_wait3A_517] : memref<1024xi32, #tpu.memory_space<vmem>> -> memref<128xi32, #tpu.memory_space<vmem>>
    %dma_wait3A_519 = arith.constant 0 : i32
    %dma_wait3A_520 = arith.constant 0 : i32
    %dma_wait3A_521 = tpu.memref_slice %arg5[%dma_wait3A_519, %dma_wait3A_520] : memref<8192x256xf32, #tpu.memory_space<hbm>> -> memref<8192x256xf32, #tpu.memory_space<hbm>>
    tpu.wait_indirect_dma semaphore(%arg21 : memref<!tpu.dma_semaphore, #tpu.memory_space<semaphore_mem>>) src(%dma_wait3A_521 : memref<8192x256xf32, #tpu.memory_space<hbm>>) dst(%arg17 : memref<128x256xf32, #tpu.memory_space<vmem>>)
    %dma_wait3A_522 = arith.constant 896 : i32
    %dma_wait3A_523 = tpu.memref_slice %arg15[%dma_wait3A_522] : memref<1024xi32, #tpu.memory_space<vmem>> -> memref<128xi32, #tpu.memory_space<vmem>>
    %dma_wait3A_524 = arith.constant 0 : i32
    %dma_wait3A_525 = arith.constant 0 : i32
    %dma_wait3A_526 = tpu.memref_slice %arg6[%dma_wait3A_524, %dma_wait3A_525] : memref<8192x128xf32, #tpu.memory_space<hbm>> -> memref<8192x128xf32, #tpu.memory_space<hbm>>
    tpu.wait_indirect_dma semaphore(%arg23 : memref<!tpu.dma_semaphore, #tpu.memory_space<semaphore_mem>>) src(%dma_wait3A_526 : memref<8192x128xf32, #tpu.memory_space<hbm>>) dst(%arg19 : memref<128x128xf32, #tpu.memory_space<vmem>>)
    %add3A_527 = arith.constant 896 : i32
    %add3A_528 = arith.addi %mul3A_2, %add3A_527 : i32
    "tpu.region"() ({
      %run_scoped3A = tpu.sem_alloc : memref<!tpu.dma_semaphore, #tpu.memory_space<semaphore_mem>>
      %dma_start3A_529 = arith.constant 0 : i32
      %dma_start3A_530 = tpu.memref_slice %arg9[%add3A_528, %dma_start3A_529] : memref<32768x256xf32, #tpu.memory_space<hbm>> -> memref<128x256xf32, #tpu.memory_space<hbm>>
      %dma_start3A_531 = arith.constant 0 : i32
      %dma_start3A_532 = tpu.memref_slice %arg9[%add3A_528, %dma_start3A_531] : memref<32768x256xf32, #tpu.memory_space<hbm>> -> memref<128x256xf32, #tpu.memory_space<hbm>>
      tpu.enqueue_dma source(%arg17 : memref<128x256xf32, #tpu.memory_space<vmem>>) target(%dma_start3A_532 : memref<128x256xf32, #tpu.memory_space<hbm>>) target_semaphore(%run_scoped3A : memref<!tpu.dma_semaphore, #tpu.memory_space<semaphore_mem>>)
      %dma_wait3A_533 = arith.constant 0 : i32
      %dma_wait3A_534 = tpu.memref_slice %arg9[%add3A_528, %dma_wait3A_533] : memref<32768x256xf32, #tpu.memory_space<hbm>> -> memref<128x256xf32, #tpu.memory_space<hbm>>
      %dma_wait3A_535 = arith.constant 0 : i32
      %dma_wait3A_536 = tpu.memref_slice %arg9[%add3A_528, %dma_wait3A_535] : memref<32768x256xf32, #tpu.memory_space<hbm>> -> memref<128x256xf32, #tpu.memory_space<hbm>>
      tpu.wait_dma2 semaphore(%run_scoped3A : memref<!tpu.dma_semaphore, #tpu.memory_space<semaphore_mem>>) src(%arg17 : memref<128x256xf32, #tpu.memory_space<vmem>>) dst(%dma_wait3A_536 : memref<128x256xf32, #tpu.memory_space<hbm>>)
      tpu.yield
    }) : () -> ()
    "tpu.region"() ({
      %run_scoped3A = tpu.sem_alloc : memref<!tpu.dma_semaphore, #tpu.memory_space<semaphore_mem>>
      %dma_start3A_529 = arith.constant 0 : i32
      %dma_start3A_530 = tpu.memref_slice %arg12[%add3A_528, %dma_start3A_529] : memref<32768x128xf32, #tpu.memory_space<hbm>> -> memref<128x128xf32, #tpu.memory_space<hbm>>
      %dma_start3A_531 = arith.constant 0 : i32
      %dma_start3A_532 = tpu.memref_slice %arg12[%add3A_528, %dma_start3A_531] : memref<32768x128xf32, #tpu.memory_space<hbm>> -> memref<128x128xf32, #tpu.memory_space<hbm>>
      tpu.enqueue_dma source(%arg19 : memref<128x128xf32, #tpu.memory_space<vmem>>) target(%dma_start3A_532 : memref<128x128xf32, #tpu.memory_space<hbm>>) target_semaphore(%run_scoped3A : memref<!tpu.dma_semaphore, #tpu.memory_space<semaphore_mem>>)
      %dma_wait3A_533 = arith.constant 0 : i32
      %dma_wait3A_534 = tpu.memref_slice %arg12[%add3A_528, %dma_wait3A_533] : memref<32768x128xf32, #tpu.memory_space<hbm>> -> memref<128x128xf32, #tpu.memory_space<hbm>>
      %dma_wait3A_535 = arith.constant 0 : i32
      %dma_wait3A_536 = tpu.memref_slice %arg12[%add3A_528, %dma_wait3A_535] : memref<32768x128xf32, #tpu.memory_space<hbm>> -> memref<128x128xf32, #tpu.memory_space<hbm>>
      tpu.wait_dma2 semaphore(%run_scoped3A : memref<!tpu.dma_semaphore, #tpu.memory_space<semaphore_mem>>) src(%arg19 : memref<128x128xf32, #tpu.memory_space<vmem>>) dst(%dma_wait3A_536 : memref<128x128xf32, #tpu.memory_space<hbm>>)
      tpu.yield
    }) : () -> ()
    return
  }
}

module attributes {stable_mosaic.version = 14 : i64} {
  func.func @_stage1_body(%arg0: i32, %arg1: i32, %arg2: memref<1x256x8xf32, #tpu.memory_space<vmem>>, %arg3: memref<1x8x2048xf32, #tpu.memory_space<vmem>>, %arg4: memref<1x256x1xi32, #tpu.memory_space<vmem>>, %arg5: memref<1x256x1xi32, #tpu.memory_space<vmem>>, %arg6: memref<1x256x1xi32, #tpu.memory_space<vmem>>) attributes {dimension_semantics = [#tpu.dimension_semantics<arbitrary>, #tpu.dimension_semantics<arbitrary>], iteration_bounds = array<i64: 4, 32>, scalar_prefetch = 0 : i64, scratch_operands = 0 : i64, tpu.core_type = #tpu.core_type<tc>, window_params = [{transform_indices = @transform_0, window_bounds = array<i64: 1, 256, 8>}, {transform_indices = @transform_1, window_bounds = array<i64: 1, 8, 2048>}, {transform_indices = @transform_2, window_bounds = array<i64: 1, 256, 1>}, {transform_indices = @transform_3, window_bounds = array<i64: 1, 256, 1>}, {transform_indices = @transform_4, window_bounds = array<i64: 1, 256, 1>}]} {
    %get3A = arith.constant 0 : index
    %get3A_0 = arith.constant 0 : index
    %get3A_1 = arith.constant 0 : index
    %get3A_2 = vector.load %arg2[%get3A, %get3A_0, %get3A_1] : memref<1x256x8xf32, #tpu.memory_space<vmem>>, vector<1x256x8xf32>
    %get3A_3 = vector.shape_cast %get3A_2 : vector<1x256x8xf32> to vector<256x8xf32>
    %get3A_4 = arith.constant 0 : index
    %get3A_5 = arith.constant 0 : index
    %get3A_6 = arith.constant 0 : index
    %get3A_7 = vector.load %arg3[%get3A_4, %get3A_5, %get3A_6] : memref<1x8x2048xf32, #tpu.memory_space<vmem>>, vector<1x8x2048xf32>
    %get3A_8 = vector.shape_cast %get3A_7 : vector<1x8x2048xf32> to vector<8x2048xf32>
    %dot_general3A = arith.constant dense<0.000000e+00> : vector<256x2048xf32>
    %dot_general3A_9 = tpu.matmul %get3A_3, %get3A_8, %dot_general3A {dimension_numbers = #tpu.dot_dimension_numbers<[1], [0], [0], [1], [0, 0, 1, 1], [], []>, transpose_lhs_hint = false} : vector<256x8xf32>, vector<8x2048xf32>, vector<256x2048xf32> -> vector<256x2048xf32>
    %mul3A = arith.mulf %get3A_3, %get3A_3 : vector<256x8xf32>
    %reduce_sum3A = arith.constant dense<0.000000e+00> : vector<256xf32>
    %reduce_sum3A_10 = vector.multi_reduction <add>, %mul3A, %reduce_sum3A [1] : vector<256x8xf32> to vector<256xf32>
    %broadcast_in_dim3A = vector.shape_cast %reduce_sum3A_10 : vector<256xf32> to vector<256x1xf32>
    %mul3A_11 = arith.mulf %get3A_8, %get3A_8 : vector<8x2048xf32>
    %reduce_sum3A_12 = arith.constant dense<0.000000e+00> : vector<2048xf32>
    %reduce_sum3A_13 = vector.multi_reduction <add>, %mul3A_11, %reduce_sum3A_12 [0] : vector<8x2048xf32> to vector<2048xf32>
    %broadcast_in_dim3A_14 = vector.shape_cast %reduce_sum3A_13 : vector<2048xf32> to vector<1x2048xf32>
    %mul3A_15 = arith.constant -2.000000e+00 : f32
    %mul3A_16 = vector.broadcast %mul3A_15 : f32 to vector<256x2048xf32>
    %mul3A_17 = arith.mulf %mul3A_16, %dot_general3A_9 : vector<256x2048xf32>
    %add3A = vector.broadcast %broadcast_in_dim3A : vector<256x1xf32> to vector<256x2048xf32>
    %add3A_18 = arith.addf %mul3A_17, %add3A : vector<256x2048xf32>
    %add3A_19 = vector.broadcast %broadcast_in_dim3A_14 : vector<1x2048xf32> to vector<256x2048xf32>
    %add3A_20 = arith.addf %add3A_18, %add3A_19 : vector<256x2048xf32>
    %max3A = arith.constant 9.99999974E-5 : f32
    %max3A_21 = vector.broadcast %max3A : f32 to vector<256x2048xf32>
    %max3A_22 = arith.maximumf %add3A_20, %max3A_21 : vector<256x2048xf32>
    %slice3A = vector.extract_strided_slice %max3A_22 {offsets = [0, 0], sizes = [256, 128], strides = [1, 1]} : vector<256x2048xf32> to vector<256x128xf32>
    %broadcast_in_dim3A_23 = arith.constant 0x7F800000 : f32
    %broadcast_in_dim3A_24 = vector.broadcast %broadcast_in_dim3A_23 : f32 to vector<256x128xf32>
    %slice3A_25 = vector.extract_strided_slice %max3A_22 {offsets = [0, 128], sizes = [256, 128], strides = [1, 1]} : vector<256x2048xf32> to vector<256x128xf32>
    %min3A = arith.minimumf %slice3A, %slice3A_25 : vector<256x128xf32>
    %max3A_26 = arith.maximumf %slice3A, %slice3A_25 : vector<256x128xf32>
    %min3A_27 = arith.minimumf %broadcast_in_dim3A_24, %max3A_26 : vector<256x128xf32>
    %max3A_28 = arith.maximumf %broadcast_in_dim3A_24, %max3A_26 : vector<256x128xf32>
    %min3A_29 = arith.minimumf %broadcast_in_dim3A_24, %max3A_28 : vector<256x128xf32>
    %slice3A_30 = vector.extract_strided_slice %max3A_22 {offsets = [0, 256], sizes = [256, 128], strides = [1, 1]} : vector<256x2048xf32> to vector<256x128xf32>
    %min3A_31 = arith.minimumf %min3A, %slice3A_30 : vector<256x128xf32>
    %max3A_32 = arith.maximumf %min3A, %slice3A_30 : vector<256x128xf32>
    %min3A_33 = arith.minimumf %min3A_27, %max3A_32 : vector<256x128xf32>
    %max3A_34 = arith.maximumf %min3A_27, %max3A_32 : vector<256x128xf32>
    %min3A_35 = arith.minimumf %min3A_29, %max3A_34 : vector<256x128xf32>
    %slice3A_36 = vector.extract_strided_slice %max3A_22 {offsets = [0, 384], sizes = [256, 128], strides = [1, 1]} : vector<256x2048xf32> to vector<256x128xf32>
    %min3A_37 = arith.minimumf %min3A_31, %slice3A_36 : vector<256x128xf32>
    %max3A_38 = arith.maximumf %min3A_31, %slice3A_36 : vector<256x128xf32>
    %min3A_39 = arith.minimumf %min3A_33, %max3A_38 : vector<256x128xf32>
    %max3A_40 = arith.maximumf %min3A_33, %max3A_38 : vector<256x128xf32>
    %min3A_41 = arith.minimumf %min3A_35, %max3A_40 : vector<256x128xf32>
    %slice3A_42 = vector.extract_strided_slice %max3A_22 {offsets = [0, 512], sizes = [256, 128], strides = [1, 1]} : vector<256x2048xf32> to vector<256x128xf32>
    %min3A_43 = arith.minimumf %min3A_37, %slice3A_42 : vector<256x128xf32>
    %max3A_44 = arith.maximumf %min3A_37, %slice3A_42 : vector<256x128xf32>
    %min3A_45 = arith.minimumf %min3A_39, %max3A_44 : vector<256x128xf32>
    %max3A_46 = arith.maximumf %min3A_39, %max3A_44 : vector<256x128xf32>
    %min3A_47 = arith.minimumf %min3A_41, %max3A_46 : vector<256x128xf32>
    %slice3A_48 = vector.extract_strided_slice %max3A_22 {offsets = [0, 640], sizes = [256, 128], strides = [1, 1]} : vector<256x2048xf32> to vector<256x128xf32>
    %min3A_49 = arith.minimumf %min3A_43, %slice3A_48 : vector<256x128xf32>
    %max3A_50 = arith.maximumf %min3A_43, %slice3A_48 : vector<256x128xf32>
    %min3A_51 = arith.minimumf %min3A_45, %max3A_50 : vector<256x128xf32>
    %max3A_52 = arith.maximumf %min3A_45, %max3A_50 : vector<256x128xf32>
    %min3A_53 = arith.minimumf %min3A_47, %max3A_52 : vector<256x128xf32>
    %slice3A_54 = vector.extract_strided_slice %max3A_22 {offsets = [0, 768], sizes = [256, 128], strides = [1, 1]} : vector<256x2048xf32> to vector<256x128xf32>
    %min3A_55 = arith.minimumf %min3A_49, %slice3A_54 : vector<256x128xf32>
    %max3A_56 = arith.maximumf %min3A_49, %slice3A_54 : vector<256x128xf32>
    %min3A_57 = arith.minimumf %min3A_51, %max3A_56 : vector<256x128xf32>
    %max3A_58 = arith.maximumf %min3A_51, %max3A_56 : vector<256x128xf32>
    %min3A_59 = arith.minimumf %min3A_53, %max3A_58 : vector<256x128xf32>
    %slice3A_60 = vector.extract_strided_slice %max3A_22 {offsets = [0, 896], sizes = [256, 128], strides = [1, 1]} : vector<256x2048xf32> to vector<256x128xf32>
    %min3A_61 = arith.minimumf %min3A_55, %slice3A_60 : vector<256x128xf32>
    %max3A_62 = arith.maximumf %min3A_55, %slice3A_60 : vector<256x128xf32>
    %min3A_63 = arith.minimumf %min3A_57, %max3A_62 : vector<256x128xf32>
    %max3A_64 = arith.maximumf %min3A_57, %max3A_62 : vector<256x128xf32>
    %min3A_65 = arith.minimumf %min3A_59, %max3A_64 : vector<256x128xf32>
    %slice3A_66 = vector.extract_strided_slice %max3A_22 {offsets = [0, 1024], sizes = [256, 128], strides = [1, 1]} : vector<256x2048xf32> to vector<256x128xf32>
    %min3A_67 = arith.minimumf %min3A_61, %slice3A_66 : vector<256x128xf32>
    %max3A_68 = arith.maximumf %min3A_61, %slice3A_66 : vector<256x128xf32>
    %min3A_69 = arith.minimumf %min3A_63, %max3A_68 : vector<256x128xf32>
    %max3A_70 = arith.maximumf %min3A_63, %max3A_68 : vector<256x128xf32>
    %min3A_71 = arith.minimumf %min3A_65, %max3A_70 : vector<256x128xf32>
    %slice3A_72 = vector.extract_strided_slice %max3A_22 {offsets = [0, 1152], sizes = [256, 128], strides = [1, 1]} : vector<256x2048xf32> to vector<256x128xf32>
    %min3A_73 = arith.minimumf %min3A_67, %slice3A_72 : vector<256x128xf32>
    %max3A_74 = arith.maximumf %min3A_67, %slice3A_72 : vector<256x128xf32>
    %min3A_75 = arith.minimumf %min3A_69, %max3A_74 : vector<256x128xf32>
    %max3A_76 = arith.maximumf %min3A_69, %max3A_74 : vector<256x128xf32>
    %min3A_77 = arith.minimumf %min3A_71, %max3A_76 : vector<256x128xf32>
    %slice3A_78 = vector.extract_strided_slice %max3A_22 {offsets = [0, 1280], sizes = [256, 128], strides = [1, 1]} : vector<256x2048xf32> to vector<256x128xf32>
    %min3A_79 = arith.minimumf %min3A_73, %slice3A_78 : vector<256x128xf32>
    %max3A_80 = arith.maximumf %min3A_73, %slice3A_78 : vector<256x128xf32>
    %min3A_81 = arith.minimumf %min3A_75, %max3A_80 : vector<256x128xf32>
    %max3A_82 = arith.maximumf %min3A_75, %max3A_80 : vector<256x128xf32>
    %min3A_83 = arith.minimumf %min3A_77, %max3A_82 : vector<256x128xf32>
    %slice3A_84 = vector.extract_strided_slice %max3A_22 {offsets = [0, 1408], sizes = [256, 128], strides = [1, 1]} : vector<256x2048xf32> to vector<256x128xf32>
    %min3A_85 = arith.minimumf %min3A_79, %slice3A_84 : vector<256x128xf32>
    %max3A_86 = arith.maximumf %min3A_79, %slice3A_84 : vector<256x128xf32>
    %min3A_87 = arith.minimumf %min3A_81, %max3A_86 : vector<256x128xf32>
    %max3A_88 = arith.maximumf %min3A_81, %max3A_86 : vector<256x128xf32>
    %min3A_89 = arith.minimumf %min3A_83, %max3A_88 : vector<256x128xf32>
    %slice3A_90 = vector.extract_strided_slice %max3A_22 {offsets = [0, 1536], sizes = [256, 128], strides = [1, 1]} : vector<256x2048xf32> to vector<256x128xf32>
    %min3A_91 = arith.minimumf %min3A_85, %slice3A_90 : vector<256x128xf32>
    %max3A_92 = arith.maximumf %min3A_85, %slice3A_90 : vector<256x128xf32>
    %min3A_93 = arith.minimumf %min3A_87, %max3A_92 : vector<256x128xf32>
    %max3A_94 = arith.maximumf %min3A_87, %max3A_92 : vector<256x128xf32>
    %min3A_95 = arith.minimumf %min3A_89, %max3A_94 : vector<256x128xf32>
    %slice3A_96 = vector.extract_strided_slice %max3A_22 {offsets = [0, 1664], sizes = [256, 128], strides = [1, 1]} : vector<256x2048xf32> to vector<256x128xf32>
    %min3A_97 = arith.minimumf %min3A_91, %slice3A_96 : vector<256x128xf32>
    %max3A_98 = arith.maximumf %min3A_91, %slice3A_96 : vector<256x128xf32>
    %min3A_99 = arith.minimumf %min3A_93, %max3A_98 : vector<256x128xf32>
    %max3A_100 = arith.maximumf %min3A_93, %max3A_98 : vector<256x128xf32>
    %min3A_101 = arith.minimumf %min3A_95, %max3A_100 : vector<256x128xf32>
    %slice3A_102 = vector.extract_strided_slice %max3A_22 {offsets = [0, 1792], sizes = [256, 128], strides = [1, 1]} : vector<256x2048xf32> to vector<256x128xf32>
    %min3A_103 = arith.minimumf %min3A_97, %slice3A_102 : vector<256x128xf32>
    %max3A_104 = arith.maximumf %min3A_97, %slice3A_102 : vector<256x128xf32>
    %min3A_105 = arith.minimumf %min3A_99, %max3A_104 : vector<256x128xf32>
    %max3A_106 = arith.maximumf %min3A_99, %max3A_104 : vector<256x128xf32>
    %min3A_107 = arith.minimumf %min3A_101, %max3A_106 : vector<256x128xf32>
    %slice3A_108 = vector.extract_strided_slice %max3A_22 {offsets = [0, 1920], sizes = [256, 128], strides = [1, 1]} : vector<256x2048xf32> to vector<256x128xf32>
    %min3A_109 = arith.minimumf %min3A_103, %slice3A_108 : vector<256x128xf32>
    %max3A_110 = arith.maximumf %min3A_103, %slice3A_108 : vector<256x128xf32>
    %min3A_111 = arith.minimumf %min3A_105, %max3A_110 : vector<256x128xf32>
    %max3A_112 = arith.maximumf %min3A_105, %max3A_110 : vector<256x128xf32>
    %min3A_113 = arith.minimumf %min3A_107, %max3A_112 : vector<256x128xf32>
    %roll3A = arith.constant 127 : i32
    %roll3A_114 = tpu.dynamic_rotate %min3A_109 by %roll3A dim 1 : vector<256x128xf32>, i32 -> vector<256x128xf32>
    %roll3A_115 = arith.constant 127 : i32
    %roll3A_116 = tpu.dynamic_rotate %min3A_111 by %roll3A_115 dim 1 : vector<256x128xf32>, i32 -> vector<256x128xf32>
    %roll3A_117 = arith.constant 127 : i32
    %roll3A_118 = tpu.dynamic_rotate %min3A_113 by %roll3A_117 dim 1 : vector<256x128xf32>, i32 -> vector<256x128xf32>
    %max3A_119 = arith.maximumf %min3A_109, %roll3A_114 : vector<256x128xf32>
    %min3A_120 = arith.minimumf %min3A_111, %roll3A_116 : vector<256x128xf32>
    %min3A_121 = arith.minimumf %min3A_109, %roll3A_114 : vector<256x128xf32>
    %min3A_122 = arith.minimumf %max3A_119, %min3A_120 : vector<256x128xf32>
    %max3A_123 = arith.maximumf %max3A_119, %min3A_120 : vector<256x128xf32>
    %min3A_124 = arith.minimumf %min3A_113, %roll3A_118 : vector<256x128xf32>
    %min3A_125 = arith.minimumf %max3A_123, %min3A_124 : vector<256x128xf32>
    %roll3A_126 = arith.constant 126 : i32
    %roll3A_127 = tpu.dynamic_rotate %min3A_121 by %roll3A_126 dim 1 : vector<256x128xf32>, i32 -> vector<256x128xf32>
    %roll3A_128 = arith.constant 126 : i32
    %roll3A_129 = tpu.dynamic_rotate %min3A_122 by %roll3A_128 dim 1 : vector<256x128xf32>, i32 -> vector<256x128xf32>
    %roll3A_130 = arith.constant 126 : i32
    %roll3A_131 = tpu.dynamic_rotate %min3A_125 by %roll3A_130 dim 1 : vector<256x128xf32>, i32 -> vector<256x128xf32>
    %max3A_132 = arith.maximumf %min3A_121, %roll3A_127 : vector<256x128xf32>
    %min3A_133 = arith.minimumf %min3A_122, %roll3A_129 : vector<256x128xf32>
    %min3A_134 = arith.minimumf %min3A_121, %roll3A_127 : vector<256x128xf32>
    %min3A_135 = arith.minimumf %max3A_132, %min3A_133 : vector<256x128xf32>
    %max3A_136 = arith.maximumf %max3A_132, %min3A_133 : vector<256x128xf32>
    %min3A_137 = arith.minimumf %min3A_125, %roll3A_131 : vector<256x128xf32>
    %min3A_138 = arith.minimumf %max3A_136, %min3A_137 : vector<256x128xf32>
    %roll3A_139 = arith.constant 124 : i32
    %roll3A_140 = tpu.dynamic_rotate %min3A_134 by %roll3A_139 dim 1 : vector<256x128xf32>, i32 -> vector<256x128xf32>
    %roll3A_141 = arith.constant 124 : i32
    %roll3A_142 = tpu.dynamic_rotate %min3A_135 by %roll3A_141 dim 1 : vector<256x128xf32>, i32 -> vector<256x128xf32>
    %roll3A_143 = arith.constant 124 : i32
    %roll3A_144 = tpu.dynamic_rotate %min3A_138 by %roll3A_143 dim 1 : vector<256x128xf32>, i32 -> vector<256x128xf32>
    %max3A_145 = arith.maximumf %min3A_134, %roll3A_140 : vector<256x128xf32>
    %min3A_146 = arith.minimumf %min3A_135, %roll3A_142 : vector<256x128xf32>
    %min3A_147 = arith.minimumf %min3A_134, %roll3A_140 : vector<256x128xf32>
    %min3A_148 = arith.minimumf %max3A_145, %min3A_146 : vector<256x128xf32>
    %max3A_149 = arith.maximumf %max3A_145, %min3A_146 : vector<256x128xf32>
    %min3A_150 = arith.minimumf %min3A_138, %roll3A_144 : vector<256x128xf32>
    %min3A_151 = arith.minimumf %max3A_149, %min3A_150 : vector<256x128xf32>
    %roll3A_152 = arith.constant 120 : i32
    %roll3A_153 = tpu.dynamic_rotate %min3A_147 by %roll3A_152 dim 1 : vector<256x128xf32>, i32 -> vector<256x128xf32>
    %roll3A_154 = arith.constant 120 : i32
    %roll3A_155 = tpu.dynamic_rotate %min3A_148 by %roll3A_154 dim 1 : vector<256x128xf32>, i32 -> vector<256x128xf32>
    %roll3A_156 = arith.constant 120 : i32
    %roll3A_157 = tpu.dynamic_rotate %min3A_151 by %roll3A_156 dim 1 : vector<256x128xf32>, i32 -> vector<256x128xf32>
    %max3A_158 = arith.maximumf %min3A_147, %roll3A_153 : vector<256x128xf32>
    %min3A_159 = arith.minimumf %min3A_148, %roll3A_155 : vector<256x128xf32>
    %min3A_160 = arith.minimumf %min3A_147, %roll3A_153 : vector<256x128xf32>
    %min3A_161 = arith.minimumf %max3A_158, %min3A_159 : vector<256x128xf32>
    %max3A_162 = arith.maximumf %max3A_158, %min3A_159 : vector<256x128xf32>
    %min3A_163 = arith.minimumf %min3A_151, %roll3A_157 : vector<256x128xf32>
    %min3A_164 = arith.minimumf %max3A_162, %min3A_163 : vector<256x128xf32>
    %roll3A_165 = arith.constant 112 : i32
    %roll3A_166 = tpu.dynamic_rotate %min3A_160 by %roll3A_165 dim 1 : vector<256x128xf32>, i32 -> vector<256x128xf32>
    %roll3A_167 = arith.constant 112 : i32
    %roll3A_168 = tpu.dynamic_rotate %min3A_161 by %roll3A_167 dim 1 : vector<256x128xf32>, i32 -> vector<256x128xf32>
    %roll3A_169 = arith.constant 112 : i32
    %roll3A_170 = tpu.dynamic_rotate %min3A_164 by %roll3A_169 dim 1 : vector<256x128xf32>, i32 -> vector<256x128xf32>
    %max3A_171 = arith.maximumf %min3A_160, %roll3A_166 : vector<256x128xf32>
    %min3A_172 = arith.minimumf %min3A_161, %roll3A_168 : vector<256x128xf32>
    %min3A_173 = arith.minimumf %min3A_160, %roll3A_166 : vector<256x128xf32>
    %min3A_174 = arith.minimumf %max3A_171, %min3A_172 : vector<256x128xf32>
    %max3A_175 = arith.maximumf %max3A_171, %min3A_172 : vector<256x128xf32>
    %min3A_176 = arith.minimumf %min3A_164, %roll3A_170 : vector<256x128xf32>
    %min3A_177 = arith.minimumf %max3A_175, %min3A_176 : vector<256x128xf32>
    %roll3A_178 = arith.constant 96 : i32
    %roll3A_179 = tpu.dynamic_rotate %min3A_173 by %roll3A_178 dim 1 : vector<256x128xf32>, i32 -> vector<256x128xf32>
    %roll3A_180 = arith.constant 96 : i32
    %roll3A_181 = tpu.dynamic_rotate %min3A_174 by %roll3A_180 dim 1 : vector<256x128xf32>, i32 -> vector<256x128xf32>
    %roll3A_182 = arith.constant 96 : i32
    %roll3A_183 = tpu.dynamic_rotate %min3A_177 by %roll3A_182 dim 1 : vector<256x128xf32>, i32 -> vector<256x128xf32>
    %max3A_184 = arith.maximumf %min3A_173, %roll3A_179 : vector<256x128xf32>
    %min3A_185 = arith.minimumf %min3A_174, %roll3A_181 : vector<256x128xf32>
    %min3A_186 = arith.minimumf %min3A_173, %roll3A_179 : vector<256x128xf32>
    %min3A_187 = arith.minimumf %max3A_184, %min3A_185 : vector<256x128xf32>
    %max3A_188 = arith.maximumf %max3A_184, %min3A_185 : vector<256x128xf32>
    %min3A_189 = arith.minimumf %min3A_177, %roll3A_183 : vector<256x128xf32>
    %min3A_190 = arith.minimumf %max3A_188, %min3A_189 : vector<256x128xf32>
    %roll3A_191 = arith.constant 64 : i32
    %roll3A_192 = tpu.dynamic_rotate %min3A_186 by %roll3A_191 dim 1 : vector<256x128xf32>, i32 -> vector<256x128xf32>
    %roll3A_193 = arith.constant 64 : i32
    %roll3A_194 = tpu.dynamic_rotate %min3A_187 by %roll3A_193 dim 1 : vector<256x128xf32>, i32 -> vector<256x128xf32>
    %roll3A_195 = arith.constant 64 : i32
    %roll3A_196 = tpu.dynamic_rotate %min3A_190 by %roll3A_195 dim 1 : vector<256x128xf32>, i32 -> vector<256x128xf32>
    %max3A_197 = arith.maximumf %min3A_186, %roll3A_192 : vector<256x128xf32>
    %min3A_198 = arith.minimumf %min3A_187, %roll3A_194 : vector<256x128xf32>
    %max3A_199 = arith.maximumf %max3A_197, %min3A_198 : vector<256x128xf32>
    %min3A_200 = arith.minimumf %min3A_190, %roll3A_196 : vector<256x128xf32>
    %min3A_201 = arith.minimumf %max3A_199, %min3A_200 : vector<256x128xf32>
    %slice3A_202 = vector.extract_strided_slice %min3A_201 {offsets = [0, 0], sizes = [256, 1], strides = [1, 1]} : vector<256x128xf32> to vector<256x1xf32>
    %iota3A = tpu.iota {dimensions = array<i32: 1>} : vector<256x2048xi32>
    %le3A = vector.broadcast %slice3A_202 : vector<256x1xf32> to vector<256x2048xf32>
    %le3A_203 = arith.cmpf ole, %max3A_22, %le3A : vector<256x2048xf32>
    %jit3A = arith.constant 2048 : i32
    %broadcast_in_dim3A_204 = vector.broadcast %jit3A : i32 to vector<256x2048xi32>
    %select_n3A = arith.select %le3A_203, %iota3A, %broadcast_in_dim3A_204 : vector<256x2048xi1>, vector<256x2048xi32>
    %jit3A_205 = arith.constant -1 : i32
    %broadcast_in_dim3A_206 = vector.broadcast %jit3A_205 : i32 to vector<256x2048xi32>
    %select_n3A_207 = arith.select %le3A_203, %iota3A, %broadcast_in_dim3A_206 : vector<256x2048xi1>, vector<256x2048xi32>
    %reduce_min3A = arith.constant dense<2147483647> : vector<256xi32>
    %reduce_min3A_208 = vector.multi_reduction <minsi>, %select_n3A, %reduce_min3A [1] : vector<256x2048xi32> to vector<256xi32>
    %broadcast_in_dim3A_209 = vector.shape_cast %reduce_min3A_208 : vector<256xi32> to vector<256x1xi32>
    %reduce_max3A = arith.constant dense<-2147483648> : vector<256xi32>
    %reduce_max3A_210 = vector.multi_reduction <maxsi>, %select_n3A_207, %reduce_max3A [1] : vector<256x2048xi32> to vector<256xi32>
    %broadcast_in_dim3A_211 = vector.shape_cast %reduce_max3A_210 : vector<256xi32> to vector<256x1xi32>
    %max3A_212 = arith.constant 0 : i32
    %max3A_213 = vector.broadcast %max3A_212 : i32 to vector<256x2048xi32>
    %max3A_214 = arith.maxsi %select_n3A_207, %max3A_213 : vector<256x2048xi32>
    %reduce_sum3A_215 = arith.constant dense<0> : vector<256xi32>
    %reduce_sum3A_216 = vector.multi_reduction <add>, %max3A_214, %reduce_sum3A_215 [1] : vector<256x2048xi32> to vector<256xi32>
    %broadcast_in_dim3A_217 = vector.shape_cast %reduce_sum3A_216 : vector<256xi32> to vector<256x1xi32>
    %sub3A = arith.subi %broadcast_in_dim3A_217, %broadcast_in_dim3A_209 : vector<256x1xi32>
    %sub3A_218 = arith.subi %sub3A, %broadcast_in_dim3A_211 : vector<256x1xi32>
    %jit3A_219 = arith.constant 0 : i32
    %jit3A_220 = arith.constant 2047 : i32
    %max3A_221 = vector.broadcast %jit3A_219 : i32 to vector<256x1xi32>
    %max3A_222 = arith.maxsi %max3A_221, %sub3A_218 : vector<256x1xi32>
    %min3A_223 = vector.broadcast %jit3A_220 : i32 to vector<256x1xi32>
    %min3A_224 = arith.minsi %min3A_223, %max3A_222 : vector<256x1xi32>
    %mul3A_225 = arith.constant 2048 : i32
    %mul3A_226 = arith.muli %arg0, %mul3A_225 : i32
    %add3A_227 = vector.broadcast %mul3A_226 : i32 to vector<256x1xi32>
    %add3A_228 = arith.addi %broadcast_in_dim3A_209, %add3A_227 : vector<256x1xi32>
    %swap3A = arith.constant 0 : index
    %swap3A_229 = arith.constant 0 : index
    %swap3A_230 = arith.constant 0 : index
    %swap3A_231 = vector.load %arg4[%swap3A, %swap3A_229, %swap3A_230] : memref<1x256x1xi32, #tpu.memory_space<vmem>>, vector<1x256x1xi32>
    %swap3A_232 = vector.shape_cast %swap3A_231 : vector<1x256x1xi32> to vector<256x1xi32>
    %swap3A_233 = vector.shape_cast %add3A_228 : vector<256x1xi32> to vector<1x256x1xi32>
    tpu.vector_store %arg4[%swap3A, %swap3A_229, %swap3A_230], %swap3A_233 {strides = array<i32>} : memref<1x256x1xi32, #tpu.memory_space<vmem>>, vector<1x256x1xi32>,
    %add3A_234 = vector.broadcast %mul3A_226 : i32 to vector<256x1xi32>
    %add3A_235 = arith.addi %min3A_224, %add3A_234 : vector<256x1xi32>
    %swap3A_236 = arith.constant 0 : index
    %swap3A_237 = arith.constant 0 : index
    %swap3A_238 = arith.constant 0 : index
    %swap3A_239 = vector.load %arg5[%swap3A_236, %swap3A_237, %swap3A_238] : memref<1x256x1xi32, #tpu.memory_space<vmem>>, vector<1x256x1xi32>
    %swap3A_240 = vector.shape_cast %swap3A_239 : vector<1x256x1xi32> to vector<256x1xi32>
    %swap3A_241 = vector.shape_cast %add3A_235 : vector<256x1xi32> to vector<1x256x1xi32>
    tpu.vector_store %arg5[%swap3A_236, %swap3A_237, %swap3A_238], %swap3A_241 {strides = array<i32>} : memref<1x256x1xi32, #tpu.memory_space<vmem>>, vector<1x256x1xi32>,
    %add3A_242 = vector.broadcast %mul3A_226 : i32 to vector<256x1xi32>
    %add3A_243 = arith.addi %broadcast_in_dim3A_211, %add3A_242 : vector<256x1xi32>
    %swap3A_244 = arith.constant 0 : index
    %swap3A_245 = arith.constant 0 : index
    %swap3A_246 = arith.constant 0 : index
    %swap3A_247 = vector.load %arg6[%swap3A_244, %swap3A_245, %swap3A_246] : memref<1x256x1xi32, #tpu.memory_space<vmem>>, vector<1x256x1xi32>
    %swap3A_248 = vector.shape_cast %swap3A_247 : vector<1x256x1xi32> to vector<256x1xi32>
    %swap3A_249 = vector.shape_cast %add3A_243 : vector<256x1xi32> to vector<1x256x1xi32>
    tpu.vector_store %arg6[%swap3A_244, %swap3A_245, %swap3A_246], %swap3A_249 {strides = array<i32>} : memref<1x256x1xi32, #tpu.memory_space<vmem>>, vector<1x256x1xi32>,
    return
  }
  func.func @transform_0(%arg0: i32, %arg1: i32) -> (i32, i32, i32) {
    %c0_i32 = arith.constant 0 : i32
    %c0_i32_0 = arith.constant 0 : i32
    return %arg0, %arg1, %c0_i32 : i32, i32, i32
  }
  func.func @transform_1(%arg0: i32, %arg1: i32) -> (i32, i32, i32) {
    %c0_i32 = arith.constant 0 : i32
    %c0_i32_0 = arith.constant 0 : i32
    %c0_i32_1 = arith.constant 0 : i32
    return %arg0, %c0_i32, %c0_i32_0 : i32, i32, i32
  }
  func.func @transform_2(%arg0: i32, %arg1: i32) -> (i32, i32, i32) {
    %c0_i32 = arith.constant 0 : i32
    %c0_i32_0 = arith.constant 0 : i32
    return %arg0, %arg1, %c0_i32 : i32, i32, i32
  }
  func.func @transform_3(%arg0: i32, %arg1: i32) -> (i32, i32, i32) {
    %c0_i32 = arith.constant 0 : i32
    %c0_i32_0 = arith.constant 0 : i32
    return %arg0, %arg1, %c0_i32 : i32, i32, i32
  }
  func.func @transform_4(%arg0: i32, %arg1: i32) -> (i32, i32, i32) {
    %c0_i32 = arith.constant 0 : i32
    %c0_i32_0 = arith.constant 0 : i32
    return %arg0, %arg1, %c0_i32 : i32, i32, i32
  }
}

module attributes {stable_mosaic.version = 14 : i64} {
  func.func @_stage2_body(%arg0: i32, %arg1: memref<512x128xf32, #tpu.memory_space<vmem>>, %arg2: memref<512x256xf32, #tpu.memory_space<vmem>>, %arg3: memref<512x256xf32, #tpu.memory_space<vmem>>, %arg4: memref<512x256xf32, #tpu.memory_space<vmem>>, %arg5: memref<512x256xf32, #tpu.memory_space<vmem>>, %arg6: memref<512x128xf32, #tpu.memory_space<vmem>>, %arg7: memref<512x128xf32, #tpu.memory_space<vmem>>, %arg8: memref<512x128xf32, #tpu.memory_space<vmem>>, %arg9: memref<256x256xf32, #tpu.memory_space<vmem>>, %arg10: memref<256x256xf32, #tpu.memory_space<vmem>>, %arg11: memref<1x256xf32, #tpu.memory_space<vmem>>, %arg12: memref<512x256xf32, #tpu.memory_space<vmem>>, %arg13: memref<8x256xf32, #tpu.memory_space<vmem>>) attributes {dimension_semantics = [#tpu.dimension_semantics<arbitrary>], iteration_bounds = array<i64: 64>, scalar_prefetch = 0 : i64, scratch_operands = 0 : i64, tpu.core_type = #tpu.core_type<tc>, window_params = [{transform_indices = @transform_0, window_bounds = array<i64: 512, 128>}, {transform_indices = @transform_1, window_bounds = array<i64: 512, 256>}, {transform_indices = @transform_2, window_bounds = array<i64: 512, 256>}, {transform_indices = @transform_3, window_bounds = array<i64: 512, 256>}, {transform_indices = @transform_4, window_bounds = array<i64: 512, 256>}, {transform_indices = @transform_5, window_bounds = array<i64: 512, 128>}, {transform_indices = @transform_6, window_bounds = array<i64: 512, 128>}, {transform_indices = @transform_7, window_bounds = array<i64: 512, 128>}, {pipeline_mode = #tpu.pipeline_mode<synchronous>, transform_indices = @transform_8, window_bounds = array<i64: 256, 256>}, {pipeline_mode = #tpu.pipeline_mode<synchronous>, transform_indices = @transform_9, window_bounds = array<i64: 256, 256>}, {pipeline_mode = #tpu.pipeline_mode<synchronous>, transform_indices = @transform_10, window_bounds = array<i64: 1, 256>}, {transform_indices = @transform_11, window_bounds = array<i64: 512, 256>}, {pipeline_mode = #tpu.pipeline_mode<synchronous>, transform_indices = @transform_12, window_bounds = array<i64: 8, 256>}]} {
    %get3A = arith.constant 0 : index
    %get3A_0 = arith.constant 0 : index
    %get3A_1 = vector.load %arg1[%get3A, %get3A_0] : memref<512x128xf32, #tpu.memory_space<vmem>>, vector<512x128xf32>
    %convert_element_type3A = arith.truncf %get3A_1 : vector<512x128xf32> to vector<512x128xbf16>
    %convert_element_type3A_2 = arith.extf %convert_element_type3A : vector<512x128xbf16> to vector<512x128xf32>
    %mul3A = arith.mulf %get3A_1, %get3A_1 : vector<512x128xf32>
    %reduce_sum3A = arith.constant dense<0.000000e+00> : vector<512xf32>
    %reduce_sum3A_3 = vector.multi_reduction <add>, %mul3A, %reduce_sum3A [1] : vector<512x128xf32> to vector<512xf32>
    %broadcast_in_dim3A = vector.shape_cast %reduce_sum3A_3 : vector<512xf32> to vector<512x1xf32>
    %get3A_4 = arith.constant 0 : index
    %get3A_5 = arith.constant 0 : index
    %get3A_6 = vector.load %arg6[%get3A_4, %get3A_5] : memref<512x128xf32, #tpu.memory_space<vmem>>, vector<512x128xf32>
    %convert_element_type3A_7 = arith.truncf %get3A_6 : vector<512x128xf32> to vector<512x128xbf16>
    %convert_element_type3A_8 = arith.extf %convert_element_type3A_7 : vector<512x128xbf16> to vector<512x128xf32>
    %mul3A_9 = arith.mulf %convert_element_type3A_2, %convert_element_type3A_8 : vector<512x128xf32>
    %reduce_sum3A_10 = arith.constant dense<0.000000e+00> : vector<512xf32>
    %reduce_sum3A_11 = vector.multi_reduction <add>, %mul3A_9, %reduce_sum3A_10 [1] : vector<512x128xf32> to vector<512xf32>
    %broadcast_in_dim3A_12 = vector.shape_cast %reduce_sum3A_11 : vector<512xf32> to vector<512x1xf32>
    %mul3A_13 = arith.mulf %get3A_6, %get3A_6 : vector<512x128xf32>
    %reduce_sum3A_14 = arith.constant dense<0.000000e+00> : vector<512xf32>
    %reduce_sum3A_15 = vector.multi_reduction <add>, %mul3A_13, %reduce_sum3A_14 [1] : vector<512x128xf32> to vector<512xf32>
    %broadcast_in_dim3A_16 = vector.shape_cast %reduce_sum3A_15 : vector<512xf32> to vector<512x1xf32>
    %mul3A_17 = arith.constant -2.000000e+00 : f32
    %mul3A_18 = vector.broadcast %mul3A_17 : f32 to vector<512x1xf32>
    %mul3A_19 = arith.mulf %mul3A_18, %broadcast_in_dim3A_12 : vector<512x1xf32>
    %add3A = arith.addf %mul3A_19, %broadcast_in_dim3A : vector<512x1xf32>
    %add3A_20 = arith.addf %add3A, %broadcast_in_dim3A_16 : vector<512x1xf32>
    %max3A = arith.constant 9.99999974E-5 : f32
    %max3A_21 = vector.broadcast %max3A : f32 to vector<512x1xf32>
    %max3A_22 = arith.maximumf %add3A_20, %max3A_21 : vector<512x1xf32>
    %get3A_23 = arith.constant 0 : index
    %get3A_24 = arith.constant 0 : index
    %get3A_25 = vector.load %arg7[%get3A_23, %get3A_24] : memref<512x128xf32, #tpu.memory_space<vmem>>, vector<512x128xf32>
    %convert_element_type3A_26 = arith.truncf %get3A_25 : vector<512x128xf32> to vector<512x128xbf16>
    %convert_element_type3A_27 = arith.extf %convert_element_type3A_26 : vector<512x128xbf16> to vector<512x128xf32>
    %mul3A_28 = arith.mulf %convert_element_type3A_2, %convert_element_type3A_27 : vector<512x128xf32>
    %reduce_sum3A_29 = arith.constant dense<0.000000e+00> : vector<512xf32>
    %reduce_sum3A_30 = vector.multi_reduction <add>, %mul3A_28, %reduce_sum3A_29 [1] : vector<512x128xf32> to vector<512xf32>
    %broadcast_in_dim3A_31 = vector.shape_cast %reduce_sum3A_30 : vector<512xf32> to vector<512x1xf32>
    %mul3A_32 = arith.mulf %get3A_25, %get3A_25 : vector<512x128xf32>
    %reduce_sum3A_33 = arith.constant dense<0.000000e+00> : vector<512xf32>
    %reduce_sum3A_34 = vector.multi_reduction <add>, %mul3A_32, %reduce_sum3A_33 [1] : vector<512x128xf32> to vector<512xf32>
    %broadcast_in_dim3A_35 = vector.shape_cast %reduce_sum3A_34 : vector<512xf32> to vector<512x1xf32>
    %mul3A_36 = arith.constant -2.000000e+00 : f32
    %mul3A_37 = vector.broadcast %mul3A_36 : f32 to vector<512x1xf32>
    %mul3A_38 = arith.mulf %mul3A_37, %broadcast_in_dim3A_31 : vector<512x1xf32>
    %add3A_39 = arith.addf %mul3A_38, %broadcast_in_dim3A : vector<512x1xf32>
    %add3A_40 = arith.addf %add3A_39, %broadcast_in_dim3A_35 : vector<512x1xf32>
    %max3A_41 = arith.constant 9.99999974E-5 : f32
    %max3A_42 = vector.broadcast %max3A_41 : f32 to vector<512x1xf32>
    %max3A_43 = arith.maximumf %add3A_40, %max3A_42 : vector<512x1xf32>
    %get3A_44 = arith.constant 0 : index
    %get3A_45 = arith.constant 0 : index
    %get3A_46 = vector.load %arg8[%get3A_44, %get3A_45] : memref<512x128xf32, #tpu.memory_space<vmem>>, vector<512x128xf32>
    %convert_element_type3A_47 = arith.truncf %get3A_46 : vector<512x128xf32> to vector<512x128xbf16>
    %convert_element_type3A_48 = arith.extf %convert_element_type3A_47 : vector<512x128xbf16> to vector<512x128xf32>
    %mul3A_49 = arith.mulf %convert_element_type3A_2, %convert_element_type3A_48 : vector<512x128xf32>
    %reduce_sum3A_50 = arith.constant dense<0.000000e+00> : vector<512xf32>
    %reduce_sum3A_51 = vector.multi_reduction <add>, %mul3A_49, %reduce_sum3A_50 [1] : vector<512x128xf32> to vector<512xf32>
    %broadcast_in_dim3A_52 = vector.shape_cast %reduce_sum3A_51 : vector<512xf32> to vector<512x1xf32>
    %mul3A_53 = arith.mulf %get3A_46, %get3A_46 : vector<512x128xf32>
    %reduce_sum3A_54 = arith.constant dense<0.000000e+00> : vector<512xf32>
    %reduce_sum3A_55 = vector.multi_reduction <add>, %mul3A_53, %reduce_sum3A_54 [1] : vector<512x128xf32> to vector<512xf32>
    %broadcast_in_dim3A_56 = vector.shape_cast %reduce_sum3A_55 : vector<512xf32> to vector<512x1xf32>
    %mul3A_57 = arith.constant -2.000000e+00 : f32
    %mul3A_58 = vector.broadcast %mul3A_57 : f32 to vector<512x1xf32>
    %mul3A_59 = arith.mulf %mul3A_58, %broadcast_in_dim3A_52 : vector<512x1xf32>
    %add3A_60 = arith.addf %mul3A_59, %broadcast_in_dim3A : vector<512x1xf32>
    %add3A_61 = arith.addf %add3A_60, %broadcast_in_dim3A_56 : vector<512x1xf32>
    %max3A_62 = arith.constant 9.99999974E-5 : f32
    %max3A_63 = vector.broadcast %max3A_62 : f32 to vector<512x1xf32>
    %max3A_64 = arith.maximumf %add3A_61, %max3A_63 : vector<512x1xf32>
    %add3A_65 = arith.constant 9.99999974E-5 : f32
    %add3A_66 = vector.broadcast %add3A_65 : f32 to vector<512x1xf32>
    %add3A_67 = arith.addf %max3A_22, %add3A_66 : vector<512x1xf32>
    %div3A = arith.constant 1.000000e+00 : f32
    %div3A_68 = vector.broadcast %div3A : f32 to vector<512x1xf32>
    %div3A_69 = arith.divf %div3A_68, %add3A_67 : vector<512x1xf32>
    %add3A_70 = arith.constant 9.99999974E-5 : f32
    %add3A_71 = vector.broadcast %add3A_70 : f32 to vector<512x1xf32>
    %add3A_72 = arith.addf %max3A_43, %add3A_71 : vector<512x1xf32>
    %div3A_73 = arith.constant 1.000000e+00 : f32
    %div3A_74 = vector.broadcast %div3A_73 : f32 to vector<512x1xf32>
    %div3A_75 = arith.divf %div3A_74, %add3A_72 : vector<512x1xf32>
    %add3A_76 = arith.constant 9.99999974E-5 : f32
    %add3A_77 = vector.broadcast %add3A_76 : f32 to vector<512x1xf32>
    %add3A_78 = arith.addf %max3A_64, %add3A_77 : vector<512x1xf32>
    %div3A_79 = arith.constant 1.000000e+00 : f32
    %div3A_80 = vector.broadcast %div3A_79 : f32 to vector<512x1xf32>
    %div3A_81 = arith.divf %div3A_80, %add3A_78 : vector<512x1xf32>
    %add3A_82 = arith.addf %div3A_69, %div3A_75 : vector<512x1xf32>
    %add3A_83 = arith.addf %add3A_82, %div3A_81 : vector<512x1xf32>
    %add3A_84 = arith.constant 9.99999974E-5 : f32
    %add3A_85 = vector.broadcast %add3A_84 : f32 to vector<512x1xf32>
    %add3A_86 = arith.addf %add3A_83, %add3A_85 : vector<512x1xf32>
    %div3A_87 = arith.constant 1.000000e+00 : f32
    %div3A_88 = vector.broadcast %div3A_87 : f32 to vector<512x1xf32>
    %div3A_89 = arith.divf %div3A_88, %add3A_86 : vector<512x1xf32>
    %get3A_90 = arith.constant 0 : index
    %get3A_91 = arith.constant 0 : index
    %get3A_92 = vector.load %arg3[%get3A_90, %get3A_91] : memref<512x256xf32, #tpu.memory_space<vmem>>, vector<512x256xf32>
    %mul3A_93 = arith.mulf %div3A_69, %div3A_89 : vector<512x1xf32>
    %mul3A_94 = vector.broadcast %mul3A_93 : vector<512x1xf32> to vector<512x256xf32>
    %mul3A_95 = arith.mulf %get3A_92, %mul3A_94 : vector<512x256xf32>
    %get3A_96 = arith.constant 0 : index
    %get3A_97 = arith.constant 0 : index
    %get3A_98 = vector.load %arg4[%get3A_96, %get3A_97] : memref<512x256xf32, #tpu.memory_space<vmem>>, vector<512x256xf32>
    %mul3A_99 = arith.mulf %div3A_75, %div3A_89 : vector<512x1xf32>
    %mul3A_100 = vector.broadcast %mul3A_99 : vector<512x1xf32> to vector<512x256xf32>
    %mul3A_101 = arith.mulf %get3A_98, %mul3A_100 : vector<512x256xf32>
    %add3A_102 = arith.addf %mul3A_95, %mul3A_101 : vector<512x256xf32>
    %get3A_103 = arith.constant 0 : index
    %get3A_104 = arith.constant 0 : index
    %get3A_105 = vector.load %arg5[%get3A_103, %get3A_104] : memref<512x256xf32, #tpu.memory_space<vmem>>, vector<512x256xf32>
    %mul3A_106 = arith.mulf %div3A_81, %div3A_89 : vector<512x1xf32>
    %mul3A_107 = vector.broadcast %mul3A_106 : vector<512x1xf32> to vector<512x256xf32>
    %mul3A_108 = arith.mulf %get3A_105, %mul3A_107 : vector<512x256xf32>
    %add3A_109 = arith.addf %add3A_102, %mul3A_108 : vector<512x256xf32>
    %get3A_110 = arith.constant 0 : index
    %get3A_111 = arith.constant 0 : index
    %get3A_112 = vector.load %arg2[%get3A_110, %get3A_111] : memref<512x256xf32, #tpu.memory_space<vmem>>, vector<512x256xf32>
    %get3A_113 = arith.constant 0 : index
    %get3A_114 = arith.constant 0 : index
    %get3A_115 = vector.load %arg9[%get3A_113, %get3A_114] : memref<256x256xf32, #tpu.memory_space<vmem>>, vector<256x256xf32>
    %dot_general3A = arith.constant dense<0.000000e+00> : vector<512x256xf32>
    %dot_general3A_116 = tpu.matmul %get3A_112, %get3A_115, %dot_general3A {dimension_numbers = #tpu.dot_dimension_numbers<[1], [0], [0], [1], [0, 0, 1, 1], [], []>, transpose_lhs_hint = false} : vector<512x256xf32>, vector<256x256xf32>, vector<512x256xf32> -> vector<512x256xf32>
    %get3A_117 = arith.constant 0 : index
    %get3A_118 = arith.constant 0 : index
    %get3A_119 = vector.load %arg10[%get3A_117, %get3A_118] : memref<256x256xf32, #tpu.memory_space<vmem>>, vector<256x256xf32>
    %dot_general3A_120 = arith.constant dense<0.000000e+00> : vector<512x256xf32>
    %dot_general3A_121 = tpu.matmul %add3A_109, %get3A_119, %dot_general3A_120 {dimension_numbers = #tpu.dot_dimension_numbers<[1], [0], [0], [1], [0, 0, 1, 1], [], []>, transpose_lhs_hint = false} : vector<512x256xf32>, vector<256x256xf32>, vector<512x256xf32> -> vector<512x256xf32>
    %add3A_122 = arith.addf %dot_general3A_116, %dot_general3A_121 : vector<512x256xf32>
    %get3A_123 = arith.constant 0 : index
    %get3A_124 = arith.constant 0 : index
    %get3A_125 = vector.load %arg11[%get3A_123, %get3A_124] : memref<1x256xf32, #tpu.memory_space<vmem>>, vector<1x256xf32>
    %add3A_126 = vector.broadcast %get3A_125 : vector<1x256xf32> to vector<512x256xf32>
    %add3A_127 = arith.addf %add3A_122, %add3A_126 : vector<512x256xf32>
    %swap3A = arith.constant 0 : index
    %swap3A_128 = arith.constant 0 : index
    %swap3A_129 = vector.load %arg12[%swap3A, %swap3A_128] : memref<512x256xf32, #tpu.memory_space<vmem>>, vector<512x256xf32>
    tpu.vector_store %arg12[%swap3A, %swap3A_128], %add3A_127 {strides = array<i32>} : memref<512x256xf32, #tpu.memory_space<vmem>>, vector<512x256xf32>,
    %eq3A = arith.constant 0 : i32
    %eq3A_130 = arith.cmpi eq, %arg0, %eq3A : i32
    %convert_element_type3A_131 = arith.extui %eq3A_130 : i1 to i32
    %cond3A = arith.constant 0 : i32
    %cond3A_132 = arith.cmpi ne, %convert_element_type3A_131, %cond3A : i32
    scf.if %cond3A_132 {
      %broadcast_in_dim3A_154 = arith.constant 0.000000e+00 : f32
      %broadcast_in_dim3A_155 = vector.broadcast %broadcast_in_dim3A_154 : f32 to vector<8x256xf32>
      %swap3A_156 = arith.constant 0 : index
      %swap3A_157 = arith.constant 0 : index
      %swap3A_158 = vector.load %arg13[%swap3A_156, %swap3A_157] : memref<8x256xf32, #tpu.memory_space<vmem>>, vector<8x256xf32>
      tpu.vector_store %arg13[%swap3A_156, %swap3A_157], %broadcast_in_dim3A_155 {strides = array<i32>} : memref<8x256xf32, #tpu.memory_space<vmem>>, vector<8x256xf32>,
    } else {
    }
    %get3A_133 = arith.constant 0 : index
    %get3A_134 = arith.constant 0 : index
    %get3A_135 = vector.load %arg13[%get3A_133, %get3A_134] : memref<8x256xf32, #tpu.memory_space<vmem>>, vector<1x256xf32>
    %reduce_sum3A_136 = arith.constant dense<0.000000e+00> : vector<256xf32>
    %reduce_sum3A_137 = vector.multi_reduction <add>, %add3A_127, %reduce_sum3A_136 [0] : vector<512x256xf32> to vector<256xf32>
    %broadcast_in_dim3A_138 = vector.shape_cast %reduce_sum3A_137 : vector<256xf32> to vector<1x256xf32>
    %add3A_139 = arith.addf %get3A_135, %broadcast_in_dim3A_138 : vector<1x256xf32>
    %swap3A_140 = arith.constant 0 : index
    %swap3A_141 = arith.constant 0 : index
    %swap3A_142 = vector.load %arg13[%swap3A_140, %swap3A_141] : memref<8x256xf32, #tpu.memory_space<vmem>>, vector<1x256xf32>
    tpu.vector_store %arg13[%swap3A_140, %swap3A_141], %add3A_139 {strides = array<i32>} : memref<8x256xf32, #tpu.memory_space<vmem>>, vector<1x256xf32>,
    %get3A_143 = arith.constant 1 : index
    %get3A_144 = arith.constant 0 : index
    %get3A_145 = vector.load %arg13[%get3A_143, %get3A_144] : memref<8x256xf32, #tpu.memory_space<vmem>>, vector<1x256xf32>
    %mul3A_146 = arith.mulf %add3A_127, %add3A_127 : vector<512x256xf32>
    %reduce_sum3A_147 = arith.constant dense<0.000000e+00> : vector<256xf32>
    %reduce_sum3A_148 = vector.multi_reduction <add>, %mul3A_146, %reduce_sum3A_147 [0] : vector<512x256xf32> to vector<256xf32>
    %broadcast_in_dim3A_149 = vector.shape_cast %reduce_sum3A_148 : vector<256xf32> to vector<1x256xf32>
    %add3A_150 = arith.addf %get3A_145, %broadcast_in_dim3A_149 : vector<1x256xf32>
    %swap3A_151 = arith.constant 1 : index
    %swap3A_152 = arith.constant 0 : index
    %swap3A_153 = vector.load %arg13[%swap3A_151, %swap3A_152] : memref<8x256xf32, #tpu.memory_space<vmem>>, vector<1x256xf32>
    tpu.vector_store %arg13[%swap3A_151, %swap3A_152], %add3A_150 {strides = array<i32>} : memref<8x256xf32, #tpu.memory_space<vmem>>, vector<1x256xf32>,
    return
  }
  func.func @transform_0(%arg0: i32) -> (i32, i32) {
    %c0_i32 = arith.constant 0 : i32
    %c0_i32_0 = arith.constant 0 : i32
    return %arg0, %c0_i32 : i32, i32
  }
  func.func @transform_1(%arg0: i32) -> (i32, i32) {
    %c0_i32 = arith.constant 0 : i32
    %c0_i32_0 = arith.constant 0 : i32
    return %arg0, %c0_i32 : i32, i32
  }
  func.func @transform_2(%arg0: i32) -> (i32, i32) {
    %c0_i32 = arith.constant 0 : i32
    %c0_i32_0 = arith.constant 0 : i32
    return %arg0, %c0_i32 : i32, i32
  }
  func.func @transform_3(%arg0: i32) -> (i32, i32) {
    %c0_i32 = arith.constant 0 : i32
    %c0_i32_0 = arith.constant 0 : i32
    return %arg0, %c0_i32 : i32, i32
  }
  func.func @transform_4(%arg0: i32) -> (i32, i32) {
    %c0_i32 = arith.constant 0 : i32
    %c0_i32_0 = arith.constant 0 : i32
    return %arg0, %c0_i32 : i32, i32
  }
  func.func @transform_5(%arg0: i32) -> (i32, i32) {
    %c0_i32 = arith.constant 0 : i32
    %c0_i32_0 = arith.constant 0 : i32
    return %arg0, %c0_i32 : i32, i32
  }
  func.func @transform_6(%arg0: i32) -> (i32, i32) {
    %c0_i32 = arith.constant 0 : i32
    %c0_i32_0 = arith.constant 0 : i32
    return %arg0, %c0_i32 : i32, i32
  }
  func.func @transform_7(%arg0: i32) -> (i32, i32) {
    %c0_i32 = arith.constant 0 : i32
    %c0_i32_0 = arith.constant 0 : i32
    return %arg0, %c0_i32 : i32, i32
  }
  func.func @transform_8(%arg0: i32) -> (i32, i32) {
    %c0_i32 = arith.constant 0 : i32
    %c0_i32_0 = arith.constant 0 : i32
    %c0_i32_1 = arith.constant 0 : i32
    return %c0_i32, %c0_i32_0 : i32, i32
  }
  func.func @transform_9(%arg0: i32) -> (i32, i32) {
    %c0_i32 = arith.constant 0 : i32
    %c0_i32_0 = arith.constant 0 : i32
    %c0_i32_1 = arith.constant 0 : i32
    return %c0_i32, %c0_i32_0 : i32, i32
  }
  func.func @transform_10(%arg0: i32) -> (i32, i32) {
    %c0_i32 = arith.constant 0 : i32
    %c0_i32_0 = arith.constant 0 : i32
    %c0_i32_1 = arith.constant 0 : i32
    return %c0_i32, %c0_i32_0 : i32, i32
  }
  func.func @transform_11(%arg0: i32) -> (i32, i32) {
    %c0_i32 = arith.constant 0 : i32
    %c0_i32_0 = arith.constant 0 : i32
    return %arg0, %c0_i32 : i32, i32
  }
  func.func @transform_12(%arg0: i32) -> (i32, i32) {
    %c0_i32 = arith.constant 0 : i32
    %c0_i32_0 = arith.constant 0 : i32
    %c0_i32_1 = arith.constant 0 : i32
    return %c0_i32, %c0_i32_0 : i32, i32
  }
}

module attributes {stable_mosaic.version = 14 : i64} {
  func.func @_stage4_body(%arg0: i32, %arg1: memref<512x256xf32, #tpu.memory_space<vmem>>, %arg2: memref<1x256xf32, #tpu.memory_space<vmem>>, %arg3: memref<1x256xf32, #tpu.memory_space<vmem>>, %arg4: memref<512x256xf32, #tpu.memory_space<vmem>>) attributes {dimension_semantics = [#tpu.dimension_semantics<arbitrary>], iteration_bounds = array<i64: 64>, scalar_prefetch = 0 : i64, scratch_operands = 0 : i64, tpu.core_type = #tpu.core_type<tc>, window_params = [{transform_indices = @transform_0, window_bounds = array<i64: 512, 256>}, {pipeline_mode = #tpu.pipeline_mode<synchronous>, transform_indices = @transform_1, window_bounds = array<i64: 1, 256>}, {pipeline_mode = #tpu.pipeline_mode<synchronous>, transform_indices = @transform_2, window_bounds = array<i64: 1, 256>}, {transform_indices = @transform_3, window_bounds = array<i64: 512, 256>}]} {
    %get3A = arith.constant 0 : index
    %get3A_0 = arith.constant 0 : index
    %get3A_1 = vector.load %arg1[%get3A, %get3A_0] : memref<512x256xf32, #tpu.memory_space<vmem>>, vector<512x256xf32>
    %get3A_2 = arith.constant 0 : index
    %get3A_3 = arith.constant 0 : index
    %get3A_4 = vector.load %arg2[%get3A_2, %get3A_3] : memref<1x256xf32, #tpu.memory_space<vmem>>, vector<1x256xf32>
    %mul3A = vector.broadcast %get3A_4 : vector<1x256xf32> to vector<512x256xf32>
    %mul3A_5 = arith.mulf %get3A_1, %mul3A : vector<512x256xf32>
    %get3A_6 = arith.constant 0 : index
    %get3A_7 = arith.constant 0 : index
    %get3A_8 = vector.load %arg3[%get3A_6, %get3A_7] : memref<1x256xf32, #tpu.memory_space<vmem>>, vector<1x256xf32>
    %add3A = vector.broadcast %get3A_8 : vector<1x256xf32> to vector<512x256xf32>
    %add3A_9 = arith.addf %mul3A_5, %add3A : vector<512x256xf32>
    %max3A = arith.constant 0.000000e+00 : f32
    %max3A_10 = vector.broadcast %max3A : f32 to vector<512x256xf32>
    %max3A_11 = arith.maximumf %add3A_9, %max3A_10 : vector<512x256xf32>
    %swap3A = arith.constant 0 : index
    %swap3A_12 = arith.constant 0 : index
    %swap3A_13 = vector.load %arg4[%swap3A, %swap3A_12] : memref<512x256xf32, #tpu.memory_space<vmem>>, vector<512x256xf32>
    tpu.vector_store %arg4[%swap3A, %swap3A_12], %max3A_11 {strides = array<i32>} : memref<512x256xf32, #tpu.memory_space<vmem>>, vector<512x256xf32>,
    return
  }
  func.func @transform_0(%arg0: i32) -> (i32, i32) {
    %c0_i32 = arith.constant 0 : i32
    %c0_i32_0 = arith.constant 0 : i32
    return %arg0, %c0_i32 : i32, i32
  }
  func.func @transform_1(%arg0: i32) -> (i32, i32) {
    %c0_i32 = arith.constant 0 : i32
    %c0_i32_0 = arith.constant 0 : i32
    %c0_i32_1 = arith.constant 0 : i32
    return %c0_i32, %c0_i32_0 : i32, i32
  }
  func.func @transform_2(%arg0: i32) -> (i32, i32) {
    %c0_i32 = arith.constant 0 : i32
    %c0_i32_0 = arith.constant 0 : i32
    %c0_i32_1 = arith.constant 0 : i32
    return %c0_i32, %c0_i32_0 : i32, i32
  }
  func.func @transform_3(%arg0: i32) -> (i32, i32) {
    %c0_i32 = arith.constant 0 : i32
    %c0_i32_0 = arith.constant 0 : i32
    return %arg0, %c0_i32 : i32, i32
  }
}

module attributes {stable_mosaic.version = 14 : i64} {
  func.func @_stage3_body(%arg0: i32, %arg1: memref<512x256xf32, #tpu.memory_space<vmem>>, %arg2: memref<1x256xf32, #tpu.memory_space<vmem>>, %arg3: memref<1x256xf32, #tpu.memory_space<vmem>>, %arg4: memref<256x256xf32, #tpu.memory_space<vmem>>, %arg5: memref<1x256xf32, #tpu.memory_space<vmem>>, %arg6: memref<512x256xf32, #tpu.memory_space<vmem>>, %arg7: memref<8x256xf32, #tpu.memory_space<vmem>>) attributes {dimension_semantics = [#tpu.dimension_semantics<arbitrary>], iteration_bounds = array<i64: 64>, scalar_prefetch = 0 : i64, scratch_operands = 0 : i64, tpu.core_type = #tpu.core_type<tc>, window_params = [{transform_indices = @transform_0, window_bounds = array<i64: 512, 256>}, {pipeline_mode = #tpu.pipeline_mode<synchronous>, transform_indices = @transform_1, window_bounds = array<i64: 1, 256>}, {pipeline_mode = #tpu.pipeline_mode<synchronous>, transform_indices = @transform_2, window_bounds = array<i64: 1, 256>}, {pipeline_mode = #tpu.pipeline_mode<synchronous>, transform_indices = @transform_3, window_bounds = array<i64: 256, 256>}, {pipeline_mode = #tpu.pipeline_mode<synchronous>, transform_indices = @transform_4, window_bounds = array<i64: 1, 256>}, {transform_indices = @transform_5, window_bounds = array<i64: 512, 256>}, {pipeline_mode = #tpu.pipeline_mode<synchronous>, transform_indices = @transform_6, window_bounds = array<i64: 8, 256>}]} {
    %get3A = arith.constant 0 : index
    %get3A_0 = arith.constant 0 : index
    %get3A_1 = vector.load %arg1[%get3A, %get3A_0] : memref<512x256xf32, #tpu.memory_space<vmem>>, vector<512x256xf32>
    %get3A_2 = arith.constant 0 : index
    %get3A_3 = arith.constant 0 : index
    %get3A_4 = vector.load %arg2[%get3A_2, %get3A_3] : memref<1x256xf32, #tpu.memory_space<vmem>>, vector<1x256xf32>
    %mul3A = vector.broadcast %get3A_4 : vector<1x256xf32> to vector<512x256xf32>
    %mul3A_5 = arith.mulf %get3A_1, %mul3A : vector<512x256xf32>
    %get3A_6 = arith.constant 0 : index
    %get3A_7 = arith.constant 0 : index
    %get3A_8 = vector.load %arg3[%get3A_6, %get3A_7] : memref<1x256xf32, #tpu.memory_space<vmem>>, vector<1x256xf32>
    %add3A = vector.broadcast %get3A_8 : vector<1x256xf32> to vector<512x256xf32>
    %add3A_9 = arith.addf %mul3A_5, %add3A : vector<512x256xf32>
    %max3A = arith.constant 0.000000e+00 : f32
    %max3A_10 = vector.broadcast %max3A : f32 to vector<512x256xf32>
    %max3A_11 = arith.maximumf %add3A_9, %max3A_10 : vector<512x256xf32>
    %get3A_12 = arith.constant 0 : index
    %get3A_13 = arith.constant 0 : index
    %get3A_14 = vector.load %arg4[%get3A_12, %get3A_13] : memref<256x256xf32, #tpu.memory_space<vmem>>, vector<256x256xf32>
    %dot_general3A = arith.constant dense<0.000000e+00> : vector<512x256xf32>
    %dot_general3A_15 = tpu.matmul %max3A_11, %get3A_14, %dot_general3A {dimension_numbers = #tpu.dot_dimension_numbers<[1], [0], [0], [1], [0, 0, 1, 1], [], []>, transpose_lhs_hint = false} : vector<512x256xf32>, vector<256x256xf32>, vector<512x256xf32> -> vector<512x256xf32>
    %get3A_16 = arith.constant 0 : index
    %get3A_17 = arith.constant 0 : index
    %get3A_18 = vector.load %arg5[%get3A_16, %get3A_17] : memref<1x256xf32, #tpu.memory_space<vmem>>, vector<1x256xf32>
    %add3A_19 = vector.broadcast %get3A_18 : vector<1x256xf32> to vector<512x256xf32>
    %add3A_20 = arith.addf %dot_general3A_15, %add3A_19 : vector<512x256xf32>
    %swap3A = arith.constant 0 : index
    %swap3A_21 = arith.constant 0 : index
    %swap3A_22 = vector.load %arg6[%swap3A, %swap3A_21] : memref<512x256xf32, #tpu.memory_space<vmem>>, vector<512x256xf32>
    tpu.vector_store %arg6[%swap3A, %swap3A_21], %add3A_20 {strides = array<i32>} : memref<512x256xf32, #tpu.memory_space<vmem>>, vector<512x256xf32>,
    %eq3A = arith.constant 0 : i32
    %eq3A_23 = arith.cmpi eq, %arg0, %eq3A : i32
    %convert_element_type3A = arith.extui %eq3A_23 : i1 to i32
    %cond3A = arith.constant 0 : i32
    %cond3A_24 = arith.cmpi ne, %convert_element_type3A, %cond3A : i32
    scf.if %cond3A_24 {
      %broadcast_in_dim3A_44 = arith.constant 0.000000e+00 : f32
      %broadcast_in_dim3A_45 = vector.broadcast %broadcast_in_dim3A_44 : f32 to vector<8x256xf32>
      %swap3A_46 = arith.constant 0 : index
      %swap3A_47 = arith.constant 0 : index
      %swap3A_48 = vector.load %arg7[%swap3A_46, %swap3A_47] : memref<8x256xf32, #tpu.memory_space<vmem>>, vector<8x256xf32>
      tpu.vector_store %arg7[%swap3A_46, %swap3A_47], %broadcast_in_dim3A_45 {strides = array<i32>} : memref<8x256xf32, #tpu.memory_space<vmem>>, vector<8x256xf32>,
    } else {
    }
    %get3A_25 = arith.constant 0 : index
    %get3A_26 = arith.constant 0 : index
    %get3A_27 = vector.load %arg7[%get3A_25, %get3A_26] : memref<8x256xf32, #tpu.memory_space<vmem>>, vector<1x256xf32>
    %reduce_sum3A = arith.constant dense<0.000000e+00> : vector<256xf32>
    %reduce_sum3A_28 = vector.multi_reduction <add>, %add3A_20, %reduce_sum3A [0] : vector<512x256xf32> to vector<256xf32>
    %broadcast_in_dim3A = vector.shape_cast %reduce_sum3A_28 : vector<256xf32> to vector<1x256xf32>
    %add3A_29 = arith.addf %get3A_27, %broadcast_in_dim3A : vector<1x256xf32>
    %swap3A_30 = arith.constant 0 : index
    %swap3A_31 = arith.constant 0 : index
    %swap3A_32 = vector.load %arg7[%swap3A_30, %swap3A_31] : memref<8x256xf32, #tpu.memory_space<vmem>>, vector<1x256xf32>
    tpu.vector_store %arg7[%swap3A_30, %swap3A_31], %add3A_29 {strides = array<i32>} : memref<8x256xf32, #tpu.memory_space<vmem>>, vector<1x256xf32>,
    %get3A_33 = arith.constant 1 : index
    %get3A_34 = arith.constant 0 : index
    %get3A_35 = vector.load %arg7[%get3A_33, %get3A_34] : memref<8x256xf32, #tpu.memory_space<vmem>>, vector<1x256xf32>
    %mul3A_36 = arith.mulf %add3A_20, %add3A_20 : vector<512x256xf32>
    %reduce_sum3A_37 = arith.constant dense<0.000000e+00> : vector<256xf32>
    %reduce_sum3A_38 = vector.multi_reduction <add>, %mul3A_36, %reduce_sum3A_37 [0] : vector<512x256xf32> to vector<256xf32>
    %broadcast_in_dim3A_39 = vector.shape_cast %reduce_sum3A_38 : vector<256xf32> to vector<1x256xf32>
    %add3A_40 = arith.addf %get3A_35, %broadcast_in_dim3A_39 : vector<1x256xf32>
    %swap3A_41 = arith.constant 1 : index
    %swap3A_42 = arith.constant 0 : index
    %swap3A_43 = vector.load %arg7[%swap3A_41, %swap3A_42] : memref<8x256xf32, #tpu.memory_space<vmem>>, vector<1x256xf32>
    tpu.vector_store %arg7[%swap3A_41, %swap3A_42], %add3A_40 {strides = array<i32>} : memref<8x256xf32, #tpu.memory_space<vmem>>, vector<1x256xf32>,
    return
  }
  func.func @transform_0(%arg0: i32) -> (i32, i32) {
    %c0_i32 = arith.constant 0 : i32
    %c0_i32_0 = arith.constant 0 : i32
    return %arg0, %c0_i32 : i32, i32
  }
  func.func @transform_1(%arg0: i32) -> (i32, i32) {
    %c0_i32 = arith.constant 0 : i32
    %c0_i32_0 = arith.constant 0 : i32
    %c0_i32_1 = arith.constant 0 : i32
    return %c0_i32, %c0_i32_0 : i32, i32
  }
  func.func @transform_2(%arg0: i32) -> (i32, i32) {
    %c0_i32 = arith.constant 0 : i32
    %c0_i32_0 = arith.constant 0 : i32
    %c0_i32_1 = arith.constant 0 : i32
    return %c0_i32, %c0_i32_0 : i32, i32
  }
  func.func @transform_3(%arg0: i32) -> (i32, i32) {
    %c0_i32 = arith.constant 0 : i32
    %c0_i32_0 = arith.constant 0 : i32
    %c0_i32_1 = arith.constant 0 : i32
    return %c0_i32, %c0_i32_0 : i32, i32
  }
  func.func @transform_4(%arg0: i32) -> (i32, i32) {
    %c0_i32 = arith.constant 0 : i32
    %c0_i32_0 = arith.constant 0 : i32
    %c0_i32_1 = arith.constant 0 : i32
    return %c0_i32, %c0_i32_0 : i32, i32
  }
  func.func @transform_5(%arg0: i32) -> (i32, i32) {
    %c0_i32 = arith.constant 0 : i32
    %c0_i32_0 = arith.constant 0 : i32
    return %arg0, %c0_i32 : i32, i32
  }
  func.func @transform_6(%arg0: i32) -> (i32, i32) {
    %c0_i32 = arith.constant 0 : i32
    %c0_i32_0 = arith.constant 0 : i32
    %c0_i32_1 = arith.constant 0 : i32
    return %c0_i32, %c0_i32_0 : i32, i32
  }
}

</mosaic_0001>

<sc_bundles>
// kernel: kernel.7.cloned.1.call-start
scs
__scs_entry_jumppad:
0x0: {  	(pc) =	sbr.rel $0x88, $3  }
0x1: {  	(tag) =	ssettag $0x0;
	lr =	simm.s32 $0x1  }
0x2: {  	[smem:$0x3F95] =	sst lr;
	_ =	strace $0xD0000000  }
0x3: {  	_ = 	snop  }
0x4: {  	_ = 	snop  }
0x5: {  	_ = 	snop  }
0x6: {  	_ = 	snop  }
0x7: {  	_ = 	snop  }
__scs_overlays_trampoline_lowered:
0x8: {  	[smem:$0x3FA4] =	sst s0  }
0x9: {  	[smem:$0x3FA5] =	sst s1  }
0xa: {  	[smem:$0x3FA6] =	sst s2  }
0xb: {  	[smem:$0x3FA7] =	sst s3  }
0xc: {  	[smem:$0x3FA8] =	sst s4  }
0xd: {  	[smem:$0x3FA9] =	sst s5  }
0xe: {  	[smem:$0x3FAA] =	sst s6  }
0xf: {  	[smem:$0x3FAB] =	sst s7  }
0x10: {  	[smem:$0x3FAC] =	sst s8  }
0x11: {  	[smem:$0x3FAD] =	sst s9;
	s0 =	simm.s32 @!p0 $0x0  }
0x12: {  	s1 =	sld [smem:$0x3F93];
	s0 =	simm.s32 @p0 $0x1  }
0x13: {  	[smem:$0x3FAE] =	sst s0;
	s0 =	simm.s32 @!p1 $0x0  }
0x14: {  	s2 =	sld [smem:$0x3F92];
	s0 =	simm.s32 @p1 $0x1  }
0x15: {  	[smem:$0x3FAF] =	sst s0;
	s0 =	simm.s32 @!p2 $0x0  }
0x16: {  	s3 =	sld [smem:$0x3FDB];
	s0 =	simm.s32 @p2 $0x1  }
0x17: {  	s4 =	simm.s32 $0x1BF5;
	[smem:$0x3FB1] =	sst s0  }
0x18: {  	s0 =	sld [smem:$0x3F94];
	_ =	swait.ge [sflag:s4], $0x0  }
0x19: {  	s7 =	sld [smem:$0x3F95]  }
0x1a: {  	s8 =	sadd.s32 $0xFFFFE003, lr  }
0x1b: {  	s9 =	sadd.s32 $0xFFFFFEF7, lr;
	s5 =	simm.s32 $0xFFFFFFFF;
	p2 =	slt.u32 s8, $0xFFFFF086  }
0x1c: {  	p1 =	slt.u32 s9, $0xF7A;
	s5 =	simm.s32 @!p2 $0x0  }
0x1d: {  	s5 =	simm.s32 @p1 $0x1;
	p0 =	seq.s32 s7, s2  }
0x1e: {  	s7 =	smul.u32 @!p0 $0xF7A, s2;
	p2 =	seq.s32 @!p0 s5, $0x0  }
0x1f: {  	s9 =	smul.u32 $0xF7A, s1;
	s8 =	simm.s32 @!p0 $0x1BF5;
	p2 =	por !p2, p0  }
0x20: {  	[sflag:s8] =	ssyncset.s32 @!p0 $0xFFFFF086;
	s6 =	sadd.s32 @!p0 s3, s7;
	s7 =	simm.s32 @!p0 $0x108  }
0x21: {  	s3 =	sadd.s32 s3, s9;
	s6 =	sadd.s32 @!p0 $0x88, s6;
	s7 =	simm.s32 @p2 $0x1082  }
0x22: {  	[simem:s7], [sflag:s8] =	dma.local @!p0 [hbm:s6], $0xF7A  }
0x23: {  	s9 =	sor.u32 $0xD0000000, s2;
	s6 =	simm.s32 $0x108;
	_ =	swait.ge @!p0 [sflag:s8], $0x0  }
0x24: {  	s3 =	sadd.s32 $0x88, s3;
	s6 =	simm.s32 @!p1 $0x1082;
	[sflag:s4] =	ssyncset.s32 $0xFFFFF086  }
0x25: {  	[simem:s6], [sflag:s4] =	dma.local [hbm:s3], $0xF7A  }
0x26: {  	[smem:$0x3F95] =	sst s1;
	(tag) =	ssettag s2;
	_ =	strace s9  }
0x27: {  	s1 =	sld [smem:$0x3FA5]  }
0x28: {  	s2 =	sld [smem:$0x3FA6]  }
0x29: {  	s4 =	sld [smem:$0x3FA8]  }
0x2a: {  	p0 =	seq.s32 s5, $0x0;
	s5 =	sld [smem:$0x3FA9]  }
0x2b: {  	s6 =	sld [smem:$0x3FAA]  }
0x2c: {  	s7 =	sld [smem:$0x3FAB]  }
0x2d: {  	s3 =	simm.s32 $0x108;
	s8 =	sld [smem:$0x3FAC]  }
0x2e: {  	s3 =	simm.s32 @!p0 $0x1082;
	s9 =	sld [smem:$0x3FAD]  }
0x2f: {  	lr =	sadd.s32 s0, s3;
	s0 =	sld [smem:$0x3FA4]  }
0x30: {  	s3 =	sld [smem:$0x3FA7]  }
0x31: {  	[smem:$0x3FB0] =	sst s10  }
0x32: {  	s10 =	sld [smem:$0x3FAE];
	_ =	sdelay $0x3  }
0x33: {  	p0 =	seq.s32 s10, $0x1;
	s10 =	sld [smem:$0x3FB0];
	_ =	sdelay $0x3  }
0x34: {  	[smem:$0x3FB0] =	sst s10  }
0x35: {  	s10 =	sld [smem:$0x3FAF];
	_ =	sdelay $0x3  }
0x36: {  	p1 =	seq.s32 s10, $0x1;
	s10 =	sld [smem:$0x3FB0];
	_ =	sdelay $0x3  }
0x37: {  	[smem:$0x3FB0] =	sst s10  }
0x38: {  	s10 =	sld [smem:$0x3FB1]  }
0x39: {  	_ = 	snop;
	(pc) =	sbr.ind lr, $3  }
0x3a: {  	_ = 	snop  }
0x3b: {  	_ = 	snop  }
0x3c: {  	p2 =	seq.s32 s10, $0x1;
	s10 =	sld [smem:$0x3FB0]  }
0x3d: {  	_ =	shalt  }
0x3e: {  	_ =	shalt  }
0x3f: {  	_ =	shalt  }
0x40: {  	_ =	shalt  }
0x41: {  	_ =	shalt  }
0x42: {  	_ =	shalt  }
0x43: {  	_ =	shalt  }
0x44: {  	_ =	shalt  }
0x45: {  	_ =	shalt  }
0x46: {  	_ =	shalt  }
0x47: {  	_ =	shalt  }
0x48: {  	_ =	shalt  }
0x49: {  	_ =	shalt  }
0x4a: {  	_ =	shalt  }
0x4b: {  	_ =	shalt  }
0x4c: {  	_ =	shalt  }
0x4d: {  	_ =	shalt  }
0x4e: {  	_ =	shalt  }
0x4f: {  	_ =	shalt  }
0x50: {  	_ =	shalt  }
0x51: {  	_ =	shalt  }
0x52: {  	_ =	shalt  }
0x53: {  	_ =	shalt  }
0x54: {  	_ =	shalt  }
0x55: {  	_ =	shalt  }
0x56: {  	_ =	shalt  }
0x57: {  	_ =	shalt  }
0x58: {  	_ =	shalt  }
0x59: {  	_ =	shalt  }
0x5a: {  	_ =	shalt  }
0x5b: {  	_ =	shalt  }
0x5c: {  	_ =	shalt  }
0x5d: {  	_ =	shalt  }
0x5e: {  	_ =	shalt  }
0x5f: {  	_ =	shalt  }
0x60: {  	_ =	shalt  }
0x61: {  	_ =	shalt  }
0x62: {  	_ =	shalt  }
0x63: {  	_ =	shalt  }
0x64: {  	_ =	shalt  }
0x65: {  	_ =	shalt  }
0x66: {  	_ =	shalt  }
0x67: {  	_ =	shalt  }
0x68: {  	_ =	shalt  }
0x69: {  	_ =	shalt  }
0x6a: {  	_ =	shalt  }
0x6b: {  	_ =	shalt  }
0x6c: {  	_ =	shalt  }
0x6d: {  	_ =	shalt  }
0x6e: {  	_ =	shalt  }
0x6f: {  	_ =	shalt  }
0x70: {  	_ =	shalt  }
0x71: {  	_ =	shalt  }
0x72: {  	_ =	shalt  }
0x73: {  	_ =	shalt  }
0x74: {  	_ =	shalt  }
0x75: {  	_ =	shalt  }
0x76: {  	_ =	shalt  }
0x77: {  	_ =	shalt  }
0x78: {  	_ =	shalt  }
0x79: {  	_ =	shalt  }
0x7a: {  	_ =	shalt  }
0x7b: {  	_ =	shalt  }
0x7c: {  	_ =	shalt  }
0x7d: {  	_ =	shalt  }
0x7e: {  	_ =	shalt  }
0x7f: {  	_ =	shalt  }
0x80: {  	_ =	shalt  }
0x81: {  	_ =	shalt  }
0x82: {  	_ =	shalt  }
0x83: {  	_ =	shalt  }
0x84: {  	_ =	shalt  }
0x85: {  	_ =	shalt  }
0x86: {  	_ =	shalt  }
0x87: {  	_ =	shalt  }
.Lfunc_end0:
.L_simem_size_0:
called_computation_lowered:
.L_overlay_start_0:
0x88: {  	s2 =	sld [smem:$0x3FD9]  }
0x89: {  	s3 =	sld [smem:$0x3FFE];
	_ =	sdelay $0x1  }
0x8a: {  	s1 =	srdreg.scid  }
0x8b: {  	s0 =	sand.u32 $0x1, s1  }
0x8c: {  	s17 =	sshll.u32 s0, $0xA;
	s2 =	sadd.s32 s3, s2  }
0x8d: {  	s2 =	sadd.s32 s2, s17  }
0x8e: {  	[smem:$0x3FBC] =	sst s2  }
0x8f: {  	_ = 	snop  }
0x90: {  	s2 =	sld [smem:$0x3FC6];
	(tm) =	ssettm $0x1  }
0x91: {  	s18 =	sld [smem:$0x3FFB];
	_ =	sdelay $0x3  }
0x92: {  	_ =	strace s18  }
0x93: {  	s3 =	sld [smem:$0x3FFC];
	_ =	sdelay $0x3  }
0x94: {  	_ =	strace s3  }
0x95: {  	s3 =	sld [smem:$0x3FFD];
	_ =	sdelay $0x3  }
0x96: {  	_ =	strace s3  }
0x97: {  	_ =	strace $0x8FFFFFFF  }
0x98: {  	s19 =	sld [smem:$0x3FDB];
	_ =	sdelay $0x1  }
0x99: {  	s4 =	simm.s32 $_scs_section_size  }
0x9a: {  	s5 =	simm.s32 $_size__tile_overlayer_lowered;
	s6 =	simm.s32 $_tile_overlayer_lowered  }
0x9b: {  	s22 =	simm.s32 $0x1BFF;
	s21 =	sshll.u32 s6, $0x1;
	s3 =	sadd.s32 s4, s19  }
0x9c: {  	s7 =	simm.s32 $0x0;
	s20 =	sshll.u32 s5, $0x1;
	s5 =	sadd.s32 s21, s3  }
0x9d: {  	[timem:s7], [sflag:s22] =	dma.local [hbm:s5], s20  }
0x9e: {  	_ =	swait.ge [sflag:s22], s20  }
0x9f: {  	s4 =	ssub.s32 $0x0, s20;
	[sflag:s22] =	ssyncset.done $0x0  }
0xa0: {  	[sflag:s22] =	ssyncadd.s32 s4;
	_ =	sdelay $0x1  }
0xa1: {  	s23 =	simm.s32 $0x1B8B  }
0xa2: {  	_ =	swait.ge [sflag:s23], $0x1  }
0xa3: {  	[sflag:s23] =	ssyncset.done $0x0  }
0xa4: {  	s25 =	simm.s32 $0x1B8E;
	s24 =	sld [smem:$0x3FFE];
	[sflag:s23] =	ssyncadd.s32 $0xFFFFFFFF  }
0xa5: {  	s26 =	simm.s32 $execute0_lowered;
	[smem:$0x3FD2] =	sst s25  }
0xa6: {  	s5 =	sshll.u32 s26, $0x1;
	_ =	strace $0x80000046;
	[dreg:$0x1] =	wrdreg $0xFFFFFFFF  }
0xa7: {  	s28 =	simm.s32 $_size_execute0_lowered;
	s3 =	sadd.s32 s3, s5;
	[dreg:$0x0] =	wrdreg $0x0  }
0xa8: {  	s5 =	sshll.u32 s28, $0x1;
	[dreg:$0x2] =	wrdreg s3  }
0xa9: {  	[dreg:$0x3] =	wrdreg s5  }
0xaa: {  	[dreg:$0x4] =	wrdreg $0xC0  }
0xab: {  	_ =	task [dreg:s7], $0x5FFFF  }
0xac: {  	[dreg:$0x1] =	wrdreg $0xFFFFFFFF  }
0xad: {  	[dreg:$0x0] =	wrdreg $0x60  }
0xae: {  	[dreg:$0x2] =	wrdreg s24  }
0xaf: {  	[dreg:$0x3] =	wrdreg s2  }
0xb0: {  	[dreg:$0x4] =	wrdreg $0x9  }
0xb1: {  	_ =	task.clear_ibuf [dreg:s7], $0x5FFFF;
	_ =	strace $0x90000046  }
0xb2: {  	s29 =	simm.s32 $0x9;
	_ =	strace $0x80000048  }
0xb3: {  	_ =	swait.ge [sflag:s29], $0x1  }
0xb4: {  	[sflag:s29] =	ssyncadd.s32 $0xFFFFFFFF  }
0xb5: {  	_ =	strace $0x90000048  }
0xb6: {  	_ =	sfence  }
0xb7: {  	s30 =	sld [smem:$0x0];
	_ =	sdelay $0x2  }
0xb8: {  	s31 =	sshll.u32 s1, $0xD;
	s1 =	sshrl.u32 s1, $0x2  }
0xb9: {  	s3 =	sand.u32 $0x4000, s31;
	s1 =	sadd.s32 s1, s30  }
0xba: {  	s0 =	sor.u32 s3, s0;
	s1 =	sshll.u32 s1, $0x11  }
0xbb: {  	s0 =	sor.u32 s1, s0  }
0xbc: {  	s0 =	sadd.s32 $0x8F2B, s0  }
0xbd: {  	[sflag:s0] =	ssyncadd.remote.s32 $0x1  }
0xbe: {  	_ =	sfence.sel $0xFFFF  }
0xbf: {  	[dreg:$0x0] =	wrdreg $0xFFFFFFFF;
	(pc) =	sbr.abs _section_cstart, $3  }
0xc0: {  	[dreg:$0x1] =	wrdreg $0xFFFFFFFF  }
0xc1: {  	_ =	task.clear_ibuf [dreg:s7], $0x2FFFF;
	_ =	strace $0x9FFFFFFF  }
0xc2: {  	(tm) =	ssettm $0x7FFFFFFF  }
0xc3: {  	_ =	shalt  }
tec
execute0_lowered:
.L_overlay_start_1:
0x0: {  	(tag) =	ssettag $0x1  }
0x1: {  	s0 =	srdreg.scid  }
0x2: {  	s2 =	stileid.u32;
	s0 =	sand.u32 $0x1, s0  }
0x3: {  	s3 =	sshll.u32 s2, $0xB;
	s4 =	sshll.u32 s0, $0xA  }
0x4: {  	s1 =	rddreg [dreg:$0x0];
	s5 =	sor.u32 s4, s3  }
0x5: {  	s2 =	rddreg [dreg:$0x1];
	s3 =	simm.s32 $0x0;
	s18 =	sshrl.u32 s5, $0x3  }
0x6: {  	s19 =	sadd.s32 $0x123600, s1;
	[smem:$0x7FF] =	sst s3;
	s17 =	sadd.s32 s18, s1  }
0x7: {  	_ =	strace $0x80000047;
	s7 =	sor.u32 $0x10, s18;
	s6 =	sadd.s32 $0x122600, s17  }
0x8: {  	s9 =	sor.u32 $0x20, s18;
	s20 =	sadd.s32 $0x23600, s17;
	[dreg:$0x3] =	wrdreg s6  }
0x9: {  	s11 =	sor.u32 $0x30, s18;
	s4 =	sadd.s32 $0x22600, s17;
	[dreg:$0x4] =	wrdreg s20  }
0xa: {  	s13 =	sor.u32 $0x40, s18;
	[dreg:$0x5] =	wrdreg s4;
	s4 =	sshll.u32 s5, $0x5  }
0xb: {  	s20 =	sadd.s32 $0x24600, s1;
	s5 =	sshll.u32 s5, $0x4;
	s21 =	sadd.s32 s19, s4  }
0xc: {  	s6 =	sshll.u32 s7, $0x8;
	s8 =	sadd.s32 s20, s5;
	[dreg:$0x6] =	wrdreg s21  }
0xd: {  	s7 =	sshll.u32 s7, $0x7;
	s22 =	sadd.s32 s19, s6;
	[dreg:$0x7] =	wrdreg s8  }
0xe: {  	s15 =	sor.u32 $0x50, s18;
	s23 =	sadd.s32 s20, s7;
	[dreg:$0x8] =	wrdreg s22  }
0xf: {  	s29 =	sor.u32 $0x70, s18;
	[dreg:$0x9] =	wrdreg s23;
	s8 =	sshll.u32 s9, $0x8  }
0x10: {  	s9 =	sshll.u32 s9, $0x7;
	s21 =	sor.u32 $0x60, s18;
	s10 =	sadd.s32 s19, s8  }
0x11: {  	s18 =	sshll.u32 s29, $0x8;
	s12 =	sadd.s32 s20, s9;
	[dreg:$0xa] =	wrdreg s10  }
0x12: {  	s17 =	sshll.u32 s21, $0x8;
	s31 =	sadd.s32 s19, s18;
	[dreg:$0xb] =	wrdreg s12  }
0x13: {  	s10 =	sshll.u32 s11, $0x8;
	s22 =	sadd.s32 s19, s17;
	[dreg:$0x14] =	wrdreg s31  }
0x14: {  	s11 =	sshll.u32 s11, $0x7;
	s24 =	sadd.s32 s19, s10;
	[dreg:$0x12] =	wrdreg s22  }
0x15: {  	s12 =	sshll.u32 s13, $0x8;
	s25 =	sadd.s32 s20, s11;
	[dreg:$0xc] =	wrdreg s24  }
0x16: {  	s13 =	sshll.u32 s13, $0x7;
	s14 =	sadd.s32 s19, s12;
	[dreg:$0xd] =	wrdreg s25  }
0x17: {  	s16 =	sadd.s32 s20, s13;
	s22 =	sadd.s32 $0x423600, s1;
	[dreg:$0xe] =	wrdreg s14  }
0x18: {  	[dreg:$0xf] =	wrdreg s16;
	s24 =	sadd.s32 s22, s5  }
0x19: {  	s14 =	sshll.u32 s15, $0x8;
	s31 =	sadd.s32 s22, s11;
	[dreg:$0x17] =	wrdreg s24  }
0x1a: {  	s15 =	sshll.u32 s15, $0x7;
	s26 =	sadd.s32 s19, s14;
	[dreg:$0x1d] =	wrdreg s31  }
0x1b: {  	s16 =	sshll.u32 s21, $0x7;
	s28 =	sadd.s32 s20, s15;
	[dreg:$0x10] =	wrdreg s26  }
0x1c: {  	s21 =	sadd.s32 $0x223600, s1;
	s30 =	sadd.s32 s20, s16;
	[dreg:$0x11] =	wrdreg s28  }
0x1d: {  	s23 =	sadd.s32 s21, s4;
	[dreg:$0x13] =	wrdreg s30  }
0x1e: {  	s25 =	sadd.s32 s21, s6;
	[dreg:$0x16] =	wrdreg s23  }
0x1f: {  	s19 =	sshll.u32 s29, $0x7;
	s29 =	sadd.s32 s22, s9;
	[dreg:$0x18] =	wrdreg s25  }
0x20: {  	s24 =	sadd.s32 s22, s13;
	[dreg:$0x1b] =	wrdreg s29  }
0x21: {  	s20 =	sadd.s32 s20, s19;
	[dreg:$0x1f] =	wrdreg s24  }
0x22: {  	s26 =	sadd.s32 s22, s7;
	[dreg:$0x15] =	wrdreg s20  }
0x23: {  	s28 =	sadd.s32 s21, s8;
	[dreg:$0x19] =	wrdreg s26  }
0x24: {  	s30 =	sadd.s32 s21, s10;
	[dreg:$0x1a] =	wrdreg s28  }
0x25: {  	s23 =	sadd.s32 s21, s12;
	[dreg:$0x1c] =	wrdreg s30  }
0x26: {  	s25 =	sadd.s32 s21, s14;
	[dreg:$0x1e] =	wrdreg s23  }
0x27: {  	s29 =	sadd.s32 s22, s16;
	[smem:$0x7D4] =	sst s25  }
0x28: {  	s31 =	sadd.s32 s22, s19;
	[smem:$0x7D7] =	sst s29  }
0x29: {  	s26 =	sadd.s32 s22, s15;
	[smem:$0x7D9] =	sst s31  }
0x2a: {  	s28 =	sadd.s32 s21, s17;
	[smem:$0x7D5] =	sst s26  }
0x2b: {  	s30 =	sadd.s32 s21, s18;
	s21 =	sadd.s32 $0x323600, s1;
	[smem:$0x7D6] =	sst s28  }
0x2c: {  	s22 =	sadd.s32 $0x4A3600, s1;
	[smem:$0x7D8] =	sst s30;
	s4 =	sadd.s32 s21, s4  }
0x2d: {  	s5 =	sadd.s32 s22, s5;
	[smem:$0x7DA] =	sst s4  }
0x2e: {  	s6 =	sadd.s32 s21, s6;
	[smem:$0x7DB] =	sst s5  }
0x2f: {  	s20 =	sadd.s32 s22, s7;
	[smem:$0x7DC] =	sst s6  }
0x30: {  	s23 =	sadd.s32 s21, s8;
	[smem:$0x7DD] =	sst s20  }
0x31: {  	s24 =	sadd.s32 s22, s9;
	[smem:$0x7DE] =	sst s23  }
0x32: {  	s25 =	sadd.s32 s21, s10;
	[smem:$0x7DF] =	sst s24  }
0x33: {  	s26 =	sadd.s32 s22, s11;
	[smem:$0x7E0] =	sst s25  }
0x34: {  	s28 =	sadd.s32 s21, s12;
	[smem:$0x7E1] =	sst s26  }
0x35: {  	s29 =	sadd.s32 s22, s13;
	[smem:$0x7E2] =	sst s28  }
0x36: {  	s30 =	sadd.s32 s21, s14;
	[smem:$0x7E3] =	sst s29  }
0x37: {  	s31 =	sadd.s32 s22, s15;
	[smem:$0x7E4] =	sst s30  }
0x38: {  	s7 =	sadd.s32 s22, s16;
	[smem:$0x7E5] =	sst s31  }
0x39: {  	s9 =	sadd.s32 s21, s18;
	[smem:$0x7E7] =	sst s7  }
0x3a: {  	s10 =	sadd.s32 s22, s19;
	[smem:$0x7E8] =	sst s9  }
0x3b: {  	s11 =	simm.s32 $0x100;
	[smem:$0x7E9] =	sst s10  }
0x3c: {  	s12 =	simm.s32 $0x180;
	[smem:$0x7EA] =	sst s11  }
0x3d: {  	s13 =	simm.s32 $0x200;
	[smem:$0x7EB] =	sst s12  }
0x3e: {  	s14 =	simm.s32 $0x280;
	[smem:$0x7EC] =	sst s13  }
0x3f: {  	s15 =	simm.s32 $0x300;
	[smem:$0x7ED] =	sst s14  }
0x40: {  	s16 =	simm.s32 $0x380;
	[smem:$0x7EE] =	sst s15  }
0x41: {  	s18 =	simm.s32 $0x500;
	[smem:$0x7EF] =	sst s16  }
0x42: {  	s19 =	simm.s32 $0x580;
	[smem:$0x7F1] =	sst s18  }
0x43: {  	s22 =	simm.s32 $0x700;
	[smem:$0x7F2] =	sst s19  }
0x44: {  	s6 =	sadd.s32 s21, s17;
	[smem:$0x7F5] =	sst s22  }
0x45: {  	s17 =	simm.s32 $0x480;
	[smem:$0x7E6] =	sst s6  }
0x46: {  	s20 =	simm.s32 $0x600;
	[smem:$0x7F0] =	sst s17  }
0x47: {  	s21 =	simm.s32 $0x680;
	[smem:$0x7F3] =	sst s20  }
0x48: {  	s0 =	ssub.s32 $0x2, s0;
	s23 =	simm.s32 $0x780;
	[smem:$0x7F4] =	sst s21  }
0x49: {  	s8 =	sshrl.u32 s0, $0x1;
	s24 =	simm.s32 $0x880;
	[smem:$0x7F6] =	sst s23  }
0x4a: {  	s4 =	sadd.s32 $0x2600, s1;
	s25 =	simm.s32 $0x900;
	[smem:$0x7F7] =	sst s24  }
0x4b: {  	s0 =	ssub.s32 s0, s8;
	s26 =	simm.s32 $0x980;
	[smem:$0x7F8] =	sst s25  }
0x4c: {  	s28 =	simm.s32 $0xA00;
	s29 =	simm.s32 $0xA80;
	[smem:$0x7F9] =	sst s26  }
0x4d: {  	s30 =	simm.s32 $0xB00;
	s31 =	simm.s32 $0xB80;
	[smem:$0x7FA] =	sst s28  }
0x4e: {  	v2 =	vlaneseq.u32;
	s19 =	simm.s32 $0x1;
	s22 =	simm.s32 $0x4;
	[smem:$0x7FB] =	sst s29  }
0x4f: {  	vm0 =	vmmov $0xffff;
	v1 =	vshrl.u32 v2, $0x3;
	s1 =	smax.u32 s0, $0x1;
	s6 =	simm.s32 $0x5;
	[smem:$0x7FC] =	sst s30  }
0x50: {  	v0 =	vand.u32 $0x7, v2;
	v2 =	vor.u32 $0x8, v2;
	v1 =	vmul.u32 $0x8, v1;
	[smem:$0x7FD] =	sst s31;
	s20 =	simm.s32 $0x3;
	s21 =	simm.s32 $0x2  }
.LBB2_1:
0x51: {  	[smem:$0x7D3] =	sst s1  }
0x52: {  	s23 =	rddreg [dreg:$0x3]  }
0x53: {  	[tilespmem:s3], [sflag:$0x5] =	stream.linear.gather [hbm4b:s23+s3], $0x400, $0x38;
	[tilespmem:$0x18C00] =	vst v63  }
0x54: {  	_ =	swait.ge [sflag:s6], $0x400  }
0x55: {  	[sflag:s6] =	ssyncset.done $0x0  }
0x56: {  	s0 =	simm.s32 $0x400;
	s11 =	rddreg [dreg:$0x4];
	[sflag:s6] =	ssyncadd.s32 $0xFFFFFC00  }
0x57: {  	[tilespmem:s0], [sflag:$0x5] =	stream.linear.gather [hbm4b:s11+s3], $0x400, $0x38;
	[tilespmem:$0x18C00] =	vst v63  }
0x58: {  	_ =	swait.ge [sflag:s6], $0x400  }
0x59: {  	[sflag:s6] =	ssyncset.done $0x0  }
0x5a: {  	s13 =	simm.s32 $0x800;
	s12 =	rddreg [dreg:$0x5];
	[sflag:s6] =	ssyncadd.s32 $0xFFFFFC00  }
0x5b: {  	[tilespmem:s13], [sflag:$0x5] =	stream.linear.gather [hbm4b:s12+s3], $0x400, $0x38;
	[tilespmem:$0x18C00] =	vst v63  }
0x5c: {  	_ =	swait.ge [sflag:s6], $0x400  }
0x5d: {  	[sflag:s6] =	ssyncset.done $0x0  }
0x5e: {  	[sflag:s6] =	ssyncadd.s32 $0xFFFFFC00  }
0x5f: {  	v3 =	vld [tilespmem:$0x0];
	_ =	sdelay $0x4  }
0x60: {  	v4 =	vshll.u32 v3, $0x1  }
0x61: {  	v3 =	vand.u32 $0x7, v3;
	v4 =	vand.u32 $0xFFFFFFF0, v4  }
0x62: {  	v3 =	vor.u32 v3, v4  }
0x63: {  	v4 =	vperm.xlane v3, v0;
	_ =	sdelay $0x1  }
0x64: {  	v3 =	vperm.xlane v3, v2;
	v4 =	vadd.s32 v1, v4;
	_ =	sdelay $0x1  }
0x65: {  	v3 =	vadd.s32 v1, v3;
	_ =	sdelay $0x1  }
0x66: {  	s14 =	simm.s32 $0xC00  }
0x67: {  	[tilespmem:s14], [sflag:$0x1] =	stream.indirect_vreg.gather [hbm4b:s2+s3], $0x80, v4, vm0, $0xb8;
	[tilespmem:$0x18C00] =	vst v63  }
0x68: {  	s15 =	simm.s32 $0x1400  }
0x69: {  	[tilespmem:s15], [sflag:$0x1] =	stream.indirect_vreg.gather [hbm4b:s2+s3], $0x80, v3, vm0, $0xb8;
	[tilespmem:$0x18C00] =	vst v63  }
0x6a: {  	v3 =	vld [tilespmem:$0x10];
	_ =	sdelay $0x4  }
0x6b: {  	v41 =	vshll.u32 v3, $0x1  }
0x6c: {  	v3 =	vand.u32 $0x7, v3;
	v4 =	vand.u32 $0xFFFFFFF0, v41  }
0x6d: {  	v3 =	vor.u32 v3, v4  }
0x6e: {  	v4 =	vperm.xlane v3, v0;
	_ =	sdelay $0x1  }
0x6f: {  	v3 =	vperm.xlane v3, v2;
	v4 =	vadd.s32 v1, v4;
	_ =	sdelay $0x1  }
0x70: {  	v3 =	vadd.s32 v1, v3;
	_ =	sdelay $0x1  }
0x71: {  	s16 =	simm.s32 $0x1C00  }
0x72: {  	[tilespmem:s16], [sflag:$0x1] =	stream.indirect_vreg.gather [hbm4b:s2+s3], $0x80, v4, vm0, $0xb8;
	[tilespmem:$0x18C00] =	vst v63  }
0x73: {  	s17 =	simm.s32 $0x2400  }
0x74: {  	[tilespmem:s17], [sflag:$0x1] =	stream.indirect_vreg.gather [hbm4b:s2+s3], $0x80, v3, vm0, $0xb8;
	[tilespmem:$0x18C00] =	vst v63  }
0x75: {  	v3 =	vld [tilespmem:$0x20];
	_ =	sdelay $0x4  }
0x76: {  	v42 =	vshll.u32 v3, $0x1  }
0x77: {  	v3 =	vand.u32 $0x7, v3;
	v4 =	vand.u32 $0xFFFFFFF0, v42  }
0x78: {  	v3 =	vor.u32 v3, v4  }
0x79: {  	v4 =	vperm.xlane v3, v0;
	_ =	sdelay $0x1  }
0x7a: {  	v3 =	vperm.xlane v3, v2;
	v4 =	vadd.s32 v1, v4;
	_ =	sdelay $0x1  }
0x7b: {  	v3 =	vadd.s32 v1, v3;
	_ =	sdelay $0x1  }
0x7c: {  	s18 =	simm.s32 $0x2C00  }
0x7d: {  	[tilespmem:s18], [sflag:$0x1] =	stream.indirect_vreg.gather [hbm4b:s2+s3], $0x80, v4, vm0, $0xb8;
	[tilespmem:$0x18C00] =	vst v63  }
0x7e: {  	s23 =	simm.s32 $0x3400  }
0x7f: {  	[tilespmem:s23], [sflag:$0x1] =	stream.indirect_vreg.gather [hbm4b:s2+s3], $0x80, v3, vm0, $0xb8;
	[tilespmem:$0x18C00] =	vst v63  }
0x80: {  	v3 =	vld [tilespmem:$0x30];
	_ =	sdelay $0x4  }
0x81: {  	v43 =	vshll.u32 v3, $0x1  }
0x82: {  	v3 =	vand.u32 $0x7, v3;
	v4 =	vand.u32 $0xFFFFFFF0, v43  }
0x83: {  	v3 =	vor.u32 v3, v4  }
0x84: {  	v4 =	vperm.xlane v3, v0;
	_ =	sdelay $0x1  }
0x85: {  	v3 =	vperm.xlane v3, v2;
	v4 =	vadd.s32 v1, v4;
	_ =	sdelay $0x1  }
0x86: {  	v3 =	vadd.s32 v1, v3;
	_ =	sdelay $0x1  }
0x87: {  	s24 =	simm.s32 $0x3C00  }
0x88: {  	[tilespmem:s24], [sflag:$0x1] =	stream.indirect_vreg.gather [hbm4b:s2+s3], $0x80, v4, vm0, $0xb8;
	[tilespmem:$0x18C00] =	vst v63  }
0x89: {  	s25 =	simm.s32 $0x4400  }
0x8a: {  	[tilespmem:s25], [sflag:$0x1] =	stream.indirect_vreg.gather [hbm4b:s2+s3], $0x80, v3, vm0, $0xb8;
	[tilespmem:$0x18C00] =	vst v63  }
0x8b: {  	v3 =	vld [tilespmem:$0x40];
	_ =	sdelay $0x4  }
0x8c: {  	v44 =	vshll.u32 v3, $0x1  }
0x8d: {  	v3 =	vand.u32 $0x7, v3;
	v4 =	vand.u32 $0xFFFFFFF0, v44  }
0x8e: {  	v3 =	vor.u32 v3, v4  }
0x8f: {  	v4 =	vperm.xlane v3, v0;
	_ =	sdelay $0x1  }
0x90: {  	v3 =	vperm.xlane v3, v2;
	v4 =	vadd.s32 v1, v4;
	_ =	sdelay $0x1  }
0x91: {  	v3 =	vadd.s32 v1, v3;
	_ =	sdelay $0x1  }
0x92: {  	s26 =	simm.s32 $0x4C00  }
0x93: {  	[tilespmem:s26], [sflag:$0x1] =	stream.indirect_vreg.gather [hbm4b:s2+s3], $0x80, v4, vm0, $0xb8;
	[tilespmem:$0x18C00] =	vst v63  }
0x94: {  	s29 =	simm.s32 $0x5400  }
0x95: {  	[tilespmem:s29], [sflag:$0x1] =	stream.indirect_vreg.gather [hbm4b:s2+s3], $0x80, v3, vm0, $0xb8;
	[tilespmem:$0x18C00] =	vst v63  }
0x96: {  	v3 =	vld [tilespmem:$0x50];
	_ =	sdelay $0x4  }
0x97: {  	v45 =	vshll.u32 v3, $0x1  }
0x98: {  	v3 =	vand.u32 $0x7, v3;
	v4 =	vand.u32 $0xFFFFFFF0, v45  }
0x99: {  	v3 =	vor.u32 v3, v4  }
0x9a: {  	v4 =	vperm.xlane v3, v0;
	_ =	sdelay $0x1  }
0x9b: {  	v3 =	vperm.xlane v3, v2;
	v4 =	vadd.s32 v1, v4;
	_ =	sdelay $0x1  }
0x9c: {  	v3 =	vadd.s32 v1, v3;
	_ =	sdelay $0x1  }
0x9d: {  	s31 =	simm.s32 $0x5C00  }
0x9e: {  	[tilespmem:s31], [sflag:$0x1] =	stream.indirect_vreg.gather [hbm4b:s2+s3], $0x80, v4, vm0, $0xb8;
	[tilespmem:$0x18C00] =	vst v63  }
0x9f: {  	s1 =	simm.s32 $0x6400  }
0xa0: {  	[tilespmem:s1], [sflag:$0x1] =	stream.indirect_vreg.gather [hbm4b:s2+s3], $0x80, v3, vm0, $0xb8;
	[tilespmem:$0x18C00] =	vst v63  }
0xa1: {  	v3 =	vld [tilespmem:$0x60];
	_ =	sdelay $0x4  }
0xa2: {  	v46 =	vshll.u32 v3, $0x1  }
0xa3: {  	v3 =	vand.u32 $0x7, v3;
	v4 =	vand.u32 $0xFFFFFFF0, v46  }
0xa4: {  	v3 =	vor.u32 v3, v4  }
0xa5: {  	v4 =	vperm.xlane v3, v0;
	_ =	sdelay $0x1  }
0xa6: {  	v3 =	vperm.xlane v3, v2;
	v4 =	vadd.s32 v1, v4;
	_ =	sdelay $0x1  }
0xa7: {  	v3 =	vadd.s32 v1, v3;
	_ =	sdelay $0x1  }
0xa8: {  	s5 =	simm.s32 $0x6C00  }
0xa9: {  	[tilespmem:s5], [sflag:$0x1] =	stream.indirect_vreg.gather [hbm4b:s2+s3], $0x80, v4, vm0, $0xb8;
	[tilespmem:$0x18C00] =	vst v63  }
0xaa: {  	s7 =	simm.s32 $0x7400  }
0xab: {  	[tilespmem:s7], [sflag:$0x1] =	stream.indirect_vreg.gather [hbm4b:s2+s3], $0x80, v3, vm0, $0xb8;
	[tilespmem:$0x18C00] =	vst v63  }
0xac: {  	v3 =	vld [tilespmem:$0x70];
	_ =	sdelay $0x4  }
0xad: {  	v47 =	vshll.u32 v3, $0x1  }
0xae: {  	v3 =	vand.u32 $0x7, v3;
	v4 =	vand.u32 $0xFFFFFFF0, v47  }
0xaf: {  	v3 =	vor.u32 v3, v4  }
0xb0: {  	v4 =	vperm.xlane v3, v0;
	_ =	sdelay $0x1  }
0xb1: {  	v3 =	vperm.xlane v3, v2;
	v4 =	vadd.s32 v1, v4;
	_ =	sdelay $0x1  }
0xb2: {  	v3 =	vadd.s32 v1, v3;
	_ =	sdelay $0x1  }
0xb3: {  	s8 =	simm.s32 $0x7C00  }
0xb4: {  	[tilespmem:s8], [sflag:$0x1] =	stream.indirect_vreg.gather [hbm4b:s2+s3], $0x80, v4, vm0, $0xb8;
	[tilespmem:$0x18C00] =	vst v63  }
0xb5: {  	s10 =	simm.s32 $0x8400  }
0xb6: {  	[tilespmem:s10], [sflag:$0x1] =	stream.indirect_vreg.gather [hbm4b:s2+s3], $0x80, v3, vm0, $0xb8;
	[tilespmem:$0x18C00] =	vst v63  }
0xb7: {  	s11 =	simm.s32 $0x10C00;
	s5 =	simm.s32 $0x80  }
0xb8: {  	[tilespmem:s11], [sflag:$0x3] =	stream.indirect.gather [hbm4b:s4+s5], $0x80, s3, s5, $0xb8;
	[tilespmem:$0x18C00] =	vst v63  }
0xb9: {  	v3 =	vld [tilespmem:$0x80];
	_ =	sdelay $0x4  }
0xba: {  	v48 =	vshll.u32 v3, $0x1  }
0xbb: {  	v3 =	vand.u32 $0x7, v3;
	v4 =	vand.u32 $0xFFFFFFF0, v48  }
0xbc: {  	v3 =	vor.u32 v3, v4  }
0xbd: {  	v4 =	vperm.xlane v3, v0;
	_ =	sdelay $0x1  }
0xbe: {  	v3 =	vperm.xlane v3, v2;
	v4 =	vadd.s32 v1, v4;
	_ =	sdelay $0x1  }
0xbf: {  	v3 =	vadd.s32 v1, v3;
	_ =	sdelay $0x1  }
0xc0: {  	s12 =	simm.s32 $0x8C00  }
0xc1: {  	[tilespmem:s12], [sflag:$0x2] =	stream.indirect_vreg.gather [hbm4b:s2+s3], $0x80, v4, vm0, $0xb8;
	[tilespmem:$0x18C00] =	vst v63  }
0xc2: {  	s18 =	simm.s32 $0x9400  }
0xc3: {  	[tilespmem:s18], [sflag:$0x2] =	stream.indirect_vreg.gather [hbm4b:s2+s3], $0x80, v3, vm0, $0xb8;
	[tilespmem:$0x18C00] =	vst v63  }
0xc4: {  	v3 =	vld [tilespmem:$0x90];
	_ =	sdelay $0x4  }
0xc5: {  	v49 =	vshll.u32 v3, $0x1  }
0xc6: {  	v3 =	vand.u32 $0x7, v3;
	v4 =	vand.u32 $0xFFFFFFF0, v49  }
0xc7: {  	v3 =	vor.u32 v3, v4  }
0xc8: {  	v4 =	vperm.xlane v3, v0;
	_ =	sdelay $0x1  }
0xc9: {  	v3 =	vperm.xlane v3, v2;
	v4 =	vadd.s32 v1, v4;
	_ =	sdelay $0x1  }
0xca: {  	v3 =	vadd.s32 v1, v3;
	_ =	sdelay $0x1  }
0xcb: {  	s23 =	simm.s32 $0x9C00  }
0xcc: {  	[tilespmem:s23], [sflag:$0x2] =	stream.indirect_vreg.gather [hbm4b:s2+s3], $0x80, v4, vm0, $0xb8;
	[tilespmem:$0x18C00] =	vst v63  }
0xcd: {  	s24 =	simm.s32 $0xA400  }
0xce: {  	[tilespmem:s24], [sflag:$0x2] =	stream.indirect_vreg.gather [hbm4b:s2+s3], $0x80, v3, vm0, $0xb8;
	[tilespmem:$0x18C00] =	vst v63  }
0xcf: {  	v3 =	vld [tilespmem:$0xA0];
	_ =	sdelay $0x4  }
0xd0: {  	v50 =	vshll.u32 v3, $0x1  }
0xd1: {  	v3 =	vand.u32 $0x7, v3;
	v4 =	vand.u32 $0xFFFFFFF0, v50  }
0xd2: {  	v3 =	vor.u32 v3, v4  }
0xd3: {  	v4 =	vperm.xlane v3, v0;
	_ =	sdelay $0x1  }
0xd4: {  	v3 =	vperm.xlane v3, v2;
	v4 =	vadd.s32 v1, v4;
	_ =	sdelay $0x1  }
0xd5: {  	v3 =	vadd.s32 v1, v3;
	_ =	sdelay $0x1  }
0xd6: {  	s25 =	simm.s32 $0xAC00  }
0xd7: {  	[tilespmem:s25], [sflag:$0x2] =	stream.indirect_vreg.gather [hbm4b:s2+s3], $0x80, v4, vm0, $0xb8;
	[tilespmem:$0x18C00] =	vst v63  }
0xd8: {  	s26 =	simm.s32 $0xB400  }
0xd9: {  	[tilespmem:s26], [sflag:$0x2] =	stream.indirect_vreg.gather [hbm4b:s2+s3], $0x80, v3, vm0, $0xb8;
	[tilespmem:$0x18C00] =	vst v63  }
0xda: {  	v3 =	vld [tilespmem:$0xB0];
	_ =	sdelay $0x4  }
0xdb: {  	v51 =	vshll.u32 v3, $0x1  }
0xdc: {  	v3 =	vand.u32 $0x7, v3;
	v4 =	vand.u32 $0xFFFFFFF0, v51  }
0xdd: {  	v3 =	vor.u32 v3, v4  }
0xde: {  	v4 =	vperm.xlane v3, v0;
	_ =	sdelay $0x1  }
0xdf: {  	v3 =	vperm.xlane v3, v2;
	v4 =	vadd.s32 v1, v4;
	_ =	sdelay $0x1  }
0xe0: {  	v3 =	vadd.s32 v1, v3;
	_ =	sdelay $0x1  }
0xe1: {  	s29 =	simm.s32 $0xBC00  }
0xe2: {  	[tilespmem:s29], [sflag:$0x2] =	stream.indirect_vreg.gather [hbm4b:s2+s3], $0x80, v4, vm0, $0xb8;
	[tilespmem:$0x18C00] =	vst v63  }
0xe3: {  	s31 =	simm.s32 $0xC400  }
0xe4: {  	[tilespmem:s31], [sflag:$0x2] =	stream.indirect_vreg.gather [hbm4b:s2+s3], $0x80, v3, vm0, $0xb8;
	[tilespmem:$0x18C00] =	vst v63  }
0xe5: {  	v3 =	vld [tilespmem:$0xC0];
	_ =	sdelay $0x4  }
0xe6: {  	v52 =	vshll.u32 v3, $0x1  }
0xe7: {  	v3 =	vand.u32 $0x7, v3;
	v4 =	vand.u32 $0xFFFFFFF0, v52  }
0xe8: {  	v3 =	vor.u32 v3, v4  }
0xe9: {  	v4 =	vperm.xlane v3, v0;
	_ =	sdelay $0x1  }
0xea: {  	v3 =	vperm.xlane v3, v2;
	v4 =	vadd.s32 v1, v4;
	_ =	sdelay $0x1  }
0xeb: {  	v3 =	vadd.s32 v1, v3;
	_ =	sdelay $0x1  }
0xec: {  	s0 =	simm.s32 $0xCC00  }
0xed: {  	[tilespmem:s0], [sflag:$0x2] =	stream.indirect_vreg.gather [hbm4b:s2+s3], $0x80, v4, vm0, $0xb8;
	[tilespmem:$0x18C00] =	vst v63  }
0xee: {  	s7 =	simm.s32 $0xD400  }
0xef: {  	[tilespmem:s7], [sflag:$0x2] =	stream.indirect_vreg.gather [hbm4b:s2+s3], $0x80, v3, vm0, $0xb8;
	[tilespmem:$0x18C00] =	vst v63  }
0xf0: {  	v3 =	vld [tilespmem:$0xD0];
	_ =	sdelay $0x4  }
0xf1: {  	v53 =	vshll.u32 v3, $0x1  }
0xf2: {  	v3 =	vand.u32 $0x7, v3;
	v4 =	vand.u32 $0xFFFFFFF0, v53  }
0xf3: {  	v3 =	vor.u32 v3, v4  }
0xf4: {  	v4 =	vperm.xlane v3, v0;
	_ =	sdelay $0x1  }
0xf5: {  	v3 =	vperm.xlane v3, v2;
	v4 =	vadd.s32 v1, v4;
	_ =	sdelay $0x1  }
0xf6: {  	v3 =	vadd.s32 v1, v3;
	_ =	sdelay $0x1  }
0xf7: {  	s8 =	simm.s32 $0xDC00  }
0xf8: {  	[tilespmem:s8], [sflag:$0x2] =	stream.indirect_vreg.gather [hbm4b:s2+s3], $0x80, v4, vm0, $0xb8;
	[tilespmem:$0x18C00] =	vst v63  }
0xf9: {  	s10 =	simm.s32 $0xE400  }
0xfa: {  	[tilespmem:s10], [sflag:$0x2] =	stream.indirect_vreg.gather [hbm4b:s2+s3], $0x80, v3, vm0, $0xb8;
	[tilespmem:$0x18C00] =	vst v63  }
0xfb: {  	v3 =	vld [tilespmem:$0xE0];
	_ =	sdelay $0x4  }
0xfc: {  	v54 =	vshll.u32 v3, $0x1  }
0xfd: {  	v3 =	vand.u32 $0x7, v3;
	v4 =	vand.u32 $0xFFFFFFF0, v54  }
0xfe: {  	v3 =	vor.u32 v3, v4  }
0xff: {  	v4 =	vperm.xlane v3, v0;
	_ =	sdelay $0x1  }
0x100: {  	v3 =	vperm.xlane v3, v2;
	v4 =	vadd.s32 v1, v4;
	_ =	sdelay $0x1  }
0x101: {  	v3 =	vadd.s32 v1, v3;
	_ =	sdelay $0x1  }
0x102: {  	s24 =	simm.s32 $0xEC00  }
0x103: {  	[tilespmem:s24], [sflag:$0x2] =	stream.indirect_vreg.gather [hbm4b:s2+s3], $0x80, v4, vm0, $0xb8;
	[tilespmem:$0x18C00] =	vst v63  }
0x104: {  	s25 =	simm.s32 $0xF400  }
0x105: {  	[tilespmem:s25], [sflag:$0x2] =	stream.indirect_vreg.gather [hbm4b:s2+s3], $0x80, v3, vm0, $0xb8;
	[tilespmem:$0x18C00] =	vst v63  }
0x106: {  	v3 =	vld [tilespmem:$0xF0];
	_ =	sdelay $0x4  }
0x107: {  	v55 =	vshll.u32 v3, $0x1  }
0x108: {  	v3 =	vand.u32 $0x7, v3;
	v4 =	vand.u32 $0xFFFFFFF0, v55  }
0x109: {  	v3 =	vor.u32 v3, v4  }
0x10a: {  	v4 =	vperm.xlane v3, v0;
	_ =	sdelay $0x1  }
0x10b: {  	v3 =	vperm.xlane v3, v2;
	v4 =	vadd.s32 v1, v4;
	_ =	sdelay $0x1  }
0x10c: {  	v3 =	vadd.s32 v1, v3;
	_ =	sdelay $0x1  }
0x10d: {  	s26 =	simm.s32 $0xFC00  }
0x10e: {  	[tilespmem:s26], [sflag:$0x2] =	stream.indirect_vreg.gather [hbm4b:s2+s3], $0x80, v4, vm0, $0xb8;
	[tilespmem:$0x18C00] =	vst v63  }
0x10f: {  	s29 =	simm.s32 $0x10400  }
0x110: {  	[tilespmem:s29], [sflag:$0x2] =	stream.indirect_vreg.gather [hbm4b:s2+s3], $0x80, v3, vm0, $0xb8;
	[tilespmem:$0x18C00] =	vst v63  }
0x111: {  	s17 =	simm.s32 $0x80;
	s31 =	simm.s32 $0x14C00  }
0x112: {  	[tilespmem:s31], [sflag:$0x4] =	stream.indirect.gather [hbm4b:s4+s17], $0x80, s17, s17, $0xb8;
	[tilespmem:$0x18C00] =	vst v63  }
0x113: {  	_ =	swait.ge [sflag:s19], $0x8000  }
0x114: {  	[sflag:s19] =	ssyncset.done $0x0  }
0x115: {  	[sflag:s19] =	ssyncadd.s32 $0xFFFF8000  }
0x116: {  	_ =	swait.ge [sflag:s20], $0x4000  }
0x117: {  	[sflag:s20] =	ssyncset.done $0x0  }
0x118: {  	s28 =	simm.s32 $0xC00;
	s0 =	rddreg [dreg:$0x6];
	[sflag:s20] =	ssyncadd.s32 $0xFFFFC000  }
0x119: {  	[hbm4b:s0+s3] =	stream.linear.scatter [tilespmem:s28], [sflag:$0x5], $0x8000, $0x38;
	[tilespmem:$0x18C00] =	vst v63  }
0x11a: {  	_ =	swait.ge [sflag:s6], $0x8000  }
0x11b: {  	[sflag:s6] =	ssyncset.done $0x0  }
0x11c: {  	s26 =	simm.s32 $0x10C00;
	s17 =	rddreg [dreg:$0x7];
	[sflag:s6] =	ssyncadd.s32 $0xFFFF8000  }
0x11d: {  	[hbm4b:s17+s3] =	stream.linear.scatter [tilespmem:s26], [sflag:$0x5], $0x4000, $0x38;
	[tilespmem:$0x18C00] =	vst v63  }
0x11e: {  	_ =	swait.ge [sflag:s6], $0x4000  }
0x11f: {  	[sflag:s6] =	ssyncset.done $0x0  }
0x120: {  	[sflag:s6] =	ssyncadd.s32 $0xFFFFC000  }
0x121: {  	v3 =	vld [tilespmem:$0x100];
	_ =	sdelay $0x4  }
0x122: {  	v56 =	vshll.u32 v3, $0x1  }
0x123: {  	v3 =	vand.u32 $0x7, v3;
	v4 =	vand.u32 $0xFFFFFFF0, v56  }
0x124: {  	v3 =	vor.u32 v3, v4  }
0x125: {  	v4 =	vperm.xlane v3, v0;
	_ =	sdelay $0x1  }
0x126: {  	v3 =	vperm.xlane v3, v2;
	v4 =	vadd.s32 v1, v4;
	_ =	sdelay $0x1  }
0x127: {  	v3 =	vadd.s32 v1, v3;
	_ =	sdelay $0x2  }
0x128: {  	[tilespmem:s28], [sflag:$0x1] =	stream.indirect_vreg.gather [hbm4b:s2+s3], $0x80, v4, vm0, $0xb8;
	[tilespmem:$0x18C00] =	vst v63  }
0x129: {  	s13 =	simm.s32 $0x1400  }
0x12a: {  	[tilespmem:s13], [sflag:$0x1] =	stream.indirect_vreg.gather [hbm4b:s2+s3], $0x80, v3, vm0, $0xb8;
	[tilespmem:$0x18C00] =	vst v63  }
0x12b: {  	v3 =	vld [tilespmem:$0x110];
	_ =	sdelay $0x4  }
0x12c: {  	v57 =	vshll.u32 v3, $0x1  }
0x12d: {  	v3 =	vand.u32 $0x7, v3;
	v4 =	vand.u32 $0xFFFFFFF0, v57  }
0x12e: {  	v3 =	vor.u32 v3, v4  }
0x12f: {  	v4 =	vperm.xlane v3, v0;
	_ =	sdelay $0x1  }
0x130: {  	v3 =	vperm.xlane v3, v2;
	v4 =	vadd.s32 v1, v4;
	_ =	sdelay $0x1  }
0x131: {  	v3 =	vadd.s32 v1, v3;
	_ =	sdelay $0x1  }
0x132: {  	s9 =	simm.s32 $0x1C00  }
0x133: {  	[tilespmem:s9], [sflag:$0x1] =	stream.indirect_vreg.gather [hbm4b:s2+s3], $0x80, v4, vm0, $0xb8;
	[tilespmem:$0x18C00] =	vst v63  }
0x134: {  	s15 =	simm.s32 $0x2400  }
0x135: {  	[tilespmem:s15], [sflag:$0x1] =	stream.indirect_vreg.gather [hbm4b:s2+s3], $0x80, v3, vm0, $0xb8;
	[tilespmem:$0x18C00] =	vst v63  }
0x136: {  	v3 =	vld [tilespmem:$0x120];
	_ =	sdelay $0x4  }
0x137: {  	v58 =	vshll.u32 v3, $0x1  }
0x138: {  	v3 =	vand.u32 $0x7, v3;
	v4 =	vand.u32 $0xFFFFFFF0, v58  }
0x139: {  	v3 =	vor.u32 v3, v4  }
0x13a: {  	v4 =	vperm.xlane v3, v0;
	_ =	sdelay $0x1  }
0x13b: {  	v3 =	vperm.xlane v3, v2;
	v4 =	vadd.s32 v1, v4;
	_ =	sdelay $0x1  }
0x13c: {  	v3 =	vadd.s32 v1, v3;
	_ =	sdelay $0x1  }
0x13d: {  	s16 =	simm.s32 $0x2C00  }
0x13e: {  	[tilespmem:s16], [sflag:$0x1] =	stream.indirect_vreg.gather [hbm4b:s2+s3], $0x80, v4, vm0, $0xb8;
	[tilespmem:$0x18C00] =	vst v63  }
0x13f: {  	s14 =	simm.s32 $0x3400  }
0x140: {  	[tilespmem:s14], [sflag:$0x1] =	stream.indirect_vreg.gather [hbm4b:s2+s3], $0x80, v3, vm0, $0xb8;
	[tilespmem:$0x18C00] =	vst v63  }
0x141: {  	v3 =	vld [tilespmem:$0x130];
	_ =	sdelay $0x4  }
0x142: {  	v59 =	vshll.u32 v3, $0x1  }
0x143: {  	v3 =	vand.u32 $0x7, v3;
	v4 =	vand.u32 $0xFFFFFFF0, v59  }
0x144: {  	v3 =	vor.u32 v3, v4  }
0x145: {  	v4 =	vperm.xlane v3, v0;
	_ =	sdelay $0x1  }
0x146: {  	v3 =	vperm.xlane v3, v2;
	v4 =	vadd.s32 v1, v4;
	_ =	sdelay $0x1  }
0x147: {  	v3 =	vadd.s32 v1, v3;
	_ =	sdelay $0x1  }
0x148: {  	s9 =	simm.s32 $0x3C00  }
0x149: {  	[tilespmem:s9], [sflag:$0x1] =	stream.indirect_vreg.gather [hbm4b:s2+s3], $0x80, v4, vm0, $0xb8;
	[tilespmem:$0x18C00] =	vst v63  }
0x14a: {  	s30 =	simm.s32 $0x4400  }
0x14b: {  	[tilespmem:s30], [sflag:$0x1] =	stream.indirect_vreg.gather [hbm4b:s2+s3], $0x80, v3, vm0, $0xb8;
	[tilespmem:$0x18C00] =	vst v63  }
0x14c: {  	v3 =	vld [tilespmem:$0x140];
	_ =	sdelay $0x4  }
0x14d: {  	v60 =	vshll.u32 v3, $0x1  }
0x14e: {  	v3 =	vand.u32 $0x7, v3;
	v4 =	vand.u32 $0xFFFFFFF0, v60  }
0x14f: {  	v3 =	vor.u32 v3, v4  }
0x150: {  	v4 =	vperm.xlane v3, v0;
	_ =	sdelay $0x1  }
0x151: {  	v3 =	vperm.xlane v3, v2;
	v4 =	vadd.s32 v1, v4;
	_ =	sdelay $0x1  }
0x152: {  	v3 =	vadd.s32 v1, v3;
	_ =	sdelay $0x1  }
0x153: {  	s31 =	simm.s32 $0x4C00  }
0x154: {  	[tilespmem:s31], [sflag:$0x1] =	stream.indirect_vreg.gather [hbm4b:s2+s3], $0x80, v4, vm0, $0xb8;
	[tilespmem:$0x18C00] =	vst v63  }
0x155: {  	s15 =	simm.s32 $0x5400  }
0x156: {  	[tilespmem:s15], [sflag:$0x1] =	stream.indirect_vreg.gather [hbm4b:s2+s3], $0x80, v3, vm0, $0xb8;
	[tilespmem:$0x18C00] =	vst v63  }
0x157: {  	v3 =	vld [tilespmem:$0x150];
	_ =	sdelay $0x4  }
0x158: {  	v61 =	vshll.u32 v3, $0x1  }
0x159: {  	v3 =	vand.u32 $0x7, v3;
	v4 =	vand.u32 $0xFFFFFFF0, v61  }
0x15a: {  	v3 =	vor.u32 v3, v4  }
0x15b: {  	v4 =	vperm.xlane v3, v0;
	_ =	sdelay $0x1  }
0x15c: {  	v3 =	vperm.xlane v3, v2;
	v4 =	vadd.s32 v1, v4;
	_ =	sdelay $0x1  }
0x15d: {  	v3 =	vadd.s32 v1, v3;
	_ =	sdelay $0x1  }
0x15e: {  	s30 =	simm.s32 $0x5C00  }
0x15f: {  	[tilespmem:s30], [sflag:$0x1] =	stream.indirect_vreg.gather [hbm4b:s2+s3], $0x80, v4, vm0, $0xb8;
	[tilespmem:$0x18C00] =	vst v63  }
0x160: {  	s16 =	simm.s32 $0x6400  }
0x161: {  	[tilespmem:s16], [sflag:$0x1] =	stream.indirect_vreg.gather [hbm4b:s2+s3], $0x80, v3, vm0, $0xb8;
	[tilespmem:$0x18C00] =	vst v63  }
0x162: {  	v3 =	vld [tilespmem:$0x160];
	_ =	sdelay $0x4  }
0x163: {  	v62 =	vshll.u32 v3, $0x1  }
0x164: {  	v3 =	vand.u32 $0x7, v3;
	v4 =	vand.u32 $0xFFFFFFF0, v62  }
0x165: {  	v3 =	vor.u32 v3, v4  }
0x166: {  	v4 =	vperm.xlane v3, v0;
	_ =	sdelay $0x1  }
0x167: {  	v3 =	vperm.xlane v3, v2;
	v4 =	vadd.s32 v1, v4;
	_ =	sdelay $0x1  }
0x168: {  	v3 =	vadd.s32 v1, v3;
	_ =	sdelay $0x1  }
0x169: {  	s13 =	simm.s32 $0x6C00  }
0x16a: {  	[tilespmem:s13], [sflag:$0x1] =	stream.indirect_vreg.gather [hbm4b:s2+s3], $0x80, v4, vm0, $0xb8;
	[tilespmem:$0x18C00] =	vst v63  }
0x16b: {  	s17 =	simm.s32 $0x7400  }
0x16c: {  	[tilespmem:s17], [sflag:$0x1] =	stream.indirect_vreg.gather [hbm4b:s2+s3], $0x80, v3, vm0, $0xb8;
	[tilespmem:$0x18C00] =	vst v63  }
0x16d: {  	v3 =	vld [tilespmem:$0x170];
	_ =	sdelay $0x4  }
0x16e: {  	v63 =	vshll.u32 v3, $0x1  }
0x16f: {  	v3 =	vand.u32 $0x7, v3;
	v4 =	vand.u32 $0xFFFFFFF0, v63  }
0x170: {  	v3 =	vor.u32 v3, v4  }
0x171: {  	v4 =	vperm.xlane v3, v0;
	_ =	sdelay $0x1  }
0x172: {  	v3 =	vperm.xlane v3, v2;
	v4 =	vadd.s32 v1, v4;
	_ =	sdelay $0x1  }
0x173: {  	v3 =	vadd.s32 v1, v3;
	_ =	sdelay $0x1  }
0x174: {  	s14 =	simm.s32 $0x7C00  }
0x175: {  	[tilespmem:s14], [sflag:$0x1] =	stream.indirect_vreg.gather [hbm4b:s2+s3], $0x80, v4, vm0, $0xb8;
	[tilespmem:$0x18C00] =	vst v63  }
0x176: {  	s1 =	simm.s32 $0x8400;
	s29 =	sld [smem:$0x7EA]  }
0x177: {  	[tilespmem:s1], [sflag:$0x1] =	stream.indirect_vreg.gather [hbm4b:s2+s3], $0x80, v3, vm0, $0xb8;
	[tilespmem:$0x18C00] =	vst v63  }
0x178: {  	s24 =	simm.s32 $0x80  }
0x179: {  	[tilespmem:s26], [sflag:$0x3] =	stream.indirect.gather [hbm4b:s4+s24], $0x80, s29, s24, $0xb8;
	[tilespmem:$0x18C00] =	vst v63  }
0x17a: {  	_ =	swait.ge [sflag:s21], $0x8000  }
0x17b: {  	[sflag:s21] =	ssyncset.done $0x0  }
0x17c: {  	[sflag:s21] =	ssyncadd.s32 $0xFFFF8000  }
0x17d: {  	_ =	swait.ge [sflag:s22], $0x4000  }
0x17e: {  	[sflag:s22] =	ssyncset.done $0x0  }
0x17f: {  	s29 =	simm.s32 $0x8C00;
	s1 =	rddreg [dreg:$0x8];
	[sflag:s22] =	ssyncadd.s32 $0xFFFFC000  }
0x180: {  	[hbm4b:s1+s3] =	stream.linear.scatter [tilespmem:s29], [sflag:$0x5], $0x8000, $0x38;
	[tilespmem:$0x18C00] =	vst v63  }
0x181: {  	_ =	swait.ge [sflag:s6], $0x8000  }
0x182: {  	[sflag:s6] =	ssyncset.done $0x0  }
0x183: {  	s25 =	simm.s32 $0x14C00;
	s1 =	rddreg [dreg:$0x9];
	[sflag:s6] =	ssyncadd.s32 $0xFFFF8000  }
0x184: {  	[hbm4b:s1+s3] =	stream.linear.scatter [tilespmem:s25], [sflag:$0x5], $0x4000, $0x38;
	[tilespmem:$0x18C00] =	vst v63  }
0x185: {  	_ =	swait.ge [sflag:s6], $0x4000  }
0x186: {  	[sflag:s6] =	ssyncset.done $0x0  }
0x187: {  	[sflag:s6] =	ssyncadd.s32 $0xFFFFC000  }
0x188: {  	v3 =	vld [tilespmem:$0x180];
	_ =	sdelay $0x4  }
0x189: {  	v8 =	vshll.u32 v3, $0x1  }
0x18a: {  	v3 =	vand.u32 $0x7, v3;
	v4 =	vand.u32 $0xFFFFFFF0, v8  }
0x18b: {  	v3 =	vor.u32 v3, v4  }
0x18c: {  	v4 =	vperm.xlane v3, v0;
	_ =	sdelay $0x1  }
0x18d: {  	v3 =	vperm.xlane v3, v2;
	v4 =	vadd.s32 v1, v4;
	_ =	sdelay $0x1  }
0x18e: {  	v3 =	vadd.s32 v1, v3;
	_ =	sdelay $0x2  }
0x18f: {  	[tilespmem:s29], [sflag:$0x2] =	stream.indirect_vreg.gather [hbm4b:s2+s3], $0x80, v4, vm0, $0xb8;
	[tilespmem:$0x18C00] =	vst v63  }
0x190: {  	s0 =	simm.s32 $0x9400  }
0x191: {  	[tilespmem:s0], [sflag:$0x2] =	stream.indirect_vreg.gather [hbm4b:s2+s3], $0x80, v3, vm0, $0xb8;
	[tilespmem:$0x18C00] =	vst v63  }
0x192: {  	v3 =	vld [tilespmem:$0x190];
	_ =	sdelay $0x4  }
0x193: {  	v9 =	vshll.u32 v3, $0x1  }
0x194: {  	v3 =	vand.u32 $0x7, v3;
	v4 =	vand.u32 $0xFFFFFFF0, v9  }
0x195: {  	v3 =	vor.u32 v3, v4  }
0x196: {  	v4 =	vperm.xlane v3, v0;
	_ =	sdelay $0x1  }
0x197: {  	v3 =	vperm.xlane v3, v2;
	v4 =	vadd.s32 v1, v4;
	_ =	sdelay $0x1  }
0x198: {  	v3 =	vadd.s32 v1, v3;
	_ =	sdelay $0x1  }
0x199: {  	s23 =	simm.s32 $0x9C00  }
0x19a: {  	[tilespmem:s23], [sflag:$0x2] =	stream.indirect_vreg.gather [hbm4b:s2+s3], $0x80, v4, vm0, $0xb8;
	[tilespmem:$0x18C00] =	vst v63  }
0x19b: {  	s11 =	simm.s32 $0xA400  }
0x19c: {  	[tilespmem:s11], [sflag:$0x2] =	stream.indirect_vreg.gather [hbm4b:s2+s3], $0x80, v3, vm0, $0xb8;
	[tilespmem:$0x18C00] =	vst v63  }
0x19d: {  	v3 =	vld [tilespmem:$0x1A0];
	_ =	sdelay $0x4  }
0x19e: {  	v10 =	vshll.u32 v3, $0x1  }
0x19f: {  	v3 =	vand.u32 $0x7, v3;
	v4 =	vand.u32 $0xFFFFFFF0, v10  }
0x1a0: {  	v3 =	vor.u32 v3, v4  }
0x1a1: {  	v4 =	vperm.xlane v3, v0;
	_ =	sdelay $0x1  }
0x1a2: {  	v3 =	vperm.xlane v3, v2;
	v4 =	vadd.s32 v1, v4;
	_ =	sdelay $0x1  }
0x1a3: {  	v3 =	vadd.s32 v1, v3;
	_ =	sdelay $0x1  }
0x1a4: {  	s18 =	simm.s32 $0xAC00  }
0x1a5: {  	[tilespmem:s18], [sflag:$0x2] =	stream.indirect_vreg.gather [hbm4b:s2+s3], $0x80, v4, vm0, $0xb8;
	[tilespmem:$0x18C00] =	vst v63  }
0x1a6: {  	s12 =	simm.s32 $0xB400  }
0x1a7: {  	[tilespmem:s12], [sflag:$0x2] =	stream.indirect_vreg.gather [hbm4b:s2+s3], $0x80, v3, vm0, $0xb8;
	[tilespmem:$0x18C00] =	vst v63  }
0x1a8: {  	v3 =	vld [tilespmem:$0x1B0];
	_ =	sdelay $0x4  }
0x1a9: {  	v11 =	vshll.u32 v3, $0x1  }
0x1aa: {  	v3 =	vand.u32 $0x7, v3;
	v4 =	vand.u32 $0xFFFFFFF0, v11  }
0x1ab: {  	v3 =	vor.u32 v3, v4  }
0x1ac: {  	v4 =	vperm.xlane v3, v0;
	_ =	sdelay $0x1  }
0x1ad: {  	v3 =	vperm.xlane v3, v2;
	v4 =	vadd.s32 v1, v4;
	_ =	sdelay $0x1  }
0x1ae: {  	v3 =	vadd.s32 v1, v3;
	_ =	sdelay $0x1  }
0x1af: {  	s23 =	simm.s32 $0xBC00  }
0x1b0: {  	[tilespmem:s23], [sflag:$0x2] =	stream.indirect_vreg.gather [hbm4b:s2+s3], $0x80, v4, vm0, $0xb8;
	[tilespmem:$0x18C00] =	vst v63  }
0x1b1: {  	s5 =	simm.s32 $0xC400  }
0x1b2: {  	[tilespmem:s5], [sflag:$0x2] =	stream.indirect_vreg.gather [hbm4b:s2+s3], $0x80, v3, vm0, $0xb8;
	[tilespmem:$0x18C00] =	vst v63  }
0x1b3: {  	v3 =	vld [tilespmem:$0x1C0];
	_ =	sdelay $0x4  }
0x1b4: {  	v12 =	vshll.u32 v3, $0x1  }
0x1b5: {  	v3 =	vand.u32 $0x7, v3;
	v4 =	vand.u32 $0xFFFFFFF0, v12  }
0x1b6: {  	v3 =	vor.u32 v3, v4  }
0x1b7: {  	v4 =	vperm.xlane v3, v0;
	_ =	sdelay $0x1  }
0x1b8: {  	v3 =	vperm.xlane v3, v2;
	v4 =	vadd.s32 v1, v4;
	_ =	sdelay $0x1  }
0x1b9: {  	v3 =	vadd.s32 v1, v3;
	_ =	sdelay $0x1  }
0x1ba: {  	s5 =	simm.s32 $0xCC00  }
0x1bb: {  	[tilespmem:s5], [sflag:$0x2] =	stream.indirect_vreg.gather [hbm4b:s2+s3], $0x80, v4, vm0, $0xb8;
	[tilespmem:$0x18C00] =	vst v63  }
0x1bc: {  	s7 =	simm.s32 $0xD400  }
0x1bd: {  	[tilespmem:s7], [sflag:$0x2] =	stream.indirect_vreg.gather [hbm4b:s2+s3], $0x80, v3, vm0, $0xb8;
	[tilespmem:$0x18C00] =	vst v63  }
0x1be: {  	v3 =	vld [tilespmem:$0x1D0];
	_ =	sdelay $0x4  }
0x1bf: {  	v13 =	vshll.u32 v3, $0x1  }
0x1c0: {  	v3 =	vand.u32 $0x7, v3;
	v4 =	vand.u32 $0xFFFFFFF0, v13  }
0x1c1: {  	v3 =	vor.u32 v3, v4  }
0x1c2: {  	v4 =	vperm.xlane v3, v0;
	_ =	sdelay $0x1  }
0x1c3: {  	v3 =	vperm.xlane v3, v2;
	v4 =	vadd.s32 v1, v4;
	_ =	sdelay $0x1  }
0x1c4: {  	v3 =	vadd.s32 v1, v3;
	_ =	sdelay $0x1  }
0x1c5: {  	s7 =	simm.s32 $0xDC00  }
0x1c6: {  	[tilespmem:s7], [sflag:$0x2] =	stream.indirect_vreg.gather [hbm4b:s2+s3], $0x80, v4, vm0, $0xb8;
	[tilespmem:$0x18C00] =	vst v63  }
0x1c7: {  	s8 =	simm.s32 $0xE400  }
0x1c8: {  	[tilespmem:s8], [sflag:$0x2] =	stream.indirect_vreg.gather [hbm4b:s2+s3], $0x80, v3, vm0, $0xb8;
	[tilespmem:$0x18C00] =	vst v63  }
0x1c9: {  	v3 =	vld [tilespmem:$0x1E0];
	_ =	sdelay $0x4  }
0x1ca: {  	v14 =	vshll.u32 v3, $0x1  }
0x1cb: {  	v3 =	vand.u32 $0x7, v3;
	v4 =	vand.u32 $0xFFFFFFF0, v14  }
0x1cc: {  	v3 =	vor.u32 v3, v4  }
0x1cd: {  	v4 =	vperm.xlane v3, v0;
	_ =	sdelay $0x1  }
0x1ce: {  	v3 =	vperm.xlane v3, v2;
	v4 =	vadd.s32 v1, v4;
	_ =	sdelay $0x1  }
0x1cf: {  	v3 =	vadd.s32 v1, v3;
	_ =	sdelay $0x1  }
0x1d0: {  	s8 =	simm.s32 $0xEC00  }
0x1d1: {  	[tilespmem:s8], [sflag:$0x2] =	stream.indirect_vreg.gather [hbm4b:s2+s3], $0x80, v4, vm0, $0xb8;
	[tilespmem:$0x18C00] =	vst v63  }
0x1d2: {  	s10 =	simm.s32 $0xF400  }
0x1d3: {  	[tilespmem:s10], [sflag:$0x2] =	stream.indirect_vreg.gather [hbm4b:s2+s3], $0x80, v3, vm0, $0xb8;
	[tilespmem:$0x18C00] =	vst v63  }
0x1d4: {  	v3 =	vld [tilespmem:$0x1F0];
	_ =	sdelay $0x4  }
0x1d5: {  	v15 =	vshll.u32 v3, $0x1  }
0x1d6: {  	v3 =	vand.u32 $0x7, v3;
	v4 =	vand.u32 $0xFFFFFFF0, v15  }
0x1d7: {  	v3 =	vor.u32 v3, v4  }
0x1d8: {  	v4 =	vperm.xlane v3, v0;
	_ =	sdelay $0x1  }
0x1d9: {  	v3 =	vperm.xlane v3, v2;
	v4 =	vadd.s32 v1, v4;
	_ =	sdelay $0x1  }
0x1da: {  	v3 =	vadd.s32 v1, v3;
	_ =	sdelay $0x1  }
0x1db: {  	s10 =	simm.s32 $0xFC00  }
0x1dc: {  	[tilespmem:s10], [sflag:$0x2] =	stream.indirect_vreg.gather [hbm4b:s2+s3], $0x80, v4, vm0, $0xb8;
	[tilespmem:$0x18C00] =	vst v63  }
0x1dd: {  	s1 =	simm.s32 $0x10400;
	s23 =	sld [smem:$0x7EB]  }
0x1de: {  	[tilespmem:s1], [sflag:$0x2] =	stream.indirect_vreg.gather [hbm4b:s2+s3], $0x80, v3, vm0, $0xb8;
	[tilespmem:$0x18C00] =	vst v63  }
0x1df: {  	_ = 	snop  }
0x1e0: {  	[tilespmem:s25], [sflag:$0x4] =	stream.indirect.gather [hbm4b:s4+s24], $0x80, s23, s24, $0xb8;
	[tilespmem:$0x18C00] =	vst v63  }
0x1e1: {  	_ =	swait.ge [sflag:s19], $0x8000  }
0x1e2: {  	[sflag:s19] =	ssyncset.done $0x0  }
0x1e3: {  	[sflag:s19] =	ssyncadd.s32 $0xFFFF8000  }
0x1e4: {  	_ =	swait.ge [sflag:s20], $0x4000  }
0x1e5: {  	[sflag:s20] =	ssyncset.done $0x0  }
0x1e6: {  	s23 =	rddreg [dreg:$0xa];
	[sflag:s20] =	ssyncadd.s32 $0xFFFFC000  }
0x1e7: {  	[hbm4b:s23+s3] =	stream.linear.scatter [tilespmem:s28], [sflag:$0x5], $0x8000, $0x38;
	[tilespmem:$0x18C00] =	vst v63  }
0x1e8: {  	_ =	swait.ge [sflag:s6], $0x8000  }
0x1e9: {  	[sflag:s6] =	ssyncset.done $0x0  }
0x1ea: {  	s26 =	simm.s32 $0x10C00;
	s23 =	rddreg [dreg:$0xb];
	[sflag:s6] =	ssyncadd.s32 $0xFFFF8000  }
0x1eb: {  	[hbm4b:s23+s3] =	stream.linear.scatter [tilespmem:s26], [sflag:$0x5], $0x4000, $0x38;
	[tilespmem:$0x18C00] =	vst v63  }
0x1ec: {  	_ =	swait.ge [sflag:s6], $0x4000  }
0x1ed: {  	[sflag:s6] =	ssyncset.done $0x0  }
0x1ee: {  	[sflag:s6] =	ssyncadd.s32 $0xFFFFC000  }
0x1ef: {  	v3 =	vld [tilespmem:$0x200];
	_ =	sdelay $0x4  }
0x1f0: {  	v16 =	vshll.u32 v3, $0x1  }
0x1f1: {  	v3 =	vand.u32 $0x7, v3;
	v4 =	vand.u32 $0xFFFFFFF0, v16  }
0x1f2: {  	v3 =	vor.u32 v3, v4  }
0x1f3: {  	v4 =	vperm.xlane v3, v0;
	_ =	sdelay $0x1  }
0x1f4: {  	v3 =	vperm.xlane v3, v2;
	v4 =	vadd.s32 v1, v4;
	_ =	sdelay $0x1  }
0x1f5: {  	v3 =	vadd.s32 v1, v3;
	_ =	sdelay $0x2  }
0x1f6: {  	[tilespmem:s28], [sflag:$0x1] =	stream.indirect_vreg.gather [hbm4b:s2+s3], $0x80, v4, vm0, $0xb8;
	[tilespmem:$0x18C00] =	vst v63  }
0x1f7: {  	s23 =	simm.s32 $0x1400  }
0x1f8: {  	[tilespmem:s23], [sflag:$0x1] =	stream.indirect_vreg.gather [hbm4b:s2+s3], $0x80, v3, vm0, $0xb8;
	[tilespmem:$0x18C00] =	vst v63  }
0x1f9: {  	v3 =	vld [tilespmem:$0x210];
	_ =	sdelay $0x4  }
0x1fa: {  	v17 =	vshll.u32 v3, $0x1  }
0x1fb: {  	v3 =	vand.u32 $0x7, v3;
	v4 =	vand.u32 $0xFFFFFFF0, v17  }
0x1fc: {  	v3 =	vor.u32 v3, v4  }
0x1fd: {  	v4 =	vperm.xlane v3, v0;
	_ =	sdelay $0x1  }
0x1fe: {  	v3 =	vperm.xlane v3, v2;
	v4 =	vadd.s32 v1, v4;
	_ =	sdelay $0x1  }
0x1ff: {  	v3 =	vadd.s32 v1, v3;
	_ =	sdelay $0x1  }
0x200: {  	s23 =	simm.s32 $0x1C00  }
0x201: {  	[tilespmem:s23], [sflag:$0x1] =	stream.indirect_vreg.gather [hbm4b:s2+s3], $0x80, v4, vm0, $0xb8;
	[tilespmem:$0x18C00] =	vst v63  }
0x202: {  	s23 =	simm.s32 $0x2400  }
0x203: {  	[tilespmem:s23], [sflag:$0x1] =	stream.indirect_vreg.gather [hbm4b:s2+s3], $0x80, v3, vm0, $0xb8;
	[tilespmem:$0x18C00] =	vst v63  }
0x204: {  	v3 =	vld [tilespmem:$0x220];
	_ =	sdelay $0x4  }
0x205: {  	v18 =	vshll.u32 v3, $0x1  }
0x206: {  	v3 =	vand.u32 $0x7, v3;
	v4 =	vand.u32 $0xFFFFFFF0, v18  }
0x207: {  	v3 =	vor.u32 v3, v4  }
0x208: {  	v4 =	vperm.xlane v3, v0;
	_ =	sdelay $0x1  }
0x209: {  	v3 =	vperm.xlane v3, v2;
	v4 =	vadd.s32 v1, v4;
	_ =	sdelay $0x1  }
0x20a: {  	v3 =	vadd.s32 v1, v3;
	_ =	sdelay $0x1  }
0x20b: {  	s23 =	simm.s32 $0x2C00  }
0x20c: {  	[tilespmem:s23], [sflag:$0x1] =	stream.indirect_vreg.gather [hbm4b:s2+s3], $0x80, v4, vm0, $0xb8;
	[tilespmem:$0x18C00] =	vst v63  }
0x20d: {  	s23 =	simm.s32 $0x3400  }
0x20e: {  	[tilespmem:s23], [sflag:$0x1] =	stream.indirect_vreg.gather [hbm4b:s2+s3], $0x80, v3, vm0, $0xb8;
	[tilespmem:$0x18C00] =	vst v63  }
0x20f: {  	v3 =	vld [tilespmem:$0x230];
	_ =	sdelay $0x4  }
0x210: {  	v19 =	vshll.u32 v3, $0x1  }
0x211: {  	v3 =	vand.u32 $0x7, v3;
	v4 =	vand.u32 $0xFFFFFFF0, v19  }
0x212: {  	v3 =	vor.u32 v3, v4  }
0x213: {  	v4 =	vperm.xlane v3, v0;
	_ =	sdelay $0x1  }
0x214: {  	v3 =	vperm.xlane v3, v2;
	v4 =	vadd.s32 v1, v4;
	_ =	sdelay $0x1  }
0x215: {  	v3 =	vadd.s32 v1, v3;
	_ =	sdelay $0x2  }
0x216: {  	[tilespmem:s9], [sflag:$0x1] =	stream.indirect_vreg.gather [hbm4b:s2+s3], $0x80, v4, vm0, $0xb8;
	[tilespmem:$0x18C00] =	vst v63  }
0x217: {  	s23 =	simm.s32 $0x4400  }
0x218: {  	[tilespmem:s23], [sflag:$0x1] =	stream.indirect_vreg.gather [hbm4b:s2+s3], $0x80, v3, vm0, $0xb8;
	[tilespmem:$0x18C00] =	vst v63  }
0x219: {  	v3 =	vld [tilespmem:$0x240];
	_ =	sdelay $0x4  }
0x21a: {  	v20 =	vshll.u32 v3, $0x1  }
0x21b: {  	v3 =	vand.u32 $0x7, v3;
	v4 =	vand.u32 $0xFFFFFFF0, v20  }
0x21c: {  	v3 =	vor.u32 v3, v4  }
0x21d: {  	v4 =	vperm.xlane v3, v0;
	_ =	sdelay $0x1  }
0x21e: {  	v3 =	vperm.xlane v3, v2;
	v4 =	vadd.s32 v1, v4;
	_ =	sdelay $0x1  }
0x21f: {  	v3 =	vadd.s32 v1, v3;
	_ =	sdelay $0x2  }
0x220: {  	[tilespmem:s31], [sflag:$0x1] =	stream.indirect_vreg.gather [hbm4b:s2+s3], $0x80, v4, vm0, $0xb8;
	[tilespmem:$0x18C00] =	vst v63  }
0x221: {  	_ = 	snop  }
0x222: {  	[tilespmem:s15], [sflag:$0x1] =	stream.indirect_vreg.gather [hbm4b:s2+s3], $0x80, v3, vm0, $0xb8;
	[tilespmem:$0x18C00] =	vst v63  }
0x223: {  	v3 =	vld [tilespmem:$0x250];
	_ =	sdelay $0x4  }
0x224: {  	v21 =	vshll.u32 v3, $0x1  }
0x225: {  	v3 =	vand.u32 $0x7, v3;
	v4 =	vand.u32 $0xFFFFFFF0, v21  }
0x226: {  	v3 =	vor.u32 v3, v4  }
0x227: {  	v4 =	vperm.xlane v3, v0;
	_ =	sdelay $0x1  }
0x228: {  	v3 =	vperm.xlane v3, v2;
	v4 =	vadd.s32 v1, v4;
	_ =	sdelay $0x1  }
0x229: {  	v3 =	vadd.s32 v1, v3;
	_ =	sdelay $0x2  }
0x22a: {  	[tilespmem:s30], [sflag:$0x1] =	stream.indirect_vreg.gather [hbm4b:s2+s3], $0x80, v4, vm0, $0xb8;
	[tilespmem:$0x18C00] =	vst v63  }
0x22b: {  	_ = 	snop  }
0x22c: {  	[tilespmem:s16], [sflag:$0x1] =	stream.indirect_vreg.gather [hbm4b:s2+s3], $0x80, v3, vm0, $0xb8;
	[tilespmem:$0x18C00] =	vst v63  }
0x22d: {  	v3 =	vld [tilespmem:$0x260];
	_ =	sdelay $0x4  }
0x22e: {  	v22 =	vshll.u32 v3, $0x1  }
0x22f: {  	v3 =	vand.u32 $0x7, v3;
	v4 =	vand.u32 $0xFFFFFFF0, v22  }
0x230: {  	v3 =	vor.u32 v3, v4  }
0x231: {  	v4 =	vperm.xlane v3, v0;
	_ =	sdelay $0x1  }
0x232: {  	v3 =	vperm.xlane v3, v2;
	v4 =	vadd.s32 v1, v4;
	_ =	sdelay $0x1  }
0x233: {  	v3 =	vadd.s32 v1, v3;
	_ =	sdelay $0x2  }
0x234: {  	[tilespmem:s13], [sflag:$0x1] =	stream.indirect_vreg.gather [hbm4b:s2+s3], $0x80, v4, vm0, $0xb8;
	[tilespmem:$0x18C00] =	vst v63  }
0x235: {  	_ = 	snop  }
0x236: {  	[tilespmem:s17], [sflag:$0x1] =	stream.indirect_vreg.gather [hbm4b:s2+s3], $0x80, v3, vm0, $0xb8;
	[tilespmem:$0x18C00] =	vst v63  }
0x237: {  	v3 =	vld [tilespmem:$0x270];
	_ =	sdelay $0x4  }
0x238: {  	v23 =	vshll.u32 v3, $0x1  }
0x239: {  	v3 =	vand.u32 $0x7, v3;
	v4 =	vand.u32 $0xFFFFFFF0, v23  }
0x23a: {  	v3 =	vor.u32 v3, v4  }
0x23b: {  	v4 =	vperm.xlane v3, v0;
	_ =	sdelay $0x1  }
0x23c: {  	v3 =	vperm.xlane v3, v2;
	v4 =	vadd.s32 v1, v4;
	_ =	sdelay $0x1  }
0x23d: {  	v3 =	vadd.s32 v1, v3;
	_ =	sdelay $0x2  }
0x23e: {  	[tilespmem:s14], [sflag:$0x1] =	stream.indirect_vreg.gather [hbm4b:s2+s3], $0x80, v4, vm0, $0xb8;
	[tilespmem:$0x18C00] =	vst v63  }
0x23f: {  	s23 =	sld [smem:$0x7EC];
	s30 =	simm.s32 $0x8400  }
0x240: {  	[tilespmem:s30], [sflag:$0x1] =	stream.indirect_vreg.gather [hbm4b:s2+s3], $0x80, v3, vm0, $0xb8;
	[tilespmem:$0x18C00] =	vst v63  }
0x241: {  	_ = 	snop  }
0x242: {  	[tilespmem:s26], [sflag:$0x3] =	stream.indirect.gather [hbm4b:s4+s24], $0x80, s23, s24, $0xb8;
	[tilespmem:$0x18C00] =	vst v63  }
0x243: {  	_ =	swait.ge [sflag:s21], $0x8000  }
0x244: {  	[sflag:s21] =	ssyncset.done $0x0  }
0x245: {  	[sflag:s21] =	ssyncadd.s32 $0xFFFF8000  }
0x246: {  	_ =	swait.ge [sflag:s22], $0x4000  }
0x247: {  	[sflag:s22] =	ssyncset.done $0x0  }
0x248: {  	s29 =	simm.s32 $0x8C00;
	s30 =	rddreg [dreg:$0xc];
	[sflag:s22] =	ssyncadd.s32 $0xFFFFC000  }
0x249: {  	[hbm4b:s30+s3] =	stream.linear.scatter [tilespmem:s29], [sflag:$0x5], $0x8000, $0x38;
	[tilespmem:$0x18C00] =	vst v63  }
0x24a: {  	_ =	swait.ge [sflag:s6], $0x8000  }
0x24b: {  	[sflag:s6] =	ssyncset.done $0x0  }
0x24c: {  	s17 =	rddreg [dreg:$0xd];
	[sflag:s6] =	ssyncadd.s32 $0xFFFF8000  }
0x24d: {  	[hbm4b:s17+s3] =	stream.linear.scatter [tilespmem:s25], [sflag:$0x5], $0x4000, $0x38;
	[tilespmem:$0x18C00] =	vst v63  }
0x24e: {  	_ =	swait.ge [sflag:s6], $0x4000  }
0x24f: {  	[sflag:s6] =	ssyncset.done $0x0  }
0x250: {  	[sflag:s6] =	ssyncadd.s32 $0xFFFFC000  }
0x251: {  	v3 =	vld [tilespmem:$0x280];
	_ =	sdelay $0x4  }
0x252: {  	v24 =	vshll.u32 v3, $0x1  }
0x253: {  	v3 =	vand.u32 $0x7, v3;
	v4 =	vand.u32 $0xFFFFFFF0, v24  }
0x254: {  	v3 =	vor.u32 v3, v4  }
0x255: {  	v4 =	vperm.xlane v3, v0;
	_ =	sdelay $0x1  }
0x256: {  	v3 =	vperm.xlane v3, v2;
	v4 =	vadd.s32 v1, v4;
	_ =	sdelay $0x1  }
0x257: {  	v3 =	vadd.s32 v1, v3;
	_ =	sdelay $0x2  }
0x258: {  	[tilespmem:s29], [sflag:$0x2] =	stream.indirect_vreg.gather [hbm4b:s2+s3], $0x80, v4, vm0, $0xb8;
	[tilespmem:$0x18C00] =	vst v63  }
0x259: {  	_ = 	snop  }
0x25a: {  	[tilespmem:s0], [sflag:$0x2] =	stream.indirect_vreg.gather [hbm4b:s2+s3], $0x80, v3, vm0, $0xb8;
	[tilespmem:$0x18C00] =	vst v63  }
0x25b: {  	v3 =	vld [tilespmem:$0x290];
	_ =	sdelay $0x4  }
0x25c: {  	v25 =	vshll.u32 v3, $0x1  }
0x25d: {  	v3 =	vand.u32 $0x7, v3;
	v4 =	vand.u32 $0xFFFFFFF0, v25  }
0x25e: {  	v3 =	vor.u32 v3, v4  }
0x25f: {  	v4 =	vperm.xlane v3, v0;
	_ =	sdelay $0x1  }
0x260: {  	v3 =	vperm.xlane v3, v2;
	v4 =	vadd.s32 v1, v4;
	_ =	sdelay $0x1  }
0x261: {  	v3 =	vadd.s32 v1, v3;
	_ =	sdelay $0x1  }
0x262: {  	s23 =	simm.s32 $0x9C00  }
0x263: {  	[tilespmem:s23], [sflag:$0x2] =	stream.indirect_vreg.gather [hbm4b:s2+s3], $0x80, v4, vm0, $0xb8;
	[tilespmem:$0x18C00] =	vst v63  }
0x264: {  	s17 =	simm.s32 $0xA400  }
0x265: {  	[tilespmem:s17], [sflag:$0x2] =	stream.indirect_vreg.gather [hbm4b:s2+s3], $0x80, v3, vm0, $0xb8;
	[tilespmem:$0x18C00] =	vst v63  }
0x266: {  	v3 =	vld [tilespmem:$0x2A0];
	_ =	sdelay $0x4  }
0x267: {  	v26 =	vshll.u32 v3, $0x1  }
0x268: {  	v3 =	vand.u32 $0x7, v3;
	v4 =	vand.u32 $0xFFFFFFF0, v26  }
0x269: {  	v3 =	vor.u32 v3, v4  }
0x26a: {  	v4 =	vperm.xlane v3, v0;
	_ =	sdelay $0x1  }
0x26b: {  	v3 =	vperm.xlane v3, v2;
	v4 =	vadd.s32 v1, v4;
	_ =	sdelay $0x1  }
0x26c: {  	v3 =	vadd.s32 v1, v3;
	_ =	sdelay $0x1  }
0x26d: {  	s11 =	simm.s32 $0xAC00  }
0x26e: {  	[tilespmem:s11], [sflag:$0x2] =	stream.indirect_vreg.gather [hbm4b:s2+s3], $0x80, v4, vm0, $0xb8;
	[tilespmem:$0x18C00] =	vst v63  }
0x26f: {  	s18 =	simm.s32 $0xB400  }
0x270: {  	[tilespmem:s18], [sflag:$0x2] =	stream.indirect_vreg.gather [hbm4b:s2+s3], $0x80, v3, vm0, $0xb8;
	[tilespmem:$0x18C00] =	vst v63  }
0x271: {  	v3 =	vld [tilespmem:$0x2B0];
	_ =	sdelay $0x4  }
0x272: {  	v27 =	vshll.u32 v3, $0x1  }
0x273: {  	v3 =	vand.u32 $0x7, v3;
	v4 =	vand.u32 $0xFFFFFFF0, v27  }
0x274: {  	v3 =	vor.u32 v3, v4  }
0x275: {  	v4 =	vperm.xlane v3, v0;
	_ =	sdelay $0x1  }
0x276: {  	v3 =	vperm.xlane v3, v2;
	v4 =	vadd.s32 v1, v4;
	_ =	sdelay $0x1  }
0x277: {  	v3 =	vadd.s32 v1, v3;
	_ =	sdelay $0x1  }
0x278: {  	s12 =	simm.s32 $0xBC00  }
0x279: {  	[tilespmem:s12], [sflag:$0x2] =	stream.indirect_vreg.gather [hbm4b:s2+s3], $0x80, v4, vm0, $0xb8;
	[tilespmem:$0x18C00] =	vst v63  }
0x27a: {  	s18 =	simm.s32 $0xC400  }
0x27b: {  	[tilespmem:s18], [sflag:$0x2] =	stream.indirect_vreg.gather [hbm4b:s2+s3], $0x80, v3, vm0, $0xb8;
	[tilespmem:$0x18C00] =	vst v63  }
0x27c: {  	v3 =	vld [tilespmem:$0x2C0];
	_ =	sdelay $0x4  }
0x27d: {  	v28 =	vshll.u32 v3, $0x1  }
0x27e: {  	v3 =	vand.u32 $0x7, v3;
	v4 =	vand.u32 $0xFFFFFFF0, v28  }
0x27f: {  	v3 =	vor.u32 v3, v4  }
0x280: {  	v4 =	vperm.xlane v3, v0;
	_ =	sdelay $0x1  }
0x281: {  	v3 =	vperm.xlane v3, v2;
	v4 =	vadd.s32 v1, v4;
	_ =	sdelay $0x1  }
0x282: {  	v3 =	vadd.s32 v1, v3;
	_ =	sdelay $0x1  }
0x283: {  	s5 =	simm.s32 $0xCC00  }
0x284: {  	[tilespmem:s5], [sflag:$0x2] =	stream.indirect_vreg.gather [hbm4b:s2+s3], $0x80, v4, vm0, $0xb8;
	[tilespmem:$0x18C00] =	vst v63  }
0x285: {  	s23 =	simm.s32 $0xD400  }
0x286: {  	[tilespmem:s23], [sflag:$0x2] =	stream.indirect_vreg.gather [hbm4b:s2+s3], $0x80, v3, vm0, $0xb8;
	[tilespmem:$0x18C00] =	vst v63  }
0x287: {  	v3 =	vld [tilespmem:$0x2D0];
	_ =	sdelay $0x4  }
0x288: {  	v29 =	vshll.u32 v3, $0x1  }
0x289: {  	v3 =	vand.u32 $0x7, v3;
	v4 =	vand.u32 $0xFFFFFFF0, v29  }
0x28a: {  	v3 =	vor.u32 v3, v4  }
0x28b: {  	v4 =	vperm.xlane v3, v0;
	_ =	sdelay $0x1  }
0x28c: {  	v3 =	vperm.xlane v3, v2;
	v4 =	vadd.s32 v1, v4;
	_ =	sdelay $0x1  }
0x28d: {  	v3 =	vadd.s32 v1, v3;
	_ =	sdelay $0x1  }
0x28e: {  	s7 =	simm.s32 $0xDC00  }
0x28f: {  	[tilespmem:s7], [sflag:$0x2] =	stream.indirect_vreg.gather [hbm4b:s2+s3], $0x80, v4, vm0, $0xb8;
	[tilespmem:$0x18C00] =	vst v63  }
0x290: {  	s23 =	simm.s32 $0xE400  }
0x291: {  	[tilespmem:s23], [sflag:$0x2] =	stream.indirect_vreg.gather [hbm4b:s2+s3], $0x80, v3, vm0, $0xb8;
	[tilespmem:$0x18C00] =	vst v63  }
0x292: {  	v3 =	vld [tilespmem:$0x2E0];
	_ =	sdelay $0x4  }
0x293: {  	v30 =	vshll.u32 v3, $0x1  }
0x294: {  	v3 =	vand.u32 $0x7, v3;
	v4 =	vand.u32 $0xFFFFFFF0, v30  }
0x295: {  	v3 =	vor.u32 v3, v4  }
0x296: {  	v4 =	vperm.xlane v3, v0;
	_ =	sdelay $0x1  }
0x297: {  	v3 =	vperm.xlane v3, v2;
	v4 =	vadd.s32 v1, v4;
	_ =	sdelay $0x1  }
0x298: {  	v3 =	vadd.s32 v1, v3;
	_ =	sdelay $0x1  }
0x299: {  	s8 =	simm.s32 $0xEC00  }
0x29a: {  	[tilespmem:s8], [sflag:$0x2] =	stream.indirect_vreg.gather [hbm4b:s2+s3], $0x80, v4, vm0, $0xb8;
	[tilespmem:$0x18C00] =	vst v63  }
0x29b: {  	s23 =	simm.s32 $0xF400  }
0x29c: {  	[tilespmem:s23], [sflag:$0x2] =	stream.indirect_vreg.gather [hbm4b:s2+s3], $0x80, v3, vm0, $0xb8;
	[tilespmem:$0x18C00] =	vst v63  }
0x29d: {  	v3 =	vld [tilespmem:$0x2F0];
	_ =	sdelay $0x4  }
0x29e: {  	v31 =	vshll.u32 v3, $0x1  }
0x29f: {  	v3 =	vand.u32 $0x7, v3;
	v4 =	vand.u32 $0xFFFFFFF0, v31  }
0x2a0: {  	v3 =	vor.u32 v3, v4  }
0x2a1: {  	v4 =	vperm.xlane v3, v0;
	_ =	sdelay $0x1  }
0x2a2: {  	v3 =	vperm.xlane v3, v2;
	v4 =	vadd.s32 v1, v4;
	_ =	sdelay $0x1  }
0x2a3: {  	v3 =	vadd.s32 v1, v3;
	_ =	sdelay $0x1  }
0x2a4: {  	s10 =	simm.s32 $0xFC00  }
0x2a5: {  	[tilespmem:s10], [sflag:$0x2] =	stream.indirect_vreg.gather [hbm4b:s2+s3], $0x80, v4, vm0, $0xb8;
	[tilespmem:$0x18C00] =	vst v63  }
0x2a6: {  	s1 =	simm.s32 $0x10400;
	s10 =	sld [smem:$0x7ED]  }
0x2a7: {  	[tilespmem:s1], [sflag:$0x2] =	stream.indirect_vreg.gather [hbm4b:s2+s3], $0x80, v3, vm0, $0xb8;
	[tilespmem:$0x18C00] =	vst v63  }
0x2a8: {  	_ = 	snop  }
0x2a9: {  	[tilespmem:s25], [sflag:$0x4] =	stream.indirect.gather [hbm4b:s4+s24], $0x80, s10, s24, $0xb8;
	[tilespmem:$0x18C00] =	vst v63  }
0x2aa: {  	_ =	swait.ge [sflag:s19], $0x8000  }
0x2ab: {  	[sflag:s19] =	ssyncset.done $0x0  }
0x2ac: {  	[sflag:s19] =	ssyncadd.s32 $0xFFFF8000  }
0x2ad: {  	_ =	swait.ge [sflag:s20], $0x4000  }
0x2ae: {  	[sflag:s20] =	ssyncset.done $0x0  }
0x2af: {  	s1 =	rddreg [dreg:$0xe];
	[sflag:s20] =	ssyncadd.s32 $0xFFFFC000  }
0x2b0: {  	[hbm4b:s1+s3] =	stream.linear.scatter [tilespmem:s28], [sflag:$0x5], $0x8000, $0x38;
	[tilespmem:$0x18C00] =	vst v63  }
0x2b1: {  	_ =	swait.ge [sflag:s6], $0x8000  }
0x2b2: {  	[sflag:s6] =	ssyncset.done $0x0  }
0x2b3: {  	s10 =	rddreg [dreg:$0xf];
	[sflag:s6] =	ssyncadd.s32 $0xFFFF8000  }
0x2b4: {  	[hbm4b:s10+s3] =	stream.linear.scatter [tilespmem:s26], [sflag:$0x5], $0x4000, $0x38;
	[tilespmem:$0x18C00] =	vst v63  }
0x2b5: {  	_ =	swait.ge [sflag:s6], $0x4000  }
0x2b6: {  	[sflag:s6] =	ssyncset.done $0x0  }
0x2b7: {  	[sflag:s6] =	ssyncadd.s32 $0xFFFFC000  }
0x2b8: {  	v3 =	vld [tilespmem:$0x300];
	_ =	sdelay $0x4  }
0x2b9: {  	v32 =	vshll.u32 v3, $0x1  }
0x2ba: {  	v3 =	vand.u32 $0x7, v3;
	v4 =	vand.u32 $0xFFFFFFF0, v32  }
0x2bb: {  	v3 =	vor.u32 v3, v4  }
0x2bc: {  	v4 =	vperm.xlane v3, v0;
	_ =	sdelay $0x1  }
0x2bd: {  	v3 =	vperm.xlane v3, v2;
	v4 =	vadd.s32 v1, v4;
	_ =	sdelay $0x1  }
0x2be: {  	v3 =	vadd.s32 v1, v3;
	_ =	sdelay $0x2  }
0x2bf: {  	[tilespmem:s28], [sflag:$0x1] =	stream.indirect_vreg.gather [hbm4b:s2+s3], $0x80, v4, vm0, $0xb8;
	[tilespmem:$0x18C00] =	vst v63  }
0x2c0: {  	s23 =	simm.s32 $0x1400  }
0x2c1: {  	[tilespmem:s23], [sflag:$0x1] =	stream.indirect_vreg.gather [hbm4b:s2+s3], $0x80, v3, vm0, $0xb8;
	[tilespmem:$0x18C00] =	vst v63  }
0x2c2: {  	v3 =	vld [tilespmem:$0x310];
	_ =	sdelay $0x4  }
0x2c3: {  	v33 =	vshll.u32 v3, $0x1  }
0x2c4: {  	v3 =	vand.u32 $0x7, v3;
	v4 =	vand.u32 $0xFFFFFFF0, v33  }
0x2c5: {  	v3 =	vor.u32 v3, v4  }
0x2c6: {  	v4 =	vperm.xlane v3, v0;
	_ =	sdelay $0x1  }
0x2c7: {  	v3 =	vperm.xlane v3, v2;
	v4 =	vadd.s32 v1, v4;
	_ =	sdelay $0x1  }
0x2c8: {  	v3 =	vadd.s32 v1, v3;
	_ =	sdelay $0x1  }
0x2c9: {  	s10 =	simm.s32 $0x1C00  }
0x2ca: {  	[tilespmem:s10], [sflag:$0x1] =	stream.indirect_vreg.gather [hbm4b:s2+s3], $0x80, v4, vm0, $0xb8;
	[tilespmem:$0x18C00] =	vst v63  }
0x2cb: {  	s23 =	simm.s32 $0x2400  }
0x2cc: {  	[tilespmem:s23], [sflag:$0x1] =	stream.indirect_vreg.gather [hbm4b:s2+s3], $0x80, v3, vm0, $0xb8;
	[tilespmem:$0x18C00] =	vst v63  }
0x2cd: {  	v3 =	vld [tilespmem:$0x320];
	_ =	sdelay $0x4  }
0x2ce: {  	v34 =	vshll.u32 v3, $0x1  }
0x2cf: {  	v3 =	vand.u32 $0x7, v3;
	v4 =	vand.u32 $0xFFFFFFF0, v34  }
0x2d0: {  	v3 =	vor.u32 v3, v4  }
0x2d1: {  	v4 =	vperm.xlane v3, v0;
	_ =	sdelay $0x1  }
0x2d2: {  	v3 =	vperm.xlane v3, v2;
	v4 =	vadd.s32 v1, v4;
	_ =	sdelay $0x1  }
0x2d3: {  	v3 =	vadd.s32 v1, v3;
	_ =	sdelay $0x1  }
0x2d4: {  	s10 =	simm.s32 $0x2C00  }
0x2d5: {  	[tilespmem:s10], [sflag:$0x1] =	stream.indirect_vreg.gather [hbm4b:s2+s3], $0x80, v4, vm0, $0xb8;
	[tilespmem:$0x18C00] =	vst v63  }
0x2d6: {  	s23 =	simm.s32 $0x3400  }
0x2d7: {  	[tilespmem:s23], [sflag:$0x1] =	stream.indirect_vreg.gather [hbm4b:s2+s3], $0x80, v3, vm0, $0xb8;
	[tilespmem:$0x18C00] =	vst v63  }
0x2d8: {  	v3 =	vld [tilespmem:$0x330];
	_ =	sdelay $0x4  }
0x2d9: {  	v35 =	vshll.u32 v3, $0x1  }
0x2da: {  	v3 =	vand.u32 $0x7, v3;
	v4 =	vand.u32 $0xFFFFFFF0, v35  }
0x2db: {  	v3 =	vor.u32 v3, v4  }
0x2dc: {  	v4 =	vperm.xlane v3, v0;
	_ =	sdelay $0x1  }
0x2dd: {  	v3 =	vperm.xlane v3, v2;
	v4 =	vadd.s32 v1, v4;
	_ =	sdelay $0x1  }
0x2de: {  	v3 =	vadd.s32 v1, v3;
	_ =	sdelay $0x1  }
0x2df: {  	s10 =	simm.s32 $0x3C00  }
0x2e0: {  	[tilespmem:s10], [sflag:$0x1] =	stream.indirect_vreg.gather [hbm4b:s2+s3], $0x80, v4, vm0, $0xb8;
	[tilespmem:$0x18C00] =	vst v63  }
0x2e1: {  	s23 =	simm.s32 $0x4400  }
0x2e2: {  	[tilespmem:s23], [sflag:$0x1] =	stream.indirect_vreg.gather [hbm4b:s2+s3], $0x80, v3, vm0, $0xb8;
	[tilespmem:$0x18C00] =	vst v63  }
0x2e3: {  	v3 =	vld [tilespmem:$0x340];
	_ =	sdelay $0x4  }
0x2e4: {  	v36 =	vshll.u32 v3, $0x1  }
0x2e5: {  	v3 =	vand.u32 $0x7, v3;
	v4 =	vand.u32 $0xFFFFFFF0, v36  }
0x2e6: {  	v3 =	vor.u32 v3, v4  }
0x2e7: {  	v4 =	vperm.xlane v3, v0;
	_ =	sdelay $0x1  }
0x2e8: {  	v3 =	vperm.xlane v3, v2;
	v4 =	vadd.s32 v1, v4;
	_ =	sdelay $0x1  }
0x2e9: {  	v3 =	vadd.s32 v1, v3;
	_ =	sdelay $0x1  }
0x2ea: {  	s9 =	simm.s32 $0x4C00  }
0x2eb: {  	[tilespmem:s9], [sflag:$0x1] =	stream.indirect_vreg.gather [hbm4b:s2+s3], $0x80, v4, vm0, $0xb8;
	[tilespmem:$0x18C00] =	vst v63  }
0x2ec: {  	s23 =	simm.s32 $0x5400  }
0x2ed: {  	[tilespmem:s23], [sflag:$0x1] =	stream.indirect_vreg.gather [hbm4b:s2+s3], $0x80, v3, vm0, $0xb8;
	[tilespmem:$0x18C00] =	vst v63  }
0x2ee: {  	v3 =	vld [tilespmem:$0x350];
	_ =	sdelay $0x4  }
0x2ef: {  	v37 =	vshll.u32 v3, $0x1  }
0x2f0: {  	v3 =	vand.u32 $0x7, v3;
	v4 =	vand.u32 $0xFFFFFFF0, v37  }
0x2f1: {  	v3 =	vor.u32 v3, v4  }
0x2f2: {  	v4 =	vperm.xlane v3, v0;
	_ =	sdelay $0x1  }
0x2f3: {  	v3 =	vperm.xlane v3, v2;
	v4 =	vadd.s32 v1, v4;
	_ =	sdelay $0x1  }
0x2f4: {  	v3 =	vadd.s32 v1, v3;
	_ =	sdelay $0x1  }
0x2f5: {  	s15 =	simm.s32 $0x5C00  }
0x2f6: {  	[tilespmem:s15], [sflag:$0x1] =	stream.indirect_vreg.gather [hbm4b:s2+s3], $0x80, v4, vm0, $0xb8;
	[tilespmem:$0x18C00] =	vst v63  }
0x2f7: {  	s16 =	simm.s32 $0x6400  }
0x2f8: {  	[tilespmem:s16], [sflag:$0x1] =	stream.indirect_vreg.gather [hbm4b:s2+s3], $0x80, v3, vm0, $0xb8;
	[tilespmem:$0x18C00] =	vst v63  }
0x2f9: {  	v3 =	vld [tilespmem:$0x360];
	_ =	sdelay $0x4  }
0x2fa: {  	v38 =	vshll.u32 v3, $0x1  }
0x2fb: {  	v3 =	vand.u32 $0x7, v3;
	v4 =	vand.u32 $0xFFFFFFF0, v38  }
0x2fc: {  	v3 =	vor.u32 v3, v4  }
0x2fd: {  	v4 =	vperm.xlane v3, v0;
	_ =	sdelay $0x1  }
0x2fe: {  	v3 =	vperm.xlane v3, v2;
	v4 =	vadd.s32 v1, v4;
	_ =	sdelay $0x1  }
0x2ff: {  	v3 =	vadd.s32 v1, v3;
	_ =	sdelay $0x1  }
0x300: {  	s31 =	simm.s32 $0x6C00  }
0x301: {  	[tilespmem:s31], [sflag:$0x1] =	stream.indirect_vreg.gather [hbm4b:s2+s3], $0x80, v4, vm0, $0xb8;
	[tilespmem:$0x18C00] =	vst v63  }
0x302: {  	s13 =	simm.s32 $0x7400  }
0x303: {  	[tilespmem:s13], [sflag:$0x1] =	stream.indirect_vreg.gather [hbm4b:s2+s3], $0x80, v3, vm0, $0xb8;
	[tilespmem:$0x18C00] =	vst v63  }
0x304: {  	v3 =	vld [tilespmem:$0x370];
	_ =	sdelay $0x4  }
0x305: {  	v39 =	vshll.u32 v3, $0x1  }
0x306: {  	v3 =	vand.u32 $0x7, v3;
	v4 =	vand.u32 $0xFFFFFFF0, v39  }
0x307: {  	v3 =	vor.u32 v3, v4  }
0x308: {  	v4 =	vperm.xlane v3, v0;
	_ =	sdelay $0x1  }
0x309: {  	v3 =	vperm.xlane v3, v2;
	v4 =	vadd.s32 v1, v4;
	_ =	sdelay $0x1  }
0x30a: {  	v3 =	vadd.s32 v1, v3;
	_ =	sdelay $0x1  }
0x30b: {  	s14 =	simm.s32 $0x7C00  }
0x30c: {  	[tilespmem:s14], [sflag:$0x1] =	stream.indirect_vreg.gather [hbm4b:s2+s3], $0x80, v4, vm0, $0xb8;
	[tilespmem:$0x18C00] =	vst v63  }
0x30d: {  	s23 =	sld [smem:$0x7EE];
	s16 =	simm.s32 $0x8400  }
0x30e: {  	[tilespmem:s16], [sflag:$0x1] =	stream.indirect_vreg.gather [hbm4b:s2+s3], $0x80, v3, vm0, $0xb8;
	[tilespmem:$0x18C00] =	vst v63  }
0x30f: {  	_ = 	snop  }
0x310: {  	[tilespmem:s26], [sflag:$0x3] =	stream.indirect.gather [hbm4b:s4+s24], $0x80, s23, s24, $0xb8;
	[tilespmem:$0x18C00] =	vst v63  }
0x311: {  	_ =	swait.ge [sflag:s21], $0x8000  }
0x312: {  	[sflag:s21] =	ssyncset.done $0x0  }
0x313: {  	[sflag:s21] =	ssyncadd.s32 $0xFFFF8000  }
0x314: {  	_ =	swait.ge [sflag:s22], $0x4000  }
0x315: {  	[sflag:s22] =	ssyncset.done $0x0  }
0x316: {  	s16 =	rddreg [dreg:$0x10];
	[sflag:s22] =	ssyncadd.s32 $0xFFFFC000  }
0x317: {  	[hbm4b:s16+s3] =	stream.linear.scatter [tilespmem:s29], [sflag:$0x5], $0x8000, $0x38;
	[tilespmem:$0x18C00] =	vst v63  }
0x318: {  	_ =	swait.ge [sflag:s6], $0x8000  }
0x319: {  	[sflag:s6] =	ssyncset.done $0x0  }
0x31a: {  	s16 =	rddreg [dreg:$0x11];
	[sflag:s6] =	ssyncadd.s32 $0xFFFF8000  }
0x31b: {  	[hbm4b:s16+s3] =	stream.linear.scatter [tilespmem:s25], [sflag:$0x5], $0x4000, $0x38;
	[tilespmem:$0x18C00] =	vst v63  }
0x31c: {  	_ =	swait.ge [sflag:s6], $0x4000  }
0x31d: {  	[sflag:s6] =	ssyncset.done $0x0  }
0x31e: {  	[sflag:s6] =	ssyncadd.s32 $0xFFFFC000  }
0x31f: {  	v3 =	vld [tilespmem:$0x380];
	_ =	sdelay $0x4  }
0x320: {  	v40 =	vshll.u32 v3, $0x1  }
0x321: {  	v3 =	vand.u32 $0x7, v3;
	v4 =	vand.u32 $0xFFFFFFF0, v40  }
0x322: {  	v3 =	vor.u32 v3, v4  }
0x323: {  	v4 =	vperm.xlane v3, v0;
	_ =	sdelay $0x1  }
0x324: {  	v3 =	vperm.xlane v3, v2;
	v4 =	vadd.s32 v1, v4;
	_ =	sdelay $0x1  }
0x325: {  	v3 =	vadd.s32 v1, v3;
	_ =	sdelay $0x2  }
0x326: {  	[tilespmem:s29], [sflag:$0x2] =	stream.indirect_vreg.gather [hbm4b:s2+s3], $0x80, v4, vm0, $0xb8;
	[tilespmem:$0x18C00] =	vst v63  }
0x327: {  	s30 =	simm.s32 $0x9400  }
0x328: {  	[tilespmem:s30], [sflag:$0x2] =	stream.indirect_vreg.gather [hbm4b:s2+s3], $0x80, v3, vm0, $0xb8;
	[tilespmem:$0x18C00] =	vst v63  }
0x329: {  	v3 =	vld [tilespmem:$0x390];
	_ =	sdelay $0x4  }
0x32a: {  	v41 =	vshll.u32 v3, $0x1  }
0x32b: {  	v3 =	vand.u32 $0x7, v3;
	v4 =	vand.u32 $0xFFFFFFF0, v41  }
0x32c: {  	v3 =	vor.u32 v3, v4  }
0x32d: {  	v4 =	vperm.xlane v3, v0;
	_ =	sdelay $0x1  }
0x32e: {  	v3 =	vperm.xlane v3, v2;
	v4 =	vadd.s32 v1, v4;
	_ =	sdelay $0x1  }
0x32f: {  	v3 =	vadd.s32 v1, v3;
	_ =	sdelay $0x1  }
0x330: {  	s23 =	simm.s32 $0x9C00  }
0x331: {  	[tilespmem:s23], [sflag:$0x2] =	stream.indirect_vreg.gather [hbm4b:s2+s3], $0x80, v4, vm0, $0xb8;
	[tilespmem:$0x18C00] =	vst v63  }
0x332: {  	s30 =	simm.s32 $0xA400  }
0x333: {  	[tilespmem:s30], [sflag:$0x2] =	stream.indirect_vreg.gather [hbm4b:s2+s3], $0x80, v3, vm0, $0xb8;
	[tilespmem:$0x18C00] =	vst v63  }
0x334: {  	v3 =	vld [tilespmem:$0x3A0];
	_ =	sdelay $0x4  }
0x335: {  	v42 =	vshll.u32 v3, $0x1  }
0x336: {  	v3 =	vand.u32 $0x7, v3;
	v4 =	vand.u32 $0xFFFFFFF0, v42  }
0x337: {  	v3 =	vor.u32 v3, v4  }
0x338: {  	v4 =	vperm.xlane v3, v0;
	_ =	sdelay $0x1  }
0x339: {  	v3 =	vperm.xlane v3, v2;
	v4 =	vadd.s32 v1, v4;
	_ =	sdelay $0x1  }
0x33a: {  	v3 =	vadd.s32 v1, v3;
	_ =	sdelay $0x1  }
0x33b: {  	s0 =	simm.s32 $0xAC00  }
0x33c: {  	[tilespmem:s0], [sflag:$0x2] =	stream.indirect_vreg.gather [hbm4b:s2+s3], $0x80, v4, vm0, $0xb8;
	[tilespmem:$0x18C00] =	vst v63  }
0x33d: {  	s11 =	simm.s32 $0xB400  }
0x33e: {  	[tilespmem:s11], [sflag:$0x2] =	stream.indirect_vreg.gather [hbm4b:s2+s3], $0x80, v3, vm0, $0xb8;
	[tilespmem:$0x18C00] =	vst v63  }
0x33f: {  	v3 =	vld [tilespmem:$0x3B0];
	_ =	sdelay $0x4  }
0x340: {  	v43 =	vshll.u32 v3, $0x1  }
0x341: {  	v3 =	vand.u32 $0x7, v3;
	v4 =	vand.u32 $0xFFFFFFF0, v43  }
0x342: {  	v3 =	vor.u32 v3, v4  }
0x343: {  	v4 =	vperm.xlane v3, v0;
	_ =	sdelay $0x1  }
0x344: {  	v3 =	vperm.xlane v3, v2;
	v4 =	vadd.s32 v1, v4;
	_ =	sdelay $0x1  }
0x345: {  	v3 =	vadd.s32 v1, v3;
	_ =	sdelay $0x1  }
0x346: {  	s12 =	simm.s32 $0xBC00  }
0x347: {  	[tilespmem:s12], [sflag:$0x2] =	stream.indirect_vreg.gather [hbm4b:s2+s3], $0x80, v4, vm0, $0xb8;
	[tilespmem:$0x18C00] =	vst v63  }
0x348: {  	s18 =	simm.s32 $0xC400  }
0x349: {  	[tilespmem:s18], [sflag:$0x2] =	stream.indirect_vreg.gather [hbm4b:s2+s3], $0x80, v3, vm0, $0xb8;
	[tilespmem:$0x18C00] =	vst v63  }
0x34a: {  	v3 =	vld [tilespmem:$0x3C0];
	_ =	sdelay $0x4  }
0x34b: {  	v44 =	vshll.u32 v3, $0x1  }
0x34c: {  	v3 =	vand.u32 $0x7, v3;
	v4 =	vand.u32 $0xFFFFFFF0, v44  }
0x34d: {  	v3 =	vor.u32 v3, v4  }
0x34e: {  	v4 =	vperm.xlane v3, v0;
	_ =	sdelay $0x1  }
0x34f: {  	v3 =	vperm.xlane v3, v2;
	v4 =	vadd.s32 v1, v4;
	_ =	sdelay $0x1  }
0x350: {  	v3 =	vadd.s32 v1, v3;
	_ =	sdelay $0x1  }
0x351: {  	s17 =	simm.s32 $0xCC00  }
0x352: {  	[tilespmem:s17], [sflag:$0x2] =	stream.indirect_vreg.gather [hbm4b:s2+s3], $0x80, v4, vm0, $0xb8;
	[tilespmem:$0x18C00] =	vst v63  }
0x353: {  	s23 =	simm.s32 $0xD400  }
0x354: {  	[tilespmem:s23], [sflag:$0x2] =	stream.indirect_vreg.gather [hbm4b:s2+s3], $0x80, v3, vm0, $0xb8;
	[tilespmem:$0x18C00] =	vst v63  }
0x355: {  	v3 =	vld [tilespmem:$0x3D0];
	_ =	sdelay $0x4  }
0x356: {  	v45 =	vshll.u32 v3, $0x1  }
0x357: {  	v3 =	vand.u32 $0x7, v3;
	v4 =	vand.u32 $0xFFFFFFF0, v45  }
0x358: {  	v3 =	vor.u32 v3, v4  }
0x359: {  	v4 =	vperm.xlane v3, v0;
	_ =	sdelay $0x1  }
0x35a: {  	v3 =	vperm.xlane v3, v2;
	v4 =	vadd.s32 v1, v4;
	_ =	sdelay $0x1  }
0x35b: {  	v3 =	vadd.s32 v1, v3;
	_ =	sdelay $0x1  }
0x35c: {  	s5 =	simm.s32 $0xDC00  }
0x35d: {  	[tilespmem:s5], [sflag:$0x2] =	stream.indirect_vreg.gather [hbm4b:s2+s3], $0x80, v4, vm0, $0xb8;
	[tilespmem:$0x18C00] =	vst v63  }
0x35e: {  	s5 =	simm.s32 $0xE400  }
0x35f: {  	[tilespmem:s5], [sflag:$0x2] =	stream.indirect_vreg.gather [hbm4b:s2+s3], $0x80, v3, vm0, $0xb8;
	[tilespmem:$0x18C00] =	vst v63  }
0x360: {  	v3 =	vld [tilespmem:$0x3E0];
	_ =	sdelay $0x4  }
0x361: {  	v46 =	vshll.u32 v3, $0x1  }
0x362: {  	v3 =	vand.u32 $0x7, v3;
	v4 =	vand.u32 $0xFFFFFFF0, v46  }
0x363: {  	v3 =	vor.u32 v3, v4  }
0x364: {  	v4 =	vperm.xlane v3, v0;
	_ =	sdelay $0x1  }
0x365: {  	v3 =	vperm.xlane v3, v2;
	v4 =	vadd.s32 v1, v4;
	_ =	sdelay $0x1  }
0x366: {  	v3 =	vadd.s32 v1, v3;
	_ =	sdelay $0x1  }
0x367: {  	s7 =	simm.s32 $0xEC00  }
0x368: {  	[tilespmem:s7], [sflag:$0x2] =	stream.indirect_vreg.gather [hbm4b:s2+s3], $0x80, v4, vm0, $0xb8;
	[tilespmem:$0x18C00] =	vst v63  }
0x369: {  	s16 =	simm.s32 $0xF400  }
0x36a: {  	[tilespmem:s16], [sflag:$0x2] =	stream.indirect_vreg.gather [hbm4b:s2+s3], $0x80, v3, vm0, $0xb8;
	[tilespmem:$0x18C00] =	vst v63  }
0x36b: {  	v3 =	vld [tilespmem:$0x3F0];
	_ =	sdelay $0x4  }
0x36c: {  	v47 =	vshll.u32 v3, $0x1  }
0x36d: {  	v3 =	vand.u32 $0x7, v3;
	v4 =	vand.u32 $0xFFFFFFF0, v47  }
0x36e: {  	v3 =	vor.u32 v3, v4  }
0x36f: {  	v4 =	vperm.xlane v3, v0;
	_ =	sdelay $0x1  }
0x370: {  	v3 =	vperm.xlane v3, v2;
	v4 =	vadd.s32 v1, v4;
	_ =	sdelay $0x1  }
0x371: {  	v3 =	vadd.s32 v1, v3;
	_ =	sdelay $0x1  }
0x372: {  	s8 =	simm.s32 $0xFC00  }
0x373: {  	[tilespmem:s8], [sflag:$0x2] =	stream.indirect_vreg.gather [hbm4b:s2+s3], $0x80, v4, vm0, $0xb8;
	[tilespmem:$0x18C00] =	vst v63  }
0x374: {  	s18 =	simm.s32 $0x10400;
	s23 =	sld [smem:$0x7EF]  }
0x375: {  	[tilespmem:s18], [sflag:$0x2] =	stream.indirect_vreg.gather [hbm4b:s2+s3], $0x80, v3, vm0, $0xb8;
	[tilespmem:$0x18C00] =	vst v63  }
0x376: {  	_ = 	snop  }
0x377: {  	[tilespmem:s25], [sflag:$0x4] =	stream.indirect.gather [hbm4b:s4+s24], $0x80, s23, s24, $0xb8;
	[tilespmem:$0x18C00] =	vst v63  }
0x378: {  	_ =	swait.ge [sflag:s19], $0x8000  }
0x379: {  	[sflag:s19] =	ssyncset.done $0x0  }
0x37a: {  	[sflag:s19] =	ssyncadd.s32 $0xFFFF8000  }
0x37b: {  	_ =	swait.ge [sflag:s20], $0x4000  }
0x37c: {  	[sflag:s20] =	ssyncset.done $0x0  }
0x37d: {  	s5 =	rddreg [dreg:$0x12];
	[sflag:s20] =	ssyncadd.s32 $0xFFFFC000  }
0x37e: {  	[hbm4b:s5+s3] =	stream.linear.scatter [tilespmem:s28], [sflag:$0x5], $0x8000, $0x38;
	[tilespmem:$0x18C00] =	vst v63  }
0x37f: {  	_ =	swait.ge [sflag:s6], $0x8000  }
0x380: {  	[sflag:s6] =	ssyncset.done $0x0  }
0x381: {  	s18 =	rddreg [dreg:$0x13];
	[sflag:s6] =	ssyncadd.s32 $0xFFFF8000  }
0x382: {  	[hbm4b:s18+s3] =	stream.linear.scatter [tilespmem:s26], [sflag:$0x5], $0x4000, $0x38;
	[tilespmem:$0x18C00] =	vst v63  }
0x383: {  	_ =	swait.ge [sflag:s6], $0x4000  }
0x384: {  	[sflag:s6] =	ssyncset.done $0x0  }
0x385: {  	[sflag:s6] =	ssyncadd.s32 $0xFFFFC000  }
0x386: {  	v3 =	vld [tilespmem:$0x400];
	_ =	sdelay $0x4  }
0x387: {  	v48 =	vshll.u32 v3, $0x1  }
0x388: {  	v3 =	vand.u32 $0x7, v3;
	v4 =	vand.u32 $0xFFFFFFF0, v48  }
0x389: {  	v3 =	vor.u32 v3, v4  }
0x38a: {  	v4 =	vperm.xlane v3, v0;
	_ =	sdelay $0x1  }
0x38b: {  	v3 =	vperm.xlane v3, v2;
	v4 =	vadd.s32 v1, v4;
	_ =	sdelay $0x1  }
0x38c: {  	v3 =	vadd.s32 v1, v3;
	_ =	sdelay $0x2  }
0x38d: {  	[tilespmem:s28], [sflag:$0x1] =	stream.indirect_vreg.gather [hbm4b:s2+s3], $0x80, v4, vm0, $0xb8;
	[tilespmem:$0x18C00] =	vst v63  }
0x38e: {  	s23 =	simm.s32 $0x1400  }
0x38f: {  	[tilespmem:s23], [sflag:$0x1] =	stream.indirect_vreg.gather [hbm4b:s2+s3], $0x80, v3, vm0, $0xb8;
	[tilespmem:$0x18C00] =	vst v63  }
0x390: {  	v3 =	vld [tilespmem:$0x410];
	_ =	sdelay $0x4  }
0x391: {  	v49 =	vshll.u32 v3, $0x1  }
0x392: {  	v3 =	vand.u32 $0x7, v3;
	v4 =	vand.u32 $0xFFFFFFF0, v49  }
0x393: {  	v3 =	vor.u32 v3, v4  }
0x394: {  	v4 =	vperm.xlane v3, v0;
	_ =	sdelay $0x1  }
0x395: {  	v3 =	vperm.xlane v3, v2;
	v4 =	vadd.s32 v1, v4;
	_ =	sdelay $0x1  }
0x396: {  	v3 =	vadd.s32 v1, v3;
	_ =	sdelay $0x1  }
0x397: {  	s25 =	simm.s32 $0x1C00  }
0x398: {  	[tilespmem:s25], [sflag:$0x1] =	stream.indirect_vreg.gather [hbm4b:s2+s3], $0x80, v4, vm0, $0xb8;
	[tilespmem:$0x18C00] =	vst v63  }
0x399: {  	s28 =	simm.s32 $0x2400  }
0x39a: {  	[tilespmem:s28], [sflag:$0x1] =	stream.indirect_vreg.gather [hbm4b:s2+s3], $0x80, v3, vm0, $0xb8;
	[tilespmem:$0x18C00] =	vst v63  }
0x39b: {  	v3 =	vld [tilespmem:$0x420];
	_ =	sdelay $0x4  }
0x39c: {  	v50 =	vshll.u32 v3, $0x1  }
0x39d: {  	v3 =	vand.u32 $0x7, v3;
	v4 =	vand.u32 $0xFFFFFFF0, v50  }
0x39e: {  	v3 =	vor.u32 v3, v4  }
0x39f: {  	v4 =	vperm.xlane v3, v0;
	_ =	sdelay $0x1  }
0x3a0: {  	v3 =	vperm.xlane v3, v2;
	v4 =	vadd.s32 v1, v4;
	_ =	sdelay $0x1  }
0x3a1: {  	v3 =	vadd.s32 v1, v3;
	_ =	sdelay $0x1  }
0x3a2: {  	s23 =	simm.s32 $0x2C00  }
0x3a3: {  	[tilespmem:s23], [sflag:$0x1] =	stream.indirect_vreg.gather [hbm4b:s2+s3], $0x80, v4, vm0, $0xb8;
	[tilespmem:$0x18C00] =	vst v63  }
0x3a4: {  	s25 =	simm.s32 $0x3400  }
0x3a5: {  	[tilespmem:s25], [sflag:$0x1] =	stream.indirect_vreg.gather [hbm4b:s2+s3], $0x80, v3, vm0, $0xb8;
	[tilespmem:$0x18C00] =	vst v63  }
0x3a6: {  	v3 =	vld [tilespmem:$0x430];
	_ =	sdelay $0x4  }
0x3a7: {  	v51 =	vshll.u32 v3, $0x1  }
0x3a8: {  	v3 =	vand.u32 $0x7, v3;
	v4 =	vand.u32 $0xFFFFFFF0, v51  }
0x3a9: {  	v3 =	vor.u32 v3, v4  }
0x3aa: {  	v4 =	vperm.xlane v3, v0;
	_ =	sdelay $0x1  }
0x3ab: {  	v3 =	vperm.xlane v3, v2;
	v4 =	vadd.s32 v1, v4;
	_ =	sdelay $0x1  }
0x3ac: {  	v3 =	vadd.s32 v1, v3;
	_ =	sdelay $0x1  }
0x3ad: {  	s10 =	simm.s32 $0x3C00  }
0x3ae: {  	[tilespmem:s10], [sflag:$0x1] =	stream.indirect_vreg.gather [hbm4b:s2+s3], $0x80, v4, vm0, $0xb8;
	[tilespmem:$0x18C00] =	vst v63  }
0x3af: {  	s28 =	simm.s32 $0x4400  }
0x3b0: {  	[tilespmem:s28], [sflag:$0x1] =	stream.indirect_vreg.gather [hbm4b:s2+s3], $0x80, v3, vm0, $0xb8;
	[tilespmem:$0x18C00] =	vst v63  }
0x3b1: {  	v3 =	vld [tilespmem:$0x440];
	_ =	sdelay $0x4  }
0x3b2: {  	v52 =	vshll.u32 v3, $0x1  }
0x3b3: {  	v3 =	vand.u32 $0x7, v3;
	v4 =	vand.u32 $0xFFFFFFF0, v52  }
0x3b4: {  	v3 =	vor.u32 v3, v4  }
0x3b5: {  	v4 =	vperm.xlane v3, v0;
	_ =	sdelay $0x1  }
0x3b6: {  	v3 =	vperm.xlane v3, v2;
	v4 =	vadd.s32 v1, v4;
	_ =	sdelay $0x1  }
0x3b7: {  	v3 =	vadd.s32 v1, v3;
	_ =	sdelay $0x1  }
0x3b8: {  	s9 =	simm.s32 $0x4C00  }
0x3b9: {  	[tilespmem:s9], [sflag:$0x1] =	stream.indirect_vreg.gather [hbm4b:s2+s3], $0x80, v4, vm0, $0xb8;
	[tilespmem:$0x18C00] =	vst v63  }
0x3ba: {  	s10 =	simm.s32 $0x5400  }
0x3bb: {  	[tilespmem:s10], [sflag:$0x1] =	stream.indirect_vreg.gather [hbm4b:s2+s3], $0x80, v3, vm0, $0xb8;
	[tilespmem:$0x18C00] =	vst v63  }
0x3bc: {  	v3 =	vld [tilespmem:$0x450];
	_ =	sdelay $0x4  }
0x3bd: {  	v53 =	vshll.u32 v3, $0x1  }
0x3be: {  	v3 =	vand.u32 $0x7, v3;
	v4 =	vand.u32 $0xFFFFFFF0, v53  }
0x3bf: {  	v3 =	vor.u32 v3, v4  }
0x3c0: {  	v4 =	vperm.xlane v3, v0;
	_ =	sdelay $0x1  }
0x3c1: {  	v3 =	vperm.xlane v3, v2;
	v4 =	vadd.s32 v1, v4;
	_ =	sdelay $0x1  }
0x3c2: {  	v3 =	vadd.s32 v1, v3;
	_ =	sdelay $0x1  }
0x3c3: {  	s15 =	simm.s32 $0x5C00  }
0x3c4: {  	[tilespmem:s15], [sflag:$0x1] =	stream.indirect_vreg.gather [hbm4b:s2+s3], $0x80, v4, vm0, $0xb8;
	[tilespmem:$0x18C00] =	vst v63  }
0x3c5: {  	s15 =	simm.s32 $0x6400  }
0x3c6: {  	[tilespmem:s15], [sflag:$0x1] =	stream.indirect_vreg.gather [hbm4b:s2+s3], $0x80, v3, vm0, $0xb8;
	[tilespmem:$0x18C00] =	vst v63  }
0x3c7: {  	v3 =	vld [tilespmem:$0x460];
	_ =	sdelay $0x4  }
0x3c8: {  	v54 =	vshll.u32 v3, $0x1  }
0x3c9: {  	v3 =	vand.u32 $0x7, v3;
	v4 =	vand.u32 $0xFFFFFFF0, v54  }
0x3ca: {  	v3 =	vor.u32 v3, v4  }
0x3cb: {  	v4 =	vperm.xlane v3, v0;
	_ =	sdelay $0x1  }
0x3cc: {  	v3 =	vperm.xlane v3, v2;
	v4 =	vadd.s32 v1, v4;
	_ =	sdelay $0x1  }
0x3cd: {  	v3 =	vadd.s32 v1, v3;
	_ =	sdelay $0x1  }
0x3ce: {  	s31 =	simm.s32 $0x6C00  }
0x3cf: {  	[tilespmem:s31], [sflag:$0x1] =	stream.indirect_vreg.gather [hbm4b:s2+s3], $0x80, v4, vm0, $0xb8;
	[tilespmem:$0x18C00] =	vst v63  }
0x3d0: {  	s13 =	simm.s32 $0x7400  }
0x3d1: {  	[tilespmem:s13], [sflag:$0x1] =	stream.indirect_vreg.gather [hbm4b:s2+s3], $0x80, v3, vm0, $0xb8;
	[tilespmem:$0x18C00] =	vst v63  }
0x3d2: {  	v3 =	vld [tilespmem:$0x470];
	_ =	sdelay $0x4  }
0x3d3: {  	v55 =	vshll.u32 v3, $0x1  }
0x3d4: {  	v3 =	vand.u32 $0x7, v3;
	v4 =	vand.u32 $0xFFFFFFF0, v55  }
0x3d5: {  	v3 =	vor.u32 v3, v4  }
0x3d6: {  	v4 =	vperm.xlane v3, v0;
	_ =	sdelay $0x1  }
0x3d7: {  	v3 =	vperm.xlane v3, v2;
	v4 =	vadd.s32 v1, v4;
	_ =	sdelay $0x1  }
0x3d8: {  	v3 =	vadd.s32 v1, v3;
	_ =	sdelay $0x1  }
0x3d9: {  	s14 =	simm.s32 $0x7C00  }
0x3da: {  	[tilespmem:s14], [sflag:$0x1] =	stream.indirect_vreg.gather [hbm4b:s2+s3], $0x80, v4, vm0, $0xb8;
	[tilespmem:$0x18C00] =	vst v63  }
0x3db: {  	s1 =	simm.s32 $0x8400  }
0x3dc: {  	[tilespmem:s1], [sflag:$0x1] =	stream.indirect_vreg.gather [hbm4b:s2+s3], $0x80, v3, vm0, $0xb8;
	[tilespmem:$0x18C00] =	vst v63  }
0x3dd: {  	s23 =	simm.s32 $0x400  }
0x3de: {  	[tilespmem:s26], [sflag:$0x3] =	stream.indirect.gather [hbm4b:s4+s24], $0x80, s23, s24, $0xb8;
	[tilespmem:$0x18C00] =	vst v63  }
0x3df: {  	_ =	swait.ge [sflag:s21], $0x8000  }
0x3e0: {  	[sflag:s21] =	ssyncset.done $0x0  }
0x3e1: {  	[sflag:s21] =	ssyncadd.s32 $0xFFFF8000  }
0x3e2: {  	_ =	swait.ge [sflag:s22], $0x4000  }
0x3e3: {  	[sflag:s22] =	ssyncset.done $0x0  }
0x3e4: {  	s24 =	rddreg [dreg:$0x14];
	[sflag:s22] =	ssyncadd.s32 $0xFFFFC000  }
0x3e5: {  	[hbm4b:s24+s3] =	stream.linear.scatter [tilespmem:s29], [sflag:$0x5], $0x8000, $0x38;
	[tilespmem:$0x18C00] =	vst v63  }
0x3e6: {  	_ =	swait.ge [sflag:s6], $0x8000  }
0x3e7: {  	[sflag:s6] =	ssyncset.done $0x0  }
0x3e8: {  	s26 =	simm.s32 $0x14C00;
	s25 =	rddreg [dreg:$0x15];
	[sflag:s6] =	ssyncadd.s32 $0xFFFF8000  }
0x3e9: {  	[hbm4b:s25+s3] =	stream.linear.scatter [tilespmem:s26], [sflag:$0x5], $0x4000, $0x38;
	[tilespmem:$0x18C00] =	vst v63  }
0x3ea: {  	_ =	swait.ge [sflag:s6], $0x4000  }
0x3eb: {  	[sflag:s6] =	ssyncset.done $0x0  }
0x3ec: {  	[sflag:s6] =	ssyncadd.s32 $0xFFFFC000  }
0x3ed: {  	v3 =	vld [tilespmem:$0x480];
	_ =	sdelay $0x4  }
0x3ee: {  	v56 =	vshll.u32 v3, $0x1  }
0x3ef: {  	v3 =	vand.u32 $0x7, v3;
	v4 =	vand.u32 $0xFFFFFFF0, v56  }
0x3f0: {  	v3 =	vor.u32 v3, v4  }
0x3f1: {  	v4 =	vperm.xlane v3, v0;
	_ =	sdelay $0x1  }
0x3f2: {  	v3 =	vperm.xlane v3, v2;
	v4 =	vadd.s32 v1, v4;
	_ =	sdelay $0x1  }
0x3f3: {  	v3 =	vadd.s32 v1, v3;
	_ =	sdelay $0x2  }
0x3f4: {  	[tilespmem:s29], [sflag:$0x2] =	stream.indirect_vreg.gather [hbm4b:s2+s3], $0x80, v4, vm0, $0xb8;
	[tilespmem:$0x18C00] =	vst v63  }
0x3f5: {  	s5 =	simm.s32 $0x9400  }
0x3f6: {  	[tilespmem:s5], [sflag:$0x2] =	stream.indirect_vreg.gather [hbm4b:s2+s3], $0x80, v3, vm0, $0xb8;
	[tilespmem:$0x18C00] =	vst v63  }
0x3f7: {  	v3 =	vld [tilespmem:$0x490];
	_ =	sdelay $0x4  }
0x3f8: {  	v57 =	vshll.u32 v3, $0x1  }
0x3f9: {  	v3 =	vand.u32 $0x7, v3;
	v4 =	vand.u32 $0xFFFFFFF0, v57  }
0x3fa: {  	v3 =	vor.u32 v3, v4  }
0x3fb: {  	v4 =	vperm.xlane v3, v0;
	_ =	sdelay $0x1  }
0x3fc: {  	v3 =	vperm.xlane v3, v2;
	v4 =	vadd.s32 v1, v4;
	_ =	sdelay $0x1  }
0x3fd: {  	v3 =	vadd.s32 v1, v3;
	_ =	sdelay $0x1  }
0x3fe: {  	s9 =	simm.s32 $0x9C00  }
0x3ff: {  	[tilespmem:s9], [sflag:$0x2] =	stream.indirect_vreg.gather [hbm4b:s2+s3], $0x80, v4, vm0, $0xb8;
	[tilespmem:$0x18C00] =	vst v63  }
0x400: {  	s10 =	simm.s32 $0xA400  }
0x401: {  	[tilespmem:s10], [sflag:$0x2] =	stream.indirect_vreg.gather [hbm4b:s2+s3], $0x80, v3, vm0, $0xb8;
	[tilespmem:$0x18C00] =	vst v63  }
0x402: {  	v3 =	vld [tilespmem:$0x4A0];
	_ =	sdelay $0x4  }
0x403: {  	v58 =	vshll.u32 v3, $0x1  }
0x404: {  	v3 =	vand.u32 $0x7, v3;
	v4 =	vand.u32 $0xFFFFFFF0, v58  }
0x405: {  	v3 =	vor.u32 v3, v4  }
0x406: {  	v4 =	vperm.xlane v3, v0;
	_ =	sdelay $0x1  }
0x407: {  	v3 =	vperm.xlane v3, v2;
	v4 =	vadd.s32 v1, v4;
	_ =	sdelay $0x1  }
0x408: {  	v3 =	vadd.s32 v1, v3;
	_ =	sdelay $0x1  }
0x409: {  	s30 =	simm.s32 $0xAC00  }
0x40a: {  	[tilespmem:s30], [sflag:$0x2] =	stream.indirect_vreg.gather [hbm4b:s2+s3], $0x80, v4, vm0, $0xb8;
	[tilespmem:$0x18C00] =	vst v63  }
0x40b: {  	s13 =	simm.s32 $0xB400  }
0x40c: {  	[tilespmem:s13], [sflag:$0x2] =	stream.indirect_vreg.gather [hbm4b:s2+s3], $0x80, v3, vm0, $0xb8;
	[tilespmem:$0x18C00] =	vst v63  }
0x40d: {  	v3 =	vld [tilespmem:$0x4B0];
	_ =	sdelay $0x4  }
0x40e: {  	v59 =	vshll.u32 v3, $0x1  }
0x40f: {  	v3 =	vand.u32 $0x7, v3;
	v4 =	vand.u32 $0xFFFFFFF0, v59  }
0x410: {  	v3 =	vor.u32 v3, v4  }
0x411: {  	v4 =	vperm.xlane v3, v0;
	_ =	sdelay $0x1  }
0x412: {  	v3 =	vperm.xlane v3, v2;
	v4 =	vadd.s32 v1, v4;
	_ =	sdelay $0x1  }
0x413: {  	v3 =	vadd.s32 v1, v3;
	_ =	sdelay $0x1  }
0x414: {  	s11 =	simm.s32 $0xBC00  }
0x415: {  	[tilespmem:s11], [sflag:$0x2] =	stream.indirect_vreg.gather [hbm4b:s2+s3], $0x80, v4, vm0, $0xb8;
	[tilespmem:$0x18C00] =	vst v63  }
0x416: {  	s15 =	simm.s32 $0xC400  }
0x417: {  	[tilespmem:s15], [sflag:$0x2] =	stream.indirect_vreg.gather [hbm4b:s2+s3], $0x80, v3, vm0, $0xb8;
	[tilespmem:$0x18C00] =	vst v63  }
0x418: {  	v3 =	vld [tilespmem:$0x4C0];
	_ =	sdelay $0x4  }
0x419: {  	v60 =	vshll.u32 v3, $0x1  }
0x41a: {  	v3 =	vand.u32 $0x7, v3;
	v4 =	vand.u32 $0xFFFFFFF0, v60  }
0x41b: {  	v3 =	vor.u32 v3, v4  }
0x41c: {  	v4 =	vperm.xlane v3, v0;
	_ =	sdelay $0x1  }
0x41d: {  	v3 =	vperm.xlane v3, v2;
	v4 =	vadd.s32 v1, v4;
	_ =	sdelay $0x1  }
0x41e: {  	v3 =	vadd.s32 v1, v3;
	_ =	sdelay $0x1  }
0x41f: {  	s12 =	simm.s32 $0xCC00  }
0x420: {  	[tilespmem:s12], [sflag:$0x2] =	stream.indirect_vreg.gather [hbm4b:s2+s3], $0x80, v4, vm0, $0xb8;
	[tilespmem:$0x18C00] =	vst v63  }
0x421: {  	s17 =	simm.s32 $0xD400  }
0x422: {  	[tilespmem:s17], [sflag:$0x2] =	stream.indirect_vreg.gather [hbm4b:s2+s3], $0x80, v3, vm0, $0xb8;
	[tilespmem:$0x18C00] =	vst v63  }
0x423: {  	v3 =	vld [tilespmem:$0x4D0];
	_ =	sdelay $0x4  }
0x424: {  	v61 =	vshll.u32 v3, $0x1  }
0x425: {  	v3 =	vand.u32 $0x7, v3;
	v4 =	vand.u32 $0xFFFFFFF0, v61  }
0x426: {  	v3 =	vor.u32 v3, v4  }
0x427: {  	v4 =	vperm.xlane v3, v0;
	_ =	sdelay $0x1  }
0x428: {  	v3 =	vperm.xlane v3, v2;
	v4 =	vadd.s32 v1, v4;
	_ =	sdelay $0x1  }
0x429: {  	v3 =	vadd.s32 v1, v3;
	_ =	sdelay $0x1  }
0x42a: {  	s14 =	simm.s32 $0xDC00  }
0x42b: {  	[tilespmem:s14], [sflag:$0x2] =	stream.indirect_vreg.gather [hbm4b:s2+s3], $0x80, v4, vm0, $0xb8;
	[tilespmem:$0x18C00] =	vst v63  }
0x42c: {  	s0 =	simm.s32 $0xE400  }
0x42d: {  	[tilespmem:s0], [sflag:$0x2] =	stream.indirect_vreg.gather [hbm4b:s2+s3], $0x80, v3, vm0, $0xb8;
	[tilespmem:$0x18C00] =	vst v63  }
0x42e: {  	v3 =	vld [tilespmem:$0x4E0];
	_ =	sdelay $0x4  }
0x42f: {  	v62 =	vshll.u32 v3, $0x1  }
0x430: {  	v3 =	vand.u32 $0x7, v3;
	v4 =	vand.u32 $0xFFFFFFF0, v62  }
0x431: {  	v3 =	vor.u32 v3, v4  }
0x432: {  	v4 =	vperm.xlane v3, v0;
	_ =	sdelay $0x1  }
0x433: {  	v3 =	vperm.xlane v3, v2;
	v4 =	vadd.s32 v1, v4;
	_ =	sdelay $0x1  }
0x434: {  	v3 =	vadd.s32 v1, v3;
	_ =	sdelay $0x1  }
0x435: {  	s7 =	simm.s32 $0xEC00  }
0x436: {  	[tilespmem:s7], [sflag:$0x2] =	stream.indirect_vreg.gather [hbm4b:s2+s3], $0x80, v4, vm0, $0xb8;
	[tilespmem:$0x18C00] =	vst v63  }
0x437: {  	s0 =	simm.s32 $0xF400  }
0x438: {  	[tilespmem:s0], [sflag:$0x2] =	stream.indirect_vreg.gather [hbm4b:s2+s3], $0x80, v3, vm0, $0xb8;
	[tilespmem:$0x18C00] =	vst v63  }
0x439: {  	v3 =	vld [tilespmem:$0x4F0];
	_ =	sdelay $0x4  }
0x43a: {  	v63 =	vshll.u32 v3, $0x1  }
0x43b: {  	v3 =	vand.u32 $0x7, v3;
	v4 =	vand.u32 $0xFFFFFFF0, v63  }
0x43c: {  	v3 =	vor.u32 v3, v4  }
0x43d: {  	v4 =	vperm.xlane v3, v0;
	_ =	sdelay $0x1  }
0x43e: {  	v3 =	vperm.xlane v3, v2;
	v4 =	vadd.s32 v1, v4;
	_ =	sdelay $0x1  }
0x43f: {  	v3 =	vadd.s32 v1, v3;
	_ =	sdelay $0x1  }
0x440: {  	s8 =	simm.s32 $0xFC00  }
0x441: {  	[tilespmem:s8], [sflag:$0x2] =	stream.indirect_vreg.gather [hbm4b:s2+s3], $0x80, v4, vm0, $0xb8;
	[tilespmem:$0x18C00] =	vst v63  }
0x442: {  	s16 =	simm.s32 $0x10400;
	s12 =	sld [smem:$0x7F0]  }
0x443: {  	[tilespmem:s16], [sflag:$0x2] =	stream.indirect_vreg.gather [hbm4b:s2+s3], $0x80, v3, vm0, $0xb8;
	[tilespmem:$0x18C00] =	vst v63  }
0x444: {  	s25 =	simm.s32 $0x80  }
0x445: {  	[tilespmem:s26], [sflag:$0x4] =	stream.indirect.gather [hbm4b:s4+s25], $0x80, s12, s25, $0xb8;
	[tilespmem:$0x18C00] =	vst v63  }
0x446: {  	_ =	swait.ge [sflag:s19], $0x8000  }
0x447: {  	[sflag:s19] =	ssyncset.done $0x0  }
0x448: {  	[sflag:s19] =	ssyncadd.s32 $0xFFFF8000  }
0x449: {  	_ =	swait.ge [sflag:s20], $0x4000  }
0x44a: {  	[sflag:s20] =	ssyncset.done $0x0  }
0x44b: {  	s24 =	simm.s32 $0xC00;
	s17 =	rddreg [dreg:$0x16];
	[sflag:s20] =	ssyncadd.s32 $0xFFFFC000  }
0x44c: {  	[hbm4b:s17+s3] =	stream.linear.scatter [tilespmem:s24], [sflag:$0x5], $0x8000, $0x38;
	[tilespmem:$0x18C00] =	vst v63  }
0x44d: {  	_ =	swait.ge [sflag:s6], $0x8000  }
0x44e: {  	[sflag:s6] =	ssyncset.done $0x0  }
0x44f: {  	s26 =	simm.s32 $0x10C00;
	s29 =	rddreg [dreg:$0x17];
	[sflag:s6] =	ssyncadd.s32 $0xFFFF8000  }
0x450: {  	[hbm4b:s29+s3] =	stream.linear.scatter [tilespmem:s26], [sflag:$0x5], $0x4000, $0x38;
	[tilespmem:$0x18C00] =	vst v63  }
0x451: {  	_ =	swait.ge [sflag:s6], $0x4000  }
0x452: {  	[sflag:s6] =	ssyncset.done $0x0  }
0x453: {  	[sflag:s6] =	ssyncadd.s32 $0xFFFFC000  }
0x454: {  	v3 =	vld [tilespmem:$0x500];
	_ =	sdelay $0x4  }
0x455: {  	v8 =	vshll.u32 v3, $0x1  }
0x456: {  	v3 =	vand.u32 $0x7, v3;
	v4 =	vand.u32 $0xFFFFFFF0, v8  }
0x457: {  	v3 =	vor.u32 v3, v4  }
0x458: {  	v4 =	vperm.xlane v3, v0;
	_ =	sdelay $0x1  }
0x459: {  	v3 =	vperm.xlane v3, v2;
	v4 =	vadd.s32 v1, v4;
	_ =	sdelay $0x1  }
0x45a: {  	v3 =	vadd.s32 v1, v3;
	_ =	sdelay $0x2  }
0x45b: {  	[tilespmem:s24], [sflag:$0x1] =	stream.indirect_vreg.gather [hbm4b:s2+s3], $0x80, v4, vm0, $0xb8;
	[tilespmem:$0x18C00] =	vst v63  }
0x45c: {  	s18 =	simm.s32 $0x1400  }
0x45d: {  	[tilespmem:s18], [sflag:$0x1] =	stream.indirect_vreg.gather [hbm4b:s2+s3], $0x80, v3, vm0, $0xb8;
	[tilespmem:$0x18C00] =	vst v63  }
0x45e: {  	v3 =	vld [tilespmem:$0x510];
	_ =	sdelay $0x4  }
0x45f: {  	v9 =	vshll.u32 v3, $0x1  }
0x460: {  	v3 =	vand.u32 $0x7, v3;
	v4 =	vand.u32 $0xFFFFFFF0, v9  }
0x461: {  	v3 =	vor.u32 v3, v4  }
0x462: {  	v4 =	vperm.xlane v3, v0;
	_ =	sdelay $0x1  }
0x463: {  	v3 =	vperm.xlane v3, v2;
	v4 =	vadd.s32 v1, v4;
	_ =	sdelay $0x1  }
0x464: {  	v3 =	vadd.s32 v1, v3;
	_ =	sdelay $0x1  }
0x465: {  	s18 =	simm.s32 $0x1C00  }
0x466: {  	[tilespmem:s18], [sflag:$0x1] =	stream.indirect_vreg.gather [hbm4b:s2+s3], $0x80, v4, vm0, $0xb8;
	[tilespmem:$0x18C00] =	vst v63  }
0x467: {  	s7 =	simm.s32 $0x2400  }
0x468: {  	[tilespmem:s7], [sflag:$0x1] =	stream.indirect_vreg.gather [hbm4b:s2+s3], $0x80, v3, vm0, $0xb8;
	[tilespmem:$0x18C00] =	vst v63  }
0x469: {  	v3 =	vld [tilespmem:$0x520];
	_ =	sdelay $0x4  }
0x46a: {  	v10 =	vshll.u32 v3, $0x1  }
0x46b: {  	v3 =	vand.u32 $0x7, v3;
	v4 =	vand.u32 $0xFFFFFFF0, v10  }
0x46c: {  	v3 =	vor.u32 v3, v4  }
0x46d: {  	v4 =	vperm.xlane v3, v0;
	_ =	sdelay $0x1  }
0x46e: {  	v3 =	vperm.xlane v3, v2;
	v4 =	vadd.s32 v1, v4;
	_ =	sdelay $0x1  }
0x46f: {  	v3 =	vadd.s32 v1, v3;
	_ =	sdelay $0x1  }
0x470: {  	s8 =	simm.s32 $0x2C00  }
0x471: {  	[tilespmem:s8], [sflag:$0x1] =	stream.indirect_vreg.gather [hbm4b:s2+s3], $0x80, v4, vm0, $0xb8;
	[tilespmem:$0x18C00] =	vst v63  }
0x472: {  	s24 =	simm.s32 $0x3400  }
0x473: {  	[tilespmem:s24], [sflag:$0x1] =	stream.indirect_vreg.gather [hbm4b:s2+s3], $0x80, v3, vm0, $0xb8;
	[tilespmem:$0x18C00] =	vst v63  }
0x474: {  	v3 =	vld [tilespmem:$0x530];
	_ =	sdelay $0x4  }
0x475: {  	v11 =	vshll.u32 v3, $0x1  }
0x476: {  	v3 =	vand.u32 $0x7, v3;
	v4 =	vand.u32 $0xFFFFFFF0, v11  }
0x477: {  	v3 =	vor.u32 v3, v4  }
0x478: {  	v4 =	vperm.xlane v3, v0;
	_ =	sdelay $0x1  }
0x479: {  	v3 =	vperm.xlane v3, v2;
	v4 =	vadd.s32 v1, v4;
	_ =	sdelay $0x1  }
0x47a: {  	v3 =	vadd.s32 v1, v3;
	_ =	sdelay $0x1  }
0x47b: {  	s12 =	simm.s32 $0x3C00  }
0x47c: {  	[tilespmem:s12], [sflag:$0x1] =	stream.indirect_vreg.gather [hbm4b:s2+s3], $0x80, v4, vm0, $0xb8;
	[tilespmem:$0x18C00] =	vst v63  }
0x47d: {  	s28 =	simm.s32 $0x4400  }
0x47e: {  	[tilespmem:s28], [sflag:$0x1] =	stream.indirect_vreg.gather [hbm4b:s2+s3], $0x80, v3, vm0, $0xb8;
	[tilespmem:$0x18C00] =	vst v63  }
0x47f: {  	v3 =	vld [tilespmem:$0x540];
	_ =	sdelay $0x4  }
0x480: {  	v12 =	vshll.u32 v3, $0x1  }
0x481: {  	v3 =	vand.u32 $0x7, v3;
	v4 =	vand.u32 $0xFFFFFFF0, v12  }
0x482: {  	v3 =	vor.u32 v3, v4  }
0x483: {  	v4 =	vperm.xlane v3, v0;
	_ =	sdelay $0x1  }
0x484: {  	v3 =	vperm.xlane v3, v2;
	v4 =	vadd.s32 v1, v4;
	_ =	sdelay $0x1  }
0x485: {  	v3 =	vadd.s32 v1, v3;
	_ =	sdelay $0x1  }
0x486: {  	s7 =	simm.s32 $0x4C00  }
0x487: {  	[tilespmem:s7], [sflag:$0x1] =	stream.indirect_vreg.gather [hbm4b:s2+s3], $0x80, v4, vm0, $0xb8;
	[tilespmem:$0x18C00] =	vst v63  }
0x488: {  	s17 =	simm.s32 $0x5400  }
0x489: {  	[tilespmem:s17], [sflag:$0x1] =	stream.indirect_vreg.gather [hbm4b:s2+s3], $0x80, v3, vm0, $0xb8;
	[tilespmem:$0x18C00] =	vst v63  }
0x48a: {  	v3 =	vld [tilespmem:$0x550];
	_ =	sdelay $0x4  }
0x48b: {  	v13 =	vshll.u32 v3, $0x1  }
0x48c: {  	v3 =	vand.u32 $0x7, v3;
	v4 =	vand.u32 $0xFFFFFFF0, v13  }
0x48d: {  	v3 =	vor.u32 v3, v4  }
0x48e: {  	v4 =	vperm.xlane v3, v0;
	_ =	sdelay $0x1  }
0x48f: {  	v3 =	vperm.xlane v3, v2;
	v4 =	vadd.s32 v1, v4;
	_ =	sdelay $0x1  }
0x490: {  	v3 =	vadd.s32 v1, v3;
	_ =	sdelay $0x1  }
0x491: {  	s8 =	simm.s32 $0x5C00  }
0x492: {  	[tilespmem:s8], [sflag:$0x1] =	stream.indirect_vreg.gather [hbm4b:s2+s3], $0x80, v4, vm0, $0xb8;
	[tilespmem:$0x18C00] =	vst v63  }
0x493: {  	s11 =	simm.s32 $0x6400  }
0x494: {  	[tilespmem:s11], [sflag:$0x1] =	stream.indirect_vreg.gather [hbm4b:s2+s3], $0x80, v3, vm0, $0xb8;
	[tilespmem:$0x18C00] =	vst v63  }
0x495: {  	v3 =	vld [tilespmem:$0x560];
	_ =	sdelay $0x4  }
0x496: {  	v14 =	vshll.u32 v3, $0x1  }
0x497: {  	v3 =	vand.u32 $0x7, v3;
	v4 =	vand.u32 $0xFFFFFFF0, v14  }
0x498: {  	v3 =	vor.u32 v3, v4  }
0x499: {  	v4 =	vperm.xlane v3, v0;
	_ =	sdelay $0x1  }
0x49a: {  	v3 =	vperm.xlane v3, v2;
	v4 =	vadd.s32 v1, v4;
	_ =	sdelay $0x1  }
0x49b: {  	v3 =	vadd.s32 v1, v3;
	_ =	sdelay $0x1  }
0x49c: {  	s31 =	simm.s32 $0x6C00  }
0x49d: {  	[tilespmem:s31], [sflag:$0x1] =	stream.indirect_vreg.gather [hbm4b:s2+s3], $0x80, v4, vm0, $0xb8;
	[tilespmem:$0x18C00] =	vst v63  }
0x49e: {  	s1 =	simm.s32 $0x7400  }
0x49f: {  	[tilespmem:s1], [sflag:$0x1] =	stream.indirect_vreg.gather [hbm4b:s2+s3], $0x80, v3, vm0, $0xb8;
	[tilespmem:$0x18C00] =	vst v63  }
0x4a0: {  	v3 =	vld [tilespmem:$0x570];
	_ =	sdelay $0x4  }
0x4a1: {  	v15 =	vshll.u32 v3, $0x1  }
0x4a2: {  	v3 =	vand.u32 $0x7, v3;
	v4 =	vand.u32 $0xFFFFFFF0, v15  }
0x4a3: {  	v3 =	vor.u32 v3, v4  }
0x4a4: {  	v4 =	vperm.xlane v3, v0;
	_ =	sdelay $0x1  }
0x4a5: {  	v3 =	vperm.xlane v3, v2;
	v4 =	vadd.s32 v1, v4;
	_ =	sdelay $0x1  }
0x4a6: {  	v3 =	vadd.s32 v1, v3;
	_ =	sdelay $0x1  }
0x4a7: {  	s16 =	simm.s32 $0x7C00  }
0x4a8: {  	[tilespmem:s16], [sflag:$0x1] =	stream.indirect_vreg.gather [hbm4b:s2+s3], $0x80, v4, vm0, $0xb8;
	[tilespmem:$0x18C00] =	vst v63  }
0x4a9: {  	s23 =	sld [smem:$0x7F1];
	s28 =	simm.s32 $0x8400  }
0x4aa: {  	[tilespmem:s28], [sflag:$0x1] =	stream.indirect_vreg.gather [hbm4b:s2+s3], $0x80, v3, vm0, $0xb8;
	[tilespmem:$0x18C00] =	vst v63  }
0x4ab: {  	_ = 	snop  }
0x4ac: {  	[tilespmem:s26], [sflag:$0x3] =	stream.indirect.gather [hbm4b:s4+s25], $0x80, s23, s25, $0xb8;
	[tilespmem:$0x18C00] =	vst v63  }
0x4ad: {  	_ =	swait.ge [sflag:s21], $0x8000  }
0x4ae: {  	[sflag:s21] =	ssyncset.done $0x0  }
0x4af: {  	[sflag:s21] =	ssyncadd.s32 $0xFFFF8000  }
0x4b0: {  	_ =	swait.ge [sflag:s22], $0x4000  }
0x4b1: {  	[sflag:s22] =	ssyncset.done $0x0  }
0x4b2: {  	s25 =	simm.s32 $0x8C00;
	s23 =	rddreg [dreg:$0x18];
	[sflag:s22] =	ssyncadd.s32 $0xFFFFC000  }
0x4b3: {  	[hbm4b:s23+s3] =	stream.linear.scatter [tilespmem:s25], [sflag:$0x5], $0x8000, $0x38;
	[tilespmem:$0x18C00] =	vst v63  }
0x4b4: {  	_ =	swait.ge [sflag:s6], $0x8000  }
0x4b5: {  	[sflag:s6] =	ssyncset.done $0x0  }
0x4b6: {  	s30 =	simm.s32 $0x14C00;
	s23 =	rddreg [dreg:$0x19];
	[sflag:s6] =	ssyncadd.s32 $0xFFFF8000  }
0x4b7: {  	[hbm4b:s23+s3] =	stream.linear.scatter [tilespmem:s30], [sflag:$0x5], $0x4000, $0x38;
	[tilespmem:$0x18C00] =	vst v63  }
0x4b8: {  	_ =	swait.ge [sflag:s6], $0x4000  }
0x4b9: {  	[sflag:s6] =	ssyncset.done $0x0  }
0x4ba: {  	[sflag:s6] =	ssyncadd.s32 $0xFFFFC000  }
0x4bb: {  	v3 =	vld [tilespmem:$0x580];
	_ =	sdelay $0x4  }
0x4bc: {  	v16 =	vshll.u32 v3, $0x1  }
0x4bd: {  	v3 =	vand.u32 $0x7, v3;
	v4 =	vand.u32 $0xFFFFFFF0, v16  }
0x4be: {  	v3 =	vor.u32 v3, v4  }
0x4bf: {  	v4 =	vperm.xlane v3, v0;
	_ =	sdelay $0x1  }
0x4c0: {  	v3 =	vperm.xlane v3, v2;
	v4 =	vadd.s32 v1, v4;
	_ =	sdelay $0x1  }
0x4c1: {  	v3 =	vadd.s32 v1, v3;
	_ =	sdelay $0x2  }
0x4c2: {  	[tilespmem:s25], [sflag:$0x2] =	stream.indirect_vreg.gather [hbm4b:s2+s3], $0x80, v4, vm0, $0xb8;
	[tilespmem:$0x18C00] =	vst v63  }
0x4c3: {  	_ = 	snop  }
0x4c4: {  	[tilespmem:s5], [sflag:$0x2] =	stream.indirect_vreg.gather [hbm4b:s2+s3], $0x80, v3, vm0, $0xb8;
	[tilespmem:$0x18C00] =	vst v63  }
0x4c5: {  	v3 =	vld [tilespmem:$0x590];
	_ =	sdelay $0x4  }
0x4c6: {  	v17 =	vshll.u32 v3, $0x1  }
0x4c7: {  	v3 =	vand.u32 $0x7, v3;
	v4 =	vand.u32 $0xFFFFFFF0, v17  }
0x4c8: {  	v3 =	vor.u32 v3, v4  }
0x4c9: {  	v4 =	vperm.xlane v3, v0;
	_ =	sdelay $0x1  }
0x4ca: {  	v3 =	vperm.xlane v3, v2;
	v4 =	vadd.s32 v1, v4;
	_ =	sdelay $0x1  }
0x4cb: {  	v3 =	vadd.s32 v1, v3;
	_ =	sdelay $0x2  }
0x4cc: {  	[tilespmem:s9], [sflag:$0x2] =	stream.indirect_vreg.gather [hbm4b:s2+s3], $0x80, v4, vm0, $0xb8;
	[tilespmem:$0x18C00] =	vst v63  }
0x4cd: {  	_ = 	snop  }
0x4ce: {  	[tilespmem:s10], [sflag:$0x2] =	stream.indirect_vreg.gather [hbm4b:s2+s3], $0x80, v3, vm0, $0xb8;
	[tilespmem:$0x18C00] =	vst v63  }
0x4cf: {  	v3 =	vld [tilespmem:$0x5A0];
	_ =	sdelay $0x4  }
0x4d0: {  	v18 =	vshll.u32 v3, $0x1  }
0x4d1: {  	v3 =	vand.u32 $0x7, v3;
	v4 =	vand.u32 $0xFFFFFFF0, v18  }
0x4d2: {  	v3 =	vor.u32 v3, v4  }
0x4d3: {  	v4 =	vperm.xlane v3, v0;
	_ =	sdelay $0x1  }
0x4d4: {  	v3 =	vperm.xlane v3, v2;
	v4 =	vadd.s32 v1, v4;
	_ =	sdelay $0x1  }
0x4d5: {  	v3 =	vadd.s32 v1, v3;
	_ =	sdelay $0x1  }
0x4d6: {  	s9 =	simm.s32 $0xAC00  }
0x4d7: {  	[tilespmem:s9], [sflag:$0x2] =	stream.indirect_vreg.gather [hbm4b:s2+s3], $0x80, v4, vm0, $0xb8;
	[tilespmem:$0x18C00] =	vst v63  }
0x4d8: {  	_ = 	snop  }
0x4d9: {  	[tilespmem:s13], [sflag:$0x2] =	stream.indirect_vreg.gather [hbm4b:s2+s3], $0x80, v3, vm0, $0xb8;
	[tilespmem:$0x18C00] =	vst v63  }
0x4da: {  	v3 =	vld [tilespmem:$0x5B0];
	_ =	sdelay $0x4  }
0x4db: {  	v19 =	vshll.u32 v3, $0x1  }
0x4dc: {  	v3 =	vand.u32 $0x7, v3;
	v4 =	vand.u32 $0xFFFFFFF0, v19  }
0x4dd: {  	v3 =	vor.u32 v3, v4  }
0x4de: {  	v4 =	vperm.xlane v3, v0;
	_ =	sdelay $0x1  }
0x4df: {  	v3 =	vperm.xlane v3, v2;
	v4 =	vadd.s32 v1, v4;
	_ =	sdelay $0x1  }
0x4e0: {  	v3 =	vadd.s32 v1, v3;
	_ =	sdelay $0x1  }
0x4e1: {  	s10 =	simm.s32 $0xBC00  }
0x4e2: {  	[tilespmem:s10], [sflag:$0x2] =	stream.indirect_vreg.gather [hbm4b:s2+s3], $0x80, v4, vm0, $0xb8;
	[tilespmem:$0x18C00] =	vst v63  }
0x4e3: {  	_ = 	snop  }
0x4e4: {  	[tilespmem:s15], [sflag:$0x2] =	stream.indirect_vreg.gather [hbm4b:s2+s3], $0x80, v3, vm0, $0xb8;
	[tilespmem:$0x18C00] =	vst v63  }
0x4e5: {  	v3 =	vld [tilespmem:$0x5C0];
	_ =	sdelay $0x4  }
0x4e6: {  	v20 =	vshll.u32 v3, $0x1  }
0x4e7: {  	v3 =	vand.u32 $0x7, v3;
	v4 =	vand.u32 $0xFFFFFFF0, v20  }
0x4e8: {  	v3 =	vor.u32 v3, v4  }
0x4e9: {  	v4 =	vperm.xlane v3, v0;
	_ =	sdelay $0x1  }
0x4ea: {  	v3 =	vperm.xlane v3, v2;
	v4 =	vadd.s32 v1, v4;
	_ =	sdelay $0x1  }
0x4eb: {  	v3 =	vadd.s32 v1, v3;
	_ =	sdelay $0x1  }
0x4ec: {  	s13 =	simm.s32 $0xCC00  }
0x4ed: {  	[tilespmem:s13], [sflag:$0x2] =	stream.indirect_vreg.gather [hbm4b:s2+s3], $0x80, v4, vm0, $0xb8;
	[tilespmem:$0x18C00] =	vst v63  }
0x4ee: {  	s15 =	simm.s32 $0xD400  }
0x4ef: {  	[tilespmem:s15], [sflag:$0x2] =	stream.indirect_vreg.gather [hbm4b:s2+s3], $0x80, v3, vm0, $0xb8;
	[tilespmem:$0x18C00] =	vst v63  }
0x4f0: {  	v3 =	vld [tilespmem:$0x5D0];
	_ =	sdelay $0x4  }
0x4f1: {  	v21 =	vshll.u32 v3, $0x1  }
0x4f2: {  	v3 =	vand.u32 $0x7, v3;
	v4 =	vand.u32 $0xFFFFFFF0, v21  }
0x4f3: {  	v3 =	vor.u32 v3, v4  }
0x4f4: {  	v4 =	vperm.xlane v3, v0;
	_ =	sdelay $0x1  }
0x4f5: {  	v3 =	vperm.xlane v3, v2;
	v4 =	vadd.s32 v1, v4;
	_ =	sdelay $0x1  }
0x4f6: {  	v3 =	vadd.s32 v1, v3;
	_ =	sdelay $0x2  }
0x4f7: {  	[tilespmem:s14], [sflag:$0x2] =	stream.indirect_vreg.gather [hbm4b:s2+s3], $0x80, v4, vm0, $0xb8;
	[tilespmem:$0x18C00] =	vst v63  }
0x4f8: {  	s23 =	simm.s32 $0xE400  }
0x4f9: {  	[tilespmem:s23], [sflag:$0x2] =	stream.indirect_vreg.gather [hbm4b:s2+s3], $0x80, v3, vm0, $0xb8;
	[tilespmem:$0x18C00] =	vst v63  }
0x4fa: {  	v3 =	vld [tilespmem:$0x5E0];
	_ =	sdelay $0x4  }
0x4fb: {  	v22 =	vshll.u32 v3, $0x1  }
0x4fc: {  	v3 =	vand.u32 $0x7, v3;
	v4 =	vand.u32 $0xFFFFFFF0, v22  }
0x4fd: {  	v3 =	vor.u32 v3, v4  }
0x4fe: {  	v4 =	vperm.xlane v3, v0;
	_ =	sdelay $0x1  }
0x4ff: {  	v3 =	vperm.xlane v3, v2;
	v4 =	vadd.s32 v1, v4;
	_ =	sdelay $0x1  }
0x500: {  	v3 =	vadd.s32 v1, v3;
	_ =	sdelay $0x1  }
0x501: {  	s9 =	simm.s32 $0xEC00  }
0x502: {  	[tilespmem:s9], [sflag:$0x2] =	stream.indirect_vreg.gather [hbm4b:s2+s3], $0x80, v4, vm0, $0xb8;
	[tilespmem:$0x18C00] =	vst v63  }
0x503: {  	_ = 	snop  }
0x504: {  	[tilespmem:s0], [sflag:$0x2] =	stream.indirect_vreg.gather [hbm4b:s2+s3], $0x80, v3, vm0, $0xb8;
	[tilespmem:$0x18C00] =	vst v63  }
0x505: {  	v3 =	vld [tilespmem:$0x5F0];
	_ =	sdelay $0x4  }
0x506: {  	v23 =	vshll.u32 v3, $0x1  }
0x507: {  	v3 =	vand.u32 $0x7, v3;
	v4 =	vand.u32 $0xFFFFFFF0, v23  }
0x508: {  	v3 =	vor.u32 v3, v4  }
0x509: {  	v4 =	vperm.xlane v3, v0;
	_ =	sdelay $0x1  }
0x50a: {  	v3 =	vperm.xlane v3, v2;
	v4 =	vadd.s32 v1, v4;
	_ =	sdelay $0x1  }
0x50b: {  	v3 =	vadd.s32 v1, v3;
	_ =	sdelay $0x1  }
0x50c: {  	s5 =	simm.s32 $0xFC00  }
0x50d: {  	[tilespmem:s5], [sflag:$0x2] =	stream.indirect_vreg.gather [hbm4b:s2+s3], $0x80, v4, vm0, $0xb8;
	[tilespmem:$0x18C00] =	vst v63  }
0x50e: {  	s10 =	sld [smem:$0x7F2];
	s14 =	simm.s32 $0x10400  }
0x50f: {  	[tilespmem:s14], [sflag:$0x2] =	stream.indirect_vreg.gather [hbm4b:s2+s3], $0x80, v3, vm0, $0xb8;
	[tilespmem:$0x18C00] =	vst v63  }
0x510: {  	s26 =	simm.s32 $0x80  }
0x511: {  	[tilespmem:s30], [sflag:$0x4] =	stream.indirect.gather [hbm4b:s4+s26], $0x80, s10, s26, $0xb8;
	[tilespmem:$0x18C00] =	vst v63  }
0x512: {  	_ =	swait.ge [sflag:s19], $0x8000  }
0x513: {  	[sflag:s19] =	ssyncset.done $0x0  }
0x514: {  	[sflag:s19] =	ssyncadd.s32 $0xFFFF8000  }
0x515: {  	_ =	swait.ge [sflag:s20], $0x4000  }
0x516: {  	[sflag:s20] =	ssyncset.done $0x0  }
0x517: {  	s29 =	simm.s32 $0xC00;
	s5 =	rddreg [dreg:$0x1a];
	[sflag:s20] =	ssyncadd.s32 $0xFFFFC000  }
0x518: {  	[hbm4b:s5+s3] =	stream.linear.scatter [tilespmem:s29], [sflag:$0x5], $0x8000, $0x38;
	[tilespmem:$0x18C00] =	vst v63  }
0x519: {  	_ =	swait.ge [sflag:s6], $0x8000  }
0x51a: {  	[sflag:s6] =	ssyncset.done $0x0  }
0x51b: {  	s28 =	simm.s32 $0x10C00;
	s10 =	rddreg [dreg:$0x1b];
	[sflag:s6] =	ssyncadd.s32 $0xFFFF8000  }
0x51c: {  	[hbm4b:s10+s3] =	stream.linear.scatter [tilespmem:s28], [sflag:$0x5], $0x4000, $0x38;
	[tilespmem:$0x18C00] =	vst v63  }
0x51d: {  	_ =	swait.ge [sflag:s6], $0x4000  }
0x51e: {  	[sflag:s6] =	ssyncset.done $0x0  }
0x51f: {  	[sflag:s6] =	ssyncadd.s32 $0xFFFFC000  }
0x520: {  	v3 =	vld [tilespmem:$0x600];
	_ =	sdelay $0x4  }
0x521: {  	v24 =	vshll.u32 v3, $0x1  }
0x522: {  	v3 =	vand.u32 $0x7, v3;
	v4 =	vand.u32 $0xFFFFFFF0, v24  }
0x523: {  	v3 =	vor.u32 v3, v4  }
0x524: {  	v4 =	vperm.xlane v3, v0;
	_ =	sdelay $0x1  }
0x525: {  	v3 =	vperm.xlane v3, v2;
	v4 =	vadd.s32 v1, v4;
	_ =	sdelay $0x1  }
0x526: {  	v3 =	vadd.s32 v1, v3;
	_ =	sdelay $0x2  }
0x527: {  	[tilespmem:s29], [sflag:$0x1] =	stream.indirect_vreg.gather [hbm4b:s2+s3], $0x80, v4, vm0, $0xb8;
	[tilespmem:$0x18C00] =	vst v63  }
0x528: {  	s10 =	simm.s32 $0x1400  }
0x529: {  	[tilespmem:s10], [sflag:$0x1] =	stream.indirect_vreg.gather [hbm4b:s2+s3], $0x80, v3, vm0, $0xb8;
	[tilespmem:$0x18C00] =	vst v63  }
0x52a: {  	v3 =	vld [tilespmem:$0x610];
	_ =	sdelay $0x4  }
0x52b: {  	v25 =	vshll.u32 v3, $0x1  }
0x52c: {  	v3 =	vand.u32 $0x7, v3;
	v4 =	vand.u32 $0xFFFFFFF0, v25  }
0x52d: {  	v3 =	vor.u32 v3, v4  }
0x52e: {  	v4 =	vperm.xlane v3, v0;
	_ =	sdelay $0x1  }
0x52f: {  	v3 =	vperm.xlane v3, v2;
	v4 =	vadd.s32 v1, v4;
	_ =	sdelay $0x1  }
0x530: {  	v3 =	vadd.s32 v1, v3;
	_ =	sdelay $0x2  }
0x531: {  	[tilespmem:s18], [sflag:$0x1] =	stream.indirect_vreg.gather [hbm4b:s2+s3], $0x80, v4, vm0, $0xb8;
	[tilespmem:$0x18C00] =	vst v63  }
0x532: {  	s0 =	simm.s32 $0x2400  }
0x533: {  	[tilespmem:s0], [sflag:$0x1] =	stream.indirect_vreg.gather [hbm4b:s2+s3], $0x80, v3, vm0, $0xb8;
	[tilespmem:$0x18C00] =	vst v63  }
0x534: {  	v3 =	vld [tilespmem:$0x620];
	_ =	sdelay $0x4  }
0x535: {  	v26 =	vshll.u32 v3, $0x1  }
0x536: {  	v3 =	vand.u32 $0x7, v3;
	v4 =	vand.u32 $0xFFFFFFF0, v26  }
0x537: {  	v3 =	vor.u32 v3, v4  }
0x538: {  	v4 =	vperm.xlane v3, v0;
	_ =	sdelay $0x1  }
0x539: {  	v3 =	vperm.xlane v3, v2;
	v4 =	vadd.s32 v1, v4;
	_ =	sdelay $0x1  }
0x53a: {  	v3 =	vadd.s32 v1, v3;
	_ =	sdelay $0x1  }
0x53b: {  	s5 =	simm.s32 $0x2C00  }
0x53c: {  	[tilespmem:s5], [sflag:$0x1] =	stream.indirect_vreg.gather [hbm4b:s2+s3], $0x80, v4, vm0, $0xb8;
	[tilespmem:$0x18C00] =	vst v63  }
0x53d: {  	_ = 	snop  }
0x53e: {  	[tilespmem:s24], [sflag:$0x1] =	stream.indirect_vreg.gather [hbm4b:s2+s3], $0x80, v3, vm0, $0xb8;
	[tilespmem:$0x18C00] =	vst v63  }
0x53f: {  	v3 =	vld [tilespmem:$0x630];
	_ =	sdelay $0x4  }
0x540: {  	v27 =	vshll.u32 v3, $0x1  }
0x541: {  	v3 =	vand.u32 $0x7, v3;
	v4 =	vand.u32 $0xFFFFFFF0, v27  }
0x542: {  	v3 =	vor.u32 v3, v4  }
0x543: {  	v4 =	vperm.xlane v3, v0;
	_ =	sdelay $0x1  }
0x544: {  	v3 =	vperm.xlane v3, v2;
	v4 =	vadd.s32 v1, v4;
	_ =	sdelay $0x1  }
0x545: {  	v3 =	vadd.s32 v1, v3;
	_ =	sdelay $0x2  }
0x546: {  	[tilespmem:s12], [sflag:$0x1] =	stream.indirect_vreg.gather [hbm4b:s2+s3], $0x80, v4, vm0, $0xb8;
	[tilespmem:$0x18C00] =	vst v63  }
0x547: {  	s24 =	simm.s32 $0x4400  }
0x548: {  	[tilespmem:s24], [sflag:$0x1] =	stream.indirect_vreg.gather [hbm4b:s2+s3], $0x80, v3, vm0, $0xb8;
	[tilespmem:$0x18C00] =	vst v63  }
0x549: {  	v3 =	vld [tilespmem:$0x640];
	_ =	sdelay $0x4  }
0x54a: {  	v28 =	vshll.u32 v3, $0x1  }
0x54b: {  	v3 =	vand.u32 $0x7, v3;
	v4 =	vand.u32 $0xFFFFFFF0, v28  }
0x54c: {  	v3 =	vor.u32 v3, v4  }
0x54d: {  	v4 =	vperm.xlane v3, v0;
	_ =	sdelay $0x1  }
0x54e: {  	v3 =	vperm.xlane v3, v2;
	v4 =	vadd.s32 v1, v4;
	_ =	sdelay $0x1  }
0x54f: {  	v3 =	vadd.s32 v1, v3;
	_ =	sdelay $0x2  }
0x550: {  	[tilespmem:s7], [sflag:$0x1] =	stream.indirect_vreg.gather [hbm4b:s2+s3], $0x80, v4, vm0, $0xb8;
	[tilespmem:$0x18C00] =	vst v63  }
0x551: {  	_ = 	snop  }
0x552: {  	[tilespmem:s17], [sflag:$0x1] =	stream.indirect_vreg.gather [hbm4b:s2+s3], $0x80, v3, vm0, $0xb8;
	[tilespmem:$0x18C00] =	vst v63  }
0x553: {  	v3 =	vld [tilespmem:$0x650];
	_ =	sdelay $0x4  }
0x554: {  	v29 =	vshll.u32 v3, $0x1  }
0x555: {  	v3 =	vand.u32 $0x7, v3;
	v4 =	vand.u32 $0xFFFFFFF0, v29  }
0x556: {  	v3 =	vor.u32 v3, v4  }
0x557: {  	v4 =	vperm.xlane v3, v0;
	_ =	sdelay $0x1  }
0x558: {  	v3 =	vperm.xlane v3, v2;
	v4 =	vadd.s32 v1, v4;
	_ =	sdelay $0x1  }
0x559: {  	v3 =	vadd.s32 v1, v3;
	_ =	sdelay $0x2  }
0x55a: {  	[tilespmem:s8], [sflag:$0x1] =	stream.indirect_vreg.gather [hbm4b:s2+s3], $0x80, v4, vm0, $0xb8;
	[tilespmem:$0x18C00] =	vst v63  }
0x55b: {  	_ = 	snop  }
0x55c: {  	[tilespmem:s11], [sflag:$0x1] =	stream.indirect_vreg.gather [hbm4b:s2+s3], $0x80, v3, vm0, $0xb8;
	[tilespmem:$0x18C00] =	vst v63  }
0x55d: {  	v3 =	vld [tilespmem:$0x660];
	_ =	sdelay $0x4  }
0x55e: {  	v30 =	vshll.u32 v3, $0x1  }
0x55f: {  	v3 =	vand.u32 $0x7, v3;
	v4 =	vand.u32 $0xFFFFFFF0, v30  }
0x560: {  	v3 =	vor.u32 v3, v4  }
0x561: {  	v4 =	vperm.xlane v3, v0;
	_ =	sdelay $0x1  }
0x562: {  	v3 =	vperm.xlane v3, v2;
	v4 =	vadd.s32 v1, v4;
	_ =	sdelay $0x1  }
0x563: {  	v3 =	vadd.s32 v1, v3;
	_ =	sdelay $0x1  }
0x564: {  	s31 =	simm.s32 $0x6C00  }
0x565: {  	[tilespmem:s31], [sflag:$0x1] =	stream.indirect_vreg.gather [hbm4b:s2+s3], $0x80, v4, vm0, $0xb8;
	[tilespmem:$0x18C00] =	vst v63  }
0x566: {  	_ = 	snop  }
0x567: {  	[tilespmem:s1], [sflag:$0x1] =	stream.indirect_vreg.gather [hbm4b:s2+s3], $0x80, v3, vm0, $0xb8;
	[tilespmem:$0x18C00] =	vst v63  }
0x568: {  	v3 =	vld [tilespmem:$0x670];
	_ =	sdelay $0x4  }
0x569: {  	v31 =	vshll.u32 v3, $0x1  }
0x56a: {  	v3 =	vand.u32 $0x7, v3;
	v4 =	vand.u32 $0xFFFFFFF0, v31  }
0x56b: {  	v3 =	vor.u32 v3, v4  }
0x56c: {  	v4 =	vperm.xlane v3, v0;
	_ =	sdelay $0x1  }
0x56d: {  	v3 =	vperm.xlane v3, v2;
	v4 =	vadd.s32 v1, v4;
	_ =	sdelay $0x1  }
0x56e: {  	v3 =	vadd.s32 v1, v3;
	_ =	sdelay $0x2  }
0x56f: {  	[tilespmem:s16], [sflag:$0x1] =	stream.indirect_vreg.gather [hbm4b:s2+s3], $0x80, v4, vm0, $0xb8;
	[tilespmem:$0x18C00] =	vst v63  }
0x570: {  	s12 =	sld [smem:$0x7F3];
	s16 =	simm.s32 $0x8400  }
0x571: {  	[tilespmem:s16], [sflag:$0x1] =	stream.indirect_vreg.gather [hbm4b:s2+s3], $0x80, v3, vm0, $0xb8;
	[tilespmem:$0x18C00] =	vst v63  }
0x572: {  	_ = 	snop  }
0x573: {  	[tilespmem:s28], [sflag:$0x3] =	stream.indirect.gather [hbm4b:s4+s26], $0x80, s12, s26, $0xb8;
	[tilespmem:$0x18C00] =	vst v63  }
0x574: {  	_ =	swait.ge [sflag:s21], $0x8000  }
0x575: {  	[sflag:s21] =	ssyncset.done $0x0  }
0x576: {  	[sflag:s21] =	ssyncadd.s32 $0xFFFF8000  }
0x577: {  	_ =	swait.ge [sflag:s22], $0x4000  }
0x578: {  	[sflag:s22] =	ssyncset.done $0x0  }
0x579: {  	s25 =	simm.s32 $0x8C00;
	s14 =	rddreg [dreg:$0x1c];
	[sflag:s22] =	ssyncadd.s32 $0xFFFFC000  }
0x57a: {  	[hbm4b:s14+s3] =	stream.linear.scatter [tilespmem:s25], [sflag:$0x5], $0x8000, $0x38;
	[tilespmem:$0x18C00] =	vst v63  }
0x57b: {  	_ =	swait.ge [sflag:s6], $0x8000  }
0x57c: {  	[sflag:s6] =	ssyncset.done $0x0  }
0x57d: {  	s17 =	rddreg [dreg:$0x1d];
	[sflag:s6] =	ssyncadd.s32 $0xFFFF8000  }
0x57e: {  	[hbm4b:s17+s3] =	stream.linear.scatter [tilespmem:s30], [sflag:$0x5], $0x4000, $0x38;
	[tilespmem:$0x18C00] =	vst v63  }
0x57f: {  	_ =	swait.ge [sflag:s6], $0x4000  }
0x580: {  	[sflag:s6] =	ssyncset.done $0x0  }
0x581: {  	[sflag:s6] =	ssyncadd.s32 $0xFFFFC000  }
0x582: {  	v3 =	vld [tilespmem:$0x680];
	_ =	sdelay $0x4  }
0x583: {  	v32 =	vshll.u32 v3, $0x1  }
0x584: {  	v3 =	vand.u32 $0x7, v3;
	v4 =	vand.u32 $0xFFFFFFF0, v32  }
0x585: {  	v3 =	vor.u32 v3, v4  }
0x586: {  	v4 =	vperm.xlane v3, v0;
	_ =	sdelay $0x1  }
0x587: {  	v3 =	vperm.xlane v3, v2;
	v4 =	vadd.s32 v1, v4;
	_ =	sdelay $0x1  }
0x588: {  	v3 =	vadd.s32 v1, v3;
	_ =	sdelay $0x2  }
0x589: {  	[tilespmem:s25], [sflag:$0x2] =	stream.indirect_vreg.gather [hbm4b:s2+s3], $0x80, v4, vm0, $0xb8;
	[tilespmem:$0x18C00] =	vst v63  }
0x58a: {  	s31 =	simm.s32 $0x9400  }
0x58b: {  	[tilespmem:s31], [sflag:$0x2] =	stream.indirect_vreg.gather [hbm4b:s2+s3], $0x80, v3, vm0, $0xb8;
	[tilespmem:$0x18C00] =	vst v63  }
0x58c: {  	v3 =	vld [tilespmem:$0x690];
	_ =	sdelay $0x4  }
0x58d: {  	v33 =	vshll.u32 v3, $0x1  }
0x58e: {  	v3 =	vand.u32 $0x7, v3;
	v4 =	vand.u32 $0xFFFFFFF0, v33  }
0x58f: {  	v3 =	vor.u32 v3, v4  }
0x590: {  	v4 =	vperm.xlane v3, v0;
	_ =	sdelay $0x1  }
0x591: {  	v3 =	vperm.xlane v3, v2;
	v4 =	vadd.s32 v1, v4;
	_ =	sdelay $0x1  }
0x592: {  	v3 =	vadd.s32 v1, v3;
	_ =	sdelay $0x1  }
0x593: {  	s7 =	simm.s32 $0x9C00  }
0x594: {  	[tilespmem:s7], [sflag:$0x2] =	stream.indirect_vreg.gather [hbm4b:s2+s3], $0x80, v4, vm0, $0xb8;
	[tilespmem:$0x18C00] =	vst v63  }
0x595: {  	s8 =	simm.s32 $0xA400  }
0x596: {  	[tilespmem:s8], [sflag:$0x2] =	stream.indirect_vreg.gather [hbm4b:s2+s3], $0x80, v3, vm0, $0xb8;
	[tilespmem:$0x18C00] =	vst v63  }
0x597: {  	v3 =	vld [tilespmem:$0x6A0];
	_ =	sdelay $0x4  }
0x598: {  	v34 =	vshll.u32 v3, $0x1  }
0x599: {  	v3 =	vand.u32 $0x7, v3;
	v4 =	vand.u32 $0xFFFFFFF0, v34  }
0x59a: {  	v3 =	vor.u32 v3, v4  }
0x59b: {  	v4 =	vperm.xlane v3, v0;
	_ =	sdelay $0x1  }
0x59c: {  	v3 =	vperm.xlane v3, v2;
	v4 =	vadd.s32 v1, v4;
	_ =	sdelay $0x1  }
0x59d: {  	v3 =	vadd.s32 v1, v3;
	_ =	sdelay $0x1  }
0x59e: {  	s11 =	simm.s32 $0xAC00  }
0x59f: {  	[tilespmem:s11], [sflag:$0x2] =	stream.indirect_vreg.gather [hbm4b:s2+s3], $0x80, v4, vm0, $0xb8;
	[tilespmem:$0x18C00] =	vst v63  }
0x5a0: {  	s12 =	simm.s32 $0xB400  }
0x5a1: {  	[tilespmem:s12], [sflag:$0x2] =	stream.indirect_vreg.gather [hbm4b:s2+s3], $0x80, v3, vm0, $0xb8;
	[tilespmem:$0x18C00] =	vst v63  }
0x5a2: {  	v3 =	vld [tilespmem:$0x6B0];
	_ =	sdelay $0x4  }
0x5a3: {  	v35 =	vshll.u32 v3, $0x1  }
0x5a4: {  	v3 =	vand.u32 $0x7, v3;
	v4 =	vand.u32 $0xFFFFFFF0, v35  }
0x5a5: {  	v3 =	vor.u32 v3, v4  }
0x5a6: {  	v4 =	vperm.xlane v3, v0;
	_ =	sdelay $0x1  }
0x5a7: {  	v3 =	vperm.xlane v3, v2;
	v4 =	vadd.s32 v1, v4;
	_ =	sdelay $0x1  }
0x5a8: {  	v3 =	vadd.s32 v1, v3;
	_ =	sdelay $0x1  }
0x5a9: {  	s17 =	simm.s32 $0xBC00  }
0x5aa: {  	[tilespmem:s17], [sflag:$0x2] =	stream.indirect_vreg.gather [hbm4b:s2+s3], $0x80, v4, vm0, $0xb8;
	[tilespmem:$0x18C00] =	vst v63  }
0x5ab: {  	s23 =	simm.s32 $0xC400  }
0x5ac: {  	[tilespmem:s23], [sflag:$0x2] =	stream.indirect_vreg.gather [hbm4b:s2+s3], $0x80, v3, vm0, $0xb8;
	[tilespmem:$0x18C00] =	vst v63  }
0x5ad: {  	v3 =	vld [tilespmem:$0x6C0];
	_ =	sdelay $0x4  }
0x5ae: {  	v36 =	vshll.u32 v3, $0x1  }
0x5af: {  	v3 =	vand.u32 $0x7, v3;
	v4 =	vand.u32 $0xFFFFFFF0, v36  }
0x5b0: {  	v3 =	vor.u32 v3, v4  }
0x5b1: {  	v4 =	vperm.xlane v3, v0;
	_ =	sdelay $0x1  }
0x5b2: {  	v3 =	vperm.xlane v3, v2;
	v4 =	vadd.s32 v1, v4;
	_ =	sdelay $0x1  }
0x5b3: {  	v3 =	vadd.s32 v1, v3;
	_ =	sdelay $0x1  }
0x5b4: {  	s31 =	simm.s32 $0xCC00  }
0x5b5: {  	[tilespmem:s31], [sflag:$0x2] =	stream.indirect_vreg.gather [hbm4b:s2+s3], $0x80, v4, vm0, $0xb8;
	[tilespmem:$0x18C00] =	vst v63  }
0x5b6: {  	s13 =	simm.s32 $0xD400  }
0x5b7: {  	[tilespmem:s13], [sflag:$0x2] =	stream.indirect_vreg.gather [hbm4b:s2+s3], $0x80, v3, vm0, $0xb8;
	[tilespmem:$0x18C00] =	vst v63  }
0x5b8: {  	v3 =	vld [tilespmem:$0x6D0];
	_ =	sdelay $0x4  }
0x5b9: {  	v37 =	vshll.u32 v3, $0x1  }
0x5ba: {  	v3 =	vand.u32 $0x7, v3;
	v4 =	vand.u32 $0xFFFFFFF0, v37  }
0x5bb: {  	v3 =	vor.u32 v3, v4  }
0x5bc: {  	v4 =	vperm.xlane v3, v0;
	_ =	sdelay $0x1  }
0x5bd: {  	v3 =	vperm.xlane v3, v2;
	v4 =	vadd.s32 v1, v4;
	_ =	sdelay $0x1  }
0x5be: {  	v3 =	vadd.s32 v1, v3;
	_ =	sdelay $0x1  }
0x5bf: {  	s7 =	simm.s32 $0xDC00  }
0x5c0: {  	[tilespmem:s7], [sflag:$0x2] =	stream.indirect_vreg.gather [hbm4b:s2+s3], $0x80, v4, vm0, $0xb8;
	[tilespmem:$0x18C00] =	vst v63  }
0x5c1: {  	s15 =	simm.s32 $0xE400  }
0x5c2: {  	[tilespmem:s15], [sflag:$0x2] =	stream.indirect_vreg.gather [hbm4b:s2+s3], $0x80, v3, vm0, $0xb8;
	[tilespmem:$0x18C00] =	vst v63  }
0x5c3: {  	v3 =	vld [tilespmem:$0x6E0];
	_ =	sdelay $0x4  }
0x5c4: {  	v38 =	vshll.u32 v3, $0x1  }
0x5c5: {  	v3 =	vand.u32 $0x7, v3;
	v4 =	vand.u32 $0xFFFFFFF0, v38  }
0x5c6: {  	v3 =	vor.u32 v3, v4  }
0x5c7: {  	v4 =	vperm.xlane v3, v0;
	_ =	sdelay $0x1  }
0x5c8: {  	v3 =	vperm.xlane v3, v2;
	v4 =	vadd.s32 v1, v4;
	_ =	sdelay $0x1  }
0x5c9: {  	v3 =	vadd.s32 v1, v3;
	_ =	sdelay $0x2  }
0x5ca: {  	[tilespmem:s9], [sflag:$0x2] =	stream.indirect_vreg.gather [hbm4b:s2+s3], $0x80, v4, vm0, $0xb8;
	[tilespmem:$0x18C00] =	vst v63  }
0x5cb: {  	s9 =	simm.s32 $0xF400  }
0x5cc: {  	[tilespmem:s9], [sflag:$0x2] =	stream.indirect_vreg.gather [hbm4b:s2+s3], $0x80, v3, vm0, $0xb8;
	[tilespmem:$0x18C00] =	vst v63  }
0x5cd: {  	v3 =	vld [tilespmem:$0x6F0];
	_ =	sdelay $0x4  }
0x5ce: {  	v39 =	vshll.u32 v3, $0x1  }
0x5cf: {  	v3 =	vand.u32 $0x7, v3;
	v4 =	vand.u32 $0xFFFFFFF0, v39  }
0x5d0: {  	v3 =	vor.u32 v3, v4  }
0x5d1: {  	v4 =	vperm.xlane v3, v0;
	_ =	sdelay $0x1  }
0x5d2: {  	v3 =	vperm.xlane v3, v2;
	v4 =	vadd.s32 v1, v4;
	_ =	sdelay $0x1  }
0x5d3: {  	v3 =	vadd.s32 v1, v3;
	_ =	sdelay $0x1  }
0x5d4: {  	s13 =	simm.s32 $0xFC00  }
0x5d5: {  	[tilespmem:s13], [sflag:$0x2] =	stream.indirect_vreg.gather [hbm4b:s2+s3], $0x80, v4, vm0, $0xb8;
	[tilespmem:$0x18C00] =	vst v63  }
0x5d6: {  	s31 =	simm.s32 $0x10400;
	s15 =	sld [smem:$0x7F4]  }
0x5d7: {  	[tilespmem:s31], [sflag:$0x2] =	stream.indirect_vreg.gather [hbm4b:s2+s3], $0x80, v3, vm0, $0xb8;
	[tilespmem:$0x18C00] =	vst v63  }
0x5d8: {  	_ = 	snop  }
0x5d9: {  	[tilespmem:s30], [sflag:$0x4] =	stream.indirect.gather [hbm4b:s4+s26], $0x80, s15, s26, $0xb8;
	[tilespmem:$0x18C00] =	vst v63  }
0x5da: {  	_ =	swait.ge [sflag:s19], $0x8000  }
0x5db: {  	[sflag:s19] =	ssyncset.done $0x0  }
0x5dc: {  	[sflag:s19] =	ssyncadd.s32 $0xFFFF8000  }
0x5dd: {  	_ =	swait.ge [sflag:s20], $0x4000  }
0x5de: {  	[sflag:s20] =	ssyncset.done $0x0  }
0x5df: {  	s13 =	rddreg [dreg:$0x1e];
	[sflag:s20] =	ssyncadd.s32 $0xFFFFC000  }
0x5e0: {  	[hbm4b:s13+s3] =	stream.linear.scatter [tilespmem:s29], [sflag:$0x5], $0x8000, $0x38;
	[tilespmem:$0x18C00] =	vst v63  }
0x5e1: {  	_ =	swait.ge [sflag:s6], $0x8000  }
0x5e2: {  	[sflag:s6] =	ssyncset.done $0x0  }
0x5e3: {  	s15 =	rddreg [dreg:$0x1f];
	[sflag:s6] =	ssyncadd.s32 $0xFFFF8000  }
0x5e4: {  	[hbm4b:s15+s3] =	stream.linear.scatter [tilespmem:s28], [sflag:$0x5], $0x4000, $0x38;
	[tilespmem:$0x18C00] =	vst v63  }
0x5e5: {  	_ =	swait.ge [sflag:s6], $0x4000  }
0x5e6: {  	[sflag:s6] =	ssyncset.done $0x0  }
0x5e7: {  	[sflag:s6] =	ssyncadd.s32 $0xFFFFC000  }
0x5e8: {  	v3 =	vld [tilespmem:$0x700];
	_ =	sdelay $0x4  }
0x5e9: {  	v40 =	vshll.u32 v3, $0x1  }
0x5ea: {  	v3 =	vand.u32 $0x7, v3;
	v4 =	vand.u32 $0xFFFFFFF0, v40  }
0x5eb: {  	v3 =	vor.u32 v3, v4  }
0x5ec: {  	v4 =	vperm.xlane v3, v0;
	_ =	sdelay $0x1  }
0x5ed: {  	v3 =	vperm.xlane v3, v2;
	v4 =	vadd.s32 v1, v4;
	_ =	sdelay $0x1  }
0x5ee: {  	v3 =	vadd.s32 v1, v3;
	_ =	sdelay $0x2  }
0x5ef: {  	[tilespmem:s29], [sflag:$0x1] =	stream.indirect_vreg.gather [hbm4b:s2+s3], $0x80, v4, vm0, $0xb8;
	[tilespmem:$0x18C00] =	vst v63  }
0x5f0: {  	_ = 	snop  }
0x5f1: {  	[tilespmem:s10], [sflag:$0x1] =	stream.indirect_vreg.gather [hbm4b:s2+s3], $0x80, v3, vm0, $0xb8;
	[tilespmem:$0x18C00] =	vst v63  }
0x5f2: {  	v3 =	vld [tilespmem:$0x710];
	_ =	sdelay $0x4  }
0x5f3: {  	v41 =	vshll.u32 v3, $0x1  }
0x5f4: {  	v3 =	vand.u32 $0x7, v3;
	v4 =	vand.u32 $0xFFFFFFF0, v41  }
0x5f5: {  	v3 =	vor.u32 v3, v4  }
0x5f6: {  	v4 =	vperm.xlane v3, v0;
	_ =	sdelay $0x1  }
0x5f7: {  	v3 =	vperm.xlane v3, v2;
	v4 =	vadd.s32 v1, v4;
	_ =	sdelay $0x1  }
0x5f8: {  	v3 =	vadd.s32 v1, v3;
	_ =	sdelay $0x1  }
0x5f9: {  	s23 =	simm.s32 $0x1C00  }
0x5fa: {  	[tilespmem:s23], [sflag:$0x1] =	stream.indirect_vreg.gather [hbm4b:s2+s3], $0x80, v4, vm0, $0xb8;
	[tilespmem:$0x18C00] =	vst v63  }
0x5fb: {  	_ = 	snop  }
0x5fc: {  	[tilespmem:s0], [sflag:$0x1] =	stream.indirect_vreg.gather [hbm4b:s2+s3], $0x80, v3, vm0, $0xb8;
	[tilespmem:$0x18C00] =	vst v63  }
0x5fd: {  	v3 =	vld [tilespmem:$0x720];
	_ =	sdelay $0x4  }
0x5fe: {  	v42 =	vshll.u32 v3, $0x1  }
0x5ff: {  	v3 =	vand.u32 $0x7, v3;
	v4 =	vand.u32 $0xFFFFFFF0, v42  }
0x600: {  	v3 =	vor.u32 v3, v4  }
0x601: {  	v4 =	vperm.xlane v3, v0;
	_ =	sdelay $0x1  }
0x602: {  	v3 =	vperm.xlane v3, v2;
	v4 =	vadd.s32 v1, v4;
	_ =	sdelay $0x1  }
0x603: {  	v3 =	vadd.s32 v1, v3;
	_ =	sdelay $0x2  }
0x604: {  	[tilespmem:s5], [sflag:$0x1] =	stream.indirect_vreg.gather [hbm4b:s2+s3], $0x80, v4, vm0, $0xb8;
	[tilespmem:$0x18C00] =	vst v63  }
0x605: {  	s10 =	simm.s32 $0x3400  }
0x606: {  	[tilespmem:s10], [sflag:$0x1] =	stream.indirect_vreg.gather [hbm4b:s2+s3], $0x80, v3, vm0, $0xb8;
	[tilespmem:$0x18C00] =	vst v63  }
0x607: {  	v3 =	vld [tilespmem:$0x730];
	_ =	sdelay $0x4  }
0x608: {  	v43 =	vshll.u32 v3, $0x1  }
0x609: {  	v3 =	vand.u32 $0x7, v3;
	v4 =	vand.u32 $0xFFFFFFF0, v43  }
0x60a: {  	v3 =	vor.u32 v3, v4  }
0x60b: {  	v4 =	vperm.xlane v3, v0;
	_ =	sdelay $0x1  }
0x60c: {  	v3 =	vperm.xlane v3, v2;
	v4 =	vadd.s32 v1, v4;
	_ =	sdelay $0x1  }
0x60d: {  	v3 =	vadd.s32 v1, v3;
	_ =	sdelay $0x1  }
0x60e: {  	s13 =	simm.s32 $0x3C00  }
0x60f: {  	[tilespmem:s13], [sflag:$0x1] =	stream.indirect_vreg.gather [hbm4b:s2+s3], $0x80, v4, vm0, $0xb8;
	[tilespmem:$0x18C00] =	vst v63  }
0x610: {  	_ = 	snop  }
0x611: {  	[tilespmem:s24], [sflag:$0x1] =	stream.indirect_vreg.gather [hbm4b:s2+s3], $0x80, v3, vm0, $0xb8;
	[tilespmem:$0x18C00] =	vst v63  }
0x612: {  	v3 =	vld [tilespmem:$0x740];
	_ =	sdelay $0x4  }
0x613: {  	v44 =	vshll.u32 v3, $0x1  }
0x614: {  	v3 =	vand.u32 $0x7, v3;
	v4 =	vand.u32 $0xFFFFFFF0, v44  }
0x615: {  	v3 =	vor.u32 v3, v4  }
0x616: {  	v4 =	vperm.xlane v3, v0;
	_ =	sdelay $0x1  }
0x617: {  	v3 =	vperm.xlane v3, v2;
	v4 =	vadd.s32 v1, v4;
	_ =	sdelay $0x1  }
0x618: {  	v3 =	vadd.s32 v1, v3;
	_ =	sdelay $0x1  }
0x619: {  	s15 =	simm.s32 $0x4C00  }
0x61a: {  	[tilespmem:s15], [sflag:$0x1] =	stream.indirect_vreg.gather [hbm4b:s2+s3], $0x80, v4, vm0, $0xb8;
	[tilespmem:$0x18C00] =	vst v63  }
0x61b: {  	s23 =	simm.s32 $0x5400  }
0x61c: {  	[tilespmem:s23], [sflag:$0x1] =	stream.indirect_vreg.gather [hbm4b:s2+s3], $0x80, v3, vm0, $0xb8;
	[tilespmem:$0x18C00] =	vst v63  }
0x61d: {  	v3 =	vld [tilespmem:$0x750];
	_ =	sdelay $0x4  }
0x61e: {  	v45 =	vshll.u32 v3, $0x1  }
0x61f: {  	v3 =	vand.u32 $0x7, v3;
	v4 =	vand.u32 $0xFFFFFFF0, v45  }
0x620: {  	v3 =	vor.u32 v3, v4  }
0x621: {  	v4 =	vperm.xlane v3, v0;
	_ =	sdelay $0x1  }
0x622: {  	v3 =	vperm.xlane v3, v2;
	v4 =	vadd.s32 v1, v4;
	_ =	sdelay $0x1  }
0x623: {  	v3 =	vadd.s32 v1, v3;
	_ =	sdelay $0x1  }
0x624: {  	s24 =	simm.s32 $0x5C00  }
0x625: {  	[tilespmem:s24], [sflag:$0x1] =	stream.indirect_vreg.gather [hbm4b:s2+s3], $0x80, v4, vm0, $0xb8;
	[tilespmem:$0x18C00] =	vst v63  }
0x626: {  	s10 =	simm.s32 $0x6400  }
0x627: {  	[tilespmem:s10], [sflag:$0x1] =	stream.indirect_vreg.gather [hbm4b:s2+s3], $0x80, v3, vm0, $0xb8;
	[tilespmem:$0x18C00] =	vst v63  }
0x628: {  	v3 =	vld [tilespmem:$0x760];
	_ =	sdelay $0x4  }
0x629: {  	v46 =	vshll.u32 v3, $0x1  }
0x62a: {  	v3 =	vand.u32 $0x7, v3;
	v4 =	vand.u32 $0xFFFFFFF0, v46  }
0x62b: {  	v3 =	vor.u32 v3, v4  }
0x62c: {  	v4 =	vperm.xlane v3, v0;
	_ =	sdelay $0x1  }
0x62d: {  	v3 =	vperm.xlane v3, v2;
	v4 =	vadd.s32 v1, v4;
	_ =	sdelay $0x1  }
0x62e: {  	v3 =	vadd.s32 v1, v3;
	_ =	sdelay $0x1  }
0x62f: {  	s18 =	simm.s32 $0x6C00  }
0x630: {  	[tilespmem:s18], [sflag:$0x1] =	stream.indirect_vreg.gather [hbm4b:s2+s3], $0x80, v4, vm0, $0xb8;
	[tilespmem:$0x18C00] =	vst v63  }
0x631: {  	s13 =	simm.s32 $0x7400  }
0x632: {  	[tilespmem:s13], [sflag:$0x1] =	stream.indirect_vreg.gather [hbm4b:s2+s3], $0x80, v3, vm0, $0xb8;
	[tilespmem:$0x18C00] =	vst v63  }
0x633: {  	v3 =	vld [tilespmem:$0x770];
	_ =	sdelay $0x4  }
0x634: {  	v47 =	vshll.u32 v3, $0x1  }
0x635: {  	v3 =	vand.u32 $0x7, v3;
	v4 =	vand.u32 $0xFFFFFFF0, v47  }
0x636: {  	v3 =	vor.u32 v3, v4  }
0x637: {  	v4 =	vperm.xlane v3, v0;
	_ =	sdelay $0x1  }
0x638: {  	v3 =	vperm.xlane v3, v2;
	v4 =	vadd.s32 v1, v4;
	_ =	sdelay $0x1  }
0x639: {  	v3 =	vadd.s32 v1, v3;
	_ =	sdelay $0x1  }
0x63a: {  	s15 =	simm.s32 $0x7C00  }
0x63b: {  	[tilespmem:s15], [sflag:$0x1] =	stream.indirect_vreg.gather [hbm4b:s2+s3], $0x80, v4, vm0, $0xb8;
	[tilespmem:$0x18C00] =	vst v63  }
0x63c: {  	s18 =	sld [smem:$0x7F5]  }
0x63d: {  	[tilespmem:s16], [sflag:$0x1] =	stream.indirect_vreg.gather [hbm4b:s2+s3], $0x80, v3, vm0, $0xb8;
	[tilespmem:$0x18C00] =	vst v63  }
0x63e: {  	_ = 	snop  }
0x63f: {  	[tilespmem:s28], [sflag:$0x3] =	stream.indirect.gather [hbm4b:s4+s26], $0x80, s18, s26, $0xb8;
	[tilespmem:$0x18C00] =	vst v63  }
0x640: {  	_ =	swait.ge [sflag:s21], $0x8000  }
0x641: {  	[sflag:s21] =	ssyncset.done $0x0  }
0x642: {  	[sflag:s21] =	ssyncadd.s32 $0xFFFF8000  }
0x643: {  	_ =	swait.ge [sflag:s22], $0x4000  }
0x644: {  	s10 =	sld [smem:$0x7D4]  }
0x645: {  	[sflag:s22] =	ssyncset.done $0x0  }
0x646: {  	[sflag:s22] =	ssyncadd.s32 $0xFFFFC000  }
0x647: {  	[hbm4b:s10+s3] =	stream.linear.scatter [tilespmem:s25], [sflag:$0x5], $0x8000, $0x38;
	[tilespmem:$0x18C00] =	vst v63  }
0x648: {  	_ =	swait.ge [sflag:s6], $0x8000  }
0x649: {  	s13 =	sld [smem:$0x7D5]  }
0x64a: {  	[sflag:s6] =	ssyncset.done $0x0  }
0x64b: {  	[sflag:s6] =	ssyncadd.s32 $0xFFFF8000  }
0x64c: {  	[hbm4b:s13+s3] =	stream.linear.scatter [tilespmem:s30], [sflag:$0x5], $0x4000, $0x38;
	[tilespmem:$0x18C00] =	vst v63  }
0x64d: {  	_ =	swait.ge [sflag:s6], $0x4000  }
0x64e: {  	[sflag:s6] =	ssyncset.done $0x0  }
0x64f: {  	[sflag:s6] =	ssyncadd.s32 $0xFFFFC000  }
0x650: {  	v3 =	vld [tilespmem:$0x780];
	_ =	sdelay $0x4  }
0x651: {  	v48 =	vshll.u32 v3, $0x1  }
0x652: {  	v3 =	vand.u32 $0x7, v3;
	v4 =	vand.u32 $0xFFFFFFF0, v48  }
0x653: {  	v3 =	vor.u32 v3, v4  }
0x654: {  	v4 =	vperm.xlane v3, v0;
	_ =	sdelay $0x1  }
0x655: {  	v3 =	vperm.xlane v3, v2;
	v4 =	vadd.s32 v1, v4;
	_ =	sdelay $0x1  }
0x656: {  	v3 =	vadd.s32 v1, v3;
	_ =	sdelay $0x2  }
0x657: {  	[tilespmem:s25], [sflag:$0x2] =	stream.indirect_vreg.gather [hbm4b:s2+s3], $0x80, v4, vm0, $0xb8;
	[tilespmem:$0x18C00] =	vst v63  }
0x658: {  	s15 =	simm.s32 $0x9400  }
0x659: {  	[tilespmem:s15], [sflag:$0x2] =	stream.indirect_vreg.gather [hbm4b:s2+s3], $0x80, v3, vm0, $0xb8;
	[tilespmem:$0x18C00] =	vst v63  }
0x65a: {  	v3 =	vld [tilespmem:$0x790];
	_ =	sdelay $0x4  }
0x65b: {  	v49 =	vshll.u32 v3, $0x1  }
0x65c: {  	v3 =	vand.u32 $0x7, v3;
	v4 =	vand.u32 $0xFFFFFFF0, v49  }
0x65d: {  	v3 =	vor.u32 v3, v4  }
0x65e: {  	v4 =	vperm.xlane v3, v0;
	_ =	sdelay $0x1  }
0x65f: {  	v3 =	vperm.xlane v3, v2;
	v4 =	vadd.s32 v1, v4;
	_ =	sdelay $0x1  }
0x660: {  	v3 =	vadd.s32 v1, v3;
	_ =	sdelay $0x1  }
0x661: {  	s16 =	simm.s32 $0x9C00  }
0x662: {  	[tilespmem:s16], [sflag:$0x2] =	stream.indirect_vreg.gather [hbm4b:s2+s3], $0x80, v4, vm0, $0xb8;
	[tilespmem:$0x18C00] =	vst v63  }
0x663: {  	s18 =	simm.s32 $0xA400  }
0x664: {  	[tilespmem:s18], [sflag:$0x2] =	stream.indirect_vreg.gather [hbm4b:s2+s3], $0x80, v3, vm0, $0xb8;
	[tilespmem:$0x18C00] =	vst v63  }
0x665: {  	v3 =	vld [tilespmem:$0x7A0];
	_ =	sdelay $0x4  }
0x666: {  	v50 =	vshll.u32 v3, $0x1  }
0x667: {  	v3 =	vand.u32 $0x7, v3;
	v4 =	vand.u32 $0xFFFFFFF0, v50  }
0x668: {  	v3 =	vor.u32 v3, v4  }
0x669: {  	v4 =	vperm.xlane v3, v0;
	_ =	sdelay $0x1  }
0x66a: {  	v3 =	vperm.xlane v3, v2;
	v4 =	vadd.s32 v1, v4;
	_ =	sdelay $0x1  }
0x66b: {  	v3 =	vadd.s32 v1, v3;
	_ =	sdelay $0x1  }
0x66c: {  	s14 =	simm.s32 $0xAC00  }
0x66d: {  	[tilespmem:s14], [sflag:$0x2] =	stream.indirect_vreg.gather [hbm4b:s2+s3], $0x80, v4, vm0, $0xb8;
	[tilespmem:$0x18C00] =	vst v63  }
0x66e: {  	s23 =	simm.s32 $0xB400  }
0x66f: {  	[tilespmem:s23], [sflag:$0x2] =	stream.indirect_vreg.gather [hbm4b:s2+s3], $0x80, v3, vm0, $0xb8;
	[tilespmem:$0x18C00] =	vst v63  }
0x670: {  	v3 =	vld [tilespmem:$0x7B0];
	_ =	sdelay $0x4  }
0x671: {  	v51 =	vshll.u32 v3, $0x1  }
0x672: {  	v3 =	vand.u32 $0x7, v3;
	v4 =	vand.u32 $0xFFFFFFF0, v51  }
0x673: {  	v3 =	vor.u32 v3, v4  }
0x674: {  	v4 =	vperm.xlane v3, v0;
	_ =	sdelay $0x1  }
0x675: {  	v3 =	vperm.xlane v3, v2;
	v4 =	vadd.s32 v1, v4;
	_ =	sdelay $0x1  }
0x676: {  	v3 =	vadd.s32 v1, v3;
	_ =	sdelay $0x1  }
0x677: {  	s8 =	simm.s32 $0xBC00  }
0x678: {  	[tilespmem:s8], [sflag:$0x2] =	stream.indirect_vreg.gather [hbm4b:s2+s3], $0x80, v4, vm0, $0xb8;
	[tilespmem:$0x18C00] =	vst v63  }
0x679: {  	s25 =	simm.s32 $0xC400  }
0x67a: {  	[tilespmem:s25], [sflag:$0x2] =	stream.indirect_vreg.gather [hbm4b:s2+s3], $0x80, v3, vm0, $0xb8;
	[tilespmem:$0x18C00] =	vst v63  }
0x67b: {  	v3 =	vld [tilespmem:$0x7C0];
	_ =	sdelay $0x4  }
0x67c: {  	v52 =	vshll.u32 v3, $0x1  }
0x67d: {  	v3 =	vand.u32 $0x7, v3;
	v4 =	vand.u32 $0xFFFFFFF0, v52  }
0x67e: {  	v3 =	vor.u32 v3, v4  }
0x67f: {  	v4 =	vperm.xlane v3, v0;
	_ =	sdelay $0x1  }
0x680: {  	v3 =	vperm.xlane v3, v2;
	v4 =	vadd.s32 v1, v4;
	_ =	sdelay $0x1  }
0x681: {  	v3 =	vadd.s32 v1, v3;
	_ =	sdelay $0x1  }
0x682: {  	s11 =	simm.s32 $0xCC00  }
0x683: {  	[tilespmem:s11], [sflag:$0x2] =	stream.indirect_vreg.gather [hbm4b:s2+s3], $0x80, v4, vm0, $0xb8;
	[tilespmem:$0x18C00] =	vst v63  }
0x684: {  	s12 =	simm.s32 $0xD400  }
0x685: {  	[tilespmem:s12], [sflag:$0x2] =	stream.indirect_vreg.gather [hbm4b:s2+s3], $0x80, v3, vm0, $0xb8;
	[tilespmem:$0x18C00] =	vst v63  }
0x686: {  	v3 =	vld [tilespmem:$0x7D0];
	_ =	sdelay $0x4  }
0x687: {  	v53 =	vshll.u32 v3, $0x1  }
0x688: {  	v3 =	vand.u32 $0x7, v3;
	v4 =	vand.u32 $0xFFFFFFF0, v53  }
0x689: {  	v3 =	vor.u32 v3, v4  }
0x68a: {  	v4 =	vperm.xlane v3, v0;
	_ =	sdelay $0x1  }
0x68b: {  	v3 =	vperm.xlane v3, v2;
	v4 =	vadd.s32 v1, v4;
	_ =	sdelay $0x1  }
0x68c: {  	v3 =	vadd.s32 v1, v3;
	_ =	sdelay $0x1  }
0x68d: {  	s10 =	simm.s32 $0xDC00  }
0x68e: {  	[tilespmem:s10], [sflag:$0x2] =	stream.indirect_vreg.gather [hbm4b:s2+s3], $0x80, v4, vm0, $0xb8;
	[tilespmem:$0x18C00] =	vst v63  }
0x68f: {  	s17 =	simm.s32 $0xE400  }
0x690: {  	[tilespmem:s17], [sflag:$0x2] =	stream.indirect_vreg.gather [hbm4b:s2+s3], $0x80, v3, vm0, $0xb8;
	[tilespmem:$0x18C00] =	vst v63  }
0x691: {  	v3 =	vld [tilespmem:$0x7E0];
	_ =	sdelay $0x4  }
0x692: {  	v54 =	vshll.u32 v3, $0x1  }
0x693: {  	v3 =	vand.u32 $0x7, v3;
	v4 =	vand.u32 $0xFFFFFFF0, v54  }
0x694: {  	v3 =	vor.u32 v3, v4  }
0x695: {  	v4 =	vperm.xlane v3, v0;
	_ =	sdelay $0x1  }
0x696: {  	v3 =	vperm.xlane v3, v2;
	v4 =	vadd.s32 v1, v4;
	_ =	sdelay $0x1  }
0x697: {  	v3 =	vadd.s32 v1, v3;
	_ =	sdelay $0x1  }
0x698: {  	s7 =	simm.s32 $0xEC00  }
0x699: {  	[tilespmem:s7], [sflag:$0x2] =	stream.indirect_vreg.gather [hbm4b:s2+s3], $0x80, v4, vm0, $0xb8;
	[tilespmem:$0x18C00] =	vst v63  }
0x69a: {  	s11 =	simm.s32 $0xF400  }
0x69b: {  	[tilespmem:s11], [sflag:$0x2] =	stream.indirect_vreg.gather [hbm4b:s2+s3], $0x80, v3, vm0, $0xb8;
	[tilespmem:$0x18C00] =	vst v63  }
0x69c: {  	v3 =	vld [tilespmem:$0x7F0];
	_ =	sdelay $0x4  }
0x69d: {  	v55 =	vshll.u32 v3, $0x1  }
0x69e: {  	v3 =	vand.u32 $0x7, v3;
	v4 =	vand.u32 $0xFFFFFFF0, v55  }
0x69f: {  	v3 =	vor.u32 v3, v4  }
0x6a0: {  	v4 =	vperm.xlane v3, v0;
	_ =	sdelay $0x1  }
0x6a1: {  	v3 =	vperm.xlane v3, v2;
	v4 =	vadd.s32 v1, v4;
	_ =	sdelay $0x1  }
0x6a2: {  	v3 =	vadd.s32 v1, v3;
	_ =	sdelay $0x1  }
0x6a3: {  	s1 =	simm.s32 $0xFC00  }
0x6a4: {  	[tilespmem:s1], [sflag:$0x2] =	stream.indirect_vreg.gather [hbm4b:s2+s3], $0x80, v4, vm0, $0xb8;
	[tilespmem:$0x18C00] =	vst v63  }
0x6a5: {  	s9 =	simm.s32 $0x10400;
	s12 =	sld [smem:$0x7F6]  }
0x6a6: {  	[tilespmem:s9], [sflag:$0x2] =	stream.indirect_vreg.gather [hbm4b:s2+s3], $0x80, v3, vm0, $0xb8;
	[tilespmem:$0x18C00] =	vst v63  }
0x6a7: {  	_ = 	snop  }
0x6a8: {  	[tilespmem:s30], [sflag:$0x4] =	stream.indirect.gather [hbm4b:s4+s26], $0x80, s12, s26, $0xb8;
	[tilespmem:$0x18C00] =	vst v63  }
0x6a9: {  	_ =	swait.ge [sflag:s19], $0x8000  }
0x6aa: {  	[sflag:s19] =	ssyncset.done $0x0  }
0x6ab: {  	[sflag:s19] =	ssyncadd.s32 $0xFFFF8000  }
0x6ac: {  	_ =	swait.ge [sflag:s20], $0x4000  }
0x6ad: {  	s17 =	sld [smem:$0x7D6]  }
0x6ae: {  	[sflag:s20] =	ssyncset.done $0x0  }
0x6af: {  	[sflag:s20] =	ssyncadd.s32 $0xFFFFC000  }
0x6b0: {  	[hbm4b:s17+s3] =	stream.linear.scatter [tilespmem:s29], [sflag:$0x5], $0x8000, $0x38;
	[tilespmem:$0x18C00] =	vst v63  }
0x6b1: {  	_ =	swait.ge [sflag:s6], $0x8000  }
0x6b2: {  	s25 =	sld [smem:$0x7D7]  }
0x6b3: {  	[sflag:s6] =	ssyncset.done $0x0  }
0x6b4: {  	[sflag:s6] =	ssyncadd.s32 $0xFFFF8000  }
0x6b5: {  	[hbm4b:s25+s3] =	stream.linear.scatter [tilespmem:s28], [sflag:$0x5], $0x4000, $0x38;
	[tilespmem:$0x18C00] =	vst v63  }
0x6b6: {  	_ =	swait.ge [sflag:s6], $0x4000  }
0x6b7: {  	[sflag:s6] =	ssyncset.done $0x0  }
0x6b8: {  	[sflag:s6] =	ssyncadd.s32 $0xFFFFC000  }
0x6b9: {  	v3 =	vld [tilespmem:$0x800];
	_ =	sdelay $0x4  }
0x6ba: {  	v56 =	vshll.u32 v3, $0x1  }
0x6bb: {  	v3 =	vand.u32 $0x7, v3;
	v4 =	vand.u32 $0xFFFFFFF0, v56  }
0x6bc: {  	v3 =	vor.u32 v3, v4  }
0x6bd: {  	v4 =	vperm.xlane v3, v0;
	_ =	sdelay $0x1  }
0x6be: {  	v3 =	vperm.xlane v3, v2;
	v4 =	vadd.s32 v1, v4;
	_ =	sdelay $0x1  }
0x6bf: {  	v3 =	vadd.s32 v1, v3;
	_ =	sdelay $0x2  }
0x6c0: {  	[tilespmem:s29], [sflag:$0x1] =	stream.indirect_vreg.gather [hbm4b:s2+s3], $0x80, v4, vm0, $0xb8;
	[tilespmem:$0x18C00] =	vst v63  }
0x6c1: {  	s31 =	simm.s32 $0x1400  }
0x6c2: {  	[tilespmem:s31], [sflag:$0x1] =	stream.indirect_vreg.gather [hbm4b:s2+s3], $0x80, v3, vm0, $0xb8;
	[tilespmem:$0x18C00] =	vst v63  }
0x6c3: {  	v3 =	vld [tilespmem:$0x810];
	_ =	sdelay $0x4  }
0x6c4: {  	v57 =	vshll.u32 v3, $0x1  }
0x6c5: {  	v3 =	vand.u32 $0x7, v3;
	v4 =	vand.u32 $0xFFFFFFF0, v57  }
0x6c6: {  	v3 =	vor.u32 v3, v4  }
0x6c7: {  	v4 =	vperm.xlane v3, v0;
	_ =	sdelay $0x1  }
0x6c8: {  	v3 =	vperm.xlane v3, v2;
	v4 =	vadd.s32 v1, v4;
	_ =	sdelay $0x1  }
0x6c9: {  	v3 =	vadd.s32 v1, v3;
	_ =	sdelay $0x1  }
0x6ca: {  	s29 =	simm.s32 $0x1C00  }
0x6cb: {  	[tilespmem:s29], [sflag:$0x1] =	stream.indirect_vreg.gather [hbm4b:s2+s3], $0x80, v4, vm0, $0xb8;
	[tilespmem:$0x18C00] =	vst v63  }
0x6cc: {  	s30 =	simm.s32 $0x2400  }
0x6cd: {  	[tilespmem:s30], [sflag:$0x1] =	stream.indirect_vreg.gather [hbm4b:s2+s3], $0x80, v3, vm0, $0xb8;
	[tilespmem:$0x18C00] =	vst v63  }
0x6ce: {  	v3 =	vld [tilespmem:$0x820];
	_ =	sdelay $0x4  }
0x6cf: {  	v58 =	vshll.u32 v3, $0x1  }
0x6d0: {  	v3 =	vand.u32 $0x7, v3;
	v4 =	vand.u32 $0xFFFFFFF0, v58  }
0x6d1: {  	v3 =	vor.u32 v3, v4  }
0x6d2: {  	v4 =	vperm.xlane v3, v0;
	_ =	sdelay $0x1  }
0x6d3: {  	v3 =	vperm.xlane v3, v2;
	v4 =	vadd.s32 v1, v4;
	_ =	sdelay $0x1  }
0x6d4: {  	v3 =	vadd.s32 v1, v3;
	_ =	sdelay $0x1  }
0x6d5: {  	s5 =	simm.s32 $0x2C00  }
0x6d6: {  	[tilespmem:s5], [sflag:$0x1] =	stream.indirect_vreg.gather [hbm4b:s2+s3], $0x80, v4, vm0, $0xb8;
	[tilespmem:$0x18C00] =	vst v63  }
0x6d7: {  	s31 =	simm.s32 $0x3400  }
0x6d8: {  	[tilespmem:s31], [sflag:$0x1] =	stream.indirect_vreg.gather [hbm4b:s2+s3], $0x80, v3, vm0, $0xb8;
	[tilespmem:$0x18C00] =	vst v63  }
0x6d9: {  	v3 =	vld [tilespmem:$0x830];
	_ =	sdelay $0x4  }
0x6da: {  	v59 =	vshll.u32 v3, $0x1  }
0x6db: {  	v3 =	vand.u32 $0x7, v3;
	v4 =	vand.u32 $0xFFFFFFF0, v59  }
0x6dc: {  	v3 =	vor.u32 v3, v4  }
0x6dd: {  	v4 =	vperm.xlane v3, v0;
	_ =	sdelay $0x1  }
0x6de: {  	v3 =	vperm.xlane v3, v2;
	v4 =	vadd.s32 v1, v4;
	_ =	sdelay $0x1  }
0x6df: {  	v3 =	vadd.s32 v1, v3;
	_ =	sdelay $0x1  }
0x6e0: {  	s5 =	simm.s32 $0x3C00  }
0x6e1: {  	[tilespmem:s5], [sflag:$0x1] =	stream.indirect_vreg.gather [hbm4b:s2+s3], $0x80, v4, vm0, $0xb8;
	[tilespmem:$0x18C00] =	vst v63  }
0x6e2: {  	s7 =	simm.s32 $0x4400  }
0x6e3: {  	[tilespmem:s7], [sflag:$0x1] =	stream.indirect_vreg.gather [hbm4b:s2+s3], $0x80, v3, vm0, $0xb8;
	[tilespmem:$0x18C00] =	vst v63  }
0x6e4: {  	v3 =	vld [tilespmem:$0x840];
	_ =	sdelay $0x4  }
0x6e5: {  	v60 =	vshll.u32 v3, $0x1  }
0x6e6: {  	v3 =	vand.u32 $0x7, v3;
	v4 =	vand.u32 $0xFFFFFFF0, v60  }
0x6e7: {  	v3 =	vor.u32 v3, v4  }
0x6e8: {  	v4 =	vperm.xlane v3, v0;
	_ =	sdelay $0x1  }
0x6e9: {  	v3 =	vperm.xlane v3, v2;
	v4 =	vadd.s32 v1, v4;
	_ =	sdelay $0x1  }
0x6ea: {  	v3 =	vadd.s32 v1, v3;
	_ =	sdelay $0x1  }
0x6eb: {  	s8 =	simm.s32 $0x4C00  }
0x6ec: {  	[tilespmem:s8], [sflag:$0x1] =	stream.indirect_vreg.gather [hbm4b:s2+s3], $0x80, v4, vm0, $0xb8;
	[tilespmem:$0x18C00] =	vst v63  }
0x6ed: {  	s11 =	simm.s32 $0x5400  }
0x6ee: {  	[tilespmem:s11], [sflag:$0x1] =	stream.indirect_vreg.gather [hbm4b:s2+s3], $0x80, v3, vm0, $0xb8;
	[tilespmem:$0x18C00] =	vst v63  }
0x6ef: {  	v3 =	vld [tilespmem:$0x850];
	_ =	sdelay $0x4  }
0x6f0: {  	v61 =	vshll.u32 v3, $0x1  }
0x6f1: {  	v3 =	vand.u32 $0x7, v3;
	v4 =	vand.u32 $0xFFFFFFF0, v61  }
0x6f2: {  	v3 =	vor.u32 v3, v4  }
0x6f3: {  	v4 =	vperm.xlane v3, v0;
	_ =	sdelay $0x1  }
0x6f4: {  	v3 =	vperm.xlane v3, v2;
	v4 =	vadd.s32 v1, v4;
	_ =	sdelay $0x1  }
0x6f5: {  	v3 =	vadd.s32 v1, v3;
	_ =	sdelay $0x1  }
0x6f6: {  	s12 =	simm.s32 $0x5C00  }
0x6f7: {  	[tilespmem:s12], [sflag:$0x1] =	stream.indirect_vreg.gather [hbm4b:s2+s3], $0x80, v4, vm0, $0xb8;
	[tilespmem:$0x18C00] =	vst v63  }
0x6f8: {  	s17 =	simm.s32 $0x6400  }
0x6f9: {  	[tilespmem:s17], [sflag:$0x1] =	stream.indirect_vreg.gather [hbm4b:s2+s3], $0x80, v3, vm0, $0xb8;
	[tilespmem:$0x18C00] =	vst v63  }
0x6fa: {  	v3 =	vld [tilespmem:$0x860];
	_ =	sdelay $0x4  }
0x6fb: {  	v62 =	vshll.u32 v3, $0x1  }
0x6fc: {  	v3 =	vand.u32 $0x7, v3;
	v4 =	vand.u32 $0xFFFFFFF0, v62  }
0x6fd: {  	v3 =	vor.u32 v3, v4  }
0x6fe: {  	v4 =	vperm.xlane v3, v0;
	_ =	sdelay $0x1  }
0x6ff: {  	v3 =	vperm.xlane v3, v2;
	v4 =	vadd.s32 v1, v4;
	_ =	sdelay $0x1  }
0x700: {  	v3 =	vadd.s32 v1, v3;
	_ =	sdelay $0x1  }
0x701: {  	s24 =	simm.s32 $0x6C00  }
0x702: {  	[tilespmem:s24], [sflag:$0x1] =	stream.indirect_vreg.gather [hbm4b:s2+s3], $0x80, v4, vm0, $0xb8;
	[tilespmem:$0x18C00] =	vst v63  }
0x703: {  	s23 =	simm.s32 $0x7400  }
0x704: {  	[tilespmem:s23], [sflag:$0x1] =	stream.indirect_vreg.gather [hbm4b:s2+s3], $0x80, v3, vm0, $0xb8;
	[tilespmem:$0x18C00] =	vst v63  }
0x705: {  	v3 =	vld [tilespmem:$0x870];
	_ =	sdelay $0x4  }
0x706: {  	v63 =	vshll.u32 v3, $0x1  }
0x707: {  	v3 =	vand.u32 $0x7, v3;
	v4 =	vand.u32 $0xFFFFFFF0, v63  }
0x708: {  	v3 =	vor.u32 v3, v4  }
0x709: {  	v4 =	vperm.xlane v3, v0;
	_ =	sdelay $0x1  }
0x70a: {  	v3 =	vperm.xlane v3, v2;
	v4 =	vadd.s32 v1, v4;
	_ =	sdelay $0x1  }
0x70b: {  	v3 =	vadd.s32 v1, v3;
	_ =	sdelay $0x1  }
0x70c: {  	s24 =	simm.s32 $0x7C00  }
0x70d: {  	[tilespmem:s24], [sflag:$0x1] =	stream.indirect_vreg.gather [hbm4b:s2+s3], $0x80, v4, vm0, $0xb8;
	[tilespmem:$0x18C00] =	vst v63  }
0x70e: {  	s0 =	simm.s32 $0x8400  }
0x70f: {  	[tilespmem:s0], [sflag:$0x1] =	stream.indirect_vreg.gather [hbm4b:s2+s3], $0x80, v3, vm0, $0xb8;
	[tilespmem:$0x18C00] =	vst v63  }
0x710: {  	s25 =	simm.s32 $0x800  }
0x711: {  	[tilespmem:s28], [sflag:$0x3] =	stream.indirect.gather [hbm4b:s4+s26], $0x80, s25, s26, $0xb8;
	[tilespmem:$0x18C00] =	vst v63  }
0x712: {  	_ =	swait.ge [sflag:s21], $0x8000  }
0x713: {  	[sflag:s21] =	ssyncset.done $0x0  }
0x714: {  	[sflag:s21] =	ssyncadd.s32 $0xFFFF8000  }
0x715: {  	_ =	swait.ge [sflag:s22], $0x4000  }
0x716: {  	s28 =	sld [smem:$0x7D8]  }
0x717: {  	[sflag:s22] =	ssyncset.done $0x0  }
0x718: {  	s29 =	simm.s32 $0x8C00;
	[sflag:s22] =	ssyncadd.s32 $0xFFFFC000  }
0x719: {  	[hbm4b:s28+s3] =	stream.linear.scatter [tilespmem:s29], [sflag:$0x5], $0x8000, $0x38;
	[tilespmem:$0x18C00] =	vst v63  }
0x71a: {  	_ =	swait.ge [sflag:s6], $0x8000  }
0x71b: {  	s30 =	sld [smem:$0x7D9]  }
0x71c: {  	[sflag:s6] =	ssyncset.done $0x0  }
0x71d: {  	s31 =	simm.s32 $0x14C00;
	[sflag:s6] =	ssyncadd.s32 $0xFFFF8000  }
0x71e: {  	[hbm4b:s30+s3] =	stream.linear.scatter [tilespmem:s31], [sflag:$0x5], $0x4000, $0x38;
	[tilespmem:$0x18C00] =	vst v63  }
0x71f: {  	_ =	swait.ge [sflag:s6], $0x4000  }
0x720: {  	[sflag:s6] =	ssyncset.done $0x0  }
0x721: {  	[sflag:s6] =	ssyncadd.s32 $0xFFFFC000  }
0x722: {  	v3 =	vld [tilespmem:$0x880];
	_ =	sdelay $0x4  }
0x723: {  	v8 =	vshll.u32 v3, $0x1  }
0x724: {  	v3 =	vand.u32 $0x7, v3;
	v4 =	vand.u32 $0xFFFFFFF0, v8  }
0x725: {  	v3 =	vor.u32 v3, v4  }
0x726: {  	v4 =	vperm.xlane v3, v0;
	_ =	sdelay $0x1  }
0x727: {  	v3 =	vperm.xlane v3, v2;
	v4 =	vadd.s32 v1, v4;
	_ =	sdelay $0x1  }
0x728: {  	v3 =	vadd.s32 v1, v3;
	_ =	sdelay $0x2  }
0x729: {  	[tilespmem:s29], [sflag:$0x2] =	stream.indirect_vreg.gather [hbm4b:s2+s3], $0x80, v4, vm0, $0xb8;
	[tilespmem:$0x18C00] =	vst v63  }
0x72a: {  	s8 =	simm.s32 $0x9400  }
0x72b: {  	[tilespmem:s8], [sflag:$0x2] =	stream.indirect_vreg.gather [hbm4b:s2+s3], $0x80, v3, vm0, $0xb8;
	[tilespmem:$0x18C00] =	vst v63  }
0x72c: {  	v3 =	vld [tilespmem:$0x890];
	_ =	sdelay $0x4  }
0x72d: {  	v9 =	vshll.u32 v3, $0x1  }
0x72e: {  	v3 =	vand.u32 $0x7, v3;
	v4 =	vand.u32 $0xFFFFFFF0, v9  }
0x72f: {  	v3 =	vor.u32 v3, v4  }
0x730: {  	v4 =	vperm.xlane v3, v0;
	_ =	sdelay $0x1  }
0x731: {  	v3 =	vperm.xlane v3, v2;
	v4 =	vadd.s32 v1, v4;
	_ =	sdelay $0x1  }
0x732: {  	v3 =	vadd.s32 v1, v3;
	_ =	sdelay $0x1  }
0x733: {  	s11 =	simm.s32 $0x9C00  }
0x734: {  	[tilespmem:s11], [sflag:$0x2] =	stream.indirect_vreg.gather [hbm4b:s2+s3], $0x80, v4, vm0, $0xb8;
	[tilespmem:$0x18C00] =	vst v63  }
0x735: {  	s12 =	simm.s32 $0xA400  }
0x736: {  	[tilespmem:s12], [sflag:$0x2] =	stream.indirect_vreg.gather [hbm4b:s2+s3], $0x80, v3, vm0, $0xb8;
	[tilespmem:$0x18C00] =	vst v63  }
0x737: {  	v3 =	vld [tilespmem:$0x8A0];
	_ =	sdelay $0x4  }
0x738: {  	v10 =	vshll.u32 v3, $0x1  }
0x739: {  	v3 =	vand.u32 $0x7, v3;
	v4 =	vand.u32 $0xFFFFFFF0, v10  }
0x73a: {  	v3 =	vor.u32 v3, v4  }
0x73b: {  	v4 =	vperm.xlane v3, v0;
	_ =	sdelay $0x1  }
0x73c: {  	v3 =	vperm.xlane v3, v2;
	v4 =	vadd.s32 v1, v4;
	_ =	sdelay $0x1  }
0x73d: {  	v3 =	vadd.s32 v1, v3;
	_ =	sdelay $0x1  }
0x73e: {  	s15 =	simm.s32 $0xAC00  }
0x73f: {  	[tilespmem:s15], [sflag:$0x2] =	stream.indirect_vreg.gather [hbm4b:s2+s3], $0x80, v4, vm0, $0xb8;
	[tilespmem:$0x18C00] =	vst v63  }
0x740: {  	s17 =	simm.s32 $0xB400  }
0x741: {  	[tilespmem:s17], [sflag:$0x2] =	stream.indirect_vreg.gather [hbm4b:s2+s3], $0x80, v3, vm0, $0xb8;
	[tilespmem:$0x18C00] =	vst v63  }
0x742: {  	v3 =	vld [tilespmem:$0x8B0];
	_ =	sdelay $0x4  }
0x743: {  	v11 =	vshll.u32 v3, $0x1  }
0x744: {  	v3 =	vand.u32 $0x7, v3;
	v4 =	vand.u32 $0xFFFFFFF0, v11  }
0x745: {  	v3 =	vor.u32 v3, v4  }
0x746: {  	v4 =	vperm.xlane v3, v0;
	_ =	sdelay $0x1  }
0x747: {  	v3 =	vperm.xlane v3, v2;
	v4 =	vadd.s32 v1, v4;
	_ =	sdelay $0x1  }
0x748: {  	v3 =	vadd.s32 v1, v3;
	_ =	sdelay $0x1  }
0x749: {  	s13 =	simm.s32 $0xBC00  }
0x74a: {  	[tilespmem:s13], [sflag:$0x2] =	stream.indirect_vreg.gather [hbm4b:s2+s3], $0x80, v4, vm0, $0xb8;
	[tilespmem:$0x18C00] =	vst v63  }
0x74b: {  	s29 =	simm.s32 $0xC400  }
0x74c: {  	[tilespmem:s29], [sflag:$0x2] =	stream.indirect_vreg.gather [hbm4b:s2+s3], $0x80, v3, vm0, $0xb8;
	[tilespmem:$0x18C00] =	vst v63  }
0x74d: {  	v3 =	vld [tilespmem:$0x8C0];
	_ =	sdelay $0x4  }
0x74e: {  	v12 =	vshll.u32 v3, $0x1  }
0x74f: {  	v3 =	vand.u32 $0x7, v3;
	v4 =	vand.u32 $0xFFFFFFF0, v12  }
0x750: {  	v3 =	vor.u32 v3, v4  }
0x751: {  	v4 =	vperm.xlane v3, v0;
	_ =	sdelay $0x1  }
0x752: {  	v3 =	vperm.xlane v3, v2;
	v4 =	vadd.s32 v1, v4;
	_ =	sdelay $0x1  }
0x753: {  	v3 =	vadd.s32 v1, v3;
	_ =	sdelay $0x1  }
0x754: {  	s14 =	simm.s32 $0xCC00  }
0x755: {  	[tilespmem:s14], [sflag:$0x2] =	stream.indirect_vreg.gather [hbm4b:s2+s3], $0x80, v4, vm0, $0xb8;
	[tilespmem:$0x18C00] =	vst v63  }
0x756: {  	s16 =	simm.s32 $0xD400  }
0x757: {  	[tilespmem:s16], [sflag:$0x2] =	stream.indirect_vreg.gather [hbm4b:s2+s3], $0x80, v3, vm0, $0xb8;
	[tilespmem:$0x18C00] =	vst v63  }
0x758: {  	v3 =	vld [tilespmem:$0x8D0];
	_ =	sdelay $0x4  }
0x759: {  	v13 =	vshll.u32 v3, $0x1  }
0x75a: {  	v3 =	vand.u32 $0x7, v3;
	v4 =	vand.u32 $0xFFFFFFF0, v13  }
0x75b: {  	v3 =	vor.u32 v3, v4  }
0x75c: {  	v4 =	vperm.xlane v3, v0;
	_ =	sdelay $0x1  }
0x75d: {  	v3 =	vperm.xlane v3, v2;
	v4 =	vadd.s32 v1, v4;
	_ =	sdelay $0x1  }
0x75e: {  	v3 =	vadd.s32 v1, v3;
	_ =	sdelay $0x1  }
0x75f: {  	s5 =	simm.s32 $0xDC00  }
0x760: {  	[tilespmem:s5], [sflag:$0x2] =	stream.indirect_vreg.gather [hbm4b:s2+s3], $0x80, v4, vm0, $0xb8;
	[tilespmem:$0x18C00] =	vst v63  }
0x761: {  	s18 =	simm.s32 $0xE400  }
0x762: {  	[tilespmem:s18], [sflag:$0x2] =	stream.indirect_vreg.gather [hbm4b:s2+s3], $0x80, v3, vm0, $0xb8;
	[tilespmem:$0x18C00] =	vst v63  }
0x763: {  	v3 =	vld [tilespmem:$0x8E0];
	_ =	sdelay $0x4  }
0x764: {  	v14 =	vshll.u32 v3, $0x1  }
0x765: {  	v3 =	vand.u32 $0x7, v3;
	v4 =	vand.u32 $0xFFFFFFF0, v14  }
0x766: {  	v3 =	vor.u32 v3, v4  }
0x767: {  	v4 =	vperm.xlane v3, v0;
	_ =	sdelay $0x1  }
0x768: {  	v3 =	vperm.xlane v3, v2;
	v4 =	vadd.s32 v1, v4;
	_ =	sdelay $0x1  }
0x769: {  	v3 =	vadd.s32 v1, v3;
	_ =	sdelay $0x1  }
0x76a: {  	s7 =	simm.s32 $0xEC00  }
0x76b: {  	[tilespmem:s7], [sflag:$0x2] =	stream.indirect_vreg.gather [hbm4b:s2+s3], $0x80, v4, vm0, $0xb8;
	[tilespmem:$0x18C00] =	vst v63  }
0x76c: {  	s30 =	simm.s32 $0xF400  }
0x76d: {  	[tilespmem:s30], [sflag:$0x2] =	stream.indirect_vreg.gather [hbm4b:s2+s3], $0x80, v3, vm0, $0xb8;
	[tilespmem:$0x18C00] =	vst v63  }
0x76e: {  	v3 =	vld [tilespmem:$0x8F0];
	_ =	sdelay $0x4  }
0x76f: {  	v15 =	vshll.u32 v3, $0x1  }
0x770: {  	v3 =	vand.u32 $0x7, v3;
	v4 =	vand.u32 $0xFFFFFFF0, v15  }
0x771: {  	v3 =	vor.u32 v3, v4  }
0x772: {  	v4 =	vperm.xlane v3, v0;
	_ =	sdelay $0x1  }
0x773: {  	v3 =	vperm.xlane v3, v2;
	v4 =	vadd.s32 v1, v4;
	_ =	sdelay $0x1  }
0x774: {  	v3 =	vadd.s32 v1, v3;
	_ =	sdelay $0x1  }
0x775: {  	s10 =	simm.s32 $0xFC00  }
0x776: {  	[tilespmem:s10], [sflag:$0x2] =	stream.indirect_vreg.gather [hbm4b:s2+s3], $0x80, v4, vm0, $0xb8;
	[tilespmem:$0x18C00] =	vst v63  }
0x777: {  	s9 =	simm.s32 $0x10400;
	s0 =	sld [smem:$0x7F7]  }
0x778: {  	[tilespmem:s9], [sflag:$0x2] =	stream.indirect_vreg.gather [hbm4b:s2+s3], $0x80, v3, vm0, $0xb8;
	[tilespmem:$0x18C00] =	vst v63  }
0x779: {  	s26 =	simm.s32 $0x80  }
0x77a: {  	[tilespmem:s31], [sflag:$0x4] =	stream.indirect.gather [hbm4b:s4+s26], $0x80, s0, s26, $0xb8;
	[tilespmem:$0x18C00] =	vst v63  }
0x77b: {  	_ =	swait.ge [sflag:s19], $0x8000  }
0x77c: {  	[sflag:s19] =	ssyncset.done $0x0  }
0x77d: {  	[sflag:s19] =	ssyncadd.s32 $0xFFFF8000  }
0x77e: {  	_ =	swait.ge [sflag:s20], $0x4000  }
0x77f: {  	s10 =	sld [smem:$0x7DA]  }
0x780: {  	[sflag:s20] =	ssyncset.done $0x0  }
0x781: {  	s13 =	simm.s32 $0xC00;
	[sflag:s20] =	ssyncadd.s32 $0xFFFFC000  }
0x782: {  	[hbm4b:s10+s3] =	stream.linear.scatter [tilespmem:s13], [sflag:$0x5], $0x8000, $0x38;
	[tilespmem:$0x18C00] =	vst v63  }
0x783: {  	_ =	swait.ge [sflag:s6], $0x8000  }
0x784: {  	s14 =	sld [smem:$0x7DB]  }
0x785: {  	[sflag:s6] =	ssyncset.done $0x0  }
0x786: {  	s25 =	simm.s32 $0x10C00;
	[sflag:s6] =	ssyncadd.s32 $0xFFFF8000  }
0x787: {  	[hbm4b:s14+s3] =	stream.linear.scatter [tilespmem:s25], [sflag:$0x5], $0x4000, $0x38;
	[tilespmem:$0x18C00] =	vst v63  }
0x788: {  	_ =	swait.ge [sflag:s6], $0x4000  }
0x789: {  	[sflag:s6] =	ssyncset.done $0x0  }
0x78a: {  	[sflag:s6] =	ssyncadd.s32 $0xFFFFC000  }
0x78b: {  	v3 =	vld [tilespmem:$0x900];
	_ =	sdelay $0x4  }
0x78c: {  	v16 =	vshll.u32 v3, $0x1  }
0x78d: {  	v3 =	vand.u32 $0x7, v3;
	v4 =	vand.u32 $0xFFFFFFF0, v16  }
0x78e: {  	v3 =	vor.u32 v3, v4  }
0x78f: {  	v4 =	vperm.xlane v3, v0;
	_ =	sdelay $0x1  }
0x790: {  	v3 =	vperm.xlane v3, v2;
	v4 =	vadd.s32 v1, v4;
	_ =	sdelay $0x1  }
0x791: {  	v3 =	vadd.s32 v1, v3;
	_ =	sdelay $0x2  }
0x792: {  	[tilespmem:s13], [sflag:$0x1] =	stream.indirect_vreg.gather [hbm4b:s2+s3], $0x80, v4, vm0, $0xb8;
	[tilespmem:$0x18C00] =	vst v63  }
0x793: {  	s1 =	simm.s32 $0x1400  }
0x794: {  	[tilespmem:s1], [sflag:$0x1] =	stream.indirect_vreg.gather [hbm4b:s2+s3], $0x80, v3, vm0, $0xb8;
	[tilespmem:$0x18C00] =	vst v63  }
0x795: {  	v3 =	vld [tilespmem:$0x910];
	_ =	sdelay $0x4  }
0x796: {  	v17 =	vshll.u32 v3, $0x1  }
0x797: {  	v3 =	vand.u32 $0x7, v3;
	v4 =	vand.u32 $0xFFFFFFF0, v17  }
0x798: {  	v3 =	vor.u32 v3, v4  }
0x799: {  	v4 =	vperm.xlane v3, v0;
	_ =	sdelay $0x1  }
0x79a: {  	v3 =	vperm.xlane v3, v2;
	v4 =	vadd.s32 v1, v4;
	_ =	sdelay $0x1  }
0x79b: {  	v3 =	vadd.s32 v1, v3;
	_ =	sdelay $0x1  }
0x79c: {  	s24 =	simm.s32 $0x1C00  }
0x79d: {  	[tilespmem:s24], [sflag:$0x1] =	stream.indirect_vreg.gather [hbm4b:s2+s3], $0x80, v4, vm0, $0xb8;
	[tilespmem:$0x18C00] =	vst v63  }
0x79e: {  	s15 =	simm.s32 $0x2400  }
0x79f: {  	[tilespmem:s15], [sflag:$0x1] =	stream.indirect_vreg.gather [hbm4b:s2+s3], $0x80, v3, vm0, $0xb8;
	[tilespmem:$0x18C00] =	vst v63  }
0x7a0: {  	v3 =	vld [tilespmem:$0x920];
	_ =	sdelay $0x4  }
0x7a1: {  	v18 =	vshll.u32 v3, $0x1  }
0x7a2: {  	v3 =	vand.u32 $0x7, v3;
	v4 =	vand.u32 $0xFFFFFFF0, v18  }
0x7a3: {  	v3 =	vor.u32 v3, v4  }
0x7a4: {  	v4 =	vperm.xlane v3, v0;
	_ =	sdelay $0x1  }
0x7a5: {  	v3 =	vperm.xlane v3, v2;
	v4 =	vadd.s32 v1, v4;
	_ =	sdelay $0x1  }
0x7a6: {  	v3 =	vadd.s32 v1, v3;
	_ =	sdelay $0x1  }
0x7a7: {  	s16 =	simm.s32 $0x2C00  }
0x7a8: {  	[tilespmem:s16], [sflag:$0x1] =	stream.indirect_vreg.gather [hbm4b:s2+s3], $0x80, v4, vm0, $0xb8;
	[tilespmem:$0x18C00] =	vst v63  }
0x7a9: {  	s28 =	simm.s32 $0x3400  }
0x7aa: {  	[tilespmem:s28], [sflag:$0x1] =	stream.indirect_vreg.gather [hbm4b:s2+s3], $0x80, v3, vm0, $0xb8;
	[tilespmem:$0x18C00] =	vst v63  }
0x7ab: {  	v3 =	vld [tilespmem:$0x930];
	_ =	sdelay $0x4  }
0x7ac: {  	v19 =	vshll.u32 v3, $0x1  }
0x7ad: {  	v3 =	vand.u32 $0x7, v3;
	v4 =	vand.u32 $0xFFFFFFF0, v19  }
0x7ae: {  	v3 =	vor.u32 v3, v4  }
0x7af: {  	v4 =	vperm.xlane v3, v0;
	_ =	sdelay $0x1  }
0x7b0: {  	v3 =	vperm.xlane v3, v2;
	v4 =	vadd.s32 v1, v4;
	_ =	sdelay $0x1  }
0x7b1: {  	v3 =	vadd.s32 v1, v3;
	_ =	sdelay $0x1  }
0x7b2: {  	s18 =	simm.s32 $0x3C00  }
0x7b3: {  	[tilespmem:s18], [sflag:$0x1] =	stream.indirect_vreg.gather [hbm4b:s2+s3], $0x80, v4, vm0, $0xb8;
	[tilespmem:$0x18C00] =	vst v63  }
0x7b4: {  	s31 =	simm.s32 $0x4400  }
0x7b5: {  	[tilespmem:s31], [sflag:$0x1] =	stream.indirect_vreg.gather [hbm4b:s2+s3], $0x80, v3, vm0, $0xb8;
	[tilespmem:$0x18C00] =	vst v63  }
0x7b6: {  	v3 =	vld [tilespmem:$0x940];
	_ =	sdelay $0x4  }
0x7b7: {  	v20 =	vshll.u32 v3, $0x1  }
0x7b8: {  	v3 =	vand.u32 $0x7, v3;
	v4 =	vand.u32 $0xFFFFFFF0, v20  }
0x7b9: {  	v3 =	vor.u32 v3, v4  }
0x7ba: {  	v4 =	vperm.xlane v3, v0;
	_ =	sdelay $0x1  }
0x7bb: {  	v3 =	vperm.xlane v3, v2;
	v4 =	vadd.s32 v1, v4;
	_ =	sdelay $0x1  }
0x7bc: {  	v3 =	vadd.s32 v1, v3;
	_ =	sdelay $0x1  }
0x7bd: {  	s9 =	simm.s32 $0x4C00  }
0x7be: {  	[tilespmem:s9], [sflag:$0x1] =	stream.indirect_vreg.gather [hbm4b:s2+s3], $0x80, v4, vm0, $0xb8;
	[tilespmem:$0x18C00] =	vst v63  }
0x7bf: {  	s18 =	simm.s32 $0x5400  }
0x7c0: {  	[tilespmem:s18], [sflag:$0x1] =	stream.indirect_vreg.gather [hbm4b:s2+s3], $0x80, v3, vm0, $0xb8;
	[tilespmem:$0x18C00] =	vst v63  }
0x7c1: {  	v3 =	vld [tilespmem:$0x950];
	_ =	sdelay $0x4  }
0x7c2: {  	v21 =	vshll.u32 v3, $0x1  }
0x7c3: {  	v3 =	vand.u32 $0x7, v3;
	v4 =	vand.u32 $0xFFFFFFF0, v21  }
0x7c4: {  	v3 =	vor.u32 v3, v4  }
0x7c5: {  	v4 =	vperm.xlane v3, v0;
	_ =	sdelay $0x1  }
0x7c6: {  	v3 =	vperm.xlane v3, v2;
	v4 =	vadd.s32 v1, v4;
	_ =	sdelay $0x1  }
0x7c7: {  	v3 =	vadd.s32 v1, v3;
	_ =	sdelay $0x1  }
0x7c8: {  	s10 =	simm.s32 $0x5C00  }
0x7c9: {  	[tilespmem:s10], [sflag:$0x1] =	stream.indirect_vreg.gather [hbm4b:s2+s3], $0x80, v4, vm0, $0xb8;
	[tilespmem:$0x18C00] =	vst v63  }
0x7ca: {  	s15 =	simm.s32 $0x6400  }
0x7cb: {  	[tilespmem:s15], [sflag:$0x1] =	stream.indirect_vreg.gather [hbm4b:s2+s3], $0x80, v3, vm0, $0xb8;
	[tilespmem:$0x18C00] =	vst v63  }
0x7cc: {  	v3 =	vld [tilespmem:$0x960];
	_ =	sdelay $0x4  }
0x7cd: {  	v22 =	vshll.u32 v3, $0x1  }
0x7ce: {  	v3 =	vand.u32 $0x7, v3;
	v4 =	vand.u32 $0xFFFFFFF0, v22  }
0x7cf: {  	v3 =	vor.u32 v3, v4  }
0x7d0: {  	v4 =	vperm.xlane v3, v0;
	_ =	sdelay $0x1  }
0x7d1: {  	v3 =	vperm.xlane v3, v2;
	v4 =	vadd.s32 v1, v4;
	_ =	sdelay $0x1  }
0x7d2: {  	v3 =	vadd.s32 v1, v3;
	_ =	sdelay $0x1  }
0x7d3: {  	s23 =	simm.s32 $0x6C00  }
0x7d4: {  	[tilespmem:s23], [sflag:$0x1] =	stream.indirect_vreg.gather [hbm4b:s2+s3], $0x80, v4, vm0, $0xb8;
	[tilespmem:$0x18C00] =	vst v63  }
0x7d5: {  	s13 =	simm.s32 $0x7400  }
0x7d6: {  	[tilespmem:s13], [sflag:$0x1] =	stream.indirect_vreg.gather [hbm4b:s2+s3], $0x80, v3, vm0, $0xb8;
	[tilespmem:$0x18C00] =	vst v63  }
0x7d7: {  	v3 =	vld [tilespmem:$0x970];
	_ =	sdelay $0x4  }
0x7d8: {  	v23 =	vshll.u32 v3, $0x1  }
0x7d9: {  	v3 =	vand.u32 $0x7, v3;
	v4 =	vand.u32 $0xFFFFFFF0, v23  }
0x7da: {  	v3 =	vor.u32 v3, v4  }
0x7db: {  	v4 =	vperm.xlane v3, v0;
	_ =	sdelay $0x1  }
0x7dc: {  	v3 =	vperm.xlane v3, v2;
	v4 =	vadd.s32 v1, v4;
	_ =	sdelay $0x1  }
0x7dd: {  	v3 =	vadd.s32 v1, v3;
	_ =	sdelay $0x1  }
0x7de: {  	s14 =	simm.s32 $0x7C00  }
0x7df: {  	[tilespmem:s14], [sflag:$0x1] =	stream.indirect_vreg.gather [hbm4b:s2+s3], $0x80, v4, vm0, $0xb8;
	[tilespmem:$0x18C00] =	vst v63  }
0x7e0: {  	s0 =	sld [smem:$0x7F8];
	s16 =	simm.s32 $0x8400  }
0x7e1: {  	[tilespmem:s16], [sflag:$0x1] =	stream.indirect_vreg.gather [hbm4b:s2+s3], $0x80, v3, vm0, $0xb8;
	[tilespmem:$0x18C00] =	vst v63  }
0x7e2: {  	_ = 	snop  }
0x7e3: {  	[tilespmem:s25], [sflag:$0x3] =	stream.indirect.gather [hbm4b:s4+s26], $0x80, s0, s26, $0xb8;
	[tilespmem:$0x18C00] =	vst v63  }
0x7e4: {  	_ =	swait.ge [sflag:s21], $0x8000  }
0x7e5: {  	[sflag:s21] =	ssyncset.done $0x0  }
0x7e6: {  	[sflag:s21] =	ssyncadd.s32 $0xFFFF8000  }
0x7e7: {  	_ =	swait.ge [sflag:s22], $0x4000  }
0x7e8: {  	s0 =	sld [smem:$0x7DC]  }
0x7e9: {  	[sflag:s22] =	ssyncset.done $0x0  }
0x7ea: {  	s25 =	simm.s32 $0x8C00;
	[sflag:s22] =	ssyncadd.s32 $0xFFFFC000  }
0x7eb: {  	[hbm4b:s0+s3] =	stream.linear.scatter [tilespmem:s25], [sflag:$0x5], $0x8000, $0x38;
	[tilespmem:$0x18C00] =	vst v63  }
0x7ec: {  	_ =	swait.ge [sflag:s6], $0x8000  }
0x7ed: {  	s23 =	sld [smem:$0x7DD]  }
0x7ee: {  	[sflag:s6] =	ssyncset.done $0x0  }
0x7ef: {  	s0 =	simm.s32 $0x14C00;
	[sflag:s6] =	ssyncadd.s32 $0xFFFF8000  }
0x7f0: {  	[hbm4b:s23+s3] =	stream.linear.scatter [tilespmem:s0], [sflag:$0x5], $0x4000, $0x38;
	[tilespmem:$0x18C00] =	vst v63  }
0x7f1: {  	_ =	swait.ge [sflag:s6], $0x4000  }
0x7f2: {  	[sflag:s6] =	ssyncset.done $0x0  }
0x7f3: {  	[sflag:s6] =	ssyncadd.s32 $0xFFFFC000  }
0x7f4: {  	v3 =	vld [tilespmem:$0x980];
	_ =	sdelay $0x4  }
0x7f5: {  	v24 =	vshll.u32 v3, $0x1  }
0x7f6: {  	v3 =	vand.u32 $0x7, v3;
	v4 =	vand.u32 $0xFFFFFFF0, v24  }
0x7f7: {  	v3 =	vor.u32 v3, v4  }
0x7f8: {  	v4 =	vperm.xlane v3, v0;
	_ =	sdelay $0x1  }
0x7f9: {  	v3 =	vperm.xlane v3, v2;
	v4 =	vadd.s32 v1, v4;
	_ =	sdelay $0x1  }
0x7fa: {  	v3 =	vadd.s32 v1, v3;
	_ =	sdelay $0x2  }
0x7fb: {  	[tilespmem:s25], [sflag:$0x2] =	stream.indirect_vreg.gather [hbm4b:s2+s3], $0x80, v4, vm0, $0xb8;
	[tilespmem:$0x18C00] =	vst v63  }
0x7fc: {  	_ = 	snop  }
0x7fd: {  	[tilespmem:s8], [sflag:$0x2] =	stream.indirect_vreg.gather [hbm4b:s2+s3], $0x80, v3, vm0, $0xb8;
	[tilespmem:$0x18C00] =	vst v63  }
0x7fe: {  	v3 =	vld [tilespmem:$0x990];
	_ =	sdelay $0x4  }
0x7ff: {  	v25 =	vshll.u32 v3, $0x1  }
0x800: {  	v3 =	vand.u32 $0x7, v3;
	v4 =	vand.u32 $0xFFFFFFF0, v25  }
0x801: {  	v3 =	vor.u32 v3, v4  }
0x802: {  	v4 =	vperm.xlane v3, v0;
	_ =	sdelay $0x1  }
0x803: {  	v3 =	vperm.xlane v3, v2;
	v4 =	vadd.s32 v1, v4;
	_ =	sdelay $0x1  }
0x804: {  	v3 =	vadd.s32 v1, v3;
	_ =	sdelay $0x2  }
0x805: {  	[tilespmem:s11], [sflag:$0x2] =	stream.indirect_vreg.gather [hbm4b:s2+s3], $0x80, v4, vm0, $0xb8;
	[tilespmem:$0x18C00] =	vst v63  }
0x806: {  	_ = 	snop  }
0x807: {  	[tilespmem:s12], [sflag:$0x2] =	stream.indirect_vreg.gather [hbm4b:s2+s3], $0x80, v3, vm0, $0xb8;
	[tilespmem:$0x18C00] =	vst v63  }
0x808: {  	v3 =	vld [tilespmem:$0x9A0];
	_ =	sdelay $0x4  }
0x809: {  	v26 =	vshll.u32 v3, $0x1  }
0x80a: {  	v3 =	vand.u32 $0x7, v3;
	v4 =	vand.u32 $0xFFFFFFF0, v26  }
0x80b: {  	v3 =	vor.u32 v3, v4  }
0x80c: {  	v4 =	vperm.xlane v3, v0;
	_ =	sdelay $0x1  }
0x80d: {  	v3 =	vperm.xlane v3, v2;
	v4 =	vadd.s32 v1, v4;
	_ =	sdelay $0x1  }
0x80e: {  	v3 =	vadd.s32 v1, v3;
	_ =	sdelay $0x1  }
0x80f: {  	s11 =	simm.s32 $0xAC00  }
0x810: {  	[tilespmem:s11], [sflag:$0x2] =	stream.indirect_vreg.gather [hbm4b:s2+s3], $0x80, v4, vm0, $0xb8;
	[tilespmem:$0x18C00] =	vst v63  }
0x811: {  	_ = 	snop  }
0x812: {  	[tilespmem:s17], [sflag:$0x2] =	stream.indirect_vreg.gather [hbm4b:s2+s3], $0x80, v3, vm0, $0xb8;
	[tilespmem:$0x18C00] =	vst v63  }
0x813: {  	v3 =	vld [tilespmem:$0x9B0];
	_ =	sdelay $0x4  }
0x814: {  	v27 =	vshll.u32 v3, $0x1  }
0x815: {  	v3 =	vand.u32 $0x7, v3;
	v4 =	vand.u32 $0xFFFFFFF0, v27  }
0x816: {  	v3 =	vor.u32 v3, v4  }
0x817: {  	v4 =	vperm.xlane v3, v0;
	_ =	sdelay $0x1  }
0x818: {  	v3 =	vperm.xlane v3, v2;
	v4 =	vadd.s32 v1, v4;
	_ =	sdelay $0x1  }
0x819: {  	v3 =	vadd.s32 v1, v3;
	_ =	sdelay $0x1  }
0x81a: {  	s25 =	simm.s32 $0xBC00  }
0x81b: {  	[tilespmem:s25], [sflag:$0x2] =	stream.indirect_vreg.gather [hbm4b:s2+s3], $0x80, v4, vm0, $0xb8;
	[tilespmem:$0x18C00] =	vst v63  }
0x81c: {  	_ = 	snop  }
0x81d: {  	[tilespmem:s29], [sflag:$0x2] =	stream.indirect_vreg.gather [hbm4b:s2+s3], $0x80, v3, vm0, $0xb8;
	[tilespmem:$0x18C00] =	vst v63  }
0x81e: {  	v3 =	vld [tilespmem:$0x9C0];
	_ =	sdelay $0x4  }
0x81f: {  	v28 =	vshll.u32 v3, $0x1  }
0x820: {  	v3 =	vand.u32 $0x7, v3;
	v4 =	vand.u32 $0xFFFFFFF0, v28  }
0x821: {  	v3 =	vor.u32 v3, v4  }
0x822: {  	v4 =	vperm.xlane v3, v0;
	_ =	sdelay $0x1  }
0x823: {  	v3 =	vperm.xlane v3, v2;
	v4 =	vadd.s32 v1, v4;
	_ =	sdelay $0x1  }
0x824: {  	v3 =	vadd.s32 v1, v3;
	_ =	sdelay $0x1  }
0x825: {  	s12 =	simm.s32 $0xCC00  }
0x826: {  	[tilespmem:s12], [sflag:$0x2] =	stream.indirect_vreg.gather [hbm4b:s2+s3], $0x80, v4, vm0, $0xb8;
	[tilespmem:$0x18C00] =	vst v63  }
0x827: {  	s17 =	simm.s32 $0xD400  }
0x828: {  	[tilespmem:s17], [sflag:$0x2] =	stream.indirect_vreg.gather [hbm4b:s2+s3], $0x80, v3, vm0, $0xb8;
	[tilespmem:$0x18C00] =	vst v63  }
0x829: {  	v3 =	vld [tilespmem:$0x9D0];
	_ =	sdelay $0x4  }
0x82a: {  	v29 =	vshll.u32 v3, $0x1  }
0x82b: {  	v3 =	vand.u32 $0x7, v3;
	v4 =	vand.u32 $0xFFFFFFF0, v29  }
0x82c: {  	v3 =	vor.u32 v3, v4  }
0x82d: {  	v4 =	vperm.xlane v3, v0;
	_ =	sdelay $0x1  }
0x82e: {  	v3 =	vperm.xlane v3, v2;
	v4 =	vadd.s32 v1, v4;
	_ =	sdelay $0x1  }
0x82f: {  	v3 =	vadd.s32 v1, v3;
	_ =	sdelay $0x2  }
0x830: {  	[tilespmem:s5], [sflag:$0x2] =	stream.indirect_vreg.gather [hbm4b:s2+s3], $0x80, v4, vm0, $0xb8;
	[tilespmem:$0x18C00] =	vst v63  }
0x831: {  	s5 =	simm.s32 $0xE400  }
0x832: {  	[tilespmem:s5], [sflag:$0x2] =	stream.indirect_vreg.gather [hbm4b:s2+s3], $0x80, v3, vm0, $0xb8;
	[tilespmem:$0x18C00] =	vst v63  }
0x833: {  	v3 =	vld [tilespmem:$0x9E0];
	_ =	sdelay $0x4  }
0x834: {  	v30 =	vshll.u32 v3, $0x1  }
0x835: {  	v3 =	vand.u32 $0x7, v3;
	v4 =	vand.u32 $0xFFFFFFF0, v30  }
0x836: {  	v3 =	vor.u32 v3, v4  }
0x837: {  	v4 =	vperm.xlane v3, v0;
	_ =	sdelay $0x1  }
0x838: {  	v3 =	vperm.xlane v3, v2;
	v4 =	vadd.s32 v1, v4;
	_ =	sdelay $0x1  }
0x839: {  	v3 =	vadd.s32 v1, v3;
	_ =	sdelay $0x2  }
0x83a: {  	[tilespmem:s7], [sflag:$0x2] =	stream.indirect_vreg.gather [hbm4b:s2+s3], $0x80, v4, vm0, $0xb8;
	[tilespmem:$0x18C00] =	vst v63  }
0x83b: {  	_ = 	snop  }
0x83c: {  	[tilespmem:s30], [sflag:$0x2] =	stream.indirect_vreg.gather [hbm4b:s2+s3], $0x80, v3, vm0, $0xb8;
	[tilespmem:$0x18C00] =	vst v63  }
0x83d: {  	v3 =	vld [tilespmem:$0x9F0];
	_ =	sdelay $0x4  }
0x83e: {  	v31 =	vshll.u32 v3, $0x1  }
0x83f: {  	v3 =	vand.u32 $0x7, v3;
	v4 =	vand.u32 $0xFFFFFFF0, v31  }
0x840: {  	v3 =	vor.u32 v3, v4  }
0x841: {  	v4 =	vperm.xlane v3, v0;
	_ =	sdelay $0x1  }
0x842: {  	v3 =	vperm.xlane v3, v2;
	v4 =	vadd.s32 v1, v4;
	_ =	sdelay $0x1  }
0x843: {  	v3 =	vadd.s32 v1, v3;
	_ =	sdelay $0x1  }
0x844: {  	s25 =	simm.s32 $0xFC00  }
0x845: {  	[tilespmem:s25], [sflag:$0x2] =	stream.indirect_vreg.gather [hbm4b:s2+s3], $0x80, v4, vm0, $0xb8;
	[tilespmem:$0x18C00] =	vst v63  }
0x846: {  	s29 =	sld [smem:$0x7F9];
	s30 =	simm.s32 $0x10400  }
0x847: {  	[tilespmem:s30], [sflag:$0x2] =	stream.indirect_vreg.gather [hbm4b:s2+s3], $0x80, v3, vm0, $0xb8;
	[tilespmem:$0x18C00] =	vst v63  }
0x848: {  	s26 =	simm.s32 $0x80  }
0x849: {  	[tilespmem:s0], [sflag:$0x4] =	stream.indirect.gather [hbm4b:s4+s26], $0x80, s29, s26, $0xb8;
	[tilespmem:$0x18C00] =	vst v63  }
0x84a: {  	_ =	swait.ge [sflag:s19], $0x8000  }
0x84b: {  	[sflag:s19] =	ssyncset.done $0x0  }
0x84c: {  	[sflag:s19] =	ssyncadd.s32 $0xFFFF8000  }
0x84d: {  	_ =	swait.ge [sflag:s20], $0x4000  }
0x84e: {  	s7 =	sld [smem:$0x7DE]  }
0x84f: {  	[sflag:s20] =	ssyncset.done $0x0  }
0x850: {  	s8 =	simm.s32 $0xC00;
	[sflag:s20] =	ssyncadd.s32 $0xFFFFC000  }
0x851: {  	[hbm4b:s7+s3] =	stream.linear.scatter [tilespmem:s8], [sflag:$0x5], $0x8000, $0x38;
	[tilespmem:$0x18C00] =	vst v63  }
0x852: {  	_ =	swait.ge [sflag:s6], $0x8000  }
0x853: {  	s7 =	sld [smem:$0x7DF]  }
0x854: {  	[sflag:s6] =	ssyncset.done $0x0  }
0x855: {  	s0 =	simm.s32 $0x10C00;
	[sflag:s6] =	ssyncadd.s32 $0xFFFF8000  }
0x856: {  	[hbm4b:s7+s3] =	stream.linear.scatter [tilespmem:s0], [sflag:$0x5], $0x4000, $0x38;
	[tilespmem:$0x18C00] =	vst v63  }
0x857: {  	_ =	swait.ge [sflag:s6], $0x4000  }
0x858: {  	[sflag:s6] =	ssyncset.done $0x0  }
0x859: {  	[sflag:s6] =	ssyncadd.s32 $0xFFFFC000  }
0x85a: {  	v3 =	vld [tilespmem:$0xA00];
	_ =	sdelay $0x4  }
0x85b: {  	v32 =	vshll.u32 v3, $0x1  }
0x85c: {  	v3 =	vand.u32 $0x7, v3;
	v4 =	vand.u32 $0xFFFFFFF0, v32  }
0x85d: {  	v3 =	vor.u32 v3, v4  }
0x85e: {  	v4 =	vperm.xlane v3, v0;
	_ =	sdelay $0x1  }
0x85f: {  	v3 =	vperm.xlane v3, v2;
	v4 =	vadd.s32 v1, v4;
	_ =	sdelay $0x1  }
0x860: {  	v3 =	vadd.s32 v1, v3;
	_ =	sdelay $0x2  }
0x861: {  	[tilespmem:s8], [sflag:$0x1] =	stream.indirect_vreg.gather [hbm4b:s2+s3], $0x80, v4, vm0, $0xb8;
	[tilespmem:$0x18C00] =	vst v63  }
0x862: {  	_ = 	snop  }
0x863: {  	[tilespmem:s1], [sflag:$0x1] =	stream.indirect_vreg.gather [hbm4b:s2+s3], $0x80, v3, vm0, $0xb8;
	[tilespmem:$0x18C00] =	vst v63  }
0x864: {  	v3 =	vld [tilespmem:$0xA10];
	_ =	sdelay $0x4  }
0x865: {  	v33 =	vshll.u32 v3, $0x1  }
0x866: {  	v3 =	vand.u32 $0x7, v3;
	v4 =	vand.u32 $0xFFFFFFF0, v33  }
0x867: {  	v3 =	vor.u32 v3, v4  }
0x868: {  	v4 =	vperm.xlane v3, v0;
	_ =	sdelay $0x1  }
0x869: {  	v3 =	vperm.xlane v3, v2;
	v4 =	vadd.s32 v1, v4;
	_ =	sdelay $0x1  }
0x86a: {  	v3 =	vadd.s32 v1, v3;
	_ =	sdelay $0x2  }
0x86b: {  	[tilespmem:s24], [sflag:$0x1] =	stream.indirect_vreg.gather [hbm4b:s2+s3], $0x80, v4, vm0, $0xb8;
	[tilespmem:$0x18C00] =	vst v63  }
0x86c: {  	s8 =	simm.s32 $0x2400  }
0x86d: {  	[tilespmem:s8], [sflag:$0x1] =	stream.indirect_vreg.gather [hbm4b:s2+s3], $0x80, v3, vm0, $0xb8;
	[tilespmem:$0x18C00] =	vst v63  }
0x86e: {  	v3 =	vld [tilespmem:$0xA20];
	_ =	sdelay $0x4  }
0x86f: {  	v34 =	vshll.u32 v3, $0x1  }
0x870: {  	v3 =	vand.u32 $0x7, v3;
	v4 =	vand.u32 $0xFFFFFFF0, v34  }
0x871: {  	v3 =	vor.u32 v3, v4  }
0x872: {  	v4 =	vperm.xlane v3, v0;
	_ =	sdelay $0x1  }
0x873: {  	v3 =	vperm.xlane v3, v2;
	v4 =	vadd.s32 v1, v4;
	_ =	sdelay $0x1  }
0x874: {  	v3 =	vadd.s32 v1, v3;
	_ =	sdelay $0x1  }
0x875: {  	s23 =	simm.s32 $0x2C00  }
0x876: {  	[tilespmem:s23], [sflag:$0x1] =	stream.indirect_vreg.gather [hbm4b:s2+s3], $0x80, v4, vm0, $0xb8;
	[tilespmem:$0x18C00] =	vst v63  }
0x877: {  	_ = 	snop  }
0x878: {  	[tilespmem:s28], [sflag:$0x1] =	stream.indirect_vreg.gather [hbm4b:s2+s3], $0x80, v3, vm0, $0xb8;
	[tilespmem:$0x18C00] =	vst v63  }
0x879: {  	v3 =	vld [tilespmem:$0xA30];
	_ =	sdelay $0x4  }
0x87a: {  	v35 =	vshll.u32 v3, $0x1  }
0x87b: {  	v3 =	vand.u32 $0x7, v3;
	v4 =	vand.u32 $0xFFFFFFF0, v35  }
0x87c: {  	v3 =	vor.u32 v3, v4  }
0x87d: {  	v4 =	vperm.xlane v3, v0;
	_ =	sdelay $0x1  }
0x87e: {  	v3 =	vperm.xlane v3, v2;
	v4 =	vadd.s32 v1, v4;
	_ =	sdelay $0x1  }
0x87f: {  	v3 =	vadd.s32 v1, v3;
	_ =	sdelay $0x1  }
0x880: {  	s7 =	simm.s32 $0x3C00  }
0x881: {  	[tilespmem:s7], [sflag:$0x1] =	stream.indirect_vreg.gather [hbm4b:s2+s3], $0x80, v4, vm0, $0xb8;
	[tilespmem:$0x18C00] =	vst v63  }
0x882: {  	_ = 	snop  }
0x883: {  	[tilespmem:s31], [sflag:$0x1] =	stream.indirect_vreg.gather [hbm4b:s2+s3], $0x80, v3, vm0, $0xb8;
	[tilespmem:$0x18C00] =	vst v63  }
0x884: {  	v3 =	vld [tilespmem:$0xA40];
	_ =	sdelay $0x4  }
0x885: {  	v36 =	vshll.u32 v3, $0x1  }
0x886: {  	v3 =	vand.u32 $0x7, v3;
	v4 =	vand.u32 $0xFFFFFFF0, v36  }
0x887: {  	v3 =	vor.u32 v3, v4  }
0x888: {  	v4 =	vperm.xlane v3, v0;
	_ =	sdelay $0x1  }
0x889: {  	v3 =	vperm.xlane v3, v2;
	v4 =	vadd.s32 v1, v4;
	_ =	sdelay $0x1  }
0x88a: {  	v3 =	vadd.s32 v1, v3;
	_ =	sdelay $0x2  }
0x88b: {  	[tilespmem:s9], [sflag:$0x1] =	stream.indirect_vreg.gather [hbm4b:s2+s3], $0x80, v4, vm0, $0xb8;
	[tilespmem:$0x18C00] =	vst v63  }
0x88c: {  	_ = 	snop  }
0x88d: {  	[tilespmem:s18], [sflag:$0x1] =	stream.indirect_vreg.gather [hbm4b:s2+s3], $0x80, v3, vm0, $0xb8;
	[tilespmem:$0x18C00] =	vst v63  }
0x88e: {  	v3 =	vld [tilespmem:$0xA50];
	_ =	sdelay $0x4  }
0x88f: {  	v37 =	vshll.u32 v3, $0x1  }
0x890: {  	v3 =	vand.u32 $0x7, v3;
	v4 =	vand.u32 $0xFFFFFFF0, v37  }
0x891: {  	v3 =	vor.u32 v3, v4  }
0x892: {  	v4 =	vperm.xlane v3, v0;
	_ =	sdelay $0x1  }
0x893: {  	v3 =	vperm.xlane v3, v2;
	v4 =	vadd.s32 v1, v4;
	_ =	sdelay $0x1  }
0x894: {  	v3 =	vadd.s32 v1, v3;
	_ =	sdelay $0x2  }
0x895: {  	[tilespmem:s10], [sflag:$0x1] =	stream.indirect_vreg.gather [hbm4b:s2+s3], $0x80, v4, vm0, $0xb8;
	[tilespmem:$0x18C00] =	vst v63  }
0x896: {  	_ = 	snop  }
0x897: {  	[tilespmem:s15], [sflag:$0x1] =	stream.indirect_vreg.gather [hbm4b:s2+s3], $0x80, v3, vm0, $0xb8;
	[tilespmem:$0x18C00] =	vst v63  }
0x898: {  	v3 =	vld [tilespmem:$0xA60];
	_ =	sdelay $0x4  }
0x899: {  	v38 =	vshll.u32 v3, $0x1  }
0x89a: {  	v3 =	vand.u32 $0x7, v3;
	v4 =	vand.u32 $0xFFFFFFF0, v38  }
0x89b: {  	v3 =	vor.u32 v3, v4  }
0x89c: {  	v4 =	vperm.xlane v3, v0;
	_ =	sdelay $0x1  }
0x89d: {  	v3 =	vperm.xlane v3, v2;
	v4 =	vadd.s32 v1, v4;
	_ =	sdelay $0x1  }
0x89e: {  	v3 =	vadd.s32 v1, v3;
	_ =	sdelay $0x1  }
0x89f: {  	s8 =	simm.s32 $0x6C00  }
0x8a0: {  	[tilespmem:s8], [sflag:$0x1] =	stream.indirect_vreg.gather [hbm4b:s2+s3], $0x80, v4, vm0, $0xb8;
	[tilespmem:$0x18C00] =	vst v63  }
0x8a1: {  	_ = 	snop  }
0x8a2: {  	[tilespmem:s13], [sflag:$0x1] =	stream.indirect_vreg.gather [hbm4b:s2+s3], $0x80, v3, vm0, $0xb8;
	[tilespmem:$0x18C00] =	vst v63  }
0x8a3: {  	v3 =	vld [tilespmem:$0xA70];
	_ =	sdelay $0x4  }
0x8a4: {  	v39 =	vshll.u32 v3, $0x1  }
0x8a5: {  	v3 =	vand.u32 $0x7, v3;
	v4 =	vand.u32 $0xFFFFFFF0, v39  }
0x8a6: {  	v3 =	vor.u32 v3, v4  }
0x8a7: {  	v4 =	vperm.xlane v3, v0;
	_ =	sdelay $0x1  }
0x8a8: {  	v3 =	vperm.xlane v3, v2;
	v4 =	vadd.s32 v1, v4;
	_ =	sdelay $0x1  }
0x8a9: {  	v3 =	vadd.s32 v1, v3;
	_ =	sdelay $0x2  }
0x8aa: {  	[tilespmem:s14], [sflag:$0x1] =	stream.indirect_vreg.gather [hbm4b:s2+s3], $0x80, v4, vm0, $0xb8;
	[tilespmem:$0x18C00] =	vst v63  }
0x8ab: {  	s9 =	sld [smem:$0x7FA]  }
0x8ac: {  	[tilespmem:s16], [sflag:$0x1] =	stream.indirect_vreg.gather [hbm4b:s2+s3], $0x80, v3, vm0, $0xb8;
	[tilespmem:$0x18C00] =	vst v63  }
0x8ad: {  	s1 =	simm.s32 $0x80  }
0x8ae: {  	[tilespmem:s0], [sflag:$0x3] =	stream.indirect.gather [hbm4b:s4+s1], $0x80, s9, s1, $0xb8;
	[tilespmem:$0x18C00] =	vst v63  }
0x8af: {  	_ =	swait.ge [sflag:s21], $0x8000  }
0x8b0: {  	[sflag:s21] =	ssyncset.done $0x0  }
0x8b1: {  	[sflag:s21] =	ssyncadd.s32 $0xFFFF8000  }
0x8b2: {  	_ =	swait.ge [sflag:s22], $0x4000  }
0x8b3: {  	s10 =	sld [smem:$0x7E0]  }
0x8b4: {  	[sflag:s22] =	ssyncset.done $0x0  }
0x8b5: {  	s13 =	simm.s32 $0x8C00;
	[sflag:s22] =	ssyncadd.s32 $0xFFFFC000  }
0x8b6: {  	[hbm4b:s10+s3] =	stream.linear.scatter [tilespmem:s13], [sflag:$0x5], $0x8000, $0x38;
	[tilespmem:$0x18C00] =	vst v63  }
0x8b7: {  	_ =	swait.ge [sflag:s6], $0x8000  }
0x8b8: {  	s14 =	sld [smem:$0x7E1]  }
0x8b9: {  	[sflag:s6] =	ssyncset.done $0x0  }
0x8ba: {  	s26 =	simm.s32 $0x14C00;
	[sflag:s6] =	ssyncadd.s32 $0xFFFF8000  }
0x8bb: {  	[hbm4b:s14+s3] =	stream.linear.scatter [tilespmem:s26], [sflag:$0x5], $0x4000, $0x38;
	[tilespmem:$0x18C00] =	vst v63  }
0x8bc: {  	_ =	swait.ge [sflag:s6], $0x4000  }
0x8bd: {  	[sflag:s6] =	ssyncset.done $0x0  }
0x8be: {  	[sflag:s6] =	ssyncadd.s32 $0xFFFFC000  }
0x8bf: {  	v3 =	vld [tilespmem:$0xA80];
	_ =	sdelay $0x4  }
0x8c0: {  	v40 =	vshll.u32 v3, $0x1  }
0x8c1: {  	v3 =	vand.u32 $0x7, v3;
	v4 =	vand.u32 $0xFFFFFFF0, v40  }
0x8c2: {  	v3 =	vor.u32 v3, v4  }
0x8c3: {  	v4 =	vperm.xlane v3, v0;
	_ =	sdelay $0x1  }
0x8c4: {  	v3 =	vperm.xlane v3, v2;
	v4 =	vadd.s32 v1, v4;
	_ =	sdelay $0x1  }
0x8c5: {  	v3 =	vadd.s32 v1, v3;
	_ =	sdelay $0x2  }
0x8c6: {  	[tilespmem:s13], [sflag:$0x2] =	stream.indirect_vreg.gather [hbm4b:s2+s3], $0x80, v4, vm0, $0xb8;
	[tilespmem:$0x18C00] =	vst v63  }
0x8c7: {  	s7 =	simm.s32 $0x9400  }
0x8c8: {  	[tilespmem:s7], [sflag:$0x2] =	stream.indirect_vreg.gather [hbm4b:s2+s3], $0x80, v3, vm0, $0xb8;
	[tilespmem:$0x18C00] =	vst v63  }
0x8c9: {  	v3 =	vld [tilespmem:$0xA90];
	_ =	sdelay $0x4  }
0x8ca: {  	v41 =	vshll.u32 v3, $0x1  }
0x8cb: {  	v3 =	vand.u32 $0x7, v3;
	v4 =	vand.u32 $0xFFFFFFF0, v41  }
0x8cc: {  	v3 =	vor.u32 v3, v4  }
0x8cd: {  	v4 =	vperm.xlane v3, v0;
	_ =	sdelay $0x1  }
0x8ce: {  	v3 =	vperm.xlane v3, v2;
	v4 =	vadd.s32 v1, v4;
	_ =	sdelay $0x1  }
0x8cf: {  	v3 =	vadd.s32 v1, v3;
	_ =	sdelay $0x1  }
0x8d0: {  	s13 =	simm.s32 $0x9C00  }
0x8d1: {  	[tilespmem:s13], [sflag:$0x2] =	stream.indirect_vreg.gather [hbm4b:s2+s3], $0x80, v4, vm0, $0xb8;
	[tilespmem:$0x18C00] =	vst v63  }
0x8d2: {  	s10 =	simm.s32 $0xA400  }
0x8d3: {  	[tilespmem:s10], [sflag:$0x2] =	stream.indirect_vreg.gather [hbm4b:s2+s3], $0x80, v3, vm0, $0xb8;
	[tilespmem:$0x18C00] =	vst v63  }
0x8d4: {  	v3 =	vld [tilespmem:$0xAA0];
	_ =	sdelay $0x4  }
0x8d5: {  	v42 =	vshll.u32 v3, $0x1  }
0x8d6: {  	v3 =	vand.u32 $0x7, v3;
	v4 =	vand.u32 $0xFFFFFFF0, v42  }
0x8d7: {  	v3 =	vor.u32 v3, v4  }
0x8d8: {  	v4 =	vperm.xlane v3, v0;
	_ =	sdelay $0x1  }
0x8d9: {  	v3 =	vperm.xlane v3, v2;
	v4 =	vadd.s32 v1, v4;
	_ =	sdelay $0x1  }
0x8da: {  	v3 =	vadd.s32 v1, v3;
	_ =	sdelay $0x2  }
0x8db: {  	[tilespmem:s11], [sflag:$0x2] =	stream.indirect_vreg.gather [hbm4b:s2+s3], $0x80, v4, vm0, $0xb8;
	[tilespmem:$0x18C00] =	vst v63  }
0x8dc: {  	s8 =	simm.s32 $0xB400  }
0x8dd: {  	[tilespmem:s8], [sflag:$0x2] =	stream.indirect_vreg.gather [hbm4b:s2+s3], $0x80, v3, vm0, $0xb8;
	[tilespmem:$0x18C00] =	vst v63  }
0x8de: {  	v3 =	vld [tilespmem:$0xAB0];
	_ =	sdelay $0x4  }
0x8df: {  	v43 =	vshll.u32 v3, $0x1  }
0x8e0: {  	v3 =	vand.u32 $0x7, v3;
	v4 =	vand.u32 $0xFFFFFFF0, v43  }
0x8e1: {  	v3 =	vor.u32 v3, v4  }
0x8e2: {  	v4 =	vperm.xlane v3, v0;
	_ =	sdelay $0x1  }
0x8e3: {  	v3 =	vperm.xlane v3, v2;
	v4 =	vadd.s32 v1, v4;
	_ =	sdelay $0x1  }
0x8e4: {  	v3 =	vadd.s32 v1, v3;
	_ =	sdelay $0x1  }
0x8e5: {  	s23 =	simm.s32 $0xBC00  }
0x8e6: {  	[tilespmem:s23], [sflag:$0x2] =	stream.indirect_vreg.gather [hbm4b:s2+s3], $0x80, v4, vm0, $0xb8;
	[tilespmem:$0x18C00] =	vst v63  }
0x8e7: {  	s9 =	simm.s32 $0xC400  }
0x8e8: {  	[tilespmem:s9], [sflag:$0x2] =	stream.indirect_vreg.gather [hbm4b:s2+s3], $0x80, v3, vm0, $0xb8;
	[tilespmem:$0x18C00] =	vst v63  }
0x8e9: {  	v3 =	vld [tilespmem:$0xAC0];
	_ =	sdelay $0x4  }
0x8ea: {  	v44 =	vshll.u32 v3, $0x1  }
0x8eb: {  	v3 =	vand.u32 $0x7, v3;
	v4 =	vand.u32 $0xFFFFFFF0, v44  }
0x8ec: {  	v3 =	vor.u32 v3, v4  }
0x8ed: {  	v4 =	vperm.xlane v3, v0;
	_ =	sdelay $0x1  }
0x8ee: {  	v3 =	vperm.xlane v3, v2;
	v4 =	vadd.s32 v1, v4;
	_ =	sdelay $0x1  }
0x8ef: {  	v3 =	vadd.s32 v1, v3;
	_ =	sdelay $0x2  }
0x8f0: {  	[tilespmem:s12], [sflag:$0x2] =	stream.indirect_vreg.gather [hbm4b:s2+s3], $0x80, v4, vm0, $0xb8;
	[tilespmem:$0x18C00] =	vst v63  }
0x8f1: {  	_ = 	snop  }
0x8f2: {  	[tilespmem:s17], [sflag:$0x2] =	stream.indirect_vreg.gather [hbm4b:s2+s3], $0x80, v3, vm0, $0xb8;
	[tilespmem:$0x18C00] =	vst v63  }
0x8f3: {  	v3 =	vld [tilespmem:$0xAD0];
	_ =	sdelay $0x4  }
0x8f4: {  	v45 =	vshll.u32 v3, $0x1  }
0x8f5: {  	v3 =	vand.u32 $0x7, v3;
	v4 =	vand.u32 $0xFFFFFFF0, v45  }
0x8f6: {  	v3 =	vor.u32 v3, v4  }
0x8f7: {  	v4 =	vperm.xlane v3, v0;
	_ =	sdelay $0x1  }
0x8f8: {  	v3 =	vperm.xlane v3, v2;
	v4 =	vadd.s32 v1, v4;
	_ =	sdelay $0x1  }
0x8f9: {  	v3 =	vadd.s32 v1, v3;
	_ =	sdelay $0x1  }
0x8fa: {  	s11 =	simm.s32 $0xDC00  }
0x8fb: {  	[tilespmem:s11], [sflag:$0x2] =	stream.indirect_vreg.gather [hbm4b:s2+s3], $0x80, v4, vm0, $0xb8;
	[tilespmem:$0x18C00] =	vst v63  }
0x8fc: {  	_ = 	snop  }
0x8fd: {  	[tilespmem:s5], [sflag:$0x2] =	stream.indirect_vreg.gather [hbm4b:s2+s3], $0x80, v3, vm0, $0xb8;
	[tilespmem:$0x18C00] =	vst v63  }
0x8fe: {  	v3 =	vld [tilespmem:$0xAE0];
	_ =	sdelay $0x4  }
0x8ff: {  	v46 =	vshll.u32 v3, $0x1  }
0x900: {  	v3 =	vand.u32 $0x7, v3;
	v4 =	vand.u32 $0xFFFFFFF0, v46  }
0x901: {  	v3 =	vor.u32 v3, v4  }
0x902: {  	v4 =	vperm.xlane v3, v0;
	_ =	sdelay $0x1  }
0x903: {  	v3 =	vperm.xlane v3, v2;
	v4 =	vadd.s32 v1, v4;
	_ =	sdelay $0x1  }
0x904: {  	v3 =	vadd.s32 v1, v3;
	_ =	sdelay $0x1  }
0x905: {  	s5 =	simm.s32 $0xEC00  }
0x906: {  	[tilespmem:s5], [sflag:$0x2] =	stream.indirect_vreg.gather [hbm4b:s2+s3], $0x80, v4, vm0, $0xb8;
	[tilespmem:$0x18C00] =	vst v63  }
0x907: {  	s12 =	simm.s32 $0xF400  }
0x908: {  	[tilespmem:s12], [sflag:$0x2] =	stream.indirect_vreg.gather [hbm4b:s2+s3], $0x80, v3, vm0, $0xb8;
	[tilespmem:$0x18C00] =	vst v63  }
0x909: {  	v3 =	vld [tilespmem:$0xAF0];
	_ =	sdelay $0x4  }
0x90a: {  	v47 =	vshll.u32 v3, $0x1  }
0x90b: {  	v3 =	vand.u32 $0x7, v3;
	v4 =	vand.u32 $0xFFFFFFF0, v47  }
0x90c: {  	v3 =	vor.u32 v3, v4  }
0x90d: {  	v4 =	vperm.xlane v3, v0;
	_ =	sdelay $0x1  }
0x90e: {  	v3 =	vperm.xlane v3, v2;
	v4 =	vadd.s32 v1, v4;
	_ =	sdelay $0x1  }
0x90f: {  	v3 =	vadd.s32 v1, v3;
	_ =	sdelay $0x2  }
0x910: {  	[tilespmem:s25], [sflag:$0x2] =	stream.indirect_vreg.gather [hbm4b:s2+s3], $0x80, v4, vm0, $0xb8;
	[tilespmem:$0x18C00] =	vst v63  }
0x911: {  	s0 =	sld [smem:$0x7FB]  }
0x912: {  	[tilespmem:s30], [sflag:$0x2] =	stream.indirect_vreg.gather [hbm4b:s2+s3], $0x80, v3, vm0, $0xb8;
	[tilespmem:$0x18C00] =	vst v63  }
0x913: {  	_ = 	snop  }
0x914: {  	[tilespmem:s26], [sflag:$0x4] =	stream.indirect.gather [hbm4b:s4+s1], $0x80, s0, s1, $0xb8;
	[tilespmem:$0x18C00] =	vst v63  }
0x915: {  	_ =	swait.ge [sflag:s19], $0x8000  }
0x916: {  	[sflag:s19] =	ssyncset.done $0x0  }
0x917: {  	[sflag:s19] =	ssyncadd.s32 $0xFFFF8000  }
0x918: {  	_ =	swait.ge [sflag:s20], $0x4000  }
0x919: {  	s1 =	sld [smem:$0x7E2]  }
0x91a: {  	[sflag:s20] =	ssyncset.done $0x0  }
0x91b: {  	s29 =	simm.s32 $0xC00;
	[sflag:s20] =	ssyncadd.s32 $0xFFFFC000  }
0x91c: {  	[hbm4b:s1+s3] =	stream.linear.scatter [tilespmem:s29], [sflag:$0x5], $0x8000, $0x38;
	[tilespmem:$0x18C00] =	vst v63  }
0x91d: {  	_ =	swait.ge [sflag:s6], $0x8000  }
0x91e: {  	s1 =	sld [smem:$0x7E3]  }
0x91f: {  	[sflag:s6] =	ssyncset.done $0x0  }
0x920: {  	s15 =	simm.s32 $0x10C00;
	[sflag:s6] =	ssyncadd.s32 $0xFFFF8000  }
0x921: {  	[hbm4b:s1+s3] =	stream.linear.scatter [tilespmem:s15], [sflag:$0x5], $0x4000, $0x38;
	[tilespmem:$0x18C00] =	vst v63  }
0x922: {  	_ =	swait.ge [sflag:s6], $0x4000  }
0x923: {  	[sflag:s6] =	ssyncset.done $0x0  }
0x924: {  	[sflag:s6] =	ssyncadd.s32 $0xFFFFC000  }
0x925: {  	v3 =	vld [tilespmem:$0xB00];
	_ =	sdelay $0x4  }
0x926: {  	v48 =	vshll.u32 v3, $0x1  }
0x927: {  	v3 =	vand.u32 $0x7, v3;
	v4 =	vand.u32 $0xFFFFFFF0, v48  }
0x928: {  	v3 =	vor.u32 v3, v4  }
0x929: {  	v4 =	vperm.xlane v3, v0;
	_ =	sdelay $0x1  }
0x92a: {  	v3 =	vperm.xlane v3, v2;
	v4 =	vadd.s32 v1, v4;
	_ =	sdelay $0x1  }
0x92b: {  	v3 =	vadd.s32 v1, v3;
	_ =	sdelay $0x2  }
0x92c: {  	[tilespmem:s29], [sflag:$0x1] =	stream.indirect_vreg.gather [hbm4b:s2+s3], $0x80, v4, vm0, $0xb8;
	[tilespmem:$0x18C00] =	vst v63  }
0x92d: {  	s23 =	simm.s32 $0x1400  }
0x92e: {  	[tilespmem:s23], [sflag:$0x1] =	stream.indirect_vreg.gather [hbm4b:s2+s3], $0x80, v3, vm0, $0xb8;
	[tilespmem:$0x18C00] =	vst v63  }
0x92f: {  	v3 =	vld [tilespmem:$0xB10];
	_ =	sdelay $0x4  }
0x930: {  	v49 =	vshll.u32 v3, $0x1  }
0x931: {  	v3 =	vand.u32 $0x7, v3;
	v4 =	vand.u32 $0xFFFFFFF0, v49  }
0x932: {  	v3 =	vor.u32 v3, v4  }
0x933: {  	v4 =	vperm.xlane v3, v0;
	_ =	sdelay $0x1  }
0x934: {  	v3 =	vperm.xlane v3, v2;
	v4 =	vadd.s32 v1, v4;
	_ =	sdelay $0x1  }
0x935: {  	v3 =	vadd.s32 v1, v3;
	_ =	sdelay $0x1  }
0x936: {  	s24 =	simm.s32 $0x1C00  }
0x937: {  	[tilespmem:s24], [sflag:$0x1] =	stream.indirect_vreg.gather [hbm4b:s2+s3], $0x80, v4, vm0, $0xb8;
	[tilespmem:$0x18C00] =	vst v63  }
0x938: {  	s23 =	simm.s32 $0x2400  }
0x939: {  	[tilespmem:s23], [sflag:$0x1] =	stream.indirect_vreg.gather [hbm4b:s2+s3], $0x80, v3, vm0, $0xb8;
	[tilespmem:$0x18C00] =	vst v63  }
0x93a: {  	v3 =	vld [tilespmem:$0xB20];
	_ =	sdelay $0x4  }
0x93b: {  	v50 =	vshll.u32 v3, $0x1  }
0x93c: {  	v3 =	vand.u32 $0x7, v3;
	v4 =	vand.u32 $0xFFFFFFF0, v50  }
0x93d: {  	v3 =	vor.u32 v3, v4  }
0x93e: {  	v4 =	vperm.xlane v3, v0;
	_ =	sdelay $0x1  }
0x93f: {  	v3 =	vperm.xlane v3, v2;
	v4 =	vadd.s32 v1, v4;
	_ =	sdelay $0x1  }
0x940: {  	v3 =	vadd.s32 v1, v3;
	_ =	sdelay $0x1  }
0x941: {  	s24 =	simm.s32 $0x2C00  }
0x942: {  	[tilespmem:s24], [sflag:$0x1] =	stream.indirect_vreg.gather [hbm4b:s2+s3], $0x80, v4, vm0, $0xb8;
	[tilespmem:$0x18C00] =	vst v63  }
0x943: {  	s28 =	simm.s32 $0x3400  }
0x944: {  	[tilespmem:s28], [sflag:$0x1] =	stream.indirect_vreg.gather [hbm4b:s2+s3], $0x80, v3, vm0, $0xb8;
	[tilespmem:$0x18C00] =	vst v63  }
0x945: {  	v3 =	vld [tilespmem:$0xB30];
	_ =	sdelay $0x4  }
0x946: {  	v51 =	vshll.u32 v3, $0x1  }
0x947: {  	v3 =	vand.u32 $0x7, v3;
	v4 =	vand.u32 $0xFFFFFFF0, v51  }
0x948: {  	v3 =	vor.u32 v3, v4  }
0x949: {  	v4 =	vperm.xlane v3, v0;
	_ =	sdelay $0x1  }
0x94a: {  	v3 =	vperm.xlane v3, v2;
	v4 =	vadd.s32 v1, v4;
	_ =	sdelay $0x1  }
0x94b: {  	v3 =	vadd.s32 v1, v3;
	_ =	sdelay $0x1  }
0x94c: {  	s28 =	simm.s32 $0x3C00  }
0x94d: {  	[tilespmem:s28], [sflag:$0x1] =	stream.indirect_vreg.gather [hbm4b:s2+s3], $0x80, v4, vm0, $0xb8;
	[tilespmem:$0x18C00] =	vst v63  }
0x94e: {  	s31 =	simm.s32 $0x4400  }
0x94f: {  	[tilespmem:s31], [sflag:$0x1] =	stream.indirect_vreg.gather [hbm4b:s2+s3], $0x80, v3, vm0, $0xb8;
	[tilespmem:$0x18C00] =	vst v63  }
0x950: {  	v3 =	vld [tilespmem:$0xB40];
	_ =	sdelay $0x4  }
0x951: {  	v52 =	vshll.u32 v3, $0x1  }
0x952: {  	v3 =	vand.u32 $0x7, v3;
	v4 =	vand.u32 $0xFFFFFFF0, v52  }
0x953: {  	v3 =	vor.u32 v3, v4  }
0x954: {  	v4 =	vperm.xlane v3, v0;
	_ =	sdelay $0x1  }
0x955: {  	v3 =	vperm.xlane v3, v2;
	v4 =	vadd.s32 v1, v4;
	_ =	sdelay $0x1  }
0x956: {  	v3 =	vadd.s32 v1, v3;
	_ =	sdelay $0x1  }
0x957: {  	s31 =	simm.s32 $0x4C00  }
0x958: {  	[tilespmem:s31], [sflag:$0x1] =	stream.indirect_vreg.gather [hbm4b:s2+s3], $0x80, v4, vm0, $0xb8;
	[tilespmem:$0x18C00] =	vst v63  }
0x959: {  	s18 =	simm.s32 $0x5400  }
0x95a: {  	[tilespmem:s18], [sflag:$0x1] =	stream.indirect_vreg.gather [hbm4b:s2+s3], $0x80, v3, vm0, $0xb8;
	[tilespmem:$0x18C00] =	vst v63  }
0x95b: {  	v3 =	vld [tilespmem:$0xB50];
	_ =	sdelay $0x4  }
0x95c: {  	v53 =	vshll.u32 v3, $0x1  }
0x95d: {  	v3 =	vand.u32 $0x7, v3;
	v4 =	vand.u32 $0xFFFFFFF0, v53  }
0x95e: {  	v3 =	vor.u32 v3, v4  }
0x95f: {  	v4 =	vperm.xlane v3, v0;
	_ =	sdelay $0x1  }
0x960: {  	v3 =	vperm.xlane v3, v2;
	v4 =	vadd.s32 v1, v4;
	_ =	sdelay $0x1  }
0x961: {  	v3 =	vadd.s32 v1, v3;
	_ =	sdelay $0x1  }
0x962: {  	s23 =	simm.s32 $0x5C00  }
0x963: {  	[tilespmem:s23], [sflag:$0x1] =	stream.indirect_vreg.gather [hbm4b:s2+s3], $0x80, v4, vm0, $0xb8;
	[tilespmem:$0x18C00] =	vst v63  }
0x964: {  	s24 =	simm.s32 $0x6400  }
0x965: {  	[tilespmem:s24], [sflag:$0x1] =	stream.indirect_vreg.gather [hbm4b:s2+s3], $0x80, v3, vm0, $0xb8;
	[tilespmem:$0x18C00] =	vst v63  }
0x966: {  	v3 =	vld [tilespmem:$0xB60];
	_ =	sdelay $0x4  }
0x967: {  	v54 =	vshll.u32 v3, $0x1  }
0x968: {  	v3 =	vand.u32 $0x7, v3;
	v4 =	vand.u32 $0xFFFFFFF0, v54  }
0x969: {  	v3 =	vor.u32 v3, v4  }
0x96a: {  	v4 =	vperm.xlane v3, v0;
	_ =	sdelay $0x1  }
0x96b: {  	v3 =	vperm.xlane v3, v2;
	v4 =	vadd.s32 v1, v4;
	_ =	sdelay $0x1  }
0x96c: {  	v3 =	vadd.s32 v1, v3;
	_ =	sdelay $0x1  }
0x96d: {  	s28 =	simm.s32 $0x6C00  }
0x96e: {  	[tilespmem:s28], [sflag:$0x1] =	stream.indirect_vreg.gather [hbm4b:s2+s3], $0x80, v4, vm0, $0xb8;
	[tilespmem:$0x18C00] =	vst v63  }
0x96f: {  	s31 =	simm.s32 $0x7400  }
0x970: {  	[tilespmem:s31], [sflag:$0x1] =	stream.indirect_vreg.gather [hbm4b:s2+s3], $0x80, v3, vm0, $0xb8;
	[tilespmem:$0x18C00] =	vst v63  }
0x971: {  	v3 =	vld [tilespmem:$0xB70];
	_ =	sdelay $0x4  }
0x972: {  	v55 =	vshll.u32 v3, $0x1  }
0x973: {  	v3 =	vand.u32 $0x7, v3;
	v4 =	vand.u32 $0xFFFFFFF0, v55  }
0x974: {  	v3 =	vor.u32 v3, v4  }
0x975: {  	v4 =	vperm.xlane v3, v0;
	_ =	sdelay $0x1  }
0x976: {  	v3 =	vperm.xlane v3, v2;
	v4 =	vadd.s32 v1, v4;
	_ =	sdelay $0x1  }
0x977: {  	v3 =	vadd.s32 v1, v3;
	_ =	sdelay $0x1  }
0x978: {  	s23 =	simm.s32 $0x7C00  }
0x979: {  	[tilespmem:s23], [sflag:$0x1] =	stream.indirect_vreg.gather [hbm4b:s2+s3], $0x80, v4, vm0, $0xb8;
	[tilespmem:$0x18C00] =	vst v63  }
0x97a: {  	s16 =	simm.s32 $0x8400;
	s24 =	sld [smem:$0x7FC]  }
0x97b: {  	[tilespmem:s16], [sflag:$0x1] =	stream.indirect_vreg.gather [hbm4b:s2+s3], $0x80, v3, vm0, $0xb8;
	[tilespmem:$0x18C00] =	vst v63  }
0x97c: {  	s0 =	simm.s32 $0x80  }
0x97d: {  	[tilespmem:s15], [sflag:$0x3] =	stream.indirect.gather [hbm4b:s4+s0], $0x80, s24, s0, $0xb8;
	[tilespmem:$0x18C00] =	vst v63  }
0x97e: {  	s1 =	sld [smem:$0x7D3];
	_ =	swait.ge [sflag:s21], $0x8000  }
0x97f: {  	[sflag:s21] =	ssyncset.done $0x0  }
0x980: {  	[sflag:s21] =	ssyncadd.s32 $0xFFFF8000  }
0x981: {  	_ =	swait.ge [sflag:s22], $0x4000  }
0x982: {  	s28 =	sld [smem:$0x7E4]  }
0x983: {  	[sflag:s22] =	ssyncset.done $0x0  }
0x984: {  	s14 =	simm.s32 $0x8C00;
	[sflag:s22] =	ssyncadd.s32 $0xFFFFC000  }
0x985: {  	[hbm4b:s28+s3] =	stream.linear.scatter [tilespmem:s14], [sflag:$0x5], $0x8000, $0x38;
	[tilespmem:$0x18C00] =	vst v63  }
0x986: {  	_ =	swait.ge [sflag:s6], $0x8000  }
0x987: {  	s31 =	sld [smem:$0x7E5]  }
0x988: {  	[sflag:s6] =	ssyncset.done $0x0  }
0x989: {  	[sflag:s6] =	ssyncadd.s32 $0xFFFF8000  }
0x98a: {  	[hbm4b:s31+s3] =	stream.linear.scatter [tilespmem:s26], [sflag:$0x5], $0x4000, $0x38;
	[tilespmem:$0x18C00] =	vst v63  }
0x98b: {  	_ =	swait.ge [sflag:s6], $0x4000  }
0x98c: {  	[sflag:s6] =	ssyncset.done $0x0  }
0x98d: {  	[sflag:s6] =	ssyncadd.s32 $0xFFFFC000  }
0x98e: {  	v3 =	vld [tilespmem:$0xB80];
	_ =	sdelay $0x4  }
0x98f: {  	v56 =	vshll.u32 v3, $0x1  }
0x990: {  	v3 =	vand.u32 $0x7, v3;
	v4 =	vand.u32 $0xFFFFFFF0, v56  }
0x991: {  	v3 =	vor.u32 v3, v4  }
0x992: {  	v4 =	vperm.xlane v3, v0;
	_ =	sdelay $0x1  }
0x993: {  	v3 =	vperm.xlane v3, v2;
	v4 =	vadd.s32 v1, v4;
	_ =	sdelay $0x1  }
0x994: {  	v3 =	vadd.s32 v1, v3;
	_ =	sdelay $0x2  }
0x995: {  	[tilespmem:s14], [sflag:$0x2] =	stream.indirect_vreg.gather [hbm4b:s2+s3], $0x80, v4, vm0, $0xb8;
	[tilespmem:$0x18C00] =	vst v63  }
0x996: {  	_ = 	snop  }
0x997: {  	[tilespmem:s7], [sflag:$0x2] =	stream.indirect_vreg.gather [hbm4b:s2+s3], $0x80, v3, vm0, $0xb8;
	[tilespmem:$0x18C00] =	vst v63  }
0x998: {  	v3 =	vld [tilespmem:$0xB90];
	_ =	sdelay $0x4  }
0x999: {  	v57 =	vshll.u32 v3, $0x1  }
0x99a: {  	v3 =	vand.u32 $0x7, v3;
	v4 =	vand.u32 $0xFFFFFFF0, v57  }
0x99b: {  	v3 =	vor.u32 v3, v4  }
0x99c: {  	v4 =	vperm.xlane v3, v0;
	_ =	sdelay $0x1  }
0x99d: {  	v3 =	vperm.xlane v3, v2;
	v4 =	vadd.s32 v1, v4;
	_ =	sdelay $0x1  }
0x99e: {  	v3 =	vadd.s32 v1, v3;
	_ =	sdelay $0x2  }
0x99f: {  	[tilespmem:s13], [sflag:$0x2] =	stream.indirect_vreg.gather [hbm4b:s2+s3], $0x80, v4, vm0, $0xb8;
	[tilespmem:$0x18C00] =	vst v63  }
0x9a0: {  	_ = 	snop  }
0x9a1: {  	[tilespmem:s10], [sflag:$0x2] =	stream.indirect_vreg.gather [hbm4b:s2+s3], $0x80, v3, vm0, $0xb8;
	[tilespmem:$0x18C00] =	vst v63  }
0x9a2: {  	v3 =	vld [tilespmem:$0xBA0];
	_ =	sdelay $0x4  }
0x9a3: {  	v58 =	vshll.u32 v3, $0x1  }
0x9a4: {  	v3 =	vand.u32 $0x7, v3;
	v4 =	vand.u32 $0xFFFFFFF0, v58  }
0x9a5: {  	v3 =	vor.u32 v3, v4  }
0x9a6: {  	v4 =	vperm.xlane v3, v0;
	_ =	sdelay $0x1  }
0x9a7: {  	v3 =	vperm.xlane v3, v2;
	v4 =	vadd.s32 v1, v4;
	_ =	sdelay $0x1  }
0x9a8: {  	v3 =	vadd.s32 v1, v3;
	_ =	sdelay $0x1  }
0x9a9: {  	s16 =	simm.s32 $0xAC00  }
0x9aa: {  	[tilespmem:s16], [sflag:$0x2] =	stream.indirect_vreg.gather [hbm4b:s2+s3], $0x80, v4, vm0, $0xb8;
	[tilespmem:$0x18C00] =	vst v63  }
0x9ab: {  	_ = 	snop  }
0x9ac: {  	[tilespmem:s8], [sflag:$0x2] =	stream.indirect_vreg.gather [hbm4b:s2+s3], $0x80, v3, vm0, $0xb8;
	[tilespmem:$0x18C00] =	vst v63  }
0x9ad: {  	v3 =	vld [tilespmem:$0xBB0];
	_ =	sdelay $0x4  }
0x9ae: {  	v59 =	vshll.u32 v3, $0x1  }
0x9af: {  	v3 =	vand.u32 $0x7, v3;
	v4 =	vand.u32 $0xFFFFFFF0, v59  }
0x9b0: {  	v3 =	vor.u32 v3, v4  }
0x9b1: {  	v4 =	vperm.xlane v3, v0;
	_ =	sdelay $0x1  }
0x9b2: {  	v3 =	vperm.xlane v3, v2;
	v4 =	vadd.s32 v1, v4;
	_ =	sdelay $0x1  }
0x9b3: {  	v3 =	vadd.s32 v1, v3;
	_ =	sdelay $0x1  }
0x9b4: {  	s18 =	simm.s32 $0xBC00  }
0x9b5: {  	[tilespmem:s18], [sflag:$0x2] =	stream.indirect_vreg.gather [hbm4b:s2+s3], $0x80, v4, vm0, $0xb8;
	[tilespmem:$0x18C00] =	vst v63  }
0x9b6: {  	_ = 	snop  }
0x9b7: {  	[tilespmem:s9], [sflag:$0x2] =	stream.indirect_vreg.gather [hbm4b:s2+s3], $0x80, v3, vm0, $0xb8;
	[tilespmem:$0x18C00] =	vst v63  }
0x9b8: {  	v3 =	vld [tilespmem:$0xBC0];
	_ =	sdelay $0x4  }
0x9b9: {  	v60 =	vshll.u32 v3, $0x1  }
0x9ba: {  	v3 =	vand.u32 $0x7, v3;
	v4 =	vand.u32 $0xFFFFFFF0, v60  }
0x9bb: {  	v3 =	vor.u32 v3, v4  }
0x9bc: {  	v4 =	vperm.xlane v3, v0;
	_ =	sdelay $0x1  }
0x9bd: {  	v3 =	vperm.xlane v3, v2;
	v4 =	vadd.s32 v1, v4;
	_ =	sdelay $0x1  }
0x9be: {  	v3 =	vadd.s32 v1, v3;
	_ =	sdelay $0x1  }
0x9bf: {  	s23 =	simm.s32 $0xCC00  }
0x9c0: {  	[tilespmem:s23], [sflag:$0x2] =	stream.indirect_vreg.gather [hbm4b:s2+s3], $0x80, v4, vm0, $0xb8;
	[tilespmem:$0x18C00] =	vst v63  }
0x9c1: {  	s17 =	simm.s32 $0xD400  }
0x9c2: {  	[tilespmem:s17], [sflag:$0x2] =	stream.indirect_vreg.gather [hbm4b:s2+s3], $0x80, v3, vm0, $0xb8;
	[tilespmem:$0x18C00] =	vst v63  }
0x9c3: {  	v3 =	vld [tilespmem:$0xBD0];
	_ =	sdelay $0x4  }
0x9c4: {  	v61 =	vshll.u32 v3, $0x1  }
0x9c5: {  	v3 =	vand.u32 $0x7, v3;
	v4 =	vand.u32 $0xFFFFFFF0, v61  }
0x9c6: {  	v3 =	vor.u32 v3, v4  }
0x9c7: {  	v4 =	vperm.xlane v3, v0;
	_ =	sdelay $0x1  }
0x9c8: {  	v3 =	vperm.xlane v3, v2;
	v4 =	vadd.s32 v1, v4;
	_ =	sdelay $0x1  }
0x9c9: {  	v3 =	vadd.s32 v1, v3;
	_ =	sdelay $0x2  }
0x9ca: {  	[tilespmem:s11], [sflag:$0x2] =	stream.indirect_vreg.gather [hbm4b:s2+s3], $0x80, v4, vm0, $0xb8;
	[tilespmem:$0x18C00] =	vst v63  }
0x9cb: {  	s24 =	simm.s32 $0xE400  }
0x9cc: {  	[tilespmem:s24], [sflag:$0x2] =	stream.indirect_vreg.gather [hbm4b:s2+s3], $0x80, v3, vm0, $0xb8;
	[tilespmem:$0x18C00] =	vst v63  }
0x9cd: {  	v3 =	vld [tilespmem:$0xBE0];
	_ =	sdelay $0x4  }
0x9ce: {  	v62 =	vshll.u32 v3, $0x1  }
0x9cf: {  	v3 =	vand.u32 $0x7, v3;
	v4 =	vand.u32 $0xFFFFFFF0, v62  }
0x9d0: {  	v3 =	vor.u32 v3, v4  }
0x9d1: {  	v4 =	vperm.xlane v3, v0;
	_ =	sdelay $0x1  }
0x9d2: {  	v3 =	vperm.xlane v3, v2;
	v4 =	vadd.s32 v1, v4;
	_ =	sdelay $0x1  }
0x9d3: {  	v3 =	vadd.s32 v1, v3;
	_ =	sdelay $0x2  }
0x9d4: {  	[tilespmem:s5], [sflag:$0x2] =	stream.indirect_vreg.gather [hbm4b:s2+s3], $0x80, v4, vm0, $0xb8;
	[tilespmem:$0x18C00] =	vst v63  }
0x9d5: {  	_ = 	snop  }
0x9d6: {  	[tilespmem:s12], [sflag:$0x2] =	stream.indirect_vreg.gather [hbm4b:s2+s3], $0x80, v3, vm0, $0xb8;
	[tilespmem:$0x18C00] =	vst v63  }
0x9d7: {  	v3 =	vld [tilespmem:$0xBF0];
	_ =	sdelay $0x4  }
0x9d8: {  	v63 =	vshll.u32 v3, $0x1  }
0x9d9: {  	v3 =	vand.u32 $0x7, v3;
	v4 =	vand.u32 $0xFFFFFFF0, v63  }
0x9da: {  	v3 =	vor.u32 v3, v4  }
0x9db: {  	v4 =	vperm.xlane v3, v0;
	_ =	sdelay $0x1  }
0x9dc: {  	v3 =	vperm.xlane v3, v2;
	v4 =	vadd.s32 v1, v4;
	_ =	sdelay $0x1  }
0x9dd: {  	v3 =	vadd.s32 v1, v3;
	_ =	sdelay $0x1  }
0x9de: {  	s25 =	simm.s32 $0xFC00  }
0x9df: {  	[tilespmem:s25], [sflag:$0x2] =	stream.indirect_vreg.gather [hbm4b:s2+s3], $0x80, v4, vm0, $0xb8;
	[tilespmem:$0x18C00] =	vst v63  }
0x9e0: {  	s30 =	simm.s32 $0x10400;
	s25 =	sld [smem:$0x7FD]  }
0x9e1: {  	[tilespmem:s30], [sflag:$0x2] =	stream.indirect_vreg.gather [hbm4b:s2+s3], $0x80, v3, vm0, $0xb8;
	[tilespmem:$0x18C00] =	vst v63  }
0x9e2: {  	_ = 	snop  }
0x9e3: {  	[tilespmem:s26], [sflag:$0x4] =	stream.indirect.gather [hbm4b:s4+s0], $0x80, s25, s0, $0xb8;
	[tilespmem:$0x18C00] =	vst v63  }
0x9e4: {  	_ =	swait.ge [sflag:s19], $0x8000  }
0x9e5: {  	[sflag:s19] =	ssyncset.done $0x0  }
0x9e6: {  	[sflag:s19] =	ssyncadd.s32 $0xFFFF8000  }
0x9e7: {  	_ =	swait.ge [sflag:s20], $0x4000  }
0x9e8: {  	s28 =	sld [smem:$0x7E6]  }
0x9e9: {  	[sflag:s20] =	ssyncset.done $0x0  }
0x9ea: {  	[sflag:s20] =	ssyncadd.s32 $0xFFFFC000  }
0x9eb: {  	[hbm4b:s28+s3] =	stream.linear.scatter [tilespmem:s29], [sflag:$0x5], $0x8000, $0x38;
	[tilespmem:$0x18C00] =	vst v63  }
0x9ec: {  	_ =	swait.ge [sflag:s6], $0x8000  }
0x9ed: {  	s29 =	sld [smem:$0x7E7]  }
0x9ee: {  	[sflag:s6] =	ssyncset.done $0x0  }
0x9ef: {  	[sflag:s6] =	ssyncadd.s32 $0xFFFF8000  }
0x9f0: {  	[hbm4b:s29+s3] =	stream.linear.scatter [tilespmem:s15], [sflag:$0x5], $0x4000, $0x38;
	[tilespmem:$0x18C00] =	vst v63  }
0x9f1: {  	_ =	swait.ge [sflag:s6], $0x4000  }
0x9f2: {  	[sflag:s6] =	ssyncset.done $0x0  }
0x9f3: {  	[sflag:s6] =	ssyncadd.s32 $0xFFFFC000  }
0x9f4: {  	_ =	swait.ge [sflag:s21], $0x8000  }
0x9f5: {  	[sflag:s21] =	ssyncset.done $0x0  }
0x9f6: {  	[sflag:s21] =	ssyncadd.s32 $0xFFFF8000  }
0x9f7: {  	_ =	swait.ge [sflag:s22], $0x4000  }
0x9f8: {  	s30 =	sld [smem:$0x7E8]  }
0x9f9: {  	[sflag:s22] =	ssyncset.done $0x0  }
0x9fa: {  	[sflag:s22] =	ssyncadd.s32 $0xFFFFC000  }
0x9fb: {  	[hbm4b:s30+s3] =	stream.linear.scatter [tilespmem:s14], [sflag:$0x5], $0x8000, $0x38;
	[tilespmem:$0x18C00] =	vst v63  }
0x9fc: {  	_ =	swait.ge [sflag:s6], $0x8000  }
0x9fd: {  	s31 =	sld [smem:$0x7E9]  }
0x9fe: {  	p0 =	sne.s32 s1, $0x1;
	[sflag:s6] =	ssyncset.done $0x0  }
.Ltmp0:
0x9ff: {  	[sflag:s6] =	ssyncadd.s32 $0xFFFF8000;
	(pc) =	sbr.rel @p0 .LBB2_1-.Ltmp0, $4  }
0xa00: {  	[hbm4b:s31+s3] =	stream.linear.scatter [tilespmem:s26], [sflag:$0x5], $0x4000, $0x38;
	[tilespmem:$0x18C00] =	vst v63  }
0xa01: {  	_ =	swait.ge [sflag:s6], $0x4000  }
0xa02: {  	[sflag:s6] =	ssyncset.done $0x0  }
0xa03: {  	s1 =	sadd.s32 $0xFFFFFFFF, s1;
	[sflag:s6] =	ssyncadd.s32 $0xFFFFC000  }
0xa04: {  	_ =	sfence.sel $0x180000  }
0xa05: {  	[bflag:$0x0] =	sbarrier.arrive $0xFFFF  }
0xa06: {  	_ =	strace $0x90000047  }
0xa07: {  	s0 =	stileid.u32;
	[bflag:$0x2] =	sbarrier.arrive $0xFFFF  }
0xa08: {  	p0 =	sne.s32 s0, $0x0;
	s0 =	rddreg [dreg:$0x2]  }
0xa09: {  	s0 =	sadd.s32 @!p0 $0x100000, s0  }
0xa0a: {  	[sflag:s0] =	ssyncadd.tile.s32 @!p0 $0x1;
	_ =	shalt  }
.Lfunc_end2:
_tile_overlayer_lowered:
.L_overlay_start_2:
0xa0b: {  	(tag) =	ssettag $0x2  }
0xa0c: {  	s0 =	rddreg [dreg:$0x0];
	s2 =	stileid.u32  }
0xa0d: {  	s1 =	rddreg [dreg:$0x1];
	p0 =	sne.s32 s2, $0x0  }
0xa0e: {  	s3 =	rddreg [dreg:$0x2];
	[bflag:$0x3] =	sbarrier.arrive $0xFFFF;
	s2 =	simm.s32 @!p0 $0x1C05  }
0xa0f: {  	[timem:s3], [sflag:s2] =	dma.local @!p0 [hbm:s0], s1  }
0xa10: {  	s0 =	simm.s32 @!p0 $0x5  }
0xa11: {  	_ =	swait.ge @!p0 [sflag:s0], s1  }
0xa12: {  	s1 =	ssub.s32 @!p0 $0x0, s1;
	[sflag:s0] =	ssyncset.done @!p0 $0x0  }
0xa13: {  	[sflag:s0] =	ssyncadd.s32 @!p0 s1  }
0xa14: {  	[bflag:$0x3] =	sbarrier.arrive $0xFFFF  }
0xa15: {  	_ =	shalt  }

</sc_bundles>
